<compile_context>
chip_gen: v7x
topology: tpu7x:2x2x1
jax: 0.10.2.dev20260603
libtpu: 0.0.44.dev20260713+nightly
codegen_flags: <defaults>
</compile_context>

<pallas_src>
import jax
import jax.numpy as jnp
from jax import lax
from jax.experimental import pallas as pl
from jax.experimental.pallas import tpu as pltpu
from jax.experimental.pallas import tpu_sc as plsc

N = 10000
E = 320000
D = 128
NPAD = 10240
NC = 2
NS = 16
L = 16
NW = NC * NS
HALF = D // NC
EP = NW * NPAD
ET32 = EP // NW
ET16 = EP // NS
CG = 128
EBG = 5120
CA = 128
EBA = 5120
R1 = 1024

_SC_PARAMS = pltpu.CompilerParams(
    needs_layout_passes=False, use_tc_tiling_on_sc=False)


def _sc_mesh():
    return plsc.VectorSubcoreMesh(core_axis_name="c", subcore_axis_name="s")


def _deg_body(src_ref, dst_ref, out_ref, src_v, dst_v, hin, hout, rbuf, slab):
    c = lax.axis_index("c")
    sid = lax.axis_index("s")
    wid = sid * NC + c
    base = wid * ET32
    pltpu.sync_copy(src_ref.at[pl.ds(base, ET32)], src_v)
    pltpu.sync_copy(dst_ref.at[pl.ds(base, ET32)], dst_v)

    zeros16 = jnp.zeros((L,), jnp.float32)

    def zbody(i, _):
        hin[pl.ds(i * L, L)] = zeros16
        hout[pl.ds(i * L, L)] = zeros16
        return 0

    lax.fori_loop(0, NPAD // L, zbody, 0)

    ones16 = jnp.ones((L,), jnp.float32)

    def body(i, _):
        sv = src_v[pl.ds(i * L, L)]
        dv = dst_v[pl.ds(i * L, L)]
        plsc.addupdate_scatter(hout, [sv], ones16)
        plsc.addupdate_scatter(hin, [dv], ones16)
        return 0

    lax.fori_loop(0, ET32 // L, body, 0)
    pltpu.sync_copy(hin, slab.at[sid, pl.ds(0, NPAD)])
    pltpu.sync_copy(hout, slab.at[sid, pl.ds(NPAD, NPAD)])
    plsc.subcore_barrier()
    dchunk = 2 * NPAD // NS
    pltpu.sync_copy(slab.at[:, pl.ds(sid * dchunk, dchunk)], rbuf)

    def red(k, _):
        acc = rbuf[0, pl.ds(k * L, L)]
        for r in range(1, NS):
            acc = acc + rbuf[r, pl.ds(k * L, L)]
        rbuf[0, pl.ds(k * L, L)] = acc
        return 0

    lax.fori_loop(0, dchunk // L, red, 0)
    pltpu.sync_copy(rbuf.at[0], out_ref.at[c, pl.ds(sid * dchunk, dchunk)])


def _deg_partials(src, dst):
    f = pl.kernel(
        _deg_body,
        out_type=jax.ShapeDtypeStruct((NC, 2 * NPAD), jnp.float32),
        mesh=_sc_mesh(),
        scratch_types=[
            pltpu.VMEM((ET32,), jnp.int32),
            pltpu.VMEM((ET32,), jnp.int32),
            pltpu.VMEM((NPAD,), jnp.float32),
            pltpu.VMEM((NPAD,), jnp.float32),
            pltpu.VMEM((NS, 2 * NPAD // NS), jnp.float32),
            pltpu.VMEM_SHARED((NS, 2 * NPAD), jnp.float32),
        ],
        compiler_params=_SC_PARAMS,
    )
    return f(src, dst)


def _s1_body(x_ref, wg_ref, wa_ref, asrc_ref, adst_ref, degt_ref,
             tgcn_ref, tgat_ref, s_ref, d_ref, rin_ref):
    x = x_ref[...]
    H = jnp.dot(x, wg_ref[...], preferred_element_type=jnp.float32)
    G = jnp.dot(x, wa_ref[...], preferred_element_type=jnp.float32)
    dt = degt_ref[...]
    din = jnp.maximum(dt[:, 0:1], 1.0)
    dout = jnp.maximum(dt[:, 1:2], 1.0)
    rin = lax.rsqrt(din)
    rout = lax.rsqrt(dout)
    s = jnp.dot(G, asrc_ref[...], preferred_element_type=jnp.float32)
    d = jnp.dot(G, adst_ref[...], preferred_element_type=jnp.float32)
    tgcn_ref[...] = H * rout
    P = jnp.exp(s)
    P2 = jnp.exp(0.2 * s)
    Gp = G * P
    Gn = G * P2
    for c in range(NC):
        sl = slice(c * HALF, (c + 1) * HALF)
        tgat_ref[c, 0] = Gp[:, sl]
        tgat_ref[c, 1] = Gn[:, sl]
    s_ref[...] = s
    d_ref[...] = d
    rin_ref[...] = rin


def _stage1(xp, W_gcn, W_gat, a_src, a_dst, degt):
    grid = (NPAD // R1,)
    return pl.pallas_call(
        _s1_body,
        grid=grid,
        in_specs=[
            pl.BlockSpec((R1, D), lambda i: (i, 0)),
            pl.BlockSpec((D, D), lambda i: (0, 0)),
            pl.BlockSpec((D, D), lambda i: (0, 0)),
            pl.BlockSpec((D, 1), lambda i: (0, 0)),
            pl.BlockSpec((D, 1), lambda i: (0, 0)),
            pl.BlockSpec((R1, 2), lambda i: (i, 0)),
        ],
        out_specs=[
            pl.BlockSpec((R1, D), lambda i: (i, 0)),
            pl.BlockSpec((NC, 2, R1, HALF), lambda i: (0, 0, i, 0)),
            pl.BlockSpec((R1, 1), lambda i: (i, 0)),
            pl.BlockSpec((R1, 1), lambda i: (i, 0)),
            pl.BlockSpec((R1, 1), lambda i: (i, 0)),
        ],
        out_shape=[
            jax.ShapeDtypeStruct((NPAD, D), jnp.float32),
            jax.ShapeDtypeStruct((NC, 2, NPAD, HALF), jnp.float32),
            jax.ShapeDtypeStruct((NPAD, 1), jnp.float32),
            jax.ShapeDtypeStruct((NPAD, 1), jnp.float32),
            jax.ShapeDtypeStruct((NPAD, 1), jnp.float32),
        ],
    )(xp, W_gcn, W_gat, a_src.reshape(D, 1), a_dst.reshape(D, 1), degt)


def _gcn_body(src_ref, dst_ref, tgcn_ref, agcn_ref,
              srcb, dstb, gb0, gb1, ixg0, ixg1, ixw0, ixw1,
              acc, sem_g0, sem_g1, sem_s0, sem_s1):
    c = lax.axis_index("c")
    sid = lax.axis_index("s")
    wid = sid * NC + c
    base = wid * ET32

    zeros16 = jnp.zeros((L,), jnp.float32)

    def zb_body(r, _):
        for k in range(D // L):
            gb0[r, pl.ds(k * L, L)] = zeros16
        return 0

    lax.fori_loop(0, CG, zb_body, 0)
    rows_per_tile = NPAD // NS
    for k in range(rows_per_tile // CG):
        pltpu.sync_copy(gb0, acc.at[pl.ds(sid * rows_per_tile + k * CG, CG)])
    plsc.subcore_barrier()

    nchb = EBG // CG

    def make_idx(i, ixg, ixw):
        off = i * CG
        for j in range(CG // L):
            o = off + j * L
            ixg[pl.ds(j * L, L)] = srcb[pl.ds(o, L)]
            ixw[0, pl.ds(j * L, L)] = dstb[pl.ds(o, L)]

    def wait_g(gb, ixg, sem):
        pltpu.make_async_copy(tgcn_ref.at[ixg], gb, sem).wait()

    def wait_s(gb, ixw, sem):
        pltpu.make_async_copy(gb, acc.at[ixw.at[0]], sem).wait()

    def block(b, _):
        pltpu.sync_copy(src_ref.at[pl.ds(base + b * EBG, EBG)], srcb)
        pltpu.sync_copy(dst_ref.at[pl.ds(base + b * EBG, EBG)], dstb)

        make_idx(0, ixg0, ixw0)
        pltpu.async_copy(tgcn_ref.at[ixg0], gb0, sem_g0)

        def pair(t, _):
            a = 2 * t

            @pl.when(t > 0)
            def _():
                wait_s(gb1, ixw1, sem_s1)
            make_idx(a + 1, ixg1, ixw1)
            pltpu.async_copy(tgcn_ref.at[ixg1], gb1, sem_g1)
            wait_g(gb0, ixg0, sem_g0)
            pltpu.async_copy(gb0, acc.at[ixw0.at[0]], sem_s0, add=True)
            wait_s(gb0, ixw0, sem_s0)

            @pl.when(a + 2 < nchb)
            def _():
                make_idx(a + 2, ixg0, ixw0)
                pltpu.async_copy(tgcn_ref.at[ixg0], gb0, sem_g0)
            wait_g(gb1, ixg1, sem_g1)
            pltpu.async_copy(gb1, acc.at[ixw1.at[0]], sem_s1, add=True)
            return 0

        lax.fori_loop(0, nchb // 2, pair, 0)
        wait_s(gb1, ixw1, sem_s1)
        return 0

    lax.fori_loop(0, ET32 // EBG, block, 0)
    plsc.subcore_barrier()
    pltpu.sync_copy(acc.at[pl.ds(sid * rows_per_tile, rows_per_tile)],
                    agcn_ref.at[c, pl.ds(sid * rows_per_tile, rows_per_tile)])


def _gcn_pass(src, dst, tgcn):
    f = pl.kernel(
        _gcn_body,
        out_type=jax.ShapeDtypeStruct((NC, NPAD, D), jnp.float32),
        mesh=_sc_mesh(),
        scratch_types=[
            pltpu.VMEM((EBG,), jnp.int32),
            pltpu.VMEM((EBG,), jnp.int32),
            pltpu.VMEM((CG, D), jnp.float32),
            pltpu.VMEM((CG, D), jnp.float32),
            pltpu.VMEM((CG,), jnp.int32),
            pltpu.VMEM((CG,), jnp.int32),
            pltpu.VMEM((1, CG), jnp.int32),
            pltpu.VMEM((1, CG), jnp.int32),
            pltpu.VMEM_SHARED((NPAD, D), jnp.float32),
            pltpu.SemaphoreType.DMA,
            pltpu.SemaphoreType.DMA,
            pltpu.SemaphoreType.DMA,
            pltpu.SemaphoreType.DMA,
        ],
        compiler_params=_SC_PARAMS,
    )
    return f(src, dst, tgcn)


def _gat_body(src_ref, dst_ref, tgat_ref, s_ref, d_ref, agat_ref, sden_ref,
              s_v, d_v, srcb, dstb, gb0, gb1, pv0, pv1, ixg0, ixg1,
              ixw0, ixw1, acc, den_sh,
              sem_g0, sem_g1, sem_s0, sem_s1, sem_d0, sem_d1):
    c = lax.axis_index("c")
    sid = lax.axis_index("s")
    base = sid * ET16

    zeros16 = jnp.zeros((L,), jnp.float32)
    dchunk = 2 * NPAD // NS

    def zs_body(i, _):
        s_v[pl.ds(i * L, L)] = zeros16
        return 0

    lax.fori_loop(0, dchunk // L, zs_body, 0)
    pltpu.sync_copy(s_v.at[pl.ds(0, dchunk)],
                    den_sh.at[pl.ds(sid * dchunk, dchunk)])

    def zb_body(r, _):
        for k in range(HALF // L):
            gb0[r, pl.ds(k * L, L)] = zeros16
        return 0

    lax.fori_loop(0, CA, zb_body, 0)
    rows_per_tile = 2 * NPAD // NS
    for k in range(rows_per_tile // CA):
        pltpu.sync_copy(gb0, acc.at[pl.ds(sid * rows_per_tile + k * CA, CA)])

    pltpu.sync_copy(s_ref, s_v)
    pltpu.sync_copy(d_ref, d_v)
    plsc.subcore_barrier()

    gat_off = c * (2 * NPAD)
    nchb = EBA // CA

    def make_idx(i, ixg, ixw, pv):
        off = i * CA
        for j in range(CA // L):
            o = off + j * L
            sv = srcb[pl.ds(o, L)]
            dv = dstb[pl.ds(o, L)]
            sg = plsc.load_gather(s_v, [sv])
            dg = plsc.load_gather(d_v, [dv])
            negb = (sg + dg) < 0.0
            negi = negb.astype(jnp.int32)
            pv[pl.ds(j * L, L)] = jnp.exp(jnp.where(negb, 0.2 * sg, sg))
            ixg[pl.ds(j * L, L)] = sv + negi * NPAD + gat_off
            ixw[0, pl.ds(j * L, L)] = dv + negi * NPAD

    def wait_g(gb, ixg, sem):
        pltpu.make_async_copy(tgat_ref.at[ixg], gb, sem).wait()

    def wait_sd(gb, pv, ixw, sem_s, sem_d):
        pltpu.make_async_copy(gb, acc.at[ixw.at[0]], sem_s).wait()
        pltpu.make_async_copy(pv, den_sh.at[ixw.at[0]], sem_d).wait()

    def issue_sd(gb, pv, ixw, sem_s, sem_d):
        pltpu.async_copy(gb, acc.at[ixw.at[0]], sem_s, add=True)
        pltpu.async_copy(pv, den_sh.at[ixw.at[0]], sem_d, add=True)

    def block(b, _):
        pltpu.sync_copy(src_ref.at[pl.ds(base + b * EBA, EBA)], srcb)
        pltpu.sync_copy(dst_ref.at[pl.ds(base + b * EBA, EBA)], dstb)

        make_idx(0, ixg0, ixw0, pv0)
        pltpu.async_copy(tgat_ref.at[ixg0], gb0, sem_g0)

        def pair(t, _):
            a = 2 * t

            @pl.when(t > 0)
            def _():
                wait_sd(gb1, pv1, ixw1, sem_s1, sem_d1)
            make_idx(a + 1, ixg1, ixw1, pv1)
            pltpu.async_copy(tgat_ref.at[ixg1], gb1, sem_g1)
            wait_g(gb0, ixg0, sem_g0)
            issue_sd(gb0, pv0, ixw0, sem_s0, sem_d0)
            wait_sd(gb0, pv0, ixw0, sem_s0, sem_d0)

            @pl.when(a + 2 < nchb)
            def _():
                make_idx(a + 2, ixg0, ixw0, pv0)
                pltpu.async_copy(tgat_ref.at[ixg0], gb0, sem_g0)
            wait_g(gb1, ixg1, sem_g1)
            issue_sd(gb1, pv1, ixw1, sem_s1, sem_d1)
            return 0

        lax.fori_loop(0, nchb // 2, pair, 0)
        wait_sd(gb1, pv1, ixw1, sem_s1, sem_d1)
        return 0

    lax.fori_loop(0, ET16 // EBA, block, 0)
    plsc.subcore_barrier()
    pltpu.sync_copy(acc.at[pl.ds(sid * rows_per_tile, rows_per_tile)],
                    agat_ref.at[c, pl.ds(sid * rows_per_tile, rows_per_tile)])
    pltpu.sync_copy(den_sh.at[pl.ds(sid * dchunk, dchunk)],
                    sden_ref.at[c, pl.ds(sid * dchunk, dchunk)])


def _gat_pass(src, dst, tgat_f, svec, dvec):
    f = pl.kernel(
        _gat_body,
        out_type=(
            jax.ShapeDtypeStruct((NC, 2 * NPAD, HALF), jnp.float32),
            jax.ShapeDtypeStruct((NC, 2 * NPAD), jnp.float32),
        ),
        mesh=_sc_mesh(),
        scratch_types=[
            pltpu.VMEM((NPAD,), jnp.float32),
            pltpu.VMEM((NPAD,), jnp.float32),
            pltpu.VMEM((EBA,), jnp.int32),
            pltpu.VMEM((EBA,), jnp.int32),
            pltpu.VMEM((CA, HALF), jnp.float32),
            pltpu.VMEM((CA, HALF), jnp.float32),
            pltpu.VMEM((CA,), jnp.float32),
            pltpu.VMEM((CA,), jnp.float32),
            pltpu.VMEM((CA,), jnp.int32),
            pltpu.VMEM((CA,), jnp.int32),
            pltpu.VMEM((1, CA), jnp.int32),
            pltpu.VMEM((1, CA), jnp.int32),
            pltpu.VMEM_SHARED((2 * NPAD, HALF), jnp.float32),
            pltpu.VMEM_SHARED((2 * NPAD,), jnp.float32),
            pltpu.SemaphoreType.DMA,
            pltpu.SemaphoreType.DMA,
            pltpu.SemaphoreType.DMA,
            pltpu.SemaphoreType.DMA,
            pltpu.SemaphoreType.DMA,
            pltpu.SemaphoreType.DMA,
        ],
        compiler_params=_SC_PARAMS,
    )
    return f(src, dst, tgat_f, svec, dvec)


def _s2a_body(agat_ref, sden_ref, dvec_ref, bgat_ref, y2_ref):
    Apos = jnp.concatenate([agat_ref[0, 0], agat_ref[1, 0]], axis=1)
    Aneg = jnp.concatenate([agat_ref[0, 1], agat_ref[1, 1]], axis=1)
    dv = dvec_ref[...]
    Q = jnp.exp(dv)
    Q2 = jnp.exp(0.2 * dv)
    sden = sden_ref[...]
    denom = jnp.maximum(Q * sden[:, 0:1] + Q2 * sden[:, 1:2], 1e-9)
    y2_ref[...] = (Q * Apos + Q2 * Aneg) / denom + bgat_ref[...]


def _stage2a(agat4, sden_t, dvec, b_gat):
    grid = (NPAD // R1,)
    return pl.pallas_call(
        _s2a_body,
        grid=grid,
        in_specs=[
            pl.BlockSpec((NC, 2, R1, HALF), lambda i: (0, 0, i, 0)),
            pl.BlockSpec((R1, 2), lambda i: (i, 0)),
            pl.BlockSpec((R1, 1), lambda i: (i, 0)),
            pl.BlockSpec((1, D), lambda i: (0, 0)),
        ],
        out_specs=pl.BlockSpec((R1, D), lambda i: (i, 0)),
        out_shape=jax.ShapeDtypeStruct((NPAD, D), jnp.float32),
    )(agat4, sden_t, dvec, b_gat.reshape(1, D))


def _s2b_body(agcn_ref, y2_ref, rin_ref, bgcn_ref, wdec_ref, bdec_ref,
              out_ref):
    y1 = rin_ref[...] * (agcn_ref[0] + agcn_ref[1]) + bgcn_ref[...]
    y2 = y2_ref[...]
    yraw = jnp.concatenate([y1, y2], axis=1)
    y = jnp.dot(yraw, wdec_ref[...], preferred_element_type=jnp.float32) \
        + bdec_ref[...] + y1 + y2
    out_ref[...] = y


def _stage2b(agcn, y2, rin, b_gcn, W_dec, b_dec):
    grid = (NPAD // R1,)
    return pl.pallas_call(
        _s2b_body,
        grid=grid,
        in_specs=[
            pl.BlockSpec((NC, R1, D), lambda i: (0, i, 0)),
            pl.BlockSpec((R1, D), lambda i: (i, 0)),
            pl.BlockSpec((R1, 1), lambda i: (i, 0)),
            pl.BlockSpec((1, D), lambda i: (0, 0)),
            pl.BlockSpec((2 * D, D), lambda i: (0, 0)),
            pl.BlockSpec((1, D), lambda i: (0, 0)),
        ],
        out_specs=pl.BlockSpec((R1, D), lambda i: (i, 0)),
        out_shape=jax.ShapeDtypeStruct((N, D), jnp.float32),
    )(agcn, y2, rin, b_gcn.reshape(1, D), W_dec, b_dec.reshape(1, D))


def kernel(x, edge_index, W_gcn, b_gcn, W_gat, a_src, a_dst, b_gat,
           W_dec, b_dec):
    ei = edge_index.astype(jnp.int32)
    pad_idx = N + jnp.arange(EP - E, dtype=jnp.int32) % (NPAD - N)
    src = jnp.concatenate([ei[0], pad_idx])
    dst = jnp.concatenate([ei[1], pad_idx])
    degp = _deg_partials(src, dst)
    degt = (degp[0] + degp[1]).reshape(2, NPAD).transpose(1, 0)
    xp = jnp.pad(x, ((0, NPAD - N), (0, 0)))
    tgcn, tgat, svec, dvec, rin = _stage1(xp, W_gcn, W_gat, a_src, a_dst, degt)
    tgat_f = tgat.reshape(NC * 2 * NPAD, HALF)
    agat, sden = _gat_pass(src, dst, tgat_f,
                           svec.reshape(NPAD), dvec.reshape(NPAD))
    agcn = _gcn_pass(src, dst, tgcn)
    agat4 = agat.reshape(NC, 2, NPAD, HALF)
    sden_t = sden[0].reshape(2, NPAD).transpose(1, 0)
    y2 = _stage2a(agat4, sden_t, dvec, b_gat)
    return _stage2b(agcn, y2, rin, b_gcn, W_dec, b_dec)

# --- scband reference (transcript-rebuilt; emitter-appended) ---
"""Pipeline reference for scband-combined-layer-48378511622694 (READ-ONLY COPY).

The authoritative reference and input builder live on the scoring server;
editing this copy changes nothing except your own understanding.
"""

import jax, jax.numpy as jnp
import numpy as np

N = 10000
E = 320000
D_IN = 128
D_OUT = 128


def setup_inputs(seed: int = 0) -> dict:
    key = jax.random.key(seed)
    ks = jax.random.split(key, 12)
    x = jax.random.normal(ks[0], (N, D_IN), dtype=jnp.float32)
    edge_index = jax.random.randint(ks[1], (2, E), 0, N).astype(jnp.int64)
    s_in = 1.0 / np.sqrt(D_IN)
    s_dec = 1.0 / np.sqrt(2 * D_OUT)
    W_gcn = jax.random.normal(ks[2], (D_IN, D_OUT), dtype=jnp.float32) * s_in
    b_gcn = jnp.zeros((D_OUT,), dtype=jnp.float32)
    W_gat = jax.random.normal(ks[3], (D_IN, D_OUT), dtype=jnp.float32) * s_in
    a_src = jax.random.normal(ks[4], (D_OUT,), dtype=jnp.float32) * s_in
    a_dst = jax.random.normal(ks[5], (D_OUT,), dtype=jnp.float32) * s_in
    b_gat = jnp.zeros((D_OUT,), dtype=jnp.float32)
    W_dec = jax.random.normal(ks[6], (2 * D_OUT, D_OUT), dtype=jnp.float32) * s_dec
    b_dec = jnp.zeros((D_OUT,), dtype=jnp.float32)
    return {"x": x, "edge_index": edge_index, "W_gcn": W_gcn, "b_gcn": b_gcn,
            "W_gat": W_gat, "a_src": a_src, "a_dst": a_dst, "b_gat": b_gat,
            "W_dec": W_dec, "b_dec": b_dec}


def reference(x, edge_index, W_gcn, b_gcn, W_gat, a_src, a_dst, b_gat, W_dec, b_dec):
    src = edge_index[0]
    dst = edge_index[1]
    ones = jnp.ones((src.shape[0],), dtype=x.dtype)
    # ---- GCN branch: symmetric-normalized aggregation ----
    h = x @ W_gcn
    deg_in = jnp.maximum(jax.ops.segment_sum(ones, dst, num_segments=N), 1.0)
    deg_out = jnp.maximum(jax.ops.segment_sum(ones, src, num_segments=N), 1.0)
    norm = jax.lax.rsqrt(deg_out)[src] * jax.lax.rsqrt(deg_in)[dst]
    y1 = jax.ops.segment_sum(h[src] * norm[:, None], dst, num_segments=N) + b_gcn
    # ---- GAT branch: single-head attention (eval mode, dropout off) ----
    hg = x @ W_gat
    e = jax.nn.leaky_relu(hg[src] @ a_src + hg[dst] @ a_dst, negative_slope=0.2)
    emax = jax.ops.segment_max(e, dst, num_segments=N)
    emax = jnp.where(jnp.isfinite(emax), emax, 0.0)
    alpha = jnp.exp(e - emax[dst])
    denom = jnp.maximum(jax.ops.segment_sum(alpha, dst, num_segments=N), 1e-9)
    y2 = jax.ops.segment_sum(hg[src] * alpha[:, None], dst, num_segments=N) / denom[:, None] + b_gat
    # ---- decoder + residual combine ----
    y_raw = jnp.concatenate((y1, y2), axis=-1)
    y = y_raw @ W_dec + b_dec
    return y + y1 + y2

if __name__ == "__main__":
    import jax
    _d = setup_inputs()
    print(jax.jit(kernel)(*tuple(_d.values())))

</pallas_src>

<mosaic_0001>
#map = affine_map<(d0, d1) -> (0)>
#map1 = affine_map<(d0, d1) -> (0, 0)>
#map2 = affine_map<(d0, d1) -> (0, 0, 0)>
module attributes {stable_mosaic.version = 14 : i64} {
  func.func @_gcn_body(%arg0: i32, %arg1: i32, %arg2: memref<327680xi32, #tpu.memory_space<hbm>>, %arg3: memref<327680xi32, #tpu.memory_space<hbm>>, %arg4: memref<10240x128xf32, #tpu.memory_space<hbm>>, %arg5: memref<2x10240x128xf32, #tpu.memory_space<hbm>>, %arg6: memref<5120xi32, #tpu.memory_space<vmem>>, %arg7: memref<5120xi32, #tpu.memory_space<vmem>>, %arg8: memref<128x128xf32, #tpu.memory_space<vmem>>, %arg9: memref<128x128xf32, #tpu.memory_space<vmem>>, %arg10: memref<128xi32, #tpu.memory_space<vmem>>, %arg11: memref<128xi32, #tpu.memory_space<vmem>>, %arg12: memref<1x128xi32, #tpu.memory_space<vmem>>, %arg13: memref<1x128xi32, #tpu.memory_space<vmem>>, %arg14: memref<10240x128xf32, #tpu.memory_space<vmem_shared>>, %arg15: memref<!tpu.dma_semaphore, #tpu.memory_space<semaphore_mem>>, %arg16: memref<!tpu.dma_semaphore, #tpu.memory_space<semaphore_mem>>, %arg17: memref<!tpu.dma_semaphore, #tpu.memory_space<semaphore_mem>>, %arg18: memref<!tpu.dma_semaphore, #tpu.memory_space<semaphore_mem>>) attributes {dimension_semantics = [#tpu.dimension_semantics<core_parallel>, #tpu.dimension_semantics<subcore_parallel>], iteration_bounds = array<i64: 2, 16>, scalar_prefetch = 0 : i64, scratch_operands = 13 : i64, tpu.core_type = #tpu.core_type<sc_vector_subcore>, window_params = [{transform_indices = #map}, {transform_indices = #map}, {transform_indices = #map1}, {transform_indices = #map2}]} {
    %mul3A = arith.constant 2 : i32
    %mul3A_0 = arith.muli %arg1, %mul3A : i32
    %add3A = arith.addi %mul3A_0, %arg0 : i32
    %mul3A_1 = arith.constant 10240 : i32
    %mul3A_2 = arith.muli %add3A, %mul3A_1 : i32
    %broadcast_in_dim3A = arith.constant 0.000000e+00 : f32
    %broadcast_in_dim3A_3 = vector.broadcast %broadcast_in_dim3A : f32 to vector<16xf32>
    %scan3A = arith.constant 0 : i32
    %scan3A_4 = arith.constant 0 : i32
    %scan3A_5 = arith.constant 128 : i32
    %scan3A_6 = arith.addi %scan3A_4, %scan3A_5 : i32
    %scan3A_7 = arith.constant 1 : i32
    %scan3A_8 = scf.for %scan3A_42 = %scan3A_4 to %scan3A_6 step %scan3A_7 iter_args(%scan3A_43 = %scan3A) -> (i32)  : i32 {
      %swap3A = arith.index_cast %scan3A_42 : i32 to index
      %swap3A_44 = arith.constant 0 : index
      %swap3A_45 = tpu.vector_load %arg8[%swap3A, %swap3A_44] {strides = array<i32>} : memref<128x128xf32, #tpu.memory_space<vmem>>, vector<16xf32>,
      tpu.vector_store %arg8[%swap3A, %swap3A_44], %broadcast_in_dim3A_3 {strides = array<i32>} : memref<128x128xf32, #tpu.memory_space<vmem>>, vector<16xf32>,
      %swap3A_46 = arith.index_cast %scan3A_42 : i32 to index
      %swap3A_47 = arith.constant 16 : index
      %swap3A_48 = tpu.vector_load %arg8[%swap3A_46, %swap3A_47] {strides = array<i32>} : memref<128x128xf32, #tpu.memory_space<vmem>>, vector<16xf32>,
      tpu.vector_store %arg8[%swap3A_46, %swap3A_47], %broadcast_in_dim3A_3 {strides = array<i32>} : memref<128x128xf32, #tpu.memory_space<vmem>>, vector<16xf32>,
      %swap3A_49 = arith.index_cast %scan3A_42 : i32 to index
      %swap3A_50 = arith.constant 32 : index
      %swap3A_51 = tpu.vector_load %arg8[%swap3A_49, %swap3A_50] {strides = array<i32>} : memref<128x128xf32, #tpu.memory_space<vmem>>, vector<16xf32>,
      tpu.vector_store %arg8[%swap3A_49, %swap3A_50], %broadcast_in_dim3A_3 {strides = array<i32>} : memref<128x128xf32, #tpu.memory_space<vmem>>, vector<16xf32>,
      %swap3A_52 = arith.index_cast %scan3A_42 : i32 to index
      %swap3A_53 = arith.constant 48 : index
      %swap3A_54 = tpu.vector_load %arg8[%swap3A_52, %swap3A_53] {strides = array<i32>} : memref<128x128xf32, #tpu.memory_space<vmem>>, vector<16xf32>,
      tpu.vector_store %arg8[%swap3A_52, %swap3A_53], %broadcast_in_dim3A_3 {strides = array<i32>} : memref<128x128xf32, #tpu.memory_space<vmem>>, vector<16xf32>,
      %swap3A_55 = arith.index_cast %scan3A_42 : i32 to index
      %swap3A_56 = arith.constant 64 : index
      %swap3A_57 = tpu.vector_load %arg8[%swap3A_55, %swap3A_56] {strides = array<i32>} : memref<128x128xf32, #tpu.memory_space<vmem>>, vector<16xf32>,
      tpu.vector_store %arg8[%swap3A_55, %swap3A_56], %broadcast_in_dim3A_3 {strides = array<i32>} : memref<128x128xf32, #tpu.memory_space<vmem>>, vector<16xf32>,
      %swap3A_58 = arith.index_cast %scan3A_42 : i32 to index
      %swap3A_59 = arith.constant 80 : index
      %swap3A_60 = tpu.vector_load %arg8[%swap3A_58, %swap3A_59] {strides = array<i32>} : memref<128x128xf32, #tpu.memory_space<vmem>>, vector<16xf32>,
      tpu.vector_store %arg8[%swap3A_58, %swap3A_59], %broadcast_in_dim3A_3 {strides = array<i32>} : memref<128x128xf32, #tpu.memory_space<vmem>>, vector<16xf32>,
      %swap3A_61 = arith.index_cast %scan3A_42 : i32 to index
      %swap3A_62 = arith.constant 96 : index
      %swap3A_63 = tpu.vector_load %arg8[%swap3A_61, %swap3A_62] {strides = array<i32>} : memref<128x128xf32, #tpu.memory_space<vmem>>, vector<16xf32>,
      tpu.vector_store %arg8[%swap3A_61, %swap3A_62], %broadcast_in_dim3A_3 {strides = array<i32>} : memref<128x128xf32, #tpu.memory_space<vmem>>, vector<16xf32>,
      %swap3A_64 = arith.index_cast %scan3A_42 : i32 to index
      %swap3A_65 = arith.constant 112 : index
      %swap3A_66 = tpu.vector_load %arg8[%swap3A_64, %swap3A_65] {strides = array<i32>} : memref<128x128xf32, #tpu.memory_space<vmem>>, vector<16xf32>,
      tpu.vector_store %arg8[%swap3A_64, %swap3A_65], %broadcast_in_dim3A_3 {strides = array<i32>} : memref<128x128xf32, #tpu.memory_space<vmem>>, vector<16xf32>,
      %scan3A_67 = arith.constant 0 : i32
      scf.yield %scan3A_67 : i32
    }
    %scan3A_9 = arith.constant 128 : i32
    %mul3A_10 = arith.constant 640 : i32
    %mul3A_11 = arith.muli %arg1, %mul3A_10 : i32
    %add3A_12 = arith.constant 0 : i32
    %add3A_13 = arith.addi %mul3A_11, %add3A_12 : i32
    "tpu.region"() ({
      %run_scoped3A = tpu.sem_alloc : memref<!tpu.dma_semaphore, #tpu.memory_space<semaphore_mem>>
      %dma_start3A = arith.constant 0 : i32
      %dma_start3A_42 = tpu.memref_slice %arg14[%add3A_13, %dma_start3A] : memref<10240x128xf32, #tpu.memory_space<vmem_shared>> -> memref<128x128xf32, #tpu.memory_space<vmem_shared>>
      %dma_start3A_43 = arith.constant 0 : i32
      %dma_start3A_44 = tpu.memref_slice %arg14[%add3A_13, %dma_start3A_43] : memref<10240x128xf32, #tpu.memory_space<vmem_shared>> -> memref<128x128xf32, #tpu.memory_space<vmem_shared>>
      tpu.enqueue_dma source(%arg8 : memref<128x128xf32, #tpu.memory_space<vmem>>) target(%dma_start3A_44 : memref<128x128xf32, #tpu.memory_space<vmem_shared>>) target_semaphore(%run_scoped3A : memref<!tpu.dma_semaphore, #tpu.memory_space<semaphore_mem>>)
      %dma_wait3A = arith.constant 0 : i32
      %dma_wait3A_45 = tpu.memref_slice %arg14[%add3A_13, %dma_wait3A] : memref<10240x128xf32, #tpu.memory_space<vmem_shared>> -> memref<128x128xf32, #tpu.memory_space<vmem_shared>>
      %dma_wait3A_46 = arith.constant 0 : i32
      %dma_wait3A_47 = tpu.memref_slice %arg14[%add3A_13, %dma_wait3A_46] : memref<10240x128xf32, #tpu.memory_space<vmem_shared>> -> memref<128x128xf32, #tpu.memory_space<vmem_shared>>
      tpu.wait_dma2 semaphore(%run_scoped3A : memref<!tpu.dma_semaphore, #tpu.memory_space<semaphore_mem>>) src(%arg8 : memref<128x128xf32, #tpu.memory_space<vmem>>) dst(%dma_wait3A_47 : memref<128x128xf32, #tpu.memory_space<vmem_shared>>)
      tpu.yield
    }) : () -> ()
    %mul3A_14 = arith.constant 640 : i32
    %mul3A_15 = arith.muli %arg1, %mul3A_14 : i32
    %add3A_16 = arith.constant 128 : i32
    %add3A_17 = arith.addi %mul3A_15, %add3A_16 : i32
    "tpu.region"() ({
      %run_scoped3A = tpu.sem_alloc : memref<!tpu.dma_semaphore, #tpu.memory_space<semaphore_mem>>
      %dma_start3A = arith.constant 0 : i32
      %dma_start3A_42 = tpu.memref_slice %arg14[%add3A_17, %dma_start3A] : memref<10240x128xf32, #tpu.memory_space<vmem_shared>> -> memref<128x128xf32, #tpu.memory_space<vmem_shared>>
      %dma_start3A_43 = arith.constant 0 : i32
      %dma_start3A_44 = tpu.memref_slice %arg14[%add3A_17, %dma_start3A_43] : memref<10240x128xf32, #tpu.memory_space<vmem_shared>> -> memref<128x128xf32, #tpu.memory_space<vmem_shared>>
      tpu.enqueue_dma source(%arg8 : memref<128x128xf32, #tpu.memory_space<vmem>>) target(%dma_start3A_44 : memref<128x128xf32, #tpu.memory_space<vmem_shared>>) target_semaphore(%run_scoped3A : memref<!tpu.dma_semaphore, #tpu.memory_space<semaphore_mem>>)
      %dma_wait3A = arith.constant 0 : i32
      %dma_wait3A_45 = tpu.memref_slice %arg14[%add3A_17, %dma_wait3A] : memref<10240x128xf32, #tpu.memory_space<vmem_shared>> -> memref<128x128xf32, #tpu.memory_space<vmem_shared>>
      %dma_wait3A_46 = arith.constant 0 : i32
      %dma_wait3A_47 = tpu.memref_slice %arg14[%add3A_17, %dma_wait3A_46] : memref<10240x128xf32, #tpu.memory_space<vmem_shared>> -> memref<128x128xf32, #tpu.memory_space<vmem_shared>>
      tpu.wait_dma2 semaphore(%run_scoped3A : memref<!tpu.dma_semaphore, #tpu.memory_space<semaphore_mem>>) src(%arg8 : memref<128x128xf32, #tpu.memory_space<vmem>>) dst(%dma_wait3A_47 : memref<128x128xf32, #tpu.memory_space<vmem_shared>>)
      tpu.yield
    }) : () -> ()
    %mul3A_18 = arith.constant 640 : i32
    %mul3A_19 = arith.muli %arg1, %mul3A_18 : i32
    %add3A_20 = arith.constant 256 : i32
    %add3A_21 = arith.addi %mul3A_19, %add3A_20 : i32
    "tpu.region"() ({
      %run_scoped3A = tpu.sem_alloc : memref<!tpu.dma_semaphore, #tpu.memory_space<semaphore_mem>>
      %dma_start3A = arith.constant 0 : i32
      %dma_start3A_42 = tpu.memref_slice %arg14[%add3A_21, %dma_start3A] : memref<10240x128xf32, #tpu.memory_space<vmem_shared>> -> memref<128x128xf32, #tpu.memory_space<vmem_shared>>
      %dma_start3A_43 = arith.constant 0 : i32
      %dma_start3A_44 = tpu.memref_slice %arg14[%add3A_21, %dma_start3A_43] : memref<10240x128xf32, #tpu.memory_space<vmem_shared>> -> memref<128x128xf32, #tpu.memory_space<vmem_shared>>
      tpu.enqueue_dma source(%arg8 : memref<128x128xf32, #tpu.memory_space<vmem>>) target(%dma_start3A_44 : memref<128x128xf32, #tpu.memory_space<vmem_shared>>) target_semaphore(%run_scoped3A : memref<!tpu.dma_semaphore, #tpu.memory_space<semaphore_mem>>)
      %dma_wait3A = arith.constant 0 : i32
      %dma_wait3A_45 = tpu.memref_slice %arg14[%add3A_21, %dma_wait3A] : memref<10240x128xf32, #tpu.memory_space<vmem_shared>> -> memref<128x128xf32, #tpu.memory_space<vmem_shared>>
      %dma_wait3A_46 = arith.constant 0 : i32
      %dma_wait3A_47 = tpu.memref_slice %arg14[%add3A_21, %dma_wait3A_46] : memref<10240x128xf32, #tpu.memory_space<vmem_shared>> -> memref<128x128xf32, #tpu.memory_space<vmem_shared>>
      tpu.wait_dma2 semaphore(%run_scoped3A : memref<!tpu.dma_semaphore, #tpu.memory_space<semaphore_mem>>) src(%arg8 : memref<128x128xf32, #tpu.memory_space<vmem>>) dst(%dma_wait3A_47 : memref<128x128xf32, #tpu.memory_space<vmem_shared>>)
      tpu.yield
    }) : () -> ()
    %mul3A_22 = arith.constant 640 : i32
    %mul3A_23 = arith.muli %arg1, %mul3A_22 : i32
    %add3A_24 = arith.constant 384 : i32
    %add3A_25 = arith.addi %mul3A_23, %add3A_24 : i32
    "tpu.region"() ({
      %run_scoped3A = tpu.sem_alloc : memref<!tpu.dma_semaphore, #tpu.memory_space<semaphore_mem>>
      %dma_start3A = arith.constant 0 : i32
      %dma_start3A_42 = tpu.memref_slice %arg14[%add3A_25, %dma_start3A] : memref<10240x128xf32, #tpu.memory_space<vmem_shared>> -> memref<128x128xf32, #tpu.memory_space<vmem_shared>>
      %dma_start3A_43 = arith.constant 0 : i32
      %dma_start3A_44 = tpu.memref_slice %arg14[%add3A_25, %dma_start3A_43] : memref<10240x128xf32, #tpu.memory_space<vmem_shared>> -> memref<128x128xf32, #tpu.memory_space<vmem_shared>>
      tpu.enqueue_dma source(%arg8 : memref<128x128xf32, #tpu.memory_space<vmem>>) target(%dma_start3A_44 : memref<128x128xf32, #tpu.memory_space<vmem_shared>>) target_semaphore(%run_scoped3A : memref<!tpu.dma_semaphore, #tpu.memory_space<semaphore_mem>>)
      %dma_wait3A = arith.constant 0 : i32
      %dma_wait3A_45 = tpu.memref_slice %arg14[%add3A_25, %dma_wait3A] : memref<10240x128xf32, #tpu.memory_space<vmem_shared>> -> memref<128x128xf32, #tpu.memory_space<vmem_shared>>
      %dma_wait3A_46 = arith.constant 0 : i32
      %dma_wait3A_47 = tpu.memref_slice %arg14[%add3A_25, %dma_wait3A_46] : memref<10240x128xf32, #tpu.memory_space<vmem_shared>> -> memref<128x128xf32, #tpu.memory_space<vmem_shared>>
      tpu.wait_dma2 semaphore(%run_scoped3A : memref<!tpu.dma_semaphore, #tpu.memory_space<semaphore_mem>>) src(%arg8 : memref<128x128xf32, #tpu.memory_space<vmem>>) dst(%dma_wait3A_47 : memref<128x128xf32, #tpu.memory_space<vmem_shared>>)
      tpu.yield
    }) : () -> ()
    %mul3A_26 = arith.constant 640 : i32
    %mul3A_27 = arith.muli %arg1, %mul3A_26 : i32
    %add3A_28 = arith.constant 512 : i32
    %add3A_29 = arith.addi %mul3A_27, %add3A_28 : i32
    "tpu.region"() ({
      %run_scoped3A = tpu.sem_alloc : memref<!tpu.dma_semaphore, #tpu.memory_space<semaphore_mem>>
      %dma_start3A = arith.constant 0 : i32
      %dma_start3A_42 = tpu.memref_slice %arg14[%add3A_29, %dma_start3A] : memref<10240x128xf32, #tpu.memory_space<vmem_shared>> -> memref<128x128xf32, #tpu.memory_space<vmem_shared>>
      %dma_start3A_43 = arith.constant 0 : i32
      %dma_start3A_44 = tpu.memref_slice %arg14[%add3A_29, %dma_start3A_43] : memref<10240x128xf32, #tpu.memory_space<vmem_shared>> -> memref<128x128xf32, #tpu.memory_space<vmem_shared>>
      tpu.enqueue_dma source(%arg8 : memref<128x128xf32, #tpu.memory_space<vmem>>) target(%dma_start3A_44 : memref<128x128xf32, #tpu.memory_space<vmem_shared>>) target_semaphore(%run_scoped3A : memref<!tpu.dma_semaphore, #tpu.memory_space<semaphore_mem>>)
      %dma_wait3A = arith.constant 0 : i32
      %dma_wait3A_45 = tpu.memref_slice %arg14[%add3A_29, %dma_wait3A] : memref<10240x128xf32, #tpu.memory_space<vmem_shared>> -> memref<128x128xf32, #tpu.memory_space<vmem_shared>>
      %dma_wait3A_46 = arith.constant 0 : i32
      %dma_wait3A_47 = tpu.memref_slice %arg14[%add3A_29, %dma_wait3A_46] : memref<10240x128xf32, #tpu.memory_space<vmem_shared>> -> memref<128x128xf32, #tpu.memory_space<vmem_shared>>
      tpu.wait_dma2 semaphore(%run_scoped3A : memref<!tpu.dma_semaphore, #tpu.memory_space<semaphore_mem>>) src(%arg8 : memref<128x128xf32, #tpu.memory_space<vmem>>) dst(%dma_wait3A_47 : memref<128x128xf32, #tpu.memory_space<vmem_shared>>)
      tpu.yield
    }) : () -> ()
    %barrier3A = arith.constant 0 : index
    tpu.barrier barrier_id(%barrier3A)
    %scan3A_30 = arith.constant 0 : i32
    %scan3A_31 = arith.constant 0 : i32
    %scan3A_32 = arith.constant 2 : i32
    %scan3A_33 = arith.addi %scan3A_31, %scan3A_32 : i32
    %scan3A_34 = arith.constant 1 : i32
    %scan3A_35 = scf.for %scan3A_42 = %scan3A_31 to %scan3A_33 step %scan3A_34 iter_args(%scan3A_43 = %scan3A_30) -> (i32)  : i32 {
      %mul3A_44 = arith.constant 5120 : i32
      %mul3A_45 = arith.muli %scan3A_42, %mul3A_44 : i32
      %add3A_46 = arith.addi %mul3A_2, %mul3A_45 : i32
      "tpu.region"() ({
        %run_scoped3A = tpu.sem_alloc : memref<!tpu.dma_semaphore, #tpu.memory_space<semaphore_mem>>
        %dma_start3A_144 = tpu.memref_slice %arg2[%add3A_46] : memref<327680xi32, #tpu.memory_space<hbm>> -> memref<5120xi32, #tpu.memory_space<hbm>>
        %dma_start3A_145 = tpu.memref_slice %arg2[%add3A_46] : memref<327680xi32, #tpu.memory_space<hbm>> -> memref<5120xi32, #tpu.memory_space<hbm>>
        tpu.enqueue_dma source(%dma_start3A_145 : memref<5120xi32, #tpu.memory_space<hbm>>) target(%arg6 : memref<5120xi32, #tpu.memory_space<vmem>>) target_semaphore(%run_scoped3A : memref<!tpu.dma_semaphore, #tpu.memory_space<semaphore_mem>>)
        %dma_wait3A_146 = tpu.memref_slice %arg2[%add3A_46] : memref<327680xi32, #tpu.memory_space<hbm>> -> memref<5120xi32, #tpu.memory_space<hbm>>
        %dma_wait3A_147 = tpu.memref_slice %arg2[%add3A_46] : memref<327680xi32, #tpu.memory_space<hbm>> -> memref<5120xi32, #tpu.memory_space<hbm>>
        tpu.wait_dma2 semaphore(%run_scoped3A : memref<!tpu.dma_semaphore, #tpu.memory_space<semaphore_mem>>) src(%dma_wait3A_147 : memref<5120xi32, #tpu.memory_space<hbm>>) dst(%arg6 : memref<5120xi32, #tpu.memory_space<vmem>>)
        tpu.yield
      }) : () -> ()
      %mul3A_47 = arith.constant 5120 : i32
      %mul3A_48 = arith.muli %scan3A_42, %mul3A_47 : i32
      %add3A_49 = arith.addi %mul3A_2, %mul3A_48 : i32
      "tpu.region"() ({
        %run_scoped3A = tpu.sem_alloc : memref<!tpu.dma_semaphore, #tpu.memory_space<semaphore_mem>>
        %dma_start3A_144 = tpu.memref_slice %arg3[%add3A_49] : memref<327680xi32, #tpu.memory_space<hbm>> -> memref<5120xi32, #tpu.memory_space<hbm>>
        %dma_start3A_145 = tpu.memref_slice %arg3[%add3A_49] : memref<327680xi32, #tpu.memory_space<hbm>> -> memref<5120xi32, #tpu.memory_space<hbm>>
        tpu.enqueue_dma source(%dma_start3A_145 : memref<5120xi32, #tpu.memory_space<hbm>>) target(%arg7 : memref<5120xi32, #tpu.memory_space<vmem>>) target_semaphore(%run_scoped3A : memref<!tpu.dma_semaphore, #tpu.memory_space<semaphore_mem>>)
        %dma_wait3A_146 = tpu.memref_slice %arg3[%add3A_49] : memref<327680xi32, #tpu.memory_space<hbm>> -> memref<5120xi32, #tpu.memory_space<hbm>>
        %dma_wait3A_147 = tpu.memref_slice %arg3[%add3A_49] : memref<327680xi32, #tpu.memory_space<hbm>> -> memref<5120xi32, #tpu.memory_space<hbm>>
        tpu.wait_dma2 semaphore(%run_scoped3A : memref<!tpu.dma_semaphore, #tpu.memory_space<semaphore_mem>>) src(%dma_wait3A_147 : memref<5120xi32, #tpu.memory_space<hbm>>) dst(%arg7 : memref<5120xi32, #tpu.memory_space<vmem>>)
        tpu.yield
      }) : () -> ()
      %get3A = arith.constant 0 : index
      %get3A_50 = tpu.vector_load %arg6[%get3A] {strides = array<i32>} : memref<5120xi32, #tpu.memory_space<vmem>>, vector<16xi32>,
      %swap3A = arith.constant 0 : index
      %swap3A_51 = tpu.vector_load %arg10[%swap3A] {strides = array<i32>} : memref<128xi32, #tpu.memory_space<vmem>>, vector<16xi32>,
      tpu.vector_store %arg10[%swap3A], %get3A_50 {strides = array<i32>} : memref<128xi32, #tpu.memory_space<vmem>>, vector<16xi32>,
      %get3A_52 = arith.constant 0 : index
      %get3A_53 = tpu.vector_load %arg7[%get3A_52] {strides = array<i32>} : memref<5120xi32, #tpu.memory_space<vmem>>, vector<16xi32>,
      %swap3A_54 = arith.constant 0 : i32
      %swap3A_55 = arith.index_cast %swap3A_54 : i32 to index
      %swap3A_56 = arith.constant 0 : index
      %swap3A_57 = tpu.vector_load %arg12[%swap3A_55, %swap3A_56] {strides = array<i32>} : memref<1x128xi32, #tpu.memory_space<vmem>>, vector<16xi32>,
      tpu.vector_store %arg12[%swap3A_55, %swap3A_56], %get3A_53 {strides = array<i32>} : memref<1x128xi32, #tpu.memory_space<vmem>>, vector<16xi32>,
      %get3A_58 = arith.constant 16 : index
      %get3A_59 = tpu.vector_load %arg6[%get3A_58] {strides = array<i32>} : memref<5120xi32, #tpu.memory_space<vmem>>, vector<16xi32>,
      %swap3A_60 = arith.constant 16 : index
      %swap3A_61 = tpu.vector_load %arg10[%swap3A_60] {strides = array<i32>} : memref<128xi32, #tpu.memory_space<vmem>>, vector<16xi32>,
      tpu.vector_store %arg10[%swap3A_60], %get3A_59 {strides = array<i32>} : memref<128xi32, #tpu.memory_space<vmem>>, vector<16xi32>,
      %get3A_62 = arith.constant 16 : index
      %get3A_63 = tpu.vector_load %arg7[%get3A_62] {strides = array<i32>} : memref<5120xi32, #tpu.memory_space<vmem>>, vector<16xi32>,
      %swap3A_64 = arith.constant 0 : i32
      %swap3A_65 = arith.index_cast %swap3A_64 : i32 to index
      %swap3A_66 = arith.constant 16 : index
      %swap3A_67 = tpu.vector_load %arg12[%swap3A_65, %swap3A_66] {strides = array<i32>} : memref<1x128xi32, #tpu.memory_space<vmem>>, vector<16xi32>,
      tpu.vector_store %arg12[%swap3A_65, %swap3A_66], %get3A_63 {strides = array<i32>} : memref<1x128xi32, #tpu.memory_space<vmem>>, vector<16xi32>,
      %get3A_68 = arith.constant 32 : index
      %get3A_69 = tpu.vector_load %arg6[%get3A_68] {strides = array<i32>} : memref<5120xi32, #tpu.memory_space<vmem>>, vector<16xi32>,
      %swap3A_70 = arith.constant 32 : index
      %swap3A_71 = tpu.vector_load %arg10[%swap3A_70] {strides = array<i32>} : memref<128xi32, #tpu.memory_space<vmem>>, vector<16xi32>,
      tpu.vector_store %arg10[%swap3A_70], %get3A_69 {strides = array<i32>} : memref<128xi32, #tpu.memory_space<vmem>>, vector<16xi32>,
      %get3A_72 = arith.constant 32 : index
      %get3A_73 = tpu.vector_load %arg7[%get3A_72] {strides = array<i32>} : memref<5120xi32, #tpu.memory_space<vmem>>, vector<16xi32>,
      %swap3A_74 = arith.constant 0 : i32
      %swap3A_75 = arith.index_cast %swap3A_74 : i32 to index
      %swap3A_76 = arith.constant 32 : index
      %swap3A_77 = tpu.vector_load %arg12[%swap3A_75, %swap3A_76] {strides = array<i32>} : memref<1x128xi32, #tpu.memory_space<vmem>>, vector<16xi32>,
      tpu.vector_store %arg12[%swap3A_75, %swap3A_76], %get3A_73 {strides = array<i32>} : memref<1x128xi32, #tpu.memory_space<vmem>>, vector<16xi32>,
      %get3A_78 = arith.constant 48 : index
      %get3A_79 = tpu.vector_load %arg6[%get3A_78] {strides = array<i32>} : memref<5120xi32, #tpu.memory_space<vmem>>, vector<16xi32>,
      %swap3A_80 = arith.constant 48 : index
      %swap3A_81 = tpu.vector_load %arg10[%swap3A_80] {strides = array<i32>} : memref<128xi32, #tpu.memory_space<vmem>>, vector<16xi32>,
      tpu.vector_store %arg10[%swap3A_80], %get3A_79 {strides = array<i32>} : memref<128xi32, #tpu.memory_space<vmem>>, vector<16xi32>,
      %get3A_82 = arith.constant 48 : index
      %get3A_83 = tpu.vector_load %arg7[%get3A_82] {strides = array<i32>} : memref<5120xi32, #tpu.memory_space<vmem>>, vector<16xi32>,
      %swap3A_84 = arith.constant 0 : i32
      %swap3A_85 = arith.index_cast %swap3A_84 : i32 to index
      %swap3A_86 = arith.constant 48 : index
      %swap3A_87 = tpu.vector_load %arg12[%swap3A_85, %swap3A_86] {strides = array<i32>} : memref<1x128xi32, #tpu.memory_space<vmem>>, vector<16xi32>,
      tpu.vector_store %arg12[%swap3A_85, %swap3A_86], %get3A_83 {strides = array<i32>} : memref<1x128xi32, #tpu.memory_space<vmem>>, vector<16xi32>,
      %get3A_88 = arith.constant 64 : index
      %get3A_89 = tpu.vector_load %arg6[%get3A_88] {strides = array<i32>} : memref<5120xi32, #tpu.memory_space<vmem>>, vector<16xi32>,
      %swap3A_90 = arith.constant 64 : index
      %swap3A_91 = tpu.vector_load %arg10[%swap3A_90] {strides = array<i32>} : memref<128xi32, #tpu.memory_space<vmem>>, vector<16xi32>,
      tpu.vector_store %arg10[%swap3A_90], %get3A_89 {strides = array<i32>} : memref<128xi32, #tpu.memory_space<vmem>>, vector<16xi32>,
      %get3A_92 = arith.constant 64 : index
      %get3A_93 = tpu.vector_load %arg7[%get3A_92] {strides = array<i32>} : memref<5120xi32, #tpu.memory_space<vmem>>, vector<16xi32>,
      %swap3A_94 = arith.constant 0 : i32
      %swap3A_95 = arith.index_cast %swap3A_94 : i32 to index
      %swap3A_96 = arith.constant 64 : index
      %swap3A_97 = tpu.vector_load %arg12[%swap3A_95, %swap3A_96] {strides = array<i32>} : memref<1x128xi32, #tpu.memory_space<vmem>>, vector<16xi32>,
      tpu.vector_store %arg12[%swap3A_95, %swap3A_96], %get3A_93 {strides = array<i32>} : memref<1x128xi32, #tpu.memory_space<vmem>>, vector<16xi32>,
      %get3A_98 = arith.constant 80 : index
      %get3A_99 = tpu.vector_load %arg6[%get3A_98] {strides = array<i32>} : memref<5120xi32, #tpu.memory_space<vmem>>, vector<16xi32>,
      %swap3A_100 = arith.constant 80 : index
      %swap3A_101 = tpu.vector_load %arg10[%swap3A_100] {strides = array<i32>} : memref<128xi32, #tpu.memory_space<vmem>>, vector<16xi32>,
      tpu.vector_store %arg10[%swap3A_100], %get3A_99 {strides = array<i32>} : memref<128xi32, #tpu.memory_space<vmem>>, vector<16xi32>,
      %get3A_102 = arith.constant 80 : index
      %get3A_103 = tpu.vector_load %arg7[%get3A_102] {strides = array<i32>} : memref<5120xi32, #tpu.memory_space<vmem>>, vector<16xi32>,
      %swap3A_104 = arith.constant 0 : i32
      %swap3A_105 = arith.index_cast %swap3A_104 : i32 to index
      %swap3A_106 = arith.constant 80 : index
      %swap3A_107 = tpu.vector_load %arg12[%swap3A_105, %swap3A_106] {strides = array<i32>} : memref<1x128xi32, #tpu.memory_space<vmem>>, vector<16xi32>,
      tpu.vector_store %arg12[%swap3A_105, %swap3A_106], %get3A_103 {strides = array<i32>} : memref<1x128xi32, #tpu.memory_space<vmem>>, vector<16xi32>,
      %get3A_108 = arith.constant 96 : index
      %get3A_109 = tpu.vector_load %arg6[%get3A_108] {strides = array<i32>} : memref<5120xi32, #tpu.memory_space<vmem>>, vector<16xi32>,
      %swap3A_110 = arith.constant 96 : index
      %swap3A_111 = tpu.vector_load %arg10[%swap3A_110] {strides = array<i32>} : memref<128xi32, #tpu.memory_space<vmem>>, vector<16xi32>,
      tpu.vector_store %arg10[%swap3A_110], %get3A_109 {strides = array<i32>} : memref<128xi32, #tpu.memory_space<vmem>>, vector<16xi32>,
      %get3A_112 = arith.constant 96 : index
      %get3A_113 = tpu.vector_load %arg7[%get3A_112] {strides = array<i32>} : memref<5120xi32, #tpu.memory_space<vmem>>, vector<16xi32>,
      %swap3A_114 = arith.constant 0 : i32
      %swap3A_115 = arith.index_cast %swap3A_114 : i32 to index
      %swap3A_116 = arith.constant 96 : index
      %swap3A_117 = tpu.vector_load %arg12[%swap3A_115, %swap3A_116] {strides = array<i32>} : memref<1x128xi32, #tpu.memory_space<vmem>>, vector<16xi32>,
      tpu.vector_store %arg12[%swap3A_115, %swap3A_116], %get3A_113 {strides = array<i32>} : memref<1x128xi32, #tpu.memory_space<vmem>>, vector<16xi32>,
      %get3A_118 = arith.constant 112 : index
      %get3A_119 = tpu.vector_load %arg6[%get3A_118] {strides = array<i32>} : memref<5120xi32, #tpu.memory_space<vmem>>, vector<16xi32>,
      %swap3A_120 = arith.constant 112 : index
      %swap3A_121 = tpu.vector_load %arg10[%swap3A_120] {strides = array<i32>} : memref<128xi32, #tpu.memory_space<vmem>>, vector<16xi32>,
      tpu.vector_store %arg10[%swap3A_120], %get3A_119 {strides = array<i32>} : memref<128xi32, #tpu.memory_space<vmem>>, vector<16xi32>,
      %get3A_122 = arith.constant 112 : index
      %get3A_123 = tpu.vector_load %arg7[%get3A_122] {strides = array<i32>} : memref<5120xi32, #tpu.memory_space<vmem>>, vector<16xi32>,
      %swap3A_124 = arith.constant 0 : i32
      %swap3A_125 = arith.index_cast %swap3A_124 : i32 to index
      %swap3A_126 = arith.constant 112 : index
      %swap3A_127 = tpu.vector_load %arg12[%swap3A_125, %swap3A_126] {strides = array<i32>} : memref<1x128xi32, #tpu.memory_space<vmem>>, vector<16xi32>,
      tpu.vector_store %arg12[%swap3A_125, %swap3A_126], %get3A_123 {strides = array<i32>} : memref<1x128xi32, #tpu.memory_space<vmem>>, vector<16xi32>,
      %dma_start3A = arith.constant 0 : i32
      %dma_start3A_128 = arith.constant 0 : i32
      %dma_start3A_129 = tpu.memref_slice %arg4[%dma_start3A, %dma_start3A_128] : memref<10240x128xf32, #tpu.memory_space<hbm>> -> memref<10240x128xf32, #tpu.memory_space<hbm>>
      tpu.enqueue_indirect_dma source(%dma_start3A_129 : memref<10240x128xf32, #tpu.memory_space<hbm>>) target(%arg8 : memref<128x128xf32, #tpu.memory_space<vmem>>) offsets(%arg10 : memref<128xi32, #tpu.memory_space<vmem>>) semaphore(%arg15 : memref<!tpu.dma_semaphore, #tpu.memory_space<semaphore_mem>>)
      %scan3A_130 = arith.constant 0 : i32
      %scan3A_131 = arith.constant 0 : i32
      %scan3A_132 = arith.constant 20 : i32
      %scan3A_133 = arith.addi %scan3A_131, %scan3A_132 : i32
      %scan3A_134 = arith.constant 1 : i32
      %scan3A_135 = scf.for %scan3A_144 = %scan3A_131 to %scan3A_133 step %scan3A_134 iter_args(%scan3A_145 = %scan3A_130) -> (i32)  : i32 {
        %mul3A_146 = arith.constant 2 : i32
        %mul3A_147 = arith.muli %mul3A_146, %scan3A_144 : i32
        %gt3A = arith.constant 0 : i32
        %gt3A_148 = arith.cmpi sgt, %scan3A_144, %gt3A : i32
        %convert_element_type3A = arith.extui %gt3A_148 : i1 to i32
        %cond3A = arith.constant 0 : i32
        %cond3A_149 = arith.cmpi ne, %convert_element_type3A, %cond3A : i32
        scf.if %cond3A_149 {
          %dma_wait3A_287 = arith.constant 0 : i32
          %dma_wait3A_288 = arith.constant 0 : i32
          %dma_wait3A_289 = tpu.memref_slice %arg13[%dma_wait3A_287, %dma_wait3A_288] : memref<1x128xi32, #tpu.memory_space<vmem>> -> memref<1x128xi32, #tpu.memory_space<vmem>>
          %dma_wait3A_290 = tpu.memref_squeeze %dma_wait3A_289 : memref<1x128xi32, #tpu.memory_space<vmem>> -> memref<128xi32, #tpu.memory_space<vmem>>
          %dma_wait3A_291 = arith.constant 0 : i32
          %dma_wait3A_292 = arith.constant 0 : i32
          %dma_wait3A_293 = tpu.memref_slice %arg14[%dma_wait3A_291, %dma_wait3A_292] : memref<10240x128xf32, #tpu.memory_space<vmem_shared>> -> memref<10240x128xf32, #tpu.memory_space<vmem_shared>>
          tpu.wait_indirect_dma semaphore(%arg18 : memref<!tpu.dma_semaphore, #tpu.memory_space<semaphore_mem>>) src(%arg9 : memref<128x128xf32, #tpu.memory_space<vmem>>) dst(%dma_wait3A_293 : memref<10240x128xf32, #tpu.memory_space<vmem_shared>>)
        } else {
        }
        %add3A_150 = arith.constant 1 : i32
        %add3A_151 = arith.addi %mul3A_147, %add3A_150 : i32
        %mul3A_152 = arith.constant 128 : i32
        %mul3A_153 = arith.muli %add3A_151, %mul3A_152 : i32
        %add3A_154 = arith.constant 0 : i32
        %add3A_155 = arith.addi %mul3A_153, %add3A_154 : i32
        %get3A_156 = arith.index_cast %add3A_155 : i32 to index
        %get3A_157 = tpu.vector_load %arg6[%get3A_156] {strides = array<i32>} : memref<5120xi32, #tpu.memory_space<vmem>>, vector<16xi32>,
        %swap3A_158 = arith.constant 0 : index
        %swap3A_159 = tpu.vector_load %arg11[%swap3A_158] {strides = array<i32>} : memref<128xi32, #tpu.memory_space<vmem>>, vector<16xi32>,
        tpu.vector_store %arg11[%swap3A_158], %get3A_157 {strides = array<i32>} : memref<128xi32, #tpu.memory_space<vmem>>, vector<16xi32>,
        %get3A_160 = arith.index_cast %add3A_155 : i32 to index
        %get3A_161 = tpu.vector_load %arg7[%get3A_160] {strides = array<i32>} : memref<5120xi32, #tpu.memory_space<vmem>>, vector<16xi32>,
        %swap3A_162 = arith.constant 0 : i32
        %swap3A_163 = arith.index_cast %swap3A_162 : i32 to index
        %swap3A_164 = arith.constant 0 : index
        %swap3A_165 = tpu.vector_load %arg13[%swap3A_163, %swap3A_164] {strides = array<i32>} : memref<1x128xi32, #tpu.memory_space<vmem>>, vector<16xi32>,
        tpu.vector_store %arg13[%swap3A_163, %swap3A_164], %get3A_161 {strides = array<i32>} : memref<1x128xi32, #tpu.memory_space<vmem>>, vector<16xi32>,
        %add3A_166 = arith.constant 16 : i32
        %add3A_167 = arith.addi %mul3A_153, %add3A_166 : i32
        %get3A_168 = arith.index_cast %add3A_167 : i32 to index
        %get3A_169 = tpu.vector_load %arg6[%get3A_168] {strides = array<i32>} : memref<5120xi32, #tpu.memory_space<vmem>>, vector<16xi32>,
        %swap3A_170 = arith.constant 16 : index
        %swap3A_171 = tpu.vector_load %arg11[%swap3A_170] {strides = array<i32>} : memref<128xi32, #tpu.memory_space<vmem>>, vector<16xi32>,
        tpu.vector_store %arg11[%swap3A_170], %get3A_169 {strides = array<i32>} : memref<128xi32, #tpu.memory_space<vmem>>, vector<16xi32>,
        %get3A_172 = arith.index_cast %add3A_167 : i32 to index
        %get3A_173 = tpu.vector_load %arg7[%get3A_172] {strides = array<i32>} : memref<5120xi32, #tpu.memory_space<vmem>>, vector<16xi32>,
        %swap3A_174 = arith.constant 0 : i32
        %swap3A_175 = arith.index_cast %swap3A_174 : i32 to index
        %swap3A_176 = arith.constant 16 : index
        %swap3A_177 = tpu.vector_load %arg13[%swap3A_175, %swap3A_176] {strides = array<i32>} : memref<1x128xi32, #tpu.memory_space<vmem>>, vector<16xi32>,
        tpu.vector_store %arg13[%swap3A_175, %swap3A_176], %get3A_173 {strides = array<i32>} : memref<1x128xi32, #tpu.memory_space<vmem>>, vector<16xi32>,
        %add3A_178 = arith.constant 32 : i32
        %add3A_179 = arith.addi %mul3A_153, %add3A_178 : i32
        %get3A_180 = arith.index_cast %add3A_179 : i32 to index
        %get3A_181 = tpu.vector_load %arg6[%get3A_180] {strides = array<i32>} : memref<5120xi32, #tpu.memory_space<vmem>>, vector<16xi32>,
        %swap3A_182 = arith.constant 32 : index
        %swap3A_183 = tpu.vector_load %arg11[%swap3A_182] {strides = array<i32>} : memref<128xi32, #tpu.memory_space<vmem>>, vector<16xi32>,
        tpu.vector_store %arg11[%swap3A_182], %get3A_181 {strides = array<i32>} : memref<128xi32, #tpu.memory_space<vmem>>, vector<16xi32>,
        %get3A_184 = arith.index_cast %add3A_179 : i32 to index
        %get3A_185 = tpu.vector_load %arg7[%get3A_184] {strides = array<i32>} : memref<5120xi32, #tpu.memory_space<vmem>>, vector<16xi32>,
        %swap3A_186 = arith.constant 0 : i32
        %swap3A_187 = arith.index_cast %swap3A_186 : i32 to index
        %swap3A_188 = arith.constant 32 : index
        %swap3A_189 = tpu.vector_load %arg13[%swap3A_187, %swap3A_188] {strides = array<i32>} : memref<1x128xi32, #tpu.memory_space<vmem>>, vector<16xi32>,
        tpu.vector_store %arg13[%swap3A_187, %swap3A_188], %get3A_185 {strides = array<i32>} : memref<1x128xi32, #tpu.memory_space<vmem>>, vector<16xi32>,
        %add3A_190 = arith.constant 48 : i32
        %add3A_191 = arith.addi %mul3A_153, %add3A_190 : i32
        %get3A_192 = arith.index_cast %add3A_191 : i32 to index
        %get3A_193 = tpu.vector_load %arg6[%get3A_192] {strides = array<i32>} : memref<5120xi32, #tpu.memory_space<vmem>>, vector<16xi32>,
        %swap3A_194 = arith.constant 48 : index
        %swap3A_195 = tpu.vector_load %arg11[%swap3A_194] {strides = array<i32>} : memref<128xi32, #tpu.memory_space<vmem>>, vector<16xi32>,
        tpu.vector_store %arg11[%swap3A_194], %get3A_193 {strides = array<i32>} : memref<128xi32, #tpu.memory_space<vmem>>, vector<16xi32>,
        %get3A_196 = arith.index_cast %add3A_191 : i32 to index
        %get3A_197 = tpu.vector_load %arg7[%get3A_196] {strides = array<i32>} : memref<5120xi32, #tpu.memory_space<vmem>>, vector<16xi32>,
        %swap3A_198 = arith.constant 0 : i32
        %swap3A_199 = arith.index_cast %swap3A_198 : i32 to index
        %swap3A_200 = arith.constant 48 : index
        %swap3A_201 = tpu.vector_load %arg13[%swap3A_199, %swap3A_200] {strides = array<i32>} : memref<1x128xi32, #tpu.memory_space<vmem>>, vector<16xi32>,
        tpu.vector_store %arg13[%swap3A_199, %swap3A_200], %get3A_197 {strides = array<i32>} : memref<1x128xi32, #tpu.memory_space<vmem>>, vector<16xi32>,
        %add3A_202 = arith.constant 64 : i32
        %add3A_203 = arith.addi %mul3A_153, %add3A_202 : i32
        %get3A_204 = arith.index_cast %add3A_203 : i32 to index
        %get3A_205 = tpu.vector_load %arg6[%get3A_204] {strides = array<i32>} : memref<5120xi32, #tpu.memory_space<vmem>>, vector<16xi32>,
        %swap3A_206 = arith.constant 64 : index
        %swap3A_207 = tpu.vector_load %arg11[%swap3A_206] {strides = array<i32>} : memref<128xi32, #tpu.memory_space<vmem>>, vector<16xi32>,
        tpu.vector_store %arg11[%swap3A_206], %get3A_205 {strides = array<i32>} : memref<128xi32, #tpu.memory_space<vmem>>, vector<16xi32>,
        %get3A_208 = arith.index_cast %add3A_203 : i32 to index
        %get3A_209 = tpu.vector_load %arg7[%get3A_208] {strides = array<i32>} : memref<5120xi32, #tpu.memory_space<vmem>>, vector<16xi32>,
        %swap3A_210 = arith.constant 0 : i32
        %swap3A_211 = arith.index_cast %swap3A_210 : i32 to index
        %swap3A_212 = arith.constant 64 : index
        %swap3A_213 = tpu.vector_load %arg13[%swap3A_211, %swap3A_212] {strides = array<i32>} : memref<1x128xi32, #tpu.memory_space<vmem>>, vector<16xi32>,
        tpu.vector_store %arg13[%swap3A_211, %swap3A_212], %get3A_209 {strides = array<i32>} : memref<1x128xi32, #tpu.memory_space<vmem>>, vector<16xi32>,
        %add3A_214 = arith.constant 80 : i32
        %add3A_215 = arith.addi %mul3A_153, %add3A_214 : i32
        %get3A_216 = arith.index_cast %add3A_215 : i32 to index
        %get3A_217 = tpu.vector_load %arg6[%get3A_216] {strides = array<i32>} : memref<5120xi32, #tpu.memory_space<vmem>>, vector<16xi32>,
        %swap3A_218 = arith.constant 80 : index
        %swap3A_219 = tpu.vector_load %arg11[%swap3A_218] {strides = array<i32>} : memref<128xi32, #tpu.memory_space<vmem>>, vector<16xi32>,
        tpu.vector_store %arg11[%swap3A_218], %get3A_217 {strides = array<i32>} : memref<128xi32, #tpu.memory_space<vmem>>, vector<16xi32>,
        %get3A_220 = arith.index_cast %add3A_215 : i32 to index
        %get3A_221 = tpu.vector_load %arg7[%get3A_220] {strides = array<i32>} : memref<5120xi32, #tpu.memory_space<vmem>>, vector<16xi32>,
        %swap3A_222 = arith.constant 0 : i32
        %swap3A_223 = arith.index_cast %swap3A_222 : i32 to index
        %swap3A_224 = arith.constant 80 : index
        %swap3A_225 = tpu.vector_load %arg13[%swap3A_223, %swap3A_224] {strides = array<i32>} : memref<1x128xi32, #tpu.memory_space<vmem>>, vector<16xi32>,
        tpu.vector_store %arg13[%swap3A_223, %swap3A_224], %get3A_221 {strides = array<i32>} : memref<1x128xi32, #tpu.memory_space<vmem>>, vector<16xi32>,
        %add3A_226 = arith.constant 96 : i32
        %add3A_227 = arith.addi %mul3A_153, %add3A_226 : i32
        %get3A_228 = arith.index_cast %add3A_227 : i32 to index
        %get3A_229 = tpu.vector_load %arg6[%get3A_228] {strides = array<i32>} : memref<5120xi32, #tpu.memory_space<vmem>>, vector<16xi32>,
        %swap3A_230 = arith.constant 96 : index
        %swap3A_231 = tpu.vector_load %arg11[%swap3A_230] {strides = array<i32>} : memref<128xi32, #tpu.memory_space<vmem>>, vector<16xi32>,
        tpu.vector_store %arg11[%swap3A_230], %get3A_229 {strides = array<i32>} : memref<128xi32, #tpu.memory_space<vmem>>, vector<16xi32>,
        %get3A_232 = arith.index_cast %add3A_227 : i32 to index
        %get3A_233 = tpu.vector_load %arg7[%get3A_232] {strides = array<i32>} : memref<5120xi32, #tpu.memory_space<vmem>>, vector<16xi32>,
        %swap3A_234 = arith.constant 0 : i32
        %swap3A_235 = arith.index_cast %swap3A_234 : i32 to index
        %swap3A_236 = arith.constant 96 : index
        %swap3A_237 = tpu.vector_load %arg13[%swap3A_235, %swap3A_236] {strides = array<i32>} : memref<1x128xi32, #tpu.memory_space<vmem>>, vector<16xi32>,
        tpu.vector_store %arg13[%swap3A_235, %swap3A_236], %get3A_233 {strides = array<i32>} : memref<1x128xi32, #tpu.memory_space<vmem>>, vector<16xi32>,
        %add3A_238 = arith.constant 112 : i32
        %add3A_239 = arith.addi %mul3A_153, %add3A_238 : i32
        %get3A_240 = arith.index_cast %add3A_239 : i32 to index
        %get3A_241 = tpu.vector_load %arg6[%get3A_240] {strides = array<i32>} : memref<5120xi32, #tpu.memory_space<vmem>>, vector<16xi32>,
        %swap3A_242 = arith.constant 112 : index
        %swap3A_243 = tpu.vector_load %arg11[%swap3A_242] {strides = array<i32>} : memref<128xi32, #tpu.memory_space<vmem>>, vector<16xi32>,
        tpu.vector_store %arg11[%swap3A_242], %get3A_241 {strides = array<i32>} : memref<128xi32, #tpu.memory_space<vmem>>, vector<16xi32>,
        %get3A_244 = arith.index_cast %add3A_239 : i32 to index
        %get3A_245 = tpu.vector_load %arg7[%get3A_244] {strides = array<i32>} : memref<5120xi32, #tpu.memory_space<vmem>>, vector<16xi32>,
        %swap3A_246 = arith.constant 0 : i32
        %swap3A_247 = arith.index_cast %swap3A_246 : i32 to index
        %swap3A_248 = arith.constant 112 : index
        %swap3A_249 = tpu.vector_load %arg13[%swap3A_247, %swap3A_248] {strides = array<i32>} : memref<1x128xi32, #tpu.memory_space<vmem>>, vector<16xi32>,
        tpu.vector_store %arg13[%swap3A_247, %swap3A_248], %get3A_245 {strides = array<i32>} : memref<1x128xi32, #tpu.memory_space<vmem>>, vector<16xi32>,
        %dma_start3A_250 = arith.constant 0 : i32
        %dma_start3A_251 = arith.constant 0 : i32
        %dma_start3A_252 = tpu.memref_slice %arg4[%dma_start3A_250, %dma_start3A_251] : memref<10240x128xf32, #tpu.memory_space<hbm>> -> memref<10240x128xf32, #tpu.memory_space<hbm>>
        tpu.enqueue_indirect_dma source(%dma_start3A_252 : memref<10240x128xf32, #tpu.memory_space<hbm>>) target(%arg9 : memref<128x128xf32, #tpu.memory_space<vmem>>) offsets(%arg11 : memref<128xi32, #tpu.memory_space<vmem>>) semaphore(%arg16 : memref<!tpu.dma_semaphore, #tpu.memory_space<semaphore_mem>>)
        %dma_wait3A_253 = arith.constant 0 : i32
        %dma_wait3A_254 = arith.constant 0 : i32
        %dma_wait3A_255 = tpu.memref_slice %arg4[%dma_wait3A_253, %dma_wait3A_254] : memref<10240x128xf32, #tpu.memory_space<hbm>> -> memref<10240x128xf32, #tpu.memory_space<hbm>>
        tpu.wait_indirect_dma semaphore(%arg15 : memref<!tpu.dma_semaphore, #tpu.memory_space<semaphore_mem>>) src(%dma_wait3A_255 : memref<10240x128xf32, #tpu.memory_space<hbm>>) dst(%arg8 : memref<128x128xf32, #tpu.memory_space<vmem>>)
        %dma_start3A_256 = arith.constant 0 : i32
        %dma_start3A_257 = arith.constant 0 : i32
        %dma_start3A_258 = tpu.memref_slice %arg12[%dma_start3A_256, %dma_start3A_257] : memref<1x128xi32, #tpu.memory_space<vmem>> -> memref<1x128xi32, #tpu.memory_space<vmem>>
        %dma_start3A_259 = tpu.memref_squeeze %dma_start3A_258 : memref<1x128xi32, #tpu.memory_space<vmem>> -> memref<128xi32, #tpu.memory_space<vmem>>
        %dma_start3A_260 = arith.constant 0 : i32
        %dma_start3A_261 = arith.constant 0 : i32
        %dma_start3A_262 = tpu.memref_slice %arg14[%dma_start3A_260, %dma_start3A_261] : memref<10240x128xf32, #tpu.memory_space<vmem_shared>> -> memref<10240x128xf32, #tpu.memory_space<vmem_shared>>
        tpu.enqueue_indirect_dma source(%arg8 : memref<128x128xf32, #tpu.memory_space<vmem>>) target(%dma_start3A_262 : memref<10240x128xf32, #tpu.memory_space<vmem_shared>>) offsets(%dma_start3A_259 : memref<128xi32, #tpu.memory_space<vmem>>) semaphore(%arg17 : memref<!tpu.dma_semaphore, #tpu.memory_space<semaphore_mem>>) {add = true}
        %dma_wait3A_263 = arith.constant 0 : i32
        %dma_wait3A_264 = arith.constant 0 : i32
        %dma_wait3A_265 = tpu.memref_slice %arg12[%dma_wait3A_263, %dma_wait3A_264] : memref<1x128xi32, #tpu.memory_space<vmem>> -> memref<1x128xi32, #tpu.memory_space<vmem>>
        %dma_wait3A_266 = tpu.memref_squeeze %dma_wait3A_265 : memref<1x128xi32, #tpu.memory_space<vmem>> -> memref<128xi32, #tpu.memory_space<vmem>>
        %dma_wait3A_267 = arith.constant 0 : i32
        %dma_wait3A_268 = arith.constant 0 : i32
        %dma_wait3A_269 = tpu.memref_slice %arg14[%dma_wait3A_267, %dma_wait3A_268] : memref<10240x128xf32, #tpu.memory_space<vmem_shared>> -> memref<10240x128xf32, #tpu.memory_space<vmem_shared>>
        tpu.wait_indirect_dma semaphore(%arg17 : memref<!tpu.dma_semaphore, #tpu.memory_space<semaphore_mem>>) src(%arg8 : memref<128x128xf32, #tpu.memory_space<vmem>>) dst(%dma_wait3A_269 : memref<10240x128xf32, #tpu.memory_space<vmem_shared>>)
        %add3A_270 = arith.constant 2 : i32
        %add3A_271 = arith.addi %mul3A_147, %add3A_270 : i32
        %lt3A = arith.constant 40 : i32
        %lt3A_272 = arith.cmpi slt, %add3A_271, %lt3A : i32
        %convert_element_type3A_273 = arith.extui %lt3A_272 : i1 to i32
        %cond3A_274 = arith.constant 0 : i32
        %cond3A_275 = arith.cmpi ne, %convert_element_type3A_273, %cond3A_274 : i32
        scf.if %cond3A_275 {
          %add3A_287 = arith.constant 2 : i32
          %add3A_288 = arith.addi %mul3A_147, %add3A_287 : i32
          %mul3A_289 = arith.constant 128 : i32
          %mul3A_290 = arith.muli %add3A_288, %mul3A_289 : i32
          %add3A_291 = arith.constant 0 : i32
          %add3A_292 = arith.addi %mul3A_290, %add3A_291 : i32
          %get3A_293 = arith.index_cast %add3A_292 : i32 to index
          %get3A_294 = tpu.vector_load %arg6[%get3A_293] {strides = array<i32>} : memref<5120xi32, #tpu.memory_space<vmem>>, vector<16xi32>,
          %swap3A_295 = arith.constant 0 : index
          %swap3A_296 = tpu.vector_load %arg10[%swap3A_295] {strides = array<i32>} : memref<128xi32, #tpu.memory_space<vmem>>, vector<16xi32>,
          tpu.vector_store %arg10[%swap3A_295], %get3A_294 {strides = array<i32>} : memref<128xi32, #tpu.memory_space<vmem>>, vector<16xi32>,
          %get3A_297 = arith.index_cast %add3A_292 : i32 to index
          %get3A_298 = tpu.vector_load %arg7[%get3A_297] {strides = array<i32>} : memref<5120xi32, #tpu.memory_space<vmem>>, vector<16xi32>,
          %swap3A_299 = arith.constant 0 : i32
          %swap3A_300 = arith.index_cast %swap3A_299 : i32 to index
          %swap3A_301 = arith.constant 0 : index
          %swap3A_302 = tpu.vector_load %arg12[%swap3A_300, %swap3A_301] {strides = array<i32>} : memref<1x128xi32, #tpu.memory_space<vmem>>, vector<16xi32>,
          tpu.vector_store %arg12[%swap3A_300, %swap3A_301], %get3A_298 {strides = array<i32>} : memref<1x128xi32, #tpu.memory_space<vmem>>, vector<16xi32>,
          %add3A_303 = arith.constant 16 : i32
          %add3A_304 = arith.addi %mul3A_290, %add3A_303 : i32
          %get3A_305 = arith.index_cast %add3A_304 : i32 to index
          %get3A_306 = tpu.vector_load %arg6[%get3A_305] {strides = array<i32>} : memref<5120xi32, #tpu.memory_space<vmem>>, vector<16xi32>,
          %swap3A_307 = arith.constant 16 : index
          %swap3A_308 = tpu.vector_load %arg10[%swap3A_307] {strides = array<i32>} : memref<128xi32, #tpu.memory_space<vmem>>, vector<16xi32>,
          tpu.vector_store %arg10[%swap3A_307], %get3A_306 {strides = array<i32>} : memref<128xi32, #tpu.memory_space<vmem>>, vector<16xi32>,
          %get3A_309 = arith.index_cast %add3A_304 : i32 to index
          %get3A_310 = tpu.vector_load %arg7[%get3A_309] {strides = array<i32>} : memref<5120xi32, #tpu.memory_space<vmem>>, vector<16xi32>,
          %swap3A_311 = arith.constant 0 : i32
          %swap3A_312 = arith.index_cast %swap3A_311 : i32 to index
          %swap3A_313 = arith.constant 16 : index
          %swap3A_314 = tpu.vector_load %arg12[%swap3A_312, %swap3A_313] {strides = array<i32>} : memref<1x128xi32, #tpu.memory_space<vmem>>, vector<16xi32>,
          tpu.vector_store %arg12[%swap3A_312, %swap3A_313], %get3A_310 {strides = array<i32>} : memref<1x128xi32, #tpu.memory_space<vmem>>, vector<16xi32>,
          %add3A_315 = arith.constant 32 : i32
          %add3A_316 = arith.addi %mul3A_290, %add3A_315 : i32
          %get3A_317 = arith.index_cast %add3A_316 : i32 to index
          %get3A_318 = tpu.vector_load %arg6[%get3A_317] {strides = array<i32>} : memref<5120xi32, #tpu.memory_space<vmem>>, vector<16xi32>,
          %swap3A_319 = arith.constant 32 : index
          %swap3A_320 = tpu.vector_load %arg10[%swap3A_319] {strides = array<i32>} : memref<128xi32, #tpu.memory_space<vmem>>, vector<16xi32>,
          tpu.vector_store %arg10[%swap3A_319], %get3A_318 {strides = array<i32>} : memref<128xi32, #tpu.memory_space<vmem>>, vector<16xi32>,
          %get3A_321 = arith.index_cast %add3A_316 : i32 to index
          %get3A_322 = tpu.vector_load %arg7[%get3A_321] {strides = array<i32>} : memref<5120xi32, #tpu.memory_space<vmem>>, vector<16xi32>,
          %swap3A_323 = arith.constant 0 : i32
          %swap3A_324 = arith.index_cast %swap3A_323 : i32 to index
          %swap3A_325 = arith.constant 32 : index
          %swap3A_326 = tpu.vector_load %arg12[%swap3A_324, %swap3A_325] {strides = array<i32>} : memref<1x128xi32, #tpu.memory_space<vmem>>, vector<16xi32>,
          tpu.vector_store %arg12[%swap3A_324, %swap3A_325], %get3A_322 {strides = array<i32>} : memref<1x128xi32, #tpu.memory_space<vmem>>, vector<16xi32>,
          %add3A_327 = arith.constant 48 : i32
          %add3A_328 = arith.addi %mul3A_290, %add3A_327 : i32
          %get3A_329 = arith.index_cast %add3A_328 : i32 to index
          %get3A_330 = tpu.vector_load %arg6[%get3A_329] {strides = array<i32>} : memref<5120xi32, #tpu.memory_space<vmem>>, vector<16xi32>,
          %swap3A_331 = arith.constant 48 : index
          %swap3A_332 = tpu.vector_load %arg10[%swap3A_331] {strides = array<i32>} : memref<128xi32, #tpu.memory_space<vmem>>, vector<16xi32>,
          tpu.vector_store %arg10[%swap3A_331], %get3A_330 {strides = array<i32>} : memref<128xi32, #tpu.memory_space<vmem>>, vector<16xi32>,
          %get3A_333 = arith.index_cast %add3A_328 : i32 to index
          %get3A_334 = tpu.vector_load %arg7[%get3A_333] {strides = array<i32>} : memref<5120xi32, #tpu.memory_space<vmem>>, vector<16xi32>,
          %swap3A_335 = arith.constant 0 : i32
          %swap3A_336 = arith.index_cast %swap3A_335 : i32 to index
          %swap3A_337 = arith.constant 48 : index
          %swap3A_338 = tpu.vector_load %arg12[%swap3A_336, %swap3A_337] {strides = array<i32>} : memref<1x128xi32, #tpu.memory_space<vmem>>, vector<16xi32>,
          tpu.vector_store %arg12[%swap3A_336, %swap3A_337], %get3A_334 {strides = array<i32>} : memref<1x128xi32, #tpu.memory_space<vmem>>, vector<16xi32>,
          %add3A_339 = arith.constant 64 : i32
          %add3A_340 = arith.addi %mul3A_290, %add3A_339 : i32
          %get3A_341 = arith.index_cast %add3A_340 : i32 to index
          %get3A_342 = tpu.vector_load %arg6[%get3A_341] {strides = array<i32>} : memref<5120xi32, #tpu.memory_space<vmem>>, vector<16xi32>,
          %swap3A_343 = arith.constant 64 : index
          %swap3A_344 = tpu.vector_load %arg10[%swap3A_343] {strides = array<i32>} : memref<128xi32, #tpu.memory_space<vmem>>, vector<16xi32>,
          tpu.vector_store %arg10[%swap3A_343], %get3A_342 {strides = array<i32>} : memref<128xi32, #tpu.memory_space<vmem>>, vector<16xi32>,
          %get3A_345 = arith.index_cast %add3A_340 : i32 to index
          %get3A_346 = tpu.vector_load %arg7[%get3A_345] {strides = array<i32>} : memref<5120xi32, #tpu.memory_space<vmem>>, vector<16xi32>,
          %swap3A_347 = arith.constant 0 : i32
          %swap3A_348 = arith.index_cast %swap3A_347 : i32 to index
          %swap3A_349 = arith.constant 64 : index
          %swap3A_350 = tpu.vector_load %arg12[%swap3A_348, %swap3A_349] {strides = array<i32>} : memref<1x128xi32, #tpu.memory_space<vmem>>, vector<16xi32>,
          tpu.vector_store %arg12[%swap3A_348, %swap3A_349], %get3A_346 {strides = array<i32>} : memref<1x128xi32, #tpu.memory_space<vmem>>, vector<16xi32>,
          %add3A_351 = arith.constant 80 : i32
          %add3A_352 = arith.addi %mul3A_290, %add3A_351 : i32
          %get3A_353 = arith.index_cast %add3A_352 : i32 to index
          %get3A_354 = tpu.vector_load %arg6[%get3A_353] {strides = array<i32>} : memref<5120xi32, #tpu.memory_space<vmem>>, vector<16xi32>,
          %swap3A_355 = arith.constant 80 : index
          %swap3A_356 = tpu.vector_load %arg10[%swap3A_355] {strides = array<i32>} : memref<128xi32, #tpu.memory_space<vmem>>, vector<16xi32>,
          tpu.vector_store %arg10[%swap3A_355], %get3A_354 {strides = array<i32>} : memref<128xi32, #tpu.memory_space<vmem>>, vector<16xi32>,
          %get3A_357 = arith.index_cast %add3A_352 : i32 to index
          %get3A_358 = tpu.vector_load %arg7[%get3A_357] {strides = array<i32>} : memref<5120xi32, #tpu.memory_space<vmem>>, vector<16xi32>,
          %swap3A_359 = arith.constant 0 : i32
          %swap3A_360 = arith.index_cast %swap3A_359 : i32 to index
          %swap3A_361 = arith.constant 80 : index
          %swap3A_362 = tpu.vector_load %arg12[%swap3A_360, %swap3A_361] {strides = array<i32>} : memref<1x128xi32, #tpu.memory_space<vmem>>, vector<16xi32>,
          tpu.vector_store %arg12[%swap3A_360, %swap3A_361], %get3A_358 {strides = array<i32>} : memref<1x128xi32, #tpu.memory_space<vmem>>, vector<16xi32>,
          %add3A_363 = arith.constant 96 : i32
          %add3A_364 = arith.addi %mul3A_290, %add3A_363 : i32
          %get3A_365 = arith.index_cast %add3A_364 : i32 to index
          %get3A_366 = tpu.vector_load %arg6[%get3A_365] {strides = array<i32>} : memref<5120xi32, #tpu.memory_space<vmem>>, vector<16xi32>,
          %swap3A_367 = arith.constant 96 : index
          %swap3A_368 = tpu.vector_load %arg10[%swap3A_367] {strides = array<i32>} : memref<128xi32, #tpu.memory_space<vmem>>, vector<16xi32>,
          tpu.vector_store %arg10[%swap3A_367], %get3A_366 {strides = array<i32>} : memref<128xi32, #tpu.memory_space<vmem>>, vector<16xi32>,
          %get3A_369 = arith.index_cast %add3A_364 : i32 to index
          %get3A_370 = tpu.vector_load %arg7[%get3A_369] {strides = array<i32>} : memref<5120xi32, #tpu.memory_space<vmem>>, vector<16xi32>,
          %swap3A_371 = arith.constant 0 : i32
          %swap3A_372 = arith.index_cast %swap3A_371 : i32 to index
          %swap3A_373 = arith.constant 96 : index
          %swap3A_374 = tpu.vector_load %arg12[%swap3A_372, %swap3A_373] {strides = array<i32>} : memref<1x128xi32, #tpu.memory_space<vmem>>, vector<16xi32>,
          tpu.vector_store %arg12[%swap3A_372, %swap3A_373], %get3A_370 {strides = array<i32>} : memref<1x128xi32, #tpu.memory_space<vmem>>, vector<16xi32>,
          %add3A_375 = arith.constant 112 : i32
          %add3A_376 = arith.addi %mul3A_290, %add3A_375 : i32
          %get3A_377 = arith.index_cast %add3A_376 : i32 to index
          %get3A_378 = tpu.vector_load %arg6[%get3A_377] {strides = array<i32>} : memref<5120xi32, #tpu.memory_space<vmem>>, vector<16xi32>,
          %swap3A_379 = arith.constant 112 : index
          %swap3A_380 = tpu.vector_load %arg10[%swap3A_379] {strides = array<i32>} : memref<128xi32, #tpu.memory_space<vmem>>, vector<16xi32>,
          tpu.vector_store %arg10[%swap3A_379], %get3A_378 {strides = array<i32>} : memref<128xi32, #tpu.memory_space<vmem>>, vector<16xi32>,
          %get3A_381 = arith.index_cast %add3A_376 : i32 to index
          %get3A_382 = tpu.vector_load %arg7[%get3A_381] {strides = array<i32>} : memref<5120xi32, #tpu.memory_space<vmem>>, vector<16xi32>,
          %swap3A_383 = arith.constant 0 : i32
          %swap3A_384 = arith.index_cast %swap3A_383 : i32 to index
          %swap3A_385 = arith.constant 112 : index
          %swap3A_386 = tpu.vector_load %arg12[%swap3A_384, %swap3A_385] {strides = array<i32>} : memref<1x128xi32, #tpu.memory_space<vmem>>, vector<16xi32>,
          tpu.vector_store %arg12[%swap3A_384, %swap3A_385], %get3A_382 {strides = array<i32>} : memref<1x128xi32, #tpu.memory_space<vmem>>, vector<16xi32>,
          %dma_start3A_387 = arith.constant 0 : i32
          %dma_start3A_388 = arith.constant 0 : i32
          %dma_start3A_389 = tpu.memref_slice %arg4[%dma_start3A_387, %dma_start3A_388] : memref<10240x128xf32, #tpu.memory_space<hbm>> -> memref<10240x128xf32, #tpu.memory_space<hbm>>
          tpu.enqueue_indirect_dma source(%dma_start3A_389 : memref<10240x128xf32, #tpu.memory_space<hbm>>) target(%arg8 : memref<128x128xf32, #tpu.memory_space<vmem>>) offsets(%arg10 : memref<128xi32, #tpu.memory_space<vmem>>) semaphore(%arg15 : memref<!tpu.dma_semaphore, #tpu.memory_space<semaphore_mem>>)
        } else {
        }
        %dma_wait3A_276 = arith.constant 0 : i32
        %dma_wait3A_277 = arith.constant 0 : i32
        %dma_wait3A_278 = tpu.memref_slice %arg4[%dma_wait3A_276, %dma_wait3A_277] : memref<10240x128xf32, #tpu.memory_space<hbm>> -> memref<10240x128xf32, #tpu.memory_space<hbm>>
        tpu.wait_indirect_dma semaphore(%arg16 : memref<!tpu.dma_semaphore, #tpu.memory_space<semaphore_mem>>) src(%dma_wait3A_278 : memref<10240x128xf32, #tpu.memory_space<hbm>>) dst(%arg9 : memref<128x128xf32, #tpu.memory_space<vmem>>)
        %dma_start3A_279 = arith.constant 0 : i32
        %dma_start3A_280 = arith.constant 0 : i32
        %dma_start3A_281 = tpu.memref_slice %arg13[%dma_start3A_279, %dma_start3A_280] : memref<1x128xi32, #tpu.memory_space<vmem>> -> memref<1x128xi32, #tpu.memory_space<vmem>>
        %dma_start3A_282 = tpu.memref_squeeze %dma_start3A_281 : memref<1x128xi32, #tpu.memory_space<vmem>> -> memref<128xi32, #tpu.memory_space<vmem>>
        %dma_start3A_283 = arith.constant 0 : i32
        %dma_start3A_284 = arith.constant 0 : i32
        %dma_start3A_285 = tpu.memref_slice %arg14[%dma_start3A_283, %dma_start3A_284] : memref<10240x128xf32, #tpu.memory_space<vmem_shared>> -> memref<10240x128xf32, #tpu.memory_space<vmem_shared>>
        tpu.enqueue_indirect_dma source(%arg9 : memref<128x128xf32, #tpu.memory_space<vmem>>) target(%dma_start3A_285 : memref<10240x128xf32, #tpu.memory_space<vmem_shared>>) offsets(%dma_start3A_282 : memref<128xi32, #tpu.memory_space<vmem>>) semaphore(%arg18 : memref<!tpu.dma_semaphore, #tpu.memory_space<semaphore_mem>>) {add = true}
        %scan3A_286 = arith.constant 0 : i32
        scf.yield %scan3A_286 : i32
      }
      %scan3A_136 = arith.constant 20 : i32
      %dma_wait3A = arith.constant 0 : i32
      %dma_wait3A_137 = arith.constant 0 : i32
      %dma_wait3A_138 = tpu.memref_slice %arg13[%dma_wait3A, %dma_wait3A_137] : memref<1x128xi32, #tpu.memory_space<vmem>> -> memref<1x128xi32, #tpu.memory_space<vmem>>
      %dma_wait3A_139 = tpu.memref_squeeze %dma_wait3A_138 : memref<1x128xi32, #tpu.memory_space<vmem>> -> memref<128xi32, #tpu.memory_space<vmem>>
      %dma_wait3A_140 = arith.constant 0 : i32
      %dma_wait3A_141 = arith.constant 0 : i32
      %dma_wait3A_142 = tpu.memref_slice %arg14[%dma_wait3A_140, %dma_wait3A_141] : memref<10240x128xf32, #tpu.memory_space<vmem_shared>> -> memref<10240x128xf32, #tpu.memory_space<vmem_shared>>
      tpu.wait_indirect_dma semaphore(%arg18 : memref<!tpu.dma_semaphore, #tpu.memory_space<semaphore_mem>>) src(%arg9 : memref<128x128xf32, #tpu.memory_space<vmem>>) dst(%dma_wait3A_142 : memref<10240x128xf32, #tpu.memory_space<vmem_shared>>)
      %scan3A_143 = arith.constant 0 : i32
      scf.yield %scan3A_143 : i32
    }
    %scan3A_36 = arith.constant 2 : i32
    %barrier3A_37 = arith.constant 0 : index
    tpu.barrier barrier_id(%barrier3A_37)
    %mul3A_38 = arith.constant 640 : i32
    %mul3A_39 = arith.muli %arg1, %mul3A_38 : i32
    %mul3A_40 = arith.constant 640 : i32
    %mul3A_41 = arith.muli %arg1, %mul3A_40 : i32
    "tpu.region"() ({
      %run_scoped3A = tpu.sem_alloc : memref<!tpu.dma_semaphore, #tpu.memory_space<semaphore_mem>>
      %dma_start3A = arith.constant 0 : i32
      %dma_start3A_42 = tpu.memref_slice %arg5[%arg0, %mul3A_41, %dma_start3A] : memref<2x10240x128xf32, #tpu.memory_space<hbm>> -> memref<1x640x128xf32, #tpu.memory_space<hbm>>
      %dma_start3A_43 = tpu.memref_squeeze %dma_start3A_42 : memref<1x640x128xf32, #tpu.memory_space<hbm>> -> memref<640x128xf32, #tpu.memory_space<hbm>>
      %dma_start3A_44 = arith.constant 0 : i32
      %dma_start3A_45 = tpu.memref_slice %arg14[%mul3A_39, %dma_start3A_44] : memref<10240x128xf32, #tpu.memory_space<vmem_shared>> -> memref<640x128xf32, #tpu.memory_space<vmem_shared>>
      tpu.enqueue_dma source(%dma_start3A_45 : memref<640x128xf32, #tpu.memory_space<vmem_shared>>) target(%dma_start3A_43 : memref<640x128xf32, #tpu.memory_space<hbm>>) target_semaphore(%run_scoped3A : memref<!tpu.dma_semaphore, #tpu.memory_space<semaphore_mem>>)
      %dma_wait3A = arith.constant 0 : i32
      %dma_wait3A_46 = tpu.memref_slice %arg5[%arg0, %mul3A_41, %dma_wait3A] : memref<2x10240x128xf32, #tpu.memory_space<hbm>> -> memref<1x640x128xf32, #tpu.memory_space<hbm>>
      %dma_wait3A_47 = tpu.memref_squeeze %dma_wait3A_46 : memref<1x640x128xf32, #tpu.memory_space<hbm>> -> memref<640x128xf32, #tpu.memory_space<hbm>>
      %dma_wait3A_48 = arith.constant 0 : i32
      %dma_wait3A_49 = tpu.memref_slice %arg14[%mul3A_39, %dma_wait3A_48] : memref<10240x128xf32, #tpu.memory_space<vmem_shared>> -> memref<640x128xf32, #tpu.memory_space<vmem_shared>>
      tpu.wait_dma2 semaphore(%run_scoped3A : memref<!tpu.dma_semaphore, #tpu.memory_space<semaphore_mem>>) src(%dma_wait3A_49 : memref<640x128xf32, #tpu.memory_space<vmem_shared>>) dst(%dma_wait3A_47 : memref<640x128xf32, #tpu.memory_space<hbm>>)
      tpu.yield
    }) : () -> ()
    return
  }
}

#map = affine_map<(d0, d1) -> (0)>
#map1 = affine_map<(d0, d1) -> (0, 0)>
module attributes {stable_mosaic.version = 14 : i64} {
  func.func @_deg_body(%arg0: i32, %arg1: i32, %arg2: memref<327680xi32, #tpu.memory_space<hbm>>, %arg3: memref<327680xi32, #tpu.memory_space<hbm>>, %arg4: memref<2x20480xf32, #tpu.memory_space<hbm>>, %arg5: memref<10240xi32, #tpu.memory_space<vmem>>, %arg6: memref<10240xi32, #tpu.memory_space<vmem>>, %arg7: memref<10240xf32, #tpu.memory_space<vmem>>, %arg8: memref<10240xf32, #tpu.memory_space<vmem>>, %arg9: memref<16x1280xf32, #tpu.memory_space<vmem>>, %arg10: memref<16x20480xf32, #tpu.memory_space<vmem_shared>>) attributes {dimension_semantics = [#tpu.dimension_semantics<core_parallel>, #tpu.dimension_semantics<subcore_parallel>], iteration_bounds = array<i64: 2, 16>, scalar_prefetch = 0 : i64, scratch_operands = 6 : i64, tpu.core_type = #tpu.core_type<sc_vector_subcore>, window_params = [{transform_indices = #map}, {transform_indices = #map}, {transform_indices = #map1}]} {
    %mul3A = arith.constant 2 : i32
    %mul3A_0 = arith.muli %arg1, %mul3A : i32
    %add3A = arith.addi %mul3A_0, %arg0 : i32
    %mul3A_1 = arith.constant 10240 : i32
    %mul3A_2 = arith.muli %add3A, %mul3A_1 : i32
    "tpu.region"() ({
      %run_scoped3A_30 = tpu.sem_alloc : memref<!tpu.dma_semaphore, #tpu.memory_space<semaphore_mem>>
      %dma_start3A = tpu.memref_slice %arg2[%mul3A_2] : memref<327680xi32, #tpu.memory_space<hbm>> -> memref<10240xi32, #tpu.memory_space<hbm>>
      %dma_start3A_31 = tpu.memref_slice %arg2[%mul3A_2] : memref<327680xi32, #tpu.memory_space<hbm>> -> memref<10240xi32, #tpu.memory_space<hbm>>
      tpu.enqueue_dma source(%dma_start3A_31 : memref<10240xi32, #tpu.memory_space<hbm>>) target(%arg5 : memref<10240xi32, #tpu.memory_space<vmem>>) target_semaphore(%run_scoped3A_30 : memref<!tpu.dma_semaphore, #tpu.memory_space<semaphore_mem>>)
      %dma_wait3A = tpu.memref_slice %arg2[%mul3A_2] : memref<327680xi32, #tpu.memory_space<hbm>> -> memref<10240xi32, #tpu.memory_space<hbm>>
      %dma_wait3A_32 = tpu.memref_slice %arg2[%mul3A_2] : memref<327680xi32, #tpu.memory_space<hbm>> -> memref<10240xi32, #tpu.memory_space<hbm>>
      tpu.wait_dma2 semaphore(%run_scoped3A_30 : memref<!tpu.dma_semaphore, #tpu.memory_space<semaphore_mem>>) src(%dma_wait3A_32 : memref<10240xi32, #tpu.memory_space<hbm>>) dst(%arg5 : memref<10240xi32, #tpu.memory_space<vmem>>)
      tpu.yield
    }) : () -> ()
    "tpu.region"() ({
      %run_scoped3A_30 = tpu.sem_alloc : memref<!tpu.dma_semaphore, #tpu.memory_space<semaphore_mem>>
      %dma_start3A = tpu.memref_slice %arg3[%mul3A_2] : memref<327680xi32, #tpu.memory_space<hbm>> -> memref<10240xi32, #tpu.memory_space<hbm>>
      %dma_start3A_31 = tpu.memref_slice %arg3[%mul3A_2] : memref<327680xi32, #tpu.memory_space<hbm>> -> memref<10240xi32, #tpu.memory_space<hbm>>
      tpu.enqueue_dma source(%dma_start3A_31 : memref<10240xi32, #tpu.memory_space<hbm>>) target(%arg6 : memref<10240xi32, #tpu.memory_space<vmem>>) target_semaphore(%run_scoped3A_30 : memref<!tpu.dma_semaphore, #tpu.memory_space<semaphore_mem>>)
      %dma_wait3A = tpu.memref_slice %arg3[%mul3A_2] : memref<327680xi32, #tpu.memory_space<hbm>> -> memref<10240xi32, #tpu.memory_space<hbm>>
      %dma_wait3A_32 = tpu.memref_slice %arg3[%mul3A_2] : memref<327680xi32, #tpu.memory_space<hbm>> -> memref<10240xi32, #tpu.memory_space<hbm>>
      tpu.wait_dma2 semaphore(%run_scoped3A_30 : memref<!tpu.dma_semaphore, #tpu.memory_space<semaphore_mem>>) src(%dma_wait3A_32 : memref<10240xi32, #tpu.memory_space<hbm>>) dst(%arg6 : memref<10240xi32, #tpu.memory_space<vmem>>)
      tpu.yield
    }) : () -> ()
    %broadcast_in_dim3A = arith.constant 0.000000e+00 : f32
    %broadcast_in_dim3A_3 = vector.broadcast %broadcast_in_dim3A : f32 to vector<16xf32>
    %scan3A = arith.constant 0 : i32
    %scan3A_4 = arith.constant 0 : i32
    %scan3A_5 = arith.constant 640 : i32
    %scan3A_6 = arith.addi %scan3A_4, %scan3A_5 : i32
    %scan3A_7 = arith.constant 1 : i32
    %scan3A_8 = scf.for %scan3A_30 = %scan3A_4 to %scan3A_6 step %scan3A_7 iter_args(%scan3A_31 = %scan3A) -> (i32)  : i32 {
      %mul3A_32 = arith.constant 16 : i32
      %mul3A_33 = arith.muli %scan3A_30, %mul3A_32 : i32
      %swap3A = arith.index_cast %mul3A_33 : i32 to index
      %swap3A_34 = tpu.vector_load %arg7[%swap3A] {strides = array<i32>} : memref<10240xf32, #tpu.memory_space<vmem>>, vector<16xf32>,
      tpu.vector_store %arg7[%swap3A], %broadcast_in_dim3A_3 {strides = array<i32>} : memref<10240xf32, #tpu.memory_space<vmem>>, vector<16xf32>,
      %mul3A_35 = arith.constant 16 : i32
      %mul3A_36 = arith.muli %scan3A_30, %mul3A_35 : i32
      %swap3A_37 = arith.index_cast %mul3A_36 : i32 to index
      %swap3A_38 = tpu.vector_load %arg8[%swap3A_37] {strides = array<i32>} : memref<10240xf32, #tpu.memory_space<vmem>>, vector<16xf32>,
      tpu.vector_store %arg8[%swap3A_37], %broadcast_in_dim3A_3 {strides = array<i32>} : memref<10240xf32, #tpu.memory_space<vmem>>, vector<16xf32>,
      %scan3A_39 = arith.constant 0 : i32
      scf.yield %scan3A_39 : i32
    }
    %scan3A_9 = arith.constant 640 : i32
    %broadcast_in_dim3A_10 = arith.constant 1.000000e+00 : f32
    %broadcast_in_dim3A_11 = vector.broadcast %broadcast_in_dim3A_10 : f32 to vector<16xf32>
    %scan3A_12 = arith.constant 0 : i32
    %scan3A_13 = arith.constant 0 : i32
    %scan3A_14 = arith.constant 640 : i32
    %scan3A_15 = arith.addi %scan3A_13, %scan3A_14 : i32
    %scan3A_16 = arith.constant 1 : i32
    %scan3A_17 = scf.for %scan3A_30 = %scan3A_13 to %scan3A_15 step %scan3A_16 iter_args(%scan3A_31 = %scan3A_12) -> (i32)  : i32 {
      %mul3A_32 = arith.constant 16 : i32
      %mul3A_33 = arith.muli %scan3A_30, %mul3A_32 : i32
      %get3A = arith.index_cast %mul3A_33 : i32 to index
      %get3A_34 = tpu.vector_load %arg5[%get3A] {strides = array<i32>} : memref<10240xi32, #tpu.memory_space<vmem>>, vector<16xi32>,
      %mul3A_35 = arith.constant 16 : i32
      %mul3A_36 = arith.muli %scan3A_30, %mul3A_35 : i32
      %get3A_37 = arith.index_cast %mul3A_36 : i32 to index
      %get3A_38 = tpu.vector_load %arg6[%get3A_37] {strides = array<i32>} : memref<10240xi32, #tpu.memory_space<vmem>>, vector<16xi32>,
      tpu.vector_store_idx %arg8[%get3A_34], %broadcast_in_dim3A_11 {add = true} : memref<10240xf32, #tpu.memory_space<vmem>>[vector<16xi32>], vector<16xf32>,
      tpu.vector_store_idx %arg7[%get3A_38], %broadcast_in_dim3A_11 {add = true} : memref<10240xf32, #tpu.memory_space<vmem>>[vector<16xi32>], vector<16xf32>,
      %scan3A_39 = arith.constant 0 : i32
      scf.yield %scan3A_39 : i32
    }
    %scan3A_18 = arith.constant 640 : i32
    "tpu.region"() ({
      %run_scoped3A_30 = tpu.sem_alloc : memref<!tpu.dma_semaphore, #tpu.memory_space<semaphore_mem>>
      %dma_start3A = arith.constant 0 : i32
      %dma_start3A_31 = tpu.memref_slice %arg10[%arg1, %dma_start3A] : memref<16x20480xf32, #tpu.memory_space<vmem_shared>> -> memref<1x10240xf32, #tpu.memory_space<vmem_shared>>
      %dma_start3A_32 = tpu.memref_squeeze %dma_start3A_31 : memref<1x10240xf32, #tpu.memory_space<vmem_shared>> -> memref<10240xf32, #tpu.memory_space<vmem_shared>>
      %dma_start3A_33 = arith.constant 0 : i32
      %dma_start3A_34 = tpu.memref_slice %arg10[%arg1, %dma_start3A_33] : memref<16x20480xf32, #tpu.memory_space<vmem_shared>> -> memref<1x10240xf32, #tpu.memory_space<vmem_shared>>
      %dma_start3A_35 = tpu.memref_squeeze %dma_start3A_34 : memref<1x10240xf32, #tpu.memory_space<vmem_shared>> -> memref<10240xf32, #tpu.memory_space<vmem_shared>>
      tpu.enqueue_dma source(%arg7 : memref<10240xf32, #tpu.memory_space<vmem>>) target(%dma_start3A_35 : memref<10240xf32, #tpu.memory_space<vmem_shared>>) target_semaphore(%run_scoped3A_30 : memref<!tpu.dma_semaphore, #tpu.memory_space<semaphore_mem>>)
      %dma_wait3A = arith.constant 0 : i32
      %dma_wait3A_36 = tpu.memref_slice %arg10[%arg1, %dma_wait3A] : memref<16x20480xf32, #tpu.memory_space<vmem_shared>> -> memref<1x10240xf32, #tpu.memory_space<vmem_shared>>
      %dma_wait3A_37 = tpu.memref_squeeze %dma_wait3A_36 : memref<1x10240xf32, #tpu.memory_space<vmem_shared>> -> memref<10240xf32, #tpu.memory_space<vmem_shared>>
      %dma_wait3A_38 = arith.constant 0 : i32
      %dma_wait3A_39 = tpu.memref_slice %arg10[%arg1, %dma_wait3A_38] : memref<16x20480xf32, #tpu.memory_space<vmem_shared>> -> memref<1x10240xf32, #tpu.memory_space<vmem_shared>>
      %dma_wait3A_40 = tpu.memref_squeeze %dma_wait3A_39 : memref<1x10240xf32, #tpu.memory_space<vmem_shared>> -> memref<10240xf32, #tpu.memory_space<vmem_shared>>
      tpu.wait_dma2 semaphore(%run_scoped3A_30 : memref<!tpu.dma_semaphore, #tpu.memory_space<semaphore_mem>>) src(%arg7 : memref<10240xf32, #tpu.memory_space<vmem>>) dst(%dma_wait3A_40 : memref<10240xf32, #tpu.memory_space<vmem_shared>>)
      tpu.yield
    }) : () -> ()
    "tpu.region"() ({
      %run_scoped3A_30 = tpu.sem_alloc : memref<!tpu.dma_semaphore, #tpu.memory_space<semaphore_mem>>
      %dma_start3A = arith.constant 10240 : i32
      %dma_start3A_31 = tpu.memref_slice %arg10[%arg1, %dma_start3A] : memref<16x20480xf32, #tpu.memory_space<vmem_shared>> -> memref<1x10240xf32, #tpu.memory_space<vmem_shared>>
      %dma_start3A_32 = tpu.memref_squeeze %dma_start3A_31 : memref<1x10240xf32, #tpu.memory_space<vmem_shared>> -> memref<10240xf32, #tpu.memory_space<vmem_shared>>
      %dma_start3A_33 = arith.constant 10240 : i32
      %dma_start3A_34 = tpu.memref_slice %arg10[%arg1, %dma_start3A_33] : memref<16x20480xf32, #tpu.memory_space<vmem_shared>> -> memref<1x10240xf32, #tpu.memory_space<vmem_shared>>
      %dma_start3A_35 = tpu.memref_squeeze %dma_start3A_34 : memref<1x10240xf32, #tpu.memory_space<vmem_shared>> -> memref<10240xf32, #tpu.memory_space<vmem_shared>>
      tpu.enqueue_dma source(%arg8 : memref<10240xf32, #tpu.memory_space<vmem>>) target(%dma_start3A_35 : memref<10240xf32, #tpu.memory_space<vmem_shared>>) target_semaphore(%run_scoped3A_30 : memref<!tpu.dma_semaphore, #tpu.memory_space<semaphore_mem>>)
      %dma_wait3A = arith.constant 10240 : i32
      %dma_wait3A_36 = tpu.memref_slice %arg10[%arg1, %dma_wait3A] : memref<16x20480xf32, #tpu.memory_space<vmem_shared>> -> memref<1x10240xf32, #tpu.memory_space<vmem_shared>>
      %dma_wait3A_37 = tpu.memref_squeeze %dma_wait3A_36 : memref<1x10240xf32, #tpu.memory_space<vmem_shared>> -> memref<10240xf32, #tpu.memory_space<vmem_shared>>
      %dma_wait3A_38 = arith.constant 10240 : i32
      %dma_wait3A_39 = tpu.memref_slice %arg10[%arg1, %dma_wait3A_38] : memref<16x20480xf32, #tpu.memory_space<vmem_shared>> -> memref<1x10240xf32, #tpu.memory_space<vmem_shared>>
      %dma_wait3A_40 = tpu.memref_squeeze %dma_wait3A_39 : memref<1x10240xf32, #tpu.memory_space<vmem_shared>> -> memref<10240xf32, #tpu.memory_space<vmem_shared>>
      tpu.wait_dma2 semaphore(%run_scoped3A_30 : memref<!tpu.dma_semaphore, #tpu.memory_space<semaphore_mem>>) src(%arg8 : memref<10240xf32, #tpu.memory_space<vmem>>) dst(%dma_wait3A_40 : memref<10240xf32, #tpu.memory_space<vmem_shared>>)
      tpu.yield
    }) : () -> ()
    %barrier3A = arith.constant 0 : index
    tpu.barrier barrier_id(%barrier3A)
    %mul3A_19 = arith.constant 1280 : i32
    %mul3A_20 = arith.muli %arg1, %mul3A_19 : i32
    "tpu.region"() ({
      %run_scoped3A_30 = tpu.sem_alloc : memref<!tpu.dma_semaphore, #tpu.memory_space<semaphore_mem>>
      %dma_start3A = arith.constant 0 : i32
      %dma_start3A_31 = tpu.memref_slice %arg10[%dma_start3A, %mul3A_20] : memref<16x20480xf32, #tpu.memory_space<vmem_shared>> -> memref<16x1280xf32, #tpu.memory_space<vmem_shared>>
      %dma_start3A_32 = arith.constant 0 : i32
      %dma_start3A_33 = tpu.memref_slice %arg10[%dma_start3A_32, %mul3A_20] : memref<16x20480xf32, #tpu.memory_space<vmem_shared>> -> memref<16x1280xf32, #tpu.memory_space<vmem_shared>>
      tpu.enqueue_dma source(%dma_start3A_33 : memref<16x1280xf32, #tpu.memory_space<vmem_shared>>) target(%arg9 : memref<16x1280xf32, #tpu.memory_space<vmem>>) target_semaphore(%run_scoped3A_30 : memref<!tpu.dma_semaphore, #tpu.memory_space<semaphore_mem>>)
      %dma_wait3A = arith.constant 0 : i32
      %dma_wait3A_34 = tpu.memref_slice %arg10[%dma_wait3A, %mul3A_20] : memref<16x20480xf32, #tpu.memory_space<vmem_shared>> -> memref<16x1280xf32, #tpu.memory_space<vmem_shared>>
      %dma_wait3A_35 = arith.constant 0 : i32
      %dma_wait3A_36 = tpu.memref_slice %arg10[%dma_wait3A_35, %mul3A_20] : memref<16x20480xf32, #tpu.memory_space<vmem_shared>> -> memref<16x1280xf32, #tpu.memory_space<vmem_shared>>
      tpu.wait_dma2 semaphore(%run_scoped3A_30 : memref<!tpu.dma_semaphore, #tpu.memory_space<semaphore_mem>>) src(%dma_wait3A_36 : memref<16x1280xf32, #tpu.memory_space<vmem_shared>>) dst(%arg9 : memref<16x1280xf32, #tpu.memory_space<vmem>>)
      tpu.yield
    }) : () -> ()
    %scan3A_21 = arith.constant 0 : i32
    %scan3A_22 = arith.constant 0 : i32
    %scan3A_23 = arith.constant 80 : i32
    %scan3A_24 = arith.addi %scan3A_22, %scan3A_23 : i32
    %scan3A_25 = arith.constant 1 : i32
    %scan3A_26 = scf.for %scan3A_30 = %scan3A_22 to %scan3A_24 step %scan3A_25 iter_args(%scan3A_31 = %scan3A_21) -> (i32)  : i32 {
      %mul3A_32 = arith.constant 16 : i32
      %mul3A_33 = arith.muli %scan3A_30, %mul3A_32 : i32
      %get3A = arith.constant 0 : i32
      %get3A_34 = arith.index_cast %get3A : i32 to index
      %get3A_35 = arith.index_cast %mul3A_33 : i32 to index
      %get3A_36 = tpu.vector_load %arg9[%get3A_34, %get3A_35] {strides = array<i32>} : memref<16x1280xf32, #tpu.memory_space<vmem>>, vector<16xf32>,
      %mul3A_37 = arith.constant 16 : i32
      %mul3A_38 = arith.muli %scan3A_30, %mul3A_37 : i32
      %get3A_39 = arith.constant 1 : i32
      %get3A_40 = arith.index_cast %get3A_39 : i32 to index
      %get3A_41 = arith.index_cast %mul3A_38 : i32 to index
      %get3A_42 = tpu.vector_load %arg9[%get3A_40, %get3A_41] {strides = array<i32>} : memref<16x1280xf32, #tpu.memory_space<vmem>>, vector<16xf32>,
      %add3A_43 = arith.addf %get3A_36, %get3A_42 : vector<16xf32>
      %mul3A_44 = arith.constant 16 : i32
      %mul3A_45 = arith.muli %scan3A_30, %mul3A_44 : i32
      %get3A_46 = arith.constant 2 : i32
      %get3A_47 = arith.index_cast %get3A_46 : i32 to index
      %get3A_48 = arith.index_cast %mul3A_45 : i32 to index
      %get3A_49 = tpu.vector_load %arg9[%get3A_47, %get3A_48] {strides = array<i32>} : memref<16x1280xf32, #tpu.memory_space<vmem>>, vector<16xf32>,
      %add3A_50 = arith.addf %add3A_43, %get3A_49 : vector<16xf32>
      %mul3A_51 = arith.constant 16 : i32
      %mul3A_52 = arith.muli %scan3A_30, %mul3A_51 : i32
      %get3A_53 = arith.constant 3 : i32
      %get3A_54 = arith.index_cast %get3A_53 : i32 to index
      %get3A_55 = arith.index_cast %mul3A_52 : i32 to index
      %get3A_56 = tpu.vector_load %arg9[%get3A_54, %get3A_55] {strides = array<i32>} : memref<16x1280xf32, #tpu.memory_space<vmem>>, vector<16xf32>,
      %add3A_57 = arith.addf %add3A_50, %get3A_56 : vector<16xf32>
      %mul3A_58 = arith.constant 16 : i32
      %mul3A_59 = arith.muli %scan3A_30, %mul3A_58 : i32
      %get3A_60 = arith.constant 4 : i32
      %get3A_61 = arith.index_cast %get3A_60 : i32 to index
      %get3A_62 = arith.index_cast %mul3A_59 : i32 to index
      %get3A_63 = tpu.vector_load %arg9[%get3A_61, %get3A_62] {strides = array<i32>} : memref<16x1280xf32, #tpu.memory_space<vmem>>, vector<16xf32>,
      %add3A_64 = arith.addf %add3A_57, %get3A_63 : vector<16xf32>
      %mul3A_65 = arith.constant 16 : i32
      %mul3A_66 = arith.muli %scan3A_30, %mul3A_65 : i32
      %get3A_67 = arith.constant 5 : i32
      %get3A_68 = arith.index_cast %get3A_67 : i32 to index
      %get3A_69 = arith.index_cast %mul3A_66 : i32 to index
      %get3A_70 = tpu.vector_load %arg9[%get3A_68, %get3A_69] {strides = array<i32>} : memref<16x1280xf32, #tpu.memory_space<vmem>>, vector<16xf32>,
      %add3A_71 = arith.addf %add3A_64, %get3A_70 : vector<16xf32>
      %mul3A_72 = arith.constant 16 : i32
      %mul3A_73 = arith.muli %scan3A_30, %mul3A_72 : i32
      %get3A_74 = arith.constant 6 : i32
      %get3A_75 = arith.index_cast %get3A_74 : i32 to index
      %get3A_76 = arith.index_cast %mul3A_73 : i32 to index
      %get3A_77 = tpu.vector_load %arg9[%get3A_75, %get3A_76] {strides = array<i32>} : memref<16x1280xf32, #tpu.memory_space<vmem>>, vector<16xf32>,
      %add3A_78 = arith.addf %add3A_71, %get3A_77 : vector<16xf32>
      %mul3A_79 = arith.constant 16 : i32
      %mul3A_80 = arith.muli %scan3A_30, %mul3A_79 : i32
      %get3A_81 = arith.constant 7 : i32
      %get3A_82 = arith.index_cast %get3A_81 : i32 to index
      %get3A_83 = arith.index_cast %mul3A_80 : i32 to index
      %get3A_84 = tpu.vector_load %arg9[%get3A_82, %get3A_83] {strides = array<i32>} : memref<16x1280xf32, #tpu.memory_space<vmem>>, vector<16xf32>,
      %add3A_85 = arith.addf %add3A_78, %get3A_84 : vector<16xf32>
      %mul3A_86 = arith.constant 16 : i32
      %mul3A_87 = arith.muli %scan3A_30, %mul3A_86 : i32
      %get3A_88 = arith.constant 8 : i32
      %get3A_89 = arith.index_cast %get3A_88 : i32 to index
      %get3A_90 = arith.index_cast %mul3A_87 : i32 to index
      %get3A_91 = tpu.vector_load %arg9[%get3A_89, %get3A_90] {strides = array<i32>} : memref<16x1280xf32, #tpu.memory_space<vmem>>, vector<16xf32>,
      %add3A_92 = arith.addf %add3A_85, %get3A_91 : vector<16xf32>
      %mul3A_93 = arith.constant 16 : i32
      %mul3A_94 = arith.muli %scan3A_30, %mul3A_93 : i32
      %get3A_95 = arith.constant 9 : i32
      %get3A_96 = arith.index_cast %get3A_95 : i32 to index
      %get3A_97 = arith.index_cast %mul3A_94 : i32 to index
      %get3A_98 = tpu.vector_load %arg9[%get3A_96, %get3A_97] {strides = array<i32>} : memref<16x1280xf32, #tpu.memory_space<vmem>>, vector<16xf32>,
      %add3A_99 = arith.addf %add3A_92, %get3A_98 : vector<16xf32>
      %mul3A_100 = arith.constant 16 : i32
      %mul3A_101 = arith.muli %scan3A_30, %mul3A_100 : i32
      %get3A_102 = arith.constant 10 : i32
      %get3A_103 = arith.index_cast %get3A_102 : i32 to index
      %get3A_104 = arith.index_cast %mul3A_101 : i32 to index
      %get3A_105 = tpu.vector_load %arg9[%get3A_103, %get3A_104] {strides = array<i32>} : memref<16x1280xf32, #tpu.memory_space<vmem>>, vector<16xf32>,
      %add3A_106 = arith.addf %add3A_99, %get3A_105 : vector<16xf32>
      %mul3A_107 = arith.constant 16 : i32
      %mul3A_108 = arith.muli %scan3A_30, %mul3A_107 : i32
      %get3A_109 = arith.constant 11 : i32
      %get3A_110 = arith.index_cast %get3A_109 : i32 to index
      %get3A_111 = arith.index_cast %mul3A_108 : i32 to index
      %get3A_112 = tpu.vector_load %arg9[%get3A_110, %get3A_111] {strides = array<i32>} : memref<16x1280xf32, #tpu.memory_space<vmem>>, vector<16xf32>,
      %add3A_113 = arith.addf %add3A_106, %get3A_112 : vector<16xf32>
      %mul3A_114 = arith.constant 16 : i32
      %mul3A_115 = arith.muli %scan3A_30, %mul3A_114 : i32
      %get3A_116 = arith.constant 12 : i32
      %get3A_117 = arith.index_cast %get3A_116 : i32 to index
      %get3A_118 = arith.index_cast %mul3A_115 : i32 to index
      %get3A_119 = tpu.vector_load %arg9[%get3A_117, %get3A_118] {strides = array<i32>} : memref<16x1280xf32, #tpu.memory_space<vmem>>, vector<16xf32>,
      %add3A_120 = arith.addf %add3A_113, %get3A_119 : vector<16xf32>
      %mul3A_121 = arith.constant 16 : i32
      %mul3A_122 = arith.muli %scan3A_30, %mul3A_121 : i32
      %get3A_123 = arith.constant 13 : i32
      %get3A_124 = arith.index_cast %get3A_123 : i32 to index
      %get3A_125 = arith.index_cast %mul3A_122 : i32 to index
      %get3A_126 = tpu.vector_load %arg9[%get3A_124, %get3A_125] {strides = array<i32>} : memref<16x1280xf32, #tpu.memory_space<vmem>>, vector<16xf32>,
      %add3A_127 = arith.addf %add3A_120, %get3A_126 : vector<16xf32>
      %mul3A_128 = arith.constant 16 : i32
      %mul3A_129 = arith.muli %scan3A_30, %mul3A_128 : i32
      %get3A_130 = arith.constant 14 : i32
      %get3A_131 = arith.index_cast %get3A_130 : i32 to index
      %get3A_132 = arith.index_cast %mul3A_129 : i32 to index
      %get3A_133 = tpu.vector_load %arg9[%get3A_131, %get3A_132] {strides = array<i32>} : memref<16x1280xf32, #tpu.memory_space<vmem>>, vector<16xf32>,
      %add3A_134 = arith.addf %add3A_127, %get3A_133 : vector<16xf32>
      %mul3A_135 = arith.constant 16 : i32
      %mul3A_136 = arith.muli %scan3A_30, %mul3A_135 : i32
      %get3A_137 = arith.constant 15 : i32
      %get3A_138 = arith.index_cast %get3A_137 : i32 to index
      %get3A_139 = arith.index_cast %mul3A_136 : i32 to index
      %get3A_140 = tpu.vector_load %arg9[%get3A_138, %get3A_139] {strides = array<i32>} : memref<16x1280xf32, #tpu.memory_space<vmem>>, vector<16xf32>,
      %add3A_141 = arith.addf %add3A_134, %get3A_140 : vector<16xf32>
      %mul3A_142 = arith.constant 16 : i32
      %mul3A_143 = arith.muli %scan3A_30, %mul3A_142 : i32
      %swap3A = arith.constant 0 : i32
      %swap3A_144 = arith.index_cast %swap3A : i32 to index
      %swap3A_145 = arith.index_cast %mul3A_143 : i32 to index
      %swap3A_146 = tpu.vector_load %arg9[%swap3A_144, %swap3A_145] {strides = array<i32>} : memref<16x1280xf32, #tpu.memory_space<vmem>>, vector<16xf32>,
      tpu.vector_store %arg9[%swap3A_144, %swap3A_145], %add3A_141 {strides = array<i32>} : memref<16x1280xf32, #tpu.memory_space<vmem>>, vector<16xf32>,
      %scan3A_147 = arith.constant 0 : i32
      scf.yield %scan3A_147 : i32
    }
    %scan3A_27 = arith.constant 80 : i32
    %mul3A_28 = arith.constant 1280 : i32
    %mul3A_29 = arith.muli %arg1, %mul3A_28 : i32
    %run_scoped3A = arith.constant 0 : i32
    "tpu.region"() ({
      %run_scoped3A_30 = tpu.sem_alloc : memref<!tpu.dma_semaphore, #tpu.memory_space<semaphore_mem>>
      %dma_start3A = arith.constant 0 : i32
      %dma_start3A_31 = tpu.memref_slice %arg9[%run_scoped3A, %dma_start3A] : memref<16x1280xf32, #tpu.memory_space<vmem>> -> memref<1x1280xf32, #tpu.memory_space<vmem>>
      %dma_start3A_32 = tpu.memref_squeeze %dma_start3A_31 : memref<1x1280xf32, #tpu.memory_space<vmem>> -> memref<1280xf32, #tpu.memory_space<vmem>>
      %dma_start3A_33 = tpu.memref_slice %arg4[%arg0, %mul3A_29] : memref<2x20480xf32, #tpu.memory_space<hbm>> -> memref<1x1280xf32, #tpu.memory_space<hbm>>
      %dma_start3A_34 = tpu.memref_squeeze %dma_start3A_33 : memref<1x1280xf32, #tpu.memory_space<hbm>> -> memref<1280xf32, #tpu.memory_space<hbm>>
      %dma_start3A_35 = tpu.memref_slice %arg4[%arg0, %mul3A_29] : memref<2x20480xf32, #tpu.memory_space<hbm>> -> memref<1x1280xf32, #tpu.memory_space<hbm>>
      %dma_start3A_36 = tpu.memref_squeeze %dma_start3A_35 : memref<1x1280xf32, #tpu.memory_space<hbm>> -> memref<1280xf32, #tpu.memory_space<hbm>>
      %dma_start3A_37 = arith.constant 0 : i32
      %dma_start3A_38 = tpu.memref_slice %arg9[%run_scoped3A, %dma_start3A_37] : memref<16x1280xf32, #tpu.memory_space<vmem>> -> memref<1x1280xf32, #tpu.memory_space<vmem>>
      %dma_start3A_39 = tpu.memref_squeeze %dma_start3A_38 : memref<1x1280xf32, #tpu.memory_space<vmem>> -> memref<1280xf32, #tpu.memory_space<vmem>>
      tpu.enqueue_dma source(%dma_start3A_39 : memref<1280xf32, #tpu.memory_space<vmem>>) target(%dma_start3A_36 : memref<1280xf32, #tpu.memory_space<hbm>>) target_semaphore(%run_scoped3A_30 : memref<!tpu.dma_semaphore, #tpu.memory_space<semaphore_mem>>)
      %dma_wait3A = arith.constant 0 : i32
      %dma_wait3A_40 = tpu.memref_slice %arg9[%run_scoped3A, %dma_wait3A] : memref<16x1280xf32, #tpu.memory_space<vmem>> -> memref<1x1280xf32, #tpu.memory_space<vmem>>
      %dma_wait3A_41 = tpu.memref_squeeze %dma_wait3A_40 : memref<1x1280xf32, #tpu.memory_space<vmem>> -> memref<1280xf32, #tpu.memory_space<vmem>>
      %dma_wait3A_42 = tpu.memref_slice %arg4[%arg0, %mul3A_29] : memref<2x20480xf32, #tpu.memory_space<hbm>> -> memref<1x1280xf32, #tpu.memory_space<hbm>>
      %dma_wait3A_43 = tpu.memref_squeeze %dma_wait3A_42 : memref<1x1280xf32, #tpu.memory_space<hbm>> -> memref<1280xf32, #tpu.memory_space<hbm>>
      %dma_wait3A_44 = tpu.memref_slice %arg4[%arg0, %mul3A_29] : memref<2x20480xf32, #tpu.memory_space<hbm>> -> memref<1x1280xf32, #tpu.memory_space<hbm>>
      %dma_wait3A_45 = tpu.memref_squeeze %dma_wait3A_44 : memref<1x1280xf32, #tpu.memory_space<hbm>> -> memref<1280xf32, #tpu.memory_space<hbm>>
      %dma_wait3A_46 = arith.constant 0 : i32
      %dma_wait3A_47 = tpu.memref_slice %arg9[%run_scoped3A, %dma_wait3A_46] : memref<16x1280xf32, #tpu.memory_space<vmem>> -> memref<1x1280xf32, #tpu.memory_space<vmem>>
      %dma_wait3A_48 = tpu.memref_squeeze %dma_wait3A_47 : memref<1x1280xf32, #tpu.memory_space<vmem>> -> memref<1280xf32, #tpu.memory_space<vmem>>
      tpu.wait_dma2 semaphore(%run_scoped3A_30 : memref<!tpu.dma_semaphore, #tpu.memory_space<semaphore_mem>>) src(%dma_wait3A_48 : memref<1280xf32, #tpu.memory_space<vmem>>) dst(%dma_wait3A_45 : memref<1280xf32, #tpu.memory_space<hbm>>)
      tpu.yield
    }) : () -> ()
    return
  }
}

#map = affine_map<(d0, d1) -> (0)>
#map1 = affine_map<(d0, d1) -> (0, 0)>
#map2 = affine_map<(d0, d1) -> (0, 0, 0)>
module attributes {stable_mosaic.version = 14 : i64} {
  func.func @_gat_body(%arg0: i32, %arg1: i32, %arg2: memref<327680xi32, #tpu.memory_space<hbm>>, %arg3: memref<327680xi32, #tpu.memory_space<hbm>>, %arg4: memref<40960x64xf32, #tpu.memory_space<hbm>>, %arg5: memref<10240xf32, #tpu.memory_space<hbm>>, %arg6: memref<10240xf32, #tpu.memory_space<hbm>>, %arg7: memref<2x20480x64xf32, #tpu.memory_space<hbm>>, %arg8: memref<2x20480xf32, #tpu.memory_space<hbm>>, %arg9: memref<10240xf32, #tpu.memory_space<vmem>>, %arg10: memref<10240xf32, #tpu.memory_space<vmem>>, %arg11: memref<5120xi32, #tpu.memory_space<vmem>>, %arg12: memref<5120xi32, #tpu.memory_space<vmem>>, %arg13: memref<128x64xf32, #tpu.memory_space<vmem>>, %arg14: memref<128x64xf32, #tpu.memory_space<vmem>>, %arg15: memref<128xf32, #tpu.memory_space<vmem>>, %arg16: memref<128xf32, #tpu.memory_space<vmem>>, %arg17: memref<128xi32, #tpu.memory_space<vmem>>, %arg18: memref<128xi32, #tpu.memory_space<vmem>>, %arg19: memref<1x128xi32, #tpu.memory_space<vmem>>, %arg20: memref<1x128xi32, #tpu.memory_space<vmem>>, %arg21: memref<20480x64xf32, #tpu.memory_space<vmem_shared>>, %arg22: memref<20480xf32, #tpu.memory_space<vmem_shared>>, %arg23: memref<!tpu.dma_semaphore, #tpu.memory_space<semaphore_mem>>, %arg24: memref<!tpu.dma_semaphore, #tpu.memory_space<semaphore_mem>>, %arg25: memref<!tpu.dma_semaphore, #tpu.memory_space<semaphore_mem>>, %arg26: memref<!tpu.dma_semaphore, #tpu.memory_space<semaphore_mem>>, %arg27: memref<!tpu.dma_semaphore, #tpu.memory_space<semaphore_mem>>, %arg28: memref<!tpu.dma_semaphore, #tpu.memory_space<semaphore_mem>>) attributes {dimension_semantics = [#tpu.dimension_semantics<core_parallel>, #tpu.dimension_semantics<subcore_parallel>], iteration_bounds = array<i64: 2, 16>, scalar_prefetch = 0 : i64, scratch_operands = 20 : i64, tpu.core_type = #tpu.core_type<sc_vector_subcore>, window_params = [{transform_indices = #map}, {transform_indices = #map}, {transform_indices = #map1}, {transform_indices = #map}, {transform_indices = #map}, {transform_indices = #map2}, {transform_indices = #map1}]} {
    %mul3A = arith.constant 20480 : i32
    %mul3A_0 = arith.muli %arg1, %mul3A : i32
    %broadcast_in_dim3A = arith.constant 0.000000e+00 : f32
    %broadcast_in_dim3A_1 = vector.broadcast %broadcast_in_dim3A : f32 to vector<16xf32>
    %scan3A = arith.constant 0 : i32
    %scan3A_2 = arith.constant 0 : i32
    %scan3A_3 = arith.constant 80 : i32
    %scan3A_4 = arith.addi %scan3A_2, %scan3A_3 : i32
    %scan3A_5 = arith.constant 1 : i32
    %scan3A_6 = scf.for %scan3A_74 = %scan3A_2 to %scan3A_4 step %scan3A_5 iter_args(%scan3A_75 = %scan3A) -> (i32)  : i32 {
      %mul3A_76 = arith.constant 16 : i32
      %mul3A_77 = arith.muli %scan3A_74, %mul3A_76 : i32
      %swap3A = arith.index_cast %mul3A_77 : i32 to index
      %swap3A_78 = tpu.vector_load %arg9[%swap3A] {strides = array<i32>} : memref<10240xf32, #tpu.memory_space<vmem>>, vector<16xf32>,
      tpu.vector_store %arg9[%swap3A], %broadcast_in_dim3A_1 {strides = array<i32>} : memref<10240xf32, #tpu.memory_space<vmem>>, vector<16xf32>,
      %scan3A_79 = arith.constant 0 : i32
      scf.yield %scan3A_79 : i32
    }
    %scan3A_7 = arith.constant 80 : i32
    %mul3A_8 = arith.constant 1280 : i32
    %mul3A_9 = arith.muli %arg1, %mul3A_8 : i32
    "tpu.region"() ({
      %run_scoped3A = tpu.sem_alloc : memref<!tpu.dma_semaphore, #tpu.memory_space<semaphore_mem>>
      %dma_start3A = arith.constant 0 : i32
      %dma_start3A_74 = tpu.memref_slice %arg9[%dma_start3A] : memref<10240xf32, #tpu.memory_space<vmem>> -> memref<1280xf32, #tpu.memory_space<vmem>>
      %dma_start3A_75 = tpu.memref_slice %arg22[%mul3A_9] : memref<20480xf32, #tpu.memory_space<vmem_shared>> -> memref<1280xf32, #tpu.memory_space<vmem_shared>>
      %dma_start3A_76 = tpu.memref_slice %arg22[%mul3A_9] : memref<20480xf32, #tpu.memory_space<vmem_shared>> -> memref<1280xf32, #tpu.memory_space<vmem_shared>>
      %dma_start3A_77 = arith.constant 0 : i32
      %dma_start3A_78 = tpu.memref_slice %arg9[%dma_start3A_77] : memref<10240xf32, #tpu.memory_space<vmem>> -> memref<1280xf32, #tpu.memory_space<vmem>>
      tpu.enqueue_dma source(%dma_start3A_78 : memref<1280xf32, #tpu.memory_space<vmem>>) target(%dma_start3A_76 : memref<1280xf32, #tpu.memory_space<vmem_shared>>) target_semaphore(%run_scoped3A : memref<!tpu.dma_semaphore, #tpu.memory_space<semaphore_mem>>)
      %dma_wait3A = arith.constant 0 : i32
      %dma_wait3A_79 = tpu.memref_slice %arg9[%dma_wait3A] : memref<10240xf32, #tpu.memory_space<vmem>> -> memref<1280xf32, #tpu.memory_space<vmem>>
      %dma_wait3A_80 = tpu.memref_slice %arg22[%mul3A_9] : memref<20480xf32, #tpu.memory_space<vmem_shared>> -> memref<1280xf32, #tpu.memory_space<vmem_shared>>
      %dma_wait3A_81 = tpu.memref_slice %arg22[%mul3A_9] : memref<20480xf32, #tpu.memory_space<vmem_shared>> -> memref<1280xf32, #tpu.memory_space<vmem_shared>>
      %dma_wait3A_82 = arith.constant 0 : i32
      %dma_wait3A_83 = tpu.memref_slice %arg9[%dma_wait3A_82] : memref<10240xf32, #tpu.memory_space<vmem>> -> memref<1280xf32, #tpu.memory_space<vmem>>
      tpu.wait_dma2 semaphore(%run_scoped3A : memref<!tpu.dma_semaphore, #tpu.memory_space<semaphore_mem>>) src(%dma_wait3A_83 : memref<1280xf32, #tpu.memory_space<vmem>>) dst(%dma_wait3A_81 : memref<1280xf32, #tpu.memory_space<vmem_shared>>)
      tpu.yield
    }) : () -> ()
    %scan3A_10 = arith.constant 0 : i32
    %scan3A_11 = arith.constant 0 : i32
    %scan3A_12 = arith.constant 128 : i32
    %scan3A_13 = arith.addi %scan3A_11, %scan3A_12 : i32
    %scan3A_14 = arith.constant 1 : i32
    %scan3A_15 = scf.for %scan3A_74 = %scan3A_11 to %scan3A_13 step %scan3A_14 iter_args(%scan3A_75 = %scan3A_10) -> (i32)  : i32 {
      %swap3A = arith.index_cast %scan3A_74 : i32 to index
      %swap3A_76 = arith.constant 0 : index
      %swap3A_77 = tpu.vector_load %arg13[%swap3A, %swap3A_76] {strides = array<i32>} : memref<128x64xf32, #tpu.memory_space<vmem>>, vector<16xf32>,
      tpu.vector_store %arg13[%swap3A, %swap3A_76], %broadcast_in_dim3A_1 {strides = array<i32>} : memref<128x64xf32, #tpu.memory_space<vmem>>, vector<16xf32>,
      %swap3A_78 = arith.index_cast %scan3A_74 : i32 to index
      %swap3A_79 = arith.constant 16 : index
      %swap3A_80 = tpu.vector_load %arg13[%swap3A_78, %swap3A_79] {strides = array<i32>} : memref<128x64xf32, #tpu.memory_space<vmem>>, vector<16xf32>,
      tpu.vector_store %arg13[%swap3A_78, %swap3A_79], %broadcast_in_dim3A_1 {strides = array<i32>} : memref<128x64xf32, #tpu.memory_space<vmem>>, vector<16xf32>,
      %swap3A_81 = arith.index_cast %scan3A_74 : i32 to index
      %swap3A_82 = arith.constant 32 : index
      %swap3A_83 = tpu.vector_load %arg13[%swap3A_81, %swap3A_82] {strides = array<i32>} : memref<128x64xf32, #tpu.memory_space<vmem>>, vector<16xf32>,
      tpu.vector_store %arg13[%swap3A_81, %swap3A_82], %broadcast_in_dim3A_1 {strides = array<i32>} : memref<128x64xf32, #tpu.memory_space<vmem>>, vector<16xf32>,
      %swap3A_84 = arith.index_cast %scan3A_74 : i32 to index
      %swap3A_85 = arith.constant 48 : index
      %swap3A_86 = tpu.vector_load %arg13[%swap3A_84, %swap3A_85] {strides = array<i32>} : memref<128x64xf32, #tpu.memory_space<vmem>>, vector<16xf32>,
      tpu.vector_store %arg13[%swap3A_84, %swap3A_85], %broadcast_in_dim3A_1 {strides = array<i32>} : memref<128x64xf32, #tpu.memory_space<vmem>>, vector<16xf32>,
      %scan3A_87 = arith.constant 0 : i32
      scf.yield %scan3A_87 : i32
    }
    %scan3A_16 = arith.constant 128 : i32
    %mul3A_17 = arith.constant 1280 : i32
    %mul3A_18 = arith.muli %arg1, %mul3A_17 : i32
    %add3A = arith.constant 0 : i32
    %add3A_19 = arith.addi %mul3A_18, %add3A : i32
    "tpu.region"() ({
      %run_scoped3A = tpu.sem_alloc : memref<!tpu.dma_semaphore, #tpu.memory_space<semaphore_mem>>
      %dma_start3A = arith.constant 0 : i32
      %dma_start3A_74 = tpu.memref_slice %arg21[%add3A_19, %dma_start3A] : memref<20480x64xf32, #tpu.memory_space<vmem_shared>> -> memref<128x64xf32, #tpu.memory_space<vmem_shared>>
      %dma_start3A_75 = arith.constant 0 : i32
      %dma_start3A_76 = tpu.memref_slice %arg21[%add3A_19, %dma_start3A_75] : memref<20480x64xf32, #tpu.memory_space<vmem_shared>> -> memref<128x64xf32, #tpu.memory_space<vmem_shared>>
      tpu.enqueue_dma source(%arg13 : memref<128x64xf32, #tpu.memory_space<vmem>>) target(%dma_start3A_76 : memref<128x64xf32, #tpu.memory_space<vmem_shared>>) target_semaphore(%run_scoped3A : memref<!tpu.dma_semaphore, #tpu.memory_space<semaphore_mem>>)
      %dma_wait3A = arith.constant 0 : i32
      %dma_wait3A_77 = tpu.memref_slice %arg21[%add3A_19, %dma_wait3A] : memref<20480x64xf32, #tpu.memory_space<vmem_shared>> -> memref<128x64xf32, #tpu.memory_space<vmem_shared>>
      %dma_wait3A_78 = arith.constant 0 : i32
      %dma_wait3A_79 = tpu.memref_slice %arg21[%add3A_19, %dma_wait3A_78] : memref<20480x64xf32, #tpu.memory_space<vmem_shared>> -> memref<128x64xf32, #tpu.memory_space<vmem_shared>>
      tpu.wait_dma2 semaphore(%run_scoped3A : memref<!tpu.dma_semaphore, #tpu.memory_space<semaphore_mem>>) src(%arg13 : memref<128x64xf32, #tpu.memory_space<vmem>>) dst(%dma_wait3A_79 : memref<128x64xf32, #tpu.memory_space<vmem_shared>>)
      tpu.yield
    }) : () -> ()
    %mul3A_20 = arith.constant 1280 : i32
    %mul3A_21 = arith.muli %arg1, %mul3A_20 : i32
    %add3A_22 = arith.constant 128 : i32
    %add3A_23 = arith.addi %mul3A_21, %add3A_22 : i32
    "tpu.region"() ({
      %run_scoped3A = tpu.sem_alloc : memref<!tpu.dma_semaphore, #tpu.memory_space<semaphore_mem>>
      %dma_start3A = arith.constant 0 : i32
      %dma_start3A_74 = tpu.memref_slice %arg21[%add3A_23, %dma_start3A] : memref<20480x64xf32, #tpu.memory_space<vmem_shared>> -> memref<128x64xf32, #tpu.memory_space<vmem_shared>>
      %dma_start3A_75 = arith.constant 0 : i32
      %dma_start3A_76 = tpu.memref_slice %arg21[%add3A_23, %dma_start3A_75] : memref<20480x64xf32, #tpu.memory_space<vmem_shared>> -> memref<128x64xf32, #tpu.memory_space<vmem_shared>>
      tpu.enqueue_dma source(%arg13 : memref<128x64xf32, #tpu.memory_space<vmem>>) target(%dma_start3A_76 : memref<128x64xf32, #tpu.memory_space<vmem_shared>>) target_semaphore(%run_scoped3A : memref<!tpu.dma_semaphore, #tpu.memory_space<semaphore_mem>>)
      %dma_wait3A = arith.constant 0 : i32
      %dma_wait3A_77 = tpu.memref_slice %arg21[%add3A_23, %dma_wait3A] : memref<20480x64xf32, #tpu.memory_space<vmem_shared>> -> memref<128x64xf32, #tpu.memory_space<vmem_shared>>
      %dma_wait3A_78 = arith.constant 0 : i32
      %dma_wait3A_79 = tpu.memref_slice %arg21[%add3A_23, %dma_wait3A_78] : memref<20480x64xf32, #tpu.memory_space<vmem_shared>> -> memref<128x64xf32, #tpu.memory_space<vmem_shared>>
      tpu.wait_dma2 semaphore(%run_scoped3A : memref<!tpu.dma_semaphore, #tpu.memory_space<semaphore_mem>>) src(%arg13 : memref<128x64xf32, #tpu.memory_space<vmem>>) dst(%dma_wait3A_79 : memref<128x64xf32, #tpu.memory_space<vmem_shared>>)
      tpu.yield
    }) : () -> ()
    %mul3A_24 = arith.constant 1280 : i32
    %mul3A_25 = arith.muli %arg1, %mul3A_24 : i32
    %add3A_26 = arith.constant 256 : i32
    %add3A_27 = arith.addi %mul3A_25, %add3A_26 : i32
    "tpu.region"() ({
      %run_scoped3A = tpu.sem_alloc : memref<!tpu.dma_semaphore, #tpu.memory_space<semaphore_mem>>
      %dma_start3A = arith.constant 0 : i32
      %dma_start3A_74 = tpu.memref_slice %arg21[%add3A_27, %dma_start3A] : memref<20480x64xf32, #tpu.memory_space<vmem_shared>> -> memref<128x64xf32, #tpu.memory_space<vmem_shared>>
      %dma_start3A_75 = arith.constant 0 : i32
      %dma_start3A_76 = tpu.memref_slice %arg21[%add3A_27, %dma_start3A_75] : memref<20480x64xf32, #tpu.memory_space<vmem_shared>> -> memref<128x64xf32, #tpu.memory_space<vmem_shared>>
      tpu.enqueue_dma source(%arg13 : memref<128x64xf32, #tpu.memory_space<vmem>>) target(%dma_start3A_76 : memref<128x64xf32, #tpu.memory_space<vmem_shared>>) target_semaphore(%run_scoped3A : memref<!tpu.dma_semaphore, #tpu.memory_space<semaphore_mem>>)
      %dma_wait3A = arith.constant 0 : i32
      %dma_wait3A_77 = tpu.memref_slice %arg21[%add3A_27, %dma_wait3A] : memref<20480x64xf32, #tpu.memory_space<vmem_shared>> -> memref<128x64xf32, #tpu.memory_space<vmem_shared>>
      %dma_wait3A_78 = arith.constant 0 : i32
      %dma_wait3A_79 = tpu.memref_slice %arg21[%add3A_27, %dma_wait3A_78] : memref<20480x64xf32, #tpu.memory_space<vmem_shared>> -> memref<128x64xf32, #tpu.memory_space<vmem_shared>>
      tpu.wait_dma2 semaphore(%run_scoped3A : memref<!tpu.dma_semaphore, #tpu.memory_space<semaphore_mem>>) src(%arg13 : memref<128x64xf32, #tpu.memory_space<vmem>>) dst(%dma_wait3A_79 : memref<128x64xf32, #tpu.memory_space<vmem_shared>>)
      tpu.yield
    }) : () -> ()
    %mul3A_28 = arith.constant 1280 : i32
    %mul3A_29 = arith.muli %arg1, %mul3A_28 : i32
    %add3A_30 = arith.constant 384 : i32
    %add3A_31 = arith.addi %mul3A_29, %add3A_30 : i32
    "tpu.region"() ({
      %run_scoped3A = tpu.sem_alloc : memref<!tpu.dma_semaphore, #tpu.memory_space<semaphore_mem>>
      %dma_start3A = arith.constant 0 : i32
      %dma_start3A_74 = tpu.memref_slice %arg21[%add3A_31, %dma_start3A] : memref<20480x64xf32, #tpu.memory_space<vmem_shared>> -> memref<128x64xf32, #tpu.memory_space<vmem_shared>>
      %dma_start3A_75 = arith.constant 0 : i32
      %dma_start3A_76 = tpu.memref_slice %arg21[%add3A_31, %dma_start3A_75] : memref<20480x64xf32, #tpu.memory_space<vmem_shared>> -> memref<128x64xf32, #tpu.memory_space<vmem_shared>>
      tpu.enqueue_dma source(%arg13 : memref<128x64xf32, #tpu.memory_space<vmem>>) target(%dma_start3A_76 : memref<128x64xf32, #tpu.memory_space<vmem_shared>>) target_semaphore(%run_scoped3A : memref<!tpu.dma_semaphore, #tpu.memory_space<semaphore_mem>>)
      %dma_wait3A = arith.constant 0 : i32
      %dma_wait3A_77 = tpu.memref_slice %arg21[%add3A_31, %dma_wait3A] : memref<20480x64xf32, #tpu.memory_space<vmem_shared>> -> memref<128x64xf32, #tpu.memory_space<vmem_shared>>
      %dma_wait3A_78 = arith.constant 0 : i32
      %dma_wait3A_79 = tpu.memref_slice %arg21[%add3A_31, %dma_wait3A_78] : memref<20480x64xf32, #tpu.memory_space<vmem_shared>> -> memref<128x64xf32, #tpu.memory_space<vmem_shared>>
      tpu.wait_dma2 semaphore(%run_scoped3A : memref<!tpu.dma_semaphore, #tpu.memory_space<semaphore_mem>>) src(%arg13 : memref<128x64xf32, #tpu.memory_space<vmem>>) dst(%dma_wait3A_79 : memref<128x64xf32, #tpu.memory_space<vmem_shared>>)
      tpu.yield
    }) : () -> ()
    %mul3A_32 = arith.constant 1280 : i32
    %mul3A_33 = arith.muli %arg1, %mul3A_32 : i32
    %add3A_34 = arith.constant 512 : i32
    %add3A_35 = arith.addi %mul3A_33, %add3A_34 : i32
    "tpu.region"() ({
      %run_scoped3A = tpu.sem_alloc : memref<!tpu.dma_semaphore, #tpu.memory_space<semaphore_mem>>
      %dma_start3A = arith.constant 0 : i32
      %dma_start3A_74 = tpu.memref_slice %arg21[%add3A_35, %dma_start3A] : memref<20480x64xf32, #tpu.memory_space<vmem_shared>> -> memref<128x64xf32, #tpu.memory_space<vmem_shared>>
      %dma_start3A_75 = arith.constant 0 : i32
      %dma_start3A_76 = tpu.memref_slice %arg21[%add3A_35, %dma_start3A_75] : memref<20480x64xf32, #tpu.memory_space<vmem_shared>> -> memref<128x64xf32, #tpu.memory_space<vmem_shared>>
      tpu.enqueue_dma source(%arg13 : memref<128x64xf32, #tpu.memory_space<vmem>>) target(%dma_start3A_76 : memref<128x64xf32, #tpu.memory_space<vmem_shared>>) target_semaphore(%run_scoped3A : memref<!tpu.dma_semaphore, #tpu.memory_space<semaphore_mem>>)
      %dma_wait3A = arith.constant 0 : i32
      %dma_wait3A_77 = tpu.memref_slice %arg21[%add3A_35, %dma_wait3A] : memref<20480x64xf32, #tpu.memory_space<vmem_shared>> -> memref<128x64xf32, #tpu.memory_space<vmem_shared>>
      %dma_wait3A_78 = arith.constant 0 : i32
      %dma_wait3A_79 = tpu.memref_slice %arg21[%add3A_35, %dma_wait3A_78] : memref<20480x64xf32, #tpu.memory_space<vmem_shared>> -> memref<128x64xf32, #tpu.memory_space<vmem_shared>>
      tpu.wait_dma2 semaphore(%run_scoped3A : memref<!tpu.dma_semaphore, #tpu.memory_space<semaphore_mem>>) src(%arg13 : memref<128x64xf32, #tpu.memory_space<vmem>>) dst(%dma_wait3A_79 : memref<128x64xf32, #tpu.memory_space<vmem_shared>>)
      tpu.yield
    }) : () -> ()
    %mul3A_36 = arith.constant 1280 : i32
    %mul3A_37 = arith.muli %arg1, %mul3A_36 : i32
    %add3A_38 = arith.constant 640 : i32
    %add3A_39 = arith.addi %mul3A_37, %add3A_38 : i32
    "tpu.region"() ({
      %run_scoped3A = tpu.sem_alloc : memref<!tpu.dma_semaphore, #tpu.memory_space<semaphore_mem>>
      %dma_start3A = arith.constant 0 : i32
      %dma_start3A_74 = tpu.memref_slice %arg21[%add3A_39, %dma_start3A] : memref<20480x64xf32, #tpu.memory_space<vmem_shared>> -> memref<128x64xf32, #tpu.memory_space<vmem_shared>>
      %dma_start3A_75 = arith.constant 0 : i32
      %dma_start3A_76 = tpu.memref_slice %arg21[%add3A_39, %dma_start3A_75] : memref<20480x64xf32, #tpu.memory_space<vmem_shared>> -> memref<128x64xf32, #tpu.memory_space<vmem_shared>>
      tpu.enqueue_dma source(%arg13 : memref<128x64xf32, #tpu.memory_space<vmem>>) target(%dma_start3A_76 : memref<128x64xf32, #tpu.memory_space<vmem_shared>>) target_semaphore(%run_scoped3A : memref<!tpu.dma_semaphore, #tpu.memory_space<semaphore_mem>>)
      %dma_wait3A = arith.constant 0 : i32
      %dma_wait3A_77 = tpu.memref_slice %arg21[%add3A_39, %dma_wait3A] : memref<20480x64xf32, #tpu.memory_space<vmem_shared>> -> memref<128x64xf32, #tpu.memory_space<vmem_shared>>
      %dma_wait3A_78 = arith.constant 0 : i32
      %dma_wait3A_79 = tpu.memref_slice %arg21[%add3A_39, %dma_wait3A_78] : memref<20480x64xf32, #tpu.memory_space<vmem_shared>> -> memref<128x64xf32, #tpu.memory_space<vmem_shared>>
      tpu.wait_dma2 semaphore(%run_scoped3A : memref<!tpu.dma_semaphore, #tpu.memory_space<semaphore_mem>>) src(%arg13 : memref<128x64xf32, #tpu.memory_space<vmem>>) dst(%dma_wait3A_79 : memref<128x64xf32, #tpu.memory_space<vmem_shared>>)
      tpu.yield
    }) : () -> ()
    %mul3A_40 = arith.constant 1280 : i32
    %mul3A_41 = arith.muli %arg1, %mul3A_40 : i32
    %add3A_42 = arith.constant 768 : i32
    %add3A_43 = arith.addi %mul3A_41, %add3A_42 : i32
    "tpu.region"() ({
      %run_scoped3A = tpu.sem_alloc : memref<!tpu.dma_semaphore, #tpu.memory_space<semaphore_mem>>
      %dma_start3A = arith.constant 0 : i32
      %dma_start3A_74 = tpu.memref_slice %arg21[%add3A_43, %dma_start3A] : memref<20480x64xf32, #tpu.memory_space<vmem_shared>> -> memref<128x64xf32, #tpu.memory_space<vmem_shared>>
      %dma_start3A_75 = arith.constant 0 : i32
      %dma_start3A_76 = tpu.memref_slice %arg21[%add3A_43, %dma_start3A_75] : memref<20480x64xf32, #tpu.memory_space<vmem_shared>> -> memref<128x64xf32, #tpu.memory_space<vmem_shared>>
      tpu.enqueue_dma source(%arg13 : memref<128x64xf32, #tpu.memory_space<vmem>>) target(%dma_start3A_76 : memref<128x64xf32, #tpu.memory_space<vmem_shared>>) target_semaphore(%run_scoped3A : memref<!tpu.dma_semaphore, #tpu.memory_space<semaphore_mem>>)
      %dma_wait3A = arith.constant 0 : i32
      %dma_wait3A_77 = tpu.memref_slice %arg21[%add3A_43, %dma_wait3A] : memref<20480x64xf32, #tpu.memory_space<vmem_shared>> -> memref<128x64xf32, #tpu.memory_space<vmem_shared>>
      %dma_wait3A_78 = arith.constant 0 : i32
      %dma_wait3A_79 = tpu.memref_slice %arg21[%add3A_43, %dma_wait3A_78] : memref<20480x64xf32, #tpu.memory_space<vmem_shared>> -> memref<128x64xf32, #tpu.memory_space<vmem_shared>>
      tpu.wait_dma2 semaphore(%run_scoped3A : memref<!tpu.dma_semaphore, #tpu.memory_space<semaphore_mem>>) src(%arg13 : memref<128x64xf32, #tpu.memory_space<vmem>>) dst(%dma_wait3A_79 : memref<128x64xf32, #tpu.memory_space<vmem_shared>>)
      tpu.yield
    }) : () -> ()
    %mul3A_44 = arith.constant 1280 : i32
    %mul3A_45 = arith.muli %arg1, %mul3A_44 : i32
    %add3A_46 = arith.constant 896 : i32
    %add3A_47 = arith.addi %mul3A_45, %add3A_46 : i32
    "tpu.region"() ({
      %run_scoped3A = tpu.sem_alloc : memref<!tpu.dma_semaphore, #tpu.memory_space<semaphore_mem>>
      %dma_start3A = arith.constant 0 : i32
      %dma_start3A_74 = tpu.memref_slice %arg21[%add3A_47, %dma_start3A] : memref<20480x64xf32, #tpu.memory_space<vmem_shared>> -> memref<128x64xf32, #tpu.memory_space<vmem_shared>>
      %dma_start3A_75 = arith.constant 0 : i32
      %dma_start3A_76 = tpu.memref_slice %arg21[%add3A_47, %dma_start3A_75] : memref<20480x64xf32, #tpu.memory_space<vmem_shared>> -> memref<128x64xf32, #tpu.memory_space<vmem_shared>>
      tpu.enqueue_dma source(%arg13 : memref<128x64xf32, #tpu.memory_space<vmem>>) target(%dma_start3A_76 : memref<128x64xf32, #tpu.memory_space<vmem_shared>>) target_semaphore(%run_scoped3A : memref<!tpu.dma_semaphore, #tpu.memory_space<semaphore_mem>>)
      %dma_wait3A = arith.constant 0 : i32
      %dma_wait3A_77 = tpu.memref_slice %arg21[%add3A_47, %dma_wait3A] : memref<20480x64xf32, #tpu.memory_space<vmem_shared>> -> memref<128x64xf32, #tpu.memory_space<vmem_shared>>
      %dma_wait3A_78 = arith.constant 0 : i32
      %dma_wait3A_79 = tpu.memref_slice %arg21[%add3A_47, %dma_wait3A_78] : memref<20480x64xf32, #tpu.memory_space<vmem_shared>> -> memref<128x64xf32, #tpu.memory_space<vmem_shared>>
      tpu.wait_dma2 semaphore(%run_scoped3A : memref<!tpu.dma_semaphore, #tpu.memory_space<semaphore_mem>>) src(%arg13 : memref<128x64xf32, #tpu.memory_space<vmem>>) dst(%dma_wait3A_79 : memref<128x64xf32, #tpu.memory_space<vmem_shared>>)
      tpu.yield
    }) : () -> ()
    %mul3A_48 = arith.constant 1280 : i32
    %mul3A_49 = arith.muli %arg1, %mul3A_48 : i32
    %add3A_50 = arith.constant 1024 : i32
    %add3A_51 = arith.addi %mul3A_49, %add3A_50 : i32
    "tpu.region"() ({
      %run_scoped3A = tpu.sem_alloc : memref<!tpu.dma_semaphore, #tpu.memory_space<semaphore_mem>>
      %dma_start3A = arith.constant 0 : i32
      %dma_start3A_74 = tpu.memref_slice %arg21[%add3A_51, %dma_start3A] : memref<20480x64xf32, #tpu.memory_space<vmem_shared>> -> memref<128x64xf32, #tpu.memory_space<vmem_shared>>
      %dma_start3A_75 = arith.constant 0 : i32
      %dma_start3A_76 = tpu.memref_slice %arg21[%add3A_51, %dma_start3A_75] : memref<20480x64xf32, #tpu.memory_space<vmem_shared>> -> memref<128x64xf32, #tpu.memory_space<vmem_shared>>
      tpu.enqueue_dma source(%arg13 : memref<128x64xf32, #tpu.memory_space<vmem>>) target(%dma_start3A_76 : memref<128x64xf32, #tpu.memory_space<vmem_shared>>) target_semaphore(%run_scoped3A : memref<!tpu.dma_semaphore, #tpu.memory_space<semaphore_mem>>)
      %dma_wait3A = arith.constant 0 : i32
      %dma_wait3A_77 = tpu.memref_slice %arg21[%add3A_51, %dma_wait3A] : memref<20480x64xf32, #tpu.memory_space<vmem_shared>> -> memref<128x64xf32, #tpu.memory_space<vmem_shared>>
      %dma_wait3A_78 = arith.constant 0 : i32
      %dma_wait3A_79 = tpu.memref_slice %arg21[%add3A_51, %dma_wait3A_78] : memref<20480x64xf32, #tpu.memory_space<vmem_shared>> -> memref<128x64xf32, #tpu.memory_space<vmem_shared>>
      tpu.wait_dma2 semaphore(%run_scoped3A : memref<!tpu.dma_semaphore, #tpu.memory_space<semaphore_mem>>) src(%arg13 : memref<128x64xf32, #tpu.memory_space<vmem>>) dst(%dma_wait3A_79 : memref<128x64xf32, #tpu.memory_space<vmem_shared>>)
      tpu.yield
    }) : () -> ()
    %mul3A_52 = arith.constant 1280 : i32
    %mul3A_53 = arith.muli %arg1, %mul3A_52 : i32
    %add3A_54 = arith.constant 1152 : i32
    %add3A_55 = arith.addi %mul3A_53, %add3A_54 : i32
    "tpu.region"() ({
      %run_scoped3A = tpu.sem_alloc : memref<!tpu.dma_semaphore, #tpu.memory_space<semaphore_mem>>
      %dma_start3A = arith.constant 0 : i32
      %dma_start3A_74 = tpu.memref_slice %arg21[%add3A_55, %dma_start3A] : memref<20480x64xf32, #tpu.memory_space<vmem_shared>> -> memref<128x64xf32, #tpu.memory_space<vmem_shared>>
      %dma_start3A_75 = arith.constant 0 : i32
      %dma_start3A_76 = tpu.memref_slice %arg21[%add3A_55, %dma_start3A_75] : memref<20480x64xf32, #tpu.memory_space<vmem_shared>> -> memref<128x64xf32, #tpu.memory_space<vmem_shared>>
      tpu.enqueue_dma source(%arg13 : memref<128x64xf32, #tpu.memory_space<vmem>>) target(%dma_start3A_76 : memref<128x64xf32, #tpu.memory_space<vmem_shared>>) target_semaphore(%run_scoped3A : memref<!tpu.dma_semaphore, #tpu.memory_space<semaphore_mem>>)
      %dma_wait3A = arith.constant 0 : i32
      %dma_wait3A_77 = tpu.memref_slice %arg21[%add3A_55, %dma_wait3A] : memref<20480x64xf32, #tpu.memory_space<vmem_shared>> -> memref<128x64xf32, #tpu.memory_space<vmem_shared>>
      %dma_wait3A_78 = arith.constant 0 : i32
      %dma_wait3A_79 = tpu.memref_slice %arg21[%add3A_55, %dma_wait3A_78] : memref<20480x64xf32, #tpu.memory_space<vmem_shared>> -> memref<128x64xf32, #tpu.memory_space<vmem_shared>>
      tpu.wait_dma2 semaphore(%run_scoped3A : memref<!tpu.dma_semaphore, #tpu.memory_space<semaphore_mem>>) src(%arg13 : memref<128x64xf32, #tpu.memory_space<vmem>>) dst(%dma_wait3A_79 : memref<128x64xf32, #tpu.memory_space<vmem_shared>>)
      tpu.yield
    }) : () -> ()
    "tpu.region"() ({
      %run_scoped3A = tpu.sem_alloc : memref<!tpu.dma_semaphore, #tpu.memory_space<semaphore_mem>>
      tpu.enqueue_dma source(%arg5 : memref<10240xf32, #tpu.memory_space<hbm>>) target(%arg9 : memref<10240xf32, #tpu.memory_space<vmem>>) target_semaphore(%run_scoped3A : memref<!tpu.dma_semaphore, #tpu.memory_space<semaphore_mem>>)
      tpu.wait_dma2 semaphore(%run_scoped3A : memref<!tpu.dma_semaphore, #tpu.memory_space<semaphore_mem>>) src(%arg5 : memref<10240xf32, #tpu.memory_space<hbm>>) dst(%arg9 : memref<10240xf32, #tpu.memory_space<vmem>>)
      tpu.yield
    }) : () -> ()
    "tpu.region"() ({
      %run_scoped3A = tpu.sem_alloc : memref<!tpu.dma_semaphore, #tpu.memory_space<semaphore_mem>>
      tpu.enqueue_dma source(%arg6 : memref<10240xf32, #tpu.memory_space<hbm>>) target(%arg10 : memref<10240xf32, #tpu.memory_space<vmem>>) target_semaphore(%run_scoped3A : memref<!tpu.dma_semaphore, #tpu.memory_space<semaphore_mem>>)
      tpu.wait_dma2 semaphore(%run_scoped3A : memref<!tpu.dma_semaphore, #tpu.memory_space<semaphore_mem>>) src(%arg6 : memref<10240xf32, #tpu.memory_space<hbm>>) dst(%arg10 : memref<10240xf32, #tpu.memory_space<vmem>>)
      tpu.yield
    }) : () -> ()
    %barrier3A = arith.constant 0 : index
    tpu.barrier barrier_id(%barrier3A)
    %mul3A_56 = arith.constant 20480 : i32
    %mul3A_57 = arith.muli %arg0, %mul3A_56 : i32
    %scan3A_58 = arith.constant 0 : i32
    %scan3A_59 = arith.constant 0 : i32
    %scan3A_60 = arith.constant 4 : i32
    %scan3A_61 = arith.addi %scan3A_59, %scan3A_60 : i32
    %scan3A_62 = arith.constant 1 : i32
    %scan3A_63 = scf.for %scan3A_74 = %scan3A_59 to %scan3A_61 step %scan3A_62 iter_args(%scan3A_75 = %scan3A_58) -> (i32)  : i32 {
      %mul3A_76 = arith.constant 5120 : i32
      %mul3A_77 = arith.muli %scan3A_74, %mul3A_76 : i32
      %add3A_78 = arith.addi %mul3A_0, %mul3A_77 : i32
      "tpu.region"() ({
        %run_scoped3A = tpu.sem_alloc : memref<!tpu.dma_semaphore, #tpu.memory_space<semaphore_mem>>
        %dma_start3A_369 = tpu.memref_slice %arg2[%add3A_78] : memref<327680xi32, #tpu.memory_space<hbm>> -> memref<5120xi32, #tpu.memory_space<hbm>>
        %dma_start3A_370 = tpu.memref_slice %arg2[%add3A_78] : memref<327680xi32, #tpu.memory_space<hbm>> -> memref<5120xi32, #tpu.memory_space<hbm>>
        tpu.enqueue_dma source(%dma_start3A_370 : memref<5120xi32, #tpu.memory_space<hbm>>) target(%arg11 : memref<5120xi32, #tpu.memory_space<vmem>>) target_semaphore(%run_scoped3A : memref<!tpu.dma_semaphore, #tpu.memory_space<semaphore_mem>>)
        %dma_wait3A_371 = tpu.memref_slice %arg2[%add3A_78] : memref<327680xi32, #tpu.memory_space<hbm>> -> memref<5120xi32, #tpu.memory_space<hbm>>
        %dma_wait3A_372 = tpu.memref_slice %arg2[%add3A_78] : memref<327680xi32, #tpu.memory_space<hbm>> -> memref<5120xi32, #tpu.memory_space<hbm>>
        tpu.wait_dma2 semaphore(%run_scoped3A : memref<!tpu.dma_semaphore, #tpu.memory_space<semaphore_mem>>) src(%dma_wait3A_372 : memref<5120xi32, #tpu.memory_space<hbm>>) dst(%arg11 : memref<5120xi32, #tpu.memory_space<vmem>>)
        tpu.yield
      }) : () -> ()
      %mul3A_79 = arith.constant 5120 : i32
      %mul3A_80 = arith.muli %scan3A_74, %mul3A_79 : i32
      %add3A_81 = arith.addi %mul3A_0, %mul3A_80 : i32
      "tpu.region"() ({
        %run_scoped3A = tpu.sem_alloc : memref<!tpu.dma_semaphore, #tpu.memory_space<semaphore_mem>>
        %dma_start3A_369 = tpu.memref_slice %arg3[%add3A_81] : memref<327680xi32, #tpu.memory_space<hbm>> -> memref<5120xi32, #tpu.memory_space<hbm>>
        %dma_start3A_370 = tpu.memref_slice %arg3[%add3A_81] : memref<327680xi32, #tpu.memory_space<hbm>> -> memref<5120xi32, #tpu.memory_space<hbm>>
        tpu.enqueue_dma source(%dma_start3A_370 : memref<5120xi32, #tpu.memory_space<hbm>>) target(%arg12 : memref<5120xi32, #tpu.memory_space<vmem>>) target_semaphore(%run_scoped3A : memref<!tpu.dma_semaphore, #tpu.memory_space<semaphore_mem>>)
        %dma_wait3A_371 = tpu.memref_slice %arg3[%add3A_81] : memref<327680xi32, #tpu.memory_space<hbm>> -> memref<5120xi32, #tpu.memory_space<hbm>>
        %dma_wait3A_372 = tpu.memref_slice %arg3[%add3A_81] : memref<327680xi32, #tpu.memory_space<hbm>> -> memref<5120xi32, #tpu.memory_space<hbm>>
        tpu.wait_dma2 semaphore(%run_scoped3A : memref<!tpu.dma_semaphore, #tpu.memory_space<semaphore_mem>>) src(%dma_wait3A_372 : memref<5120xi32, #tpu.memory_space<hbm>>) dst(%arg12 : memref<5120xi32, #tpu.memory_space<vmem>>)
        tpu.yield
      }) : () -> ()
      %get3A = arith.constant 0 : index
      %get3A_82 = tpu.vector_load %arg11[%get3A] {strides = array<i32>} : memref<5120xi32, #tpu.memory_space<vmem>>, vector<16xi32>,
      %get3A_83 = arith.constant 0 : index
      %get3A_84 = tpu.vector_load %arg12[%get3A_83] {strides = array<i32>} : memref<5120xi32, #tpu.memory_space<vmem>>, vector<16xi32>,
      %gather3A = tpu.vector_load_idx %arg9[%get3A_82] : memref<10240xf32, #tpu.memory_space<vmem>>[vector<16xi32>], vector<16xf32>,
      %gather3A_85 = tpu.vector_load_idx %arg10[%get3A_84] : memref<10240xf32, #tpu.memory_space<vmem>>[vector<16xi32>], vector<16xf32>,
      %add3A_86 = arith.addf %gather3A, %gather3A_85 : vector<16xf32>
      %lt3A = arith.constant 0.000000e+00 : f32
      %lt3A_87 = vector.broadcast %lt3A : f32 to vector<16xf32>
      %lt3A_88 = arith.cmpf olt, %add3A_86, %lt3A_87 : vector<16xf32>
      %convert_element_type3A = arith.extui %lt3A_88 : vector<16xi1> to vector<16xi32>
      %mul3A_89 = arith.constant 2.000000e-01 : f32
      %mul3A_90 = vector.broadcast %mul3A_89 : f32 to vector<16xf32>
      %mul3A_91 = arith.mulf %mul3A_90, %gather3A : vector<16xf32>
      %select_n3A = arith.select %lt3A_88, %mul3A_91, %gather3A : vector<16xi1>, vector<16xf32>
      %exp3A = math.exp %select_n3A : vector<16xf32>
      %swap3A = arith.constant 0 : index
      %swap3A_92 = tpu.vector_load %arg15[%swap3A] {strides = array<i32>} : memref<128xf32, #tpu.memory_space<vmem>>, vector<16xf32>,
      tpu.vector_store %arg15[%swap3A], %exp3A {strides = array<i32>} : memref<128xf32, #tpu.memory_space<vmem>>, vector<16xf32>,
      %mul3A_93 = arith.constant 10240 : i32
      %mul3A_94 = vector.broadcast %mul3A_93 : i32 to vector<16xi32>
      %mul3A_95 = arith.muli %convert_element_type3A, %mul3A_94 : vector<16xi32>
      %add3A_96 = arith.addi %get3A_82, %mul3A_95 : vector<16xi32>
      %add3A_97 = vector.broadcast %mul3A_57 : i32 to vector<16xi32>
      %add3A_98 = arith.addi %add3A_96, %add3A_97 : vector<16xi32>
      %swap3A_99 = arith.constant 0 : index
      %swap3A_100 = tpu.vector_load %arg17[%swap3A_99] {strides = array<i32>} : memref<128xi32, #tpu.memory_space<vmem>>, vector<16xi32>,
      tpu.vector_store %arg17[%swap3A_99], %add3A_98 {strides = array<i32>} : memref<128xi32, #tpu.memory_space<vmem>>, vector<16xi32>,
      %mul3A_101 = arith.constant 10240 : i32
      %mul3A_102 = vector.broadcast %mul3A_101 : i32 to vector<16xi32>
      %mul3A_103 = arith.muli %convert_element_type3A, %mul3A_102 : vector<16xi32>
      %add3A_104 = arith.addi %get3A_84, %mul3A_103 : vector<16xi32>
      %swap3A_105 = arith.constant 0 : i32
      %swap3A_106 = arith.index_cast %swap3A_105 : i32 to index
      %swap3A_107 = arith.constant 0 : index
      %swap3A_108 = tpu.vector_load %arg19[%swap3A_106, %swap3A_107] {strides = array<i32>} : memref<1x128xi32, #tpu.memory_space<vmem>>, vector<16xi32>,
      tpu.vector_store %arg19[%swap3A_106, %swap3A_107], %add3A_104 {strides = array<i32>} : memref<1x128xi32, #tpu.memory_space<vmem>>, vector<16xi32>,
      %get3A_109 = arith.constant 16 : index
      %get3A_110 = tpu.vector_load %arg11[%get3A_109] {strides = array<i32>} : memref<5120xi32, #tpu.memory_space<vmem>>, vector<16xi32>,
      %get3A_111 = arith.constant 16 : index
      %get3A_112 = tpu.vector_load %arg12[%get3A_111] {strides = array<i32>} : memref<5120xi32, #tpu.memory_space<vmem>>, vector<16xi32>,
      %gather3A_113 = tpu.vector_load_idx %arg9[%get3A_110] : memref<10240xf32, #tpu.memory_space<vmem>>[vector<16xi32>], vector<16xf32>,
      %gather3A_114 = tpu.vector_load_idx %arg10[%get3A_112] : memref<10240xf32, #tpu.memory_space<vmem>>[vector<16xi32>], vector<16xf32>,
      %add3A_115 = arith.addf %gather3A_113, %gather3A_114 : vector<16xf32>
      %lt3A_116 = arith.constant 0.000000e+00 : f32
      %lt3A_117 = vector.broadcast %lt3A_116 : f32 to vector<16xf32>
      %lt3A_118 = arith.cmpf olt, %add3A_115, %lt3A_117 : vector<16xf32>
      %convert_element_type3A_119 = arith.extui %lt3A_118 : vector<16xi1> to vector<16xi32>
      %mul3A_120 = arith.constant 2.000000e-01 : f32
      %mul3A_121 = vector.broadcast %mul3A_120 : f32 to vector<16xf32>
      %mul3A_122 = arith.mulf %mul3A_121, %gather3A_113 : vector<16xf32>
      %select_n3A_123 = arith.select %lt3A_118, %mul3A_122, %gather3A_113 : vector<16xi1>, vector<16xf32>
      %exp3A_124 = math.exp %select_n3A_123 : vector<16xf32>
      %swap3A_125 = arith.constant 16 : index
      %swap3A_126 = tpu.vector_load %arg15[%swap3A_125] {strides = array<i32>} : memref<128xf32, #tpu.memory_space<vmem>>, vector<16xf32>,
      tpu.vector_store %arg15[%swap3A_125], %exp3A_124 {strides = array<i32>} : memref<128xf32, #tpu.memory_space<vmem>>, vector<16xf32>,
      %mul3A_127 = arith.constant 10240 : i32
      %mul3A_128 = vector.broadcast %mul3A_127 : i32 to vector<16xi32>
      %mul3A_129 = arith.muli %convert_element_type3A_119, %mul3A_128 : vector<16xi32>
      %add3A_130 = arith.addi %get3A_110, %mul3A_129 : vector<16xi32>
      %add3A_131 = vector.broadcast %mul3A_57 : i32 to vector<16xi32>
      %add3A_132 = arith.addi %add3A_130, %add3A_131 : vector<16xi32>
      %swap3A_133 = arith.constant 16 : index
      %swap3A_134 = tpu.vector_load %arg17[%swap3A_133] {strides = array<i32>} : memref<128xi32, #tpu.memory_space<vmem>>, vector<16xi32>,
      tpu.vector_store %arg17[%swap3A_133], %add3A_132 {strides = array<i32>} : memref<128xi32, #tpu.memory_space<vmem>>, vector<16xi32>,
      %mul3A_135 = arith.constant 10240 : i32
      %mul3A_136 = vector.broadcast %mul3A_135 : i32 to vector<16xi32>
      %mul3A_137 = arith.muli %convert_element_type3A_119, %mul3A_136 : vector<16xi32>
      %add3A_138 = arith.addi %get3A_112, %mul3A_137 : vector<16xi32>
      %swap3A_139 = arith.constant 0 : i32
      %swap3A_140 = arith.index_cast %swap3A_139 : i32 to index
      %swap3A_141 = arith.constant 16 : index
      %swap3A_142 = tpu.vector_load %arg19[%swap3A_140, %swap3A_141] {strides = array<i32>} : memref<1x128xi32, #tpu.memory_space<vmem>>, vector<16xi32>,
      tpu.vector_store %arg19[%swap3A_140, %swap3A_141], %add3A_138 {strides = array<i32>} : memref<1x128xi32, #tpu.memory_space<vmem>>, vector<16xi32>,
      %get3A_143 = arith.constant 32 : index
      %get3A_144 = tpu.vector_load %arg11[%get3A_143] {strides = array<i32>} : memref<5120xi32, #tpu.memory_space<vmem>>, vector<16xi32>,
      %get3A_145 = arith.constant 32 : index
      %get3A_146 = tpu.vector_load %arg12[%get3A_145] {strides = array<i32>} : memref<5120xi32, #tpu.memory_space<vmem>>, vector<16xi32>,
      %gather3A_147 = tpu.vector_load_idx %arg9[%get3A_144] : memref<10240xf32, #tpu.memory_space<vmem>>[vector<16xi32>], vector<16xf32>,
      %gather3A_148 = tpu.vector_load_idx %arg10[%get3A_146] : memref<10240xf32, #tpu.memory_space<vmem>>[vector<16xi32>], vector<16xf32>,
      %add3A_149 = arith.addf %gather3A_147, %gather3A_148 : vector<16xf32>
      %lt3A_150 = arith.constant 0.000000e+00 : f32
      %lt3A_151 = vector.broadcast %lt3A_150 : f32 to vector<16xf32>
      %lt3A_152 = arith.cmpf olt, %add3A_149, %lt3A_151 : vector<16xf32>
      %convert_element_type3A_153 = arith.extui %lt3A_152 : vector<16xi1> to vector<16xi32>
      %mul3A_154 = arith.constant 2.000000e-01 : f32
      %mul3A_155 = vector.broadcast %mul3A_154 : f32 to vector<16xf32>
      %mul3A_156 = arith.mulf %mul3A_155, %gather3A_147 : vector<16xf32>
      %select_n3A_157 = arith.select %lt3A_152, %mul3A_156, %gather3A_147 : vector<16xi1>, vector<16xf32>
      %exp3A_158 = math.exp %select_n3A_157 : vector<16xf32>
      %swap3A_159 = arith.constant 32 : index
      %swap3A_160 = tpu.vector_load %arg15[%swap3A_159] {strides = array<i32>} : memref<128xf32, #tpu.memory_space<vmem>>, vector<16xf32>,
      tpu.vector_store %arg15[%swap3A_159], %exp3A_158 {strides = array<i32>} : memref<128xf32, #tpu.memory_space<vmem>>, vector<16xf32>,
      %mul3A_161 = arith.constant 10240 : i32
      %mul3A_162 = vector.broadcast %mul3A_161 : i32 to vector<16xi32>
      %mul3A_163 = arith.muli %convert_element_type3A_153, %mul3A_162 : vector<16xi32>
      %add3A_164 = arith.addi %get3A_144, %mul3A_163 : vector<16xi32>
      %add3A_165 = vector.broadcast %mul3A_57 : i32 to vector<16xi32>
      %add3A_166 = arith.addi %add3A_164, %add3A_165 : vector<16xi32>
      %swap3A_167 = arith.constant 32 : index
      %swap3A_168 = tpu.vector_load %arg17[%swap3A_167] {strides = array<i32>} : memref<128xi32, #tpu.memory_space<vmem>>, vector<16xi32>,
      tpu.vector_store %arg17[%swap3A_167], %add3A_166 {strides = array<i32>} : memref<128xi32, #tpu.memory_space<vmem>>, vector<16xi32>,
      %mul3A_169 = arith.constant 10240 : i32
      %mul3A_170 = vector.broadcast %mul3A_169 : i32 to vector<16xi32>
      %mul3A_171 = arith.muli %convert_element_type3A_153, %mul3A_170 : vector<16xi32>
      %add3A_172 = arith.addi %get3A_146, %mul3A_171 : vector<16xi32>
      %swap3A_173 = arith.constant 0 : i32
      %swap3A_174 = arith.index_cast %swap3A_173 : i32 to index
      %swap3A_175 = arith.constant 32 : index
      %swap3A_176 = tpu.vector_load %arg19[%swap3A_174, %swap3A_175] {strides = array<i32>} : memref<1x128xi32, #tpu.memory_space<vmem>>, vector<16xi32>,
      tpu.vector_store %arg19[%swap3A_174, %swap3A_175], %add3A_172 {strides = array<i32>} : memref<1x128xi32, #tpu.memory_space<vmem>>, vector<16xi32>,
      %get3A_177 = arith.constant 48 : index
      %get3A_178 = tpu.vector_load %arg11[%get3A_177] {strides = array<i32>} : memref<5120xi32, #tpu.memory_space<vmem>>, vector<16xi32>,
      %get3A_179 = arith.constant 48 : index
      %get3A_180 = tpu.vector_load %arg12[%get3A_179] {strides = array<i32>} : memref<5120xi32, #tpu.memory_space<vmem>>, vector<16xi32>,
      %gather3A_181 = tpu.vector_load_idx %arg9[%get3A_178] : memref<10240xf32, #tpu.memory_space<vmem>>[vector<16xi32>], vector<16xf32>,
      %gather3A_182 = tpu.vector_load_idx %arg10[%get3A_180] : memref<10240xf32, #tpu.memory_space<vmem>>[vector<16xi32>], vector<16xf32>,
      %add3A_183 = arith.addf %gather3A_181, %gather3A_182 : vector<16xf32>
      %lt3A_184 = arith.constant 0.000000e+00 : f32
      %lt3A_185 = vector.broadcast %lt3A_184 : f32 to vector<16xf32>
      %lt3A_186 = arith.cmpf olt, %add3A_183, %lt3A_185 : vector<16xf32>
      %convert_element_type3A_187 = arith.extui %lt3A_186 : vector<16xi1> to vector<16xi32>
      %mul3A_188 = arith.constant 2.000000e-01 : f32
      %mul3A_189 = vector.broadcast %mul3A_188 : f32 to vector<16xf32>
      %mul3A_190 = arith.mulf %mul3A_189, %gather3A_181 : vector<16xf32>
      %select_n3A_191 = arith.select %lt3A_186, %mul3A_190, %gather3A_181 : vector<16xi1>, vector<16xf32>
      %exp3A_192 = math.exp %select_n3A_191 : vector<16xf32>
      %swap3A_193 = arith.constant 48 : index
      %swap3A_194 = tpu.vector_load %arg15[%swap3A_193] {strides = array<i32>} : memref<128xf32, #tpu.memory_space<vmem>>, vector<16xf32>,
      tpu.vector_store %arg15[%swap3A_193], %exp3A_192 {strides = array<i32>} : memref<128xf32, #tpu.memory_space<vmem>>, vector<16xf32>,
      %mul3A_195 = arith.constant 10240 : i32
      %mul3A_196 = vector.broadcast %mul3A_195 : i32 to vector<16xi32>
      %mul3A_197 = arith.muli %convert_element_type3A_187, %mul3A_196 : vector<16xi32>
      %add3A_198 = arith.addi %get3A_178, %mul3A_197 : vector<16xi32>
      %add3A_199 = vector.broadcast %mul3A_57 : i32 to vector<16xi32>
      %add3A_200 = arith.addi %add3A_198, %add3A_199 : vector<16xi32>
      %swap3A_201 = arith.constant 48 : index
      %swap3A_202 = tpu.vector_load %arg17[%swap3A_201] {strides = array<i32>} : memref<128xi32, #tpu.memory_space<vmem>>, vector<16xi32>,
      tpu.vector_store %arg17[%swap3A_201], %add3A_200 {strides = array<i32>} : memref<128xi32, #tpu.memory_space<vmem>>, vector<16xi32>,
      %mul3A_203 = arith.constant 10240 : i32
      %mul3A_204 = vector.broadcast %mul3A_203 : i32 to vector<16xi32>
      %mul3A_205 = arith.muli %convert_element_type3A_187, %mul3A_204 : vector<16xi32>
      %add3A_206 = arith.addi %get3A_180, %mul3A_205 : vector<16xi32>
      %swap3A_207 = arith.constant 0 : i32
      %swap3A_208 = arith.index_cast %swap3A_207 : i32 to index
      %swap3A_209 = arith.constant 48 : index
      %swap3A_210 = tpu.vector_load %arg19[%swap3A_208, %swap3A_209] {strides = array<i32>} : memref<1x128xi32, #tpu.memory_space<vmem>>, vector<16xi32>,
      tpu.vector_store %arg19[%swap3A_208, %swap3A_209], %add3A_206 {strides = array<i32>} : memref<1x128xi32, #tpu.memory_space<vmem>>, vector<16xi32>,
      %get3A_211 = arith.constant 64 : index
      %get3A_212 = tpu.vector_load %arg11[%get3A_211] {strides = array<i32>} : memref<5120xi32, #tpu.memory_space<vmem>>, vector<16xi32>,
      %get3A_213 = arith.constant 64 : index
      %get3A_214 = tpu.vector_load %arg12[%get3A_213] {strides = array<i32>} : memref<5120xi32, #tpu.memory_space<vmem>>, vector<16xi32>,
      %gather3A_215 = tpu.vector_load_idx %arg9[%get3A_212] : memref<10240xf32, #tpu.memory_space<vmem>>[vector<16xi32>], vector<16xf32>,
      %gather3A_216 = tpu.vector_load_idx %arg10[%get3A_214] : memref<10240xf32, #tpu.memory_space<vmem>>[vector<16xi32>], vector<16xf32>,
      %add3A_217 = arith.addf %gather3A_215, %gather3A_216 : vector<16xf32>
      %lt3A_218 = arith.constant 0.000000e+00 : f32
      %lt3A_219 = vector.broadcast %lt3A_218 : f32 to vector<16xf32>
      %lt3A_220 = arith.cmpf olt, %add3A_217, %lt3A_219 : vector<16xf32>
      %convert_element_type3A_221 = arith.extui %lt3A_220 : vector<16xi1> to vector<16xi32>
      %mul3A_222 = arith.constant 2.000000e-01 : f32
      %mul3A_223 = vector.broadcast %mul3A_222 : f32 to vector<16xf32>
      %mul3A_224 = arith.mulf %mul3A_223, %gather3A_215 : vector<16xf32>
      %select_n3A_225 = arith.select %lt3A_220, %mul3A_224, %gather3A_215 : vector<16xi1>, vector<16xf32>
      %exp3A_226 = math.exp %select_n3A_225 : vector<16xf32>
      %swap3A_227 = arith.constant 64 : index
      %swap3A_228 = tpu.vector_load %arg15[%swap3A_227] {strides = array<i32>} : memref<128xf32, #tpu.memory_space<vmem>>, vector<16xf32>,
      tpu.vector_store %arg15[%swap3A_227], %exp3A_226 {strides = array<i32>} : memref<128xf32, #tpu.memory_space<vmem>>, vector<16xf32>,
      %mul3A_229 = arith.constant 10240 : i32
      %mul3A_230 = vector.broadcast %mul3A_229 : i32 to vector<16xi32>
      %mul3A_231 = arith.muli %convert_element_type3A_221, %mul3A_230 : vector<16xi32>
      %add3A_232 = arith.addi %get3A_212, %mul3A_231 : vector<16xi32>
      %add3A_233 = vector.broadcast %mul3A_57 : i32 to vector<16xi32>
      %add3A_234 = arith.addi %add3A_232, %add3A_233 : vector<16xi32>
      %swap3A_235 = arith.constant 64 : index
      %swap3A_236 = tpu.vector_load %arg17[%swap3A_235] {strides = array<i32>} : memref<128xi32, #tpu.memory_space<vmem>>, vector<16xi32>,
      tpu.vector_store %arg17[%swap3A_235], %add3A_234 {strides = array<i32>} : memref<128xi32, #tpu.memory_space<vmem>>, vector<16xi32>,
      %mul3A_237 = arith.constant 10240 : i32
      %mul3A_238 = vector.broadcast %mul3A_237 : i32 to vector<16xi32>
      %mul3A_239 = arith.muli %convert_element_type3A_221, %mul3A_238 : vector<16xi32>
      %add3A_240 = arith.addi %get3A_214, %mul3A_239 : vector<16xi32>
      %swap3A_241 = arith.constant 0 : i32
      %swap3A_242 = arith.index_cast %swap3A_241 : i32 to index
      %swap3A_243 = arith.constant 64 : index
      %swap3A_244 = tpu.vector_load %arg19[%swap3A_242, %swap3A_243] {strides = array<i32>} : memref<1x128xi32, #tpu.memory_space<vmem>>, vector<16xi32>,
      tpu.vector_store %arg19[%swap3A_242, %swap3A_243], %add3A_240 {strides = array<i32>} : memref<1x128xi32, #tpu.memory_space<vmem>>, vector<16xi32>,
      %get3A_245 = arith.constant 80 : index
      %get3A_246 = tpu.vector_load %arg11[%get3A_245] {strides = array<i32>} : memref<5120xi32, #tpu.memory_space<vmem>>, vector<16xi32>,
      %get3A_247 = arith.constant 80 : index
      %get3A_248 = tpu.vector_load %arg12[%get3A_247] {strides = array<i32>} : memref<5120xi32, #tpu.memory_space<vmem>>, vector<16xi32>,
      %gather3A_249 = tpu.vector_load_idx %arg9[%get3A_246] : memref<10240xf32, #tpu.memory_space<vmem>>[vector<16xi32>], vector<16xf32>,
      %gather3A_250 = tpu.vector_load_idx %arg10[%get3A_248] : memref<10240xf32, #tpu.memory_space<vmem>>[vector<16xi32>], vector<16xf32>,
      %add3A_251 = arith.addf %gather3A_249, %gather3A_250 : vector<16xf32>
      %lt3A_252 = arith.constant 0.000000e+00 : f32
      %lt3A_253 = vector.broadcast %lt3A_252 : f32 to vector<16xf32>
      %lt3A_254 = arith.cmpf olt, %add3A_251, %lt3A_253 : vector<16xf32>
      %convert_element_type3A_255 = arith.extui %lt3A_254 : vector<16xi1> to vector<16xi32>
      %mul3A_256 = arith.constant 2.000000e-01 : f32
      %mul3A_257 = vector.broadcast %mul3A_256 : f32 to vector<16xf32>
      %mul3A_258 = arith.mulf %mul3A_257, %gather3A_249 : vector<16xf32>
      %select_n3A_259 = arith.select %lt3A_254, %mul3A_258, %gather3A_249 : vector<16xi1>, vector<16xf32>
      %exp3A_260 = math.exp %select_n3A_259 : vector<16xf32>
      %swap3A_261 = arith.constant 80 : index
      %swap3A_262 = tpu.vector_load %arg15[%swap3A_261] {strides = array<i32>} : memref<128xf32, #tpu.memory_space<vmem>>, vector<16xf32>,
      tpu.vector_store %arg15[%swap3A_261], %exp3A_260 {strides = array<i32>} : memref<128xf32, #tpu.memory_space<vmem>>, vector<16xf32>,
      %mul3A_263 = arith.constant 10240 : i32
      %mul3A_264 = vector.broadcast %mul3A_263 : i32 to vector<16xi32>
      %mul3A_265 = arith.muli %convert_element_type3A_255, %mul3A_264 : vector<16xi32>
      %add3A_266 = arith.addi %get3A_246, %mul3A_265 : vector<16xi32>
      %add3A_267 = vector.broadcast %mul3A_57 : i32 to vector<16xi32>
      %add3A_268 = arith.addi %add3A_266, %add3A_267 : vector<16xi32>
      %swap3A_269 = arith.constant 80 : index
      %swap3A_270 = tpu.vector_load %arg17[%swap3A_269] {strides = array<i32>} : memref<128xi32, #tpu.memory_space<vmem>>, vector<16xi32>,
      tpu.vector_store %arg17[%swap3A_269], %add3A_268 {strides = array<i32>} : memref<128xi32, #tpu.memory_space<vmem>>, vector<16xi32>,
      %mul3A_271 = arith.constant 10240 : i32
      %mul3A_272 = vector.broadcast %mul3A_271 : i32 to vector<16xi32>
      %mul3A_273 = arith.muli %convert_element_type3A_255, %mul3A_272 : vector<16xi32>
      %add3A_274 = arith.addi %get3A_248, %mul3A_273 : vector<16xi32>
      %swap3A_275 = arith.constant 0 : i32
      %swap3A_276 = arith.index_cast %swap3A_275 : i32 to index
      %swap3A_277 = arith.constant 80 : index
      %swap3A_278 = tpu.vector_load %arg19[%swap3A_276, %swap3A_277] {strides = array<i32>} : memref<1x128xi32, #tpu.memory_space<vmem>>, vector<16xi32>,
      tpu.vector_store %arg19[%swap3A_276, %swap3A_277], %add3A_274 {strides = array<i32>} : memref<1x128xi32, #tpu.memory_space<vmem>>, vector<16xi32>,
      %get3A_279 = arith.constant 96 : index
      %get3A_280 = tpu.vector_load %arg11[%get3A_279] {strides = array<i32>} : memref<5120xi32, #tpu.memory_space<vmem>>, vector<16xi32>,
      %get3A_281 = arith.constant 96 : index
      %get3A_282 = tpu.vector_load %arg12[%get3A_281] {strides = array<i32>} : memref<5120xi32, #tpu.memory_space<vmem>>, vector<16xi32>,
      %gather3A_283 = tpu.vector_load_idx %arg9[%get3A_280] : memref<10240xf32, #tpu.memory_space<vmem>>[vector<16xi32>], vector<16xf32>,
      %gather3A_284 = tpu.vector_load_idx %arg10[%get3A_282] : memref<10240xf32, #tpu.memory_space<vmem>>[vector<16xi32>], vector<16xf32>,
      %add3A_285 = arith.addf %gather3A_283, %gather3A_284 : vector<16xf32>
      %lt3A_286 = arith.constant 0.000000e+00 : f32
      %lt3A_287 = vector.broadcast %lt3A_286 : f32 to vector<16xf32>
      %lt3A_288 = arith.cmpf olt, %add3A_285, %lt3A_287 : vector<16xf32>
      %convert_element_type3A_289 = arith.extui %lt3A_288 : vector<16xi1> to vector<16xi32>
      %mul3A_290 = arith.constant 2.000000e-01 : f32
      %mul3A_291 = vector.broadcast %mul3A_290 : f32 to vector<16xf32>
      %mul3A_292 = arith.mulf %mul3A_291, %gather3A_283 : vector<16xf32>
      %select_n3A_293 = arith.select %lt3A_288, %mul3A_292, %gather3A_283 : vector<16xi1>, vector<16xf32>
      %exp3A_294 = math.exp %select_n3A_293 : vector<16xf32>
      %swap3A_295 = arith.constant 96 : index
      %swap3A_296 = tpu.vector_load %arg15[%swap3A_295] {strides = array<i32>} : memref<128xf32, #tpu.memory_space<vmem>>, vector<16xf32>,
      tpu.vector_store %arg15[%swap3A_295], %exp3A_294 {strides = array<i32>} : memref<128xf32, #tpu.memory_space<vmem>>, vector<16xf32>,
      %mul3A_297 = arith.constant 10240 : i32
      %mul3A_298 = vector.broadcast %mul3A_297 : i32 to vector<16xi32>
      %mul3A_299 = arith.muli %convert_element_type3A_289, %mul3A_298 : vector<16xi32>
      %add3A_300 = arith.addi %get3A_280, %mul3A_299 : vector<16xi32>
      %add3A_301 = vector.broadcast %mul3A_57 : i32 to vector<16xi32>
      %add3A_302 = arith.addi %add3A_300, %add3A_301 : vector<16xi32>
      %swap3A_303 = arith.constant 96 : index
      %swap3A_304 = tpu.vector_load %arg17[%swap3A_303] {strides = array<i32>} : memref<128xi32, #tpu.memory_space<vmem>>, vector<16xi32>,
      tpu.vector_store %arg17[%swap3A_303], %add3A_302 {strides = array<i32>} : memref<128xi32, #tpu.memory_space<vmem>>, vector<16xi32>,
      %mul3A_305 = arith.constant 10240 : i32
      %mul3A_306 = vector.broadcast %mul3A_305 : i32 to vector<16xi32>
      %mul3A_307 = arith.muli %convert_element_type3A_289, %mul3A_306 : vector<16xi32>
      %add3A_308 = arith.addi %get3A_282, %mul3A_307 : vector<16xi32>
      %swap3A_309 = arith.constant 0 : i32
      %swap3A_310 = arith.index_cast %swap3A_309 : i32 to index
      %swap3A_311 = arith.constant 96 : index
      %swap3A_312 = tpu.vector_load %arg19[%swap3A_310, %swap3A_311] {strides = array<i32>} : memref<1x128xi32, #tpu.memory_space<vmem>>, vector<16xi32>,
      tpu.vector_store %arg19[%swap3A_310, %swap3A_311], %add3A_308 {strides = array<i32>} : memref<1x128xi32, #tpu.memory_space<vmem>>, vector<16xi32>,
      %get3A_313 = arith.constant 112 : index
      %get3A_314 = tpu.vector_load %arg11[%get3A_313] {strides = array<i32>} : memref<5120xi32, #tpu.memory_space<vmem>>, vector<16xi32>,
      %get3A_315 = arith.constant 112 : index
      %get3A_316 = tpu.vector_load %arg12[%get3A_315] {strides = array<i32>} : memref<5120xi32, #tpu.memory_space<vmem>>, vector<16xi32>,
      %gather3A_317 = tpu.vector_load_idx %arg9[%get3A_314] : memref<10240xf32, #tpu.memory_space<vmem>>[vector<16xi32>], vector<16xf32>,
      %gather3A_318 = tpu.vector_load_idx %arg10[%get3A_316] : memref<10240xf32, #tpu.memory_space<vmem>>[vector<16xi32>], vector<16xf32>,
      %add3A_319 = arith.addf %gather3A_317, %gather3A_318 : vector<16xf32>
      %lt3A_320 = arith.constant 0.000000e+00 : f32
      %lt3A_321 = vector.broadcast %lt3A_320 : f32 to vector<16xf32>
      %lt3A_322 = arith.cmpf olt, %add3A_319, %lt3A_321 : vector<16xf32>
      %convert_element_type3A_323 = arith.extui %lt3A_322 : vector<16xi1> to vector<16xi32>
      %mul3A_324 = arith.constant 2.000000e-01 : f32
      %mul3A_325 = vector.broadcast %mul3A_324 : f32 to vector<16xf32>
      %mul3A_326 = arith.mulf %mul3A_325, %gather3A_317 : vector<16xf32>
      %select_n3A_327 = arith.select %lt3A_322, %mul3A_326, %gather3A_317 : vector<16xi1>, vector<16xf32>
      %exp3A_328 = math.exp %select_n3A_327 : vector<16xf32>
      %swap3A_329 = arith.constant 112 : index
      %swap3A_330 = tpu.vector_load %arg15[%swap3A_329] {strides = array<i32>} : memref<128xf32, #tpu.memory_space<vmem>>, vector<16xf32>,
      tpu.vector_store %arg15[%swap3A_329], %exp3A_328 {strides = array<i32>} : memref<128xf32, #tpu.memory_space<vmem>>, vector<16xf32>,
      %mul3A_331 = arith.constant 10240 : i32
      %mul3A_332 = vector.broadcast %mul3A_331 : i32 to vector<16xi32>
      %mul3A_333 = arith.muli %convert_element_type3A_323, %mul3A_332 : vector<16xi32>
      %add3A_334 = arith.addi %get3A_314, %mul3A_333 : vector<16xi32>
      %add3A_335 = vector.broadcast %mul3A_57 : i32 to vector<16xi32>
      %add3A_336 = arith.addi %add3A_334, %add3A_335 : vector<16xi32>
      %swap3A_337 = arith.constant 112 : index
      %swap3A_338 = tpu.vector_load %arg17[%swap3A_337] {strides = array<i32>} : memref<128xi32, #tpu.memory_space<vmem>>, vector<16xi32>,
      tpu.vector_store %arg17[%swap3A_337], %add3A_336 {strides = array<i32>} : memref<128xi32, #tpu.memory_space<vmem>>, vector<16xi32>,
      %mul3A_339 = arith.constant 10240 : i32
      %mul3A_340 = vector.broadcast %mul3A_339 : i32 to vector<16xi32>
      %mul3A_341 = arith.muli %convert_element_type3A_323, %mul3A_340 : vector<16xi32>
      %add3A_342 = arith.addi %get3A_316, %mul3A_341 : vector<16xi32>
      %swap3A_343 = arith.constant 0 : i32
      %swap3A_344 = arith.index_cast %swap3A_343 : i32 to index
      %swap3A_345 = arith.constant 112 : index
      %swap3A_346 = tpu.vector_load %arg19[%swap3A_344, %swap3A_345] {strides = array<i32>} : memref<1x128xi32, #tpu.memory_space<vmem>>, vector<16xi32>,
      tpu.vector_store %arg19[%swap3A_344, %swap3A_345], %add3A_342 {strides = array<i32>} : memref<1x128xi32, #tpu.memory_space<vmem>>, vector<16xi32>,
      %dma_start3A = arith.constant 0 : i32
      %dma_start3A_347 = arith.constant 0 : i32
      %dma_start3A_348 = tpu.memref_slice %arg4[%dma_start3A, %dma_start3A_347] : memref<40960x64xf32, #tpu.memory_space<hbm>> -> memref<40960x64xf32, #tpu.memory_space<hbm>>
      tpu.enqueue_indirect_dma source(%dma_start3A_348 : memref<40960x64xf32, #tpu.memory_space<hbm>>) target(%arg13 : memref<128x64xf32, #tpu.memory_space<vmem>>) offsets(%arg17 : memref<128xi32, #tpu.memory_space<vmem>>) semaphore(%arg23 : memref<!tpu.dma_semaphore, #tpu.memory_space<semaphore_mem>>)
      %scan3A_349 = arith.constant 0 : i32
      %scan3A_350 = arith.constant 0 : i32
      %scan3A_351 = arith.constant 20 : i32
      %scan3A_352 = arith.addi %scan3A_350, %scan3A_351 : i32
      %scan3A_353 = arith.constant 1 : i32
      %scan3A_354 = scf.for %scan3A_369 = %scan3A_350 to %scan3A_352 step %scan3A_353 iter_args(%scan3A_370 = %scan3A_349) -> (i32)  : i32 {
        %mul3A_371 = arith.constant 2 : i32
        %mul3A_372 = arith.muli %mul3A_371, %scan3A_369 : i32
        %gt3A = arith.constant 0 : i32
        %gt3A_373 = arith.cmpi sgt, %scan3A_369, %gt3A : i32
        %convert_element_type3A_374 = arith.extui %gt3A_373 : i1 to i32
        %cond3A = arith.constant 0 : i32
        %cond3A_375 = arith.cmpi ne, %convert_element_type3A_374, %cond3A : i32
        scf.if %cond3A_375 {
          %dma_wait3A_724 = arith.constant 0 : i32
          %dma_wait3A_725 = arith.constant 0 : i32
          %dma_wait3A_726 = tpu.memref_slice %arg20[%dma_wait3A_724, %dma_wait3A_725] : memref<1x128xi32, #tpu.memory_space<vmem>> -> memref<1x128xi32, #tpu.memory_space<vmem>>
          %dma_wait3A_727 = tpu.memref_squeeze %dma_wait3A_726 : memref<1x128xi32, #tpu.memory_space<vmem>> -> memref<128xi32, #tpu.memory_space<vmem>>
          %dma_wait3A_728 = arith.constant 0 : i32
          %dma_wait3A_729 = arith.constant 0 : i32
          %dma_wait3A_730 = tpu.memref_slice %arg21[%dma_wait3A_728, %dma_wait3A_729] : memref<20480x64xf32, #tpu.memory_space<vmem_shared>> -> memref<20480x64xf32, #tpu.memory_space<vmem_shared>>
          tpu.wait_indirect_dma semaphore(%arg26 : memref<!tpu.dma_semaphore, #tpu.memory_space<semaphore_mem>>) src(%arg14 : memref<128x64xf32, #tpu.memory_space<vmem>>) dst(%dma_wait3A_730 : memref<20480x64xf32, #tpu.memory_space<vmem_shared>>)
          %dma_wait3A_731 = arith.constant 0 : i32
          %dma_wait3A_732 = arith.constant 0 : i32
          %dma_wait3A_733 = tpu.memref_slice %arg20[%dma_wait3A_731, %dma_wait3A_732] : memref<1x128xi32, #tpu.memory_space<vmem>> -> memref<1x128xi32, #tpu.memory_space<vmem>>
          %dma_wait3A_734 = tpu.memref_squeeze %dma_wait3A_733 : memref<1x128xi32, #tpu.memory_space<vmem>> -> memref<128xi32, #tpu.memory_space<vmem>>
          %dma_wait3A_735 = arith.constant 0 : i32
          %dma_wait3A_736 = tpu.memref_slice %arg22[%dma_wait3A_735] : memref<20480xf32, #tpu.memory_space<vmem_shared>> -> memref<20480xf32, #tpu.memory_space<vmem_shared>>
          tpu.wait_indirect_dma semaphore(%arg28 : memref<!tpu.dma_semaphore, #tpu.memory_space<semaphore_mem>>) src(%arg16 : memref<128xf32, #tpu.memory_space<vmem>>) dst(%dma_wait3A_736 : memref<20480xf32, #tpu.memory_space<vmem_shared>>)
        } else {
        }
        %add3A_376 = arith.constant 1 : i32
        %add3A_377 = arith.addi %mul3A_372, %add3A_376 : i32
        %mul3A_378 = arith.constant 128 : i32
        %mul3A_379 = arith.muli %add3A_377, %mul3A_378 : i32
        %add3A_380 = arith.constant 0 : i32
        %add3A_381 = arith.addi %mul3A_379, %add3A_380 : i32
        %get3A_382 = arith.index_cast %add3A_381 : i32 to index
        %get3A_383 = tpu.vector_load %arg11[%get3A_382] {strides = array<i32>} : memref<5120xi32, #tpu.memory_space<vmem>>, vector<16xi32>,
        %get3A_384 = arith.index_cast %add3A_381 : i32 to index
        %get3A_385 = tpu.vector_load %arg12[%get3A_384] {strides = array<i32>} : memref<5120xi32, #tpu.memory_space<vmem>>, vector<16xi32>,
        %gather3A_386 = tpu.vector_load_idx %arg9[%get3A_383] : memref<10240xf32, #tpu.memory_space<vmem>>[vector<16xi32>], vector<16xf32>,
        %gather3A_387 = tpu.vector_load_idx %arg10[%get3A_385] : memref<10240xf32, #tpu.memory_space<vmem>>[vector<16xi32>], vector<16xf32>,
        %add3A_388 = arith.addf %gather3A_386, %gather3A_387 : vector<16xf32>
        %lt3A_389 = arith.constant 0.000000e+00 : f32
        %lt3A_390 = vector.broadcast %lt3A_389 : f32 to vector<16xf32>
        %lt3A_391 = arith.cmpf olt, %add3A_388, %lt3A_390 : vector<16xf32>
        %convert_element_type3A_392 = arith.extui %lt3A_391 : vector<16xi1> to vector<16xi32>
        %mul3A_393 = arith.constant 2.000000e-01 : f32
        %mul3A_394 = vector.broadcast %mul3A_393 : f32 to vector<16xf32>
        %mul3A_395 = arith.mulf %mul3A_394, %gather3A_386 : vector<16xf32>
        %select_n3A_396 = arith.select %lt3A_391, %mul3A_395, %gather3A_386 : vector<16xi1>, vector<16xf32>
        %exp3A_397 = math.exp %select_n3A_396 : vector<16xf32>
        %swap3A_398 = arith.constant 0 : index
        %swap3A_399 = tpu.vector_load %arg16[%swap3A_398] {strides = array<i32>} : memref<128xf32, #tpu.memory_space<vmem>>, vector<16xf32>,
        tpu.vector_store %arg16[%swap3A_398], %exp3A_397 {strides = array<i32>} : memref<128xf32, #tpu.memory_space<vmem>>, vector<16xf32>,
        %mul3A_400 = arith.constant 10240 : i32
        %mul3A_401 = vector.broadcast %mul3A_400 : i32 to vector<16xi32>
        %mul3A_402 = arith.muli %convert_element_type3A_392, %mul3A_401 : vector<16xi32>
        %add3A_403 = arith.addi %get3A_383, %mul3A_402 : vector<16xi32>
        %add3A_404 = vector.broadcast %mul3A_57 : i32 to vector<16xi32>
        %add3A_405 = arith.addi %add3A_403, %add3A_404 : vector<16xi32>
        %swap3A_406 = arith.constant 0 : index
        %swap3A_407 = tpu.vector_load %arg18[%swap3A_406] {strides = array<i32>} : memref<128xi32, #tpu.memory_space<vmem>>, vector<16xi32>,
        tpu.vector_store %arg18[%swap3A_406], %add3A_405 {strides = array<i32>} : memref<128xi32, #tpu.memory_space<vmem>>, vector<16xi32>,
        %mul3A_408 = arith.constant 10240 : i32
        %mul3A_409 = vector.broadcast %mul3A_408 : i32 to vector<16xi32>
        %mul3A_410 = arith.muli %convert_element_type3A_392, %mul3A_409 : vector<16xi32>
        %add3A_411 = arith.addi %get3A_385, %mul3A_410 : vector<16xi32>
        %swap3A_412 = arith.constant 0 : i32
        %swap3A_413 = arith.index_cast %swap3A_412 : i32 to index
        %swap3A_414 = arith.constant 0 : index
        %swap3A_415 = tpu.vector_load %arg20[%swap3A_413, %swap3A_414] {strides = array<i32>} : memref<1x128xi32, #tpu.memory_space<vmem>>, vector<16xi32>,
        tpu.vector_store %arg20[%swap3A_413, %swap3A_414], %add3A_411 {strides = array<i32>} : memref<1x128xi32, #tpu.memory_space<vmem>>, vector<16xi32>,
        %add3A_416 = arith.constant 16 : i32
        %add3A_417 = arith.addi %mul3A_379, %add3A_416 : i32
        %get3A_418 = arith.index_cast %add3A_417 : i32 to index
        %get3A_419 = tpu.vector_load %arg11[%get3A_418] {strides = array<i32>} : memref<5120xi32, #tpu.memory_space<vmem>>, vector<16xi32>,
        %get3A_420 = arith.index_cast %add3A_417 : i32 to index
        %get3A_421 = tpu.vector_load %arg12[%get3A_420] {strides = array<i32>} : memref<5120xi32, #tpu.memory_space<vmem>>, vector<16xi32>,
        %gather3A_422 = tpu.vector_load_idx %arg9[%get3A_419] : memref<10240xf32, #tpu.memory_space<vmem>>[vector<16xi32>], vector<16xf32>,
        %gather3A_423 = tpu.vector_load_idx %arg10[%get3A_421] : memref<10240xf32, #tpu.memory_space<vmem>>[vector<16xi32>], vector<16xf32>,
        %add3A_424 = arith.addf %gather3A_422, %gather3A_423 : vector<16xf32>
        %lt3A_425 = arith.constant 0.000000e+00 : f32
        %lt3A_426 = vector.broadcast %lt3A_425 : f32 to vector<16xf32>
        %lt3A_427 = arith.cmpf olt, %add3A_424, %lt3A_426 : vector<16xf32>
        %convert_element_type3A_428 = arith.extui %lt3A_427 : vector<16xi1> to vector<16xi32>
        %mul3A_429 = arith.constant 2.000000e-01 : f32
        %mul3A_430 = vector.broadcast %mul3A_429 : f32 to vector<16xf32>
        %mul3A_431 = arith.mulf %mul3A_430, %gather3A_422 : vector<16xf32>
        %select_n3A_432 = arith.select %lt3A_427, %mul3A_431, %gather3A_422 : vector<16xi1>, vector<16xf32>
        %exp3A_433 = math.exp %select_n3A_432 : vector<16xf32>
        %swap3A_434 = arith.constant 16 : index
        %swap3A_435 = tpu.vector_load %arg16[%swap3A_434] {strides = array<i32>} : memref<128xf32, #tpu.memory_space<vmem>>, vector<16xf32>,
        tpu.vector_store %arg16[%swap3A_434], %exp3A_433 {strides = array<i32>} : memref<128xf32, #tpu.memory_space<vmem>>, vector<16xf32>,
        %mul3A_436 = arith.constant 10240 : i32
        %mul3A_437 = vector.broadcast %mul3A_436 : i32 to vector<16xi32>
        %mul3A_438 = arith.muli %convert_element_type3A_428, %mul3A_437 : vector<16xi32>
        %add3A_439 = arith.addi %get3A_419, %mul3A_438 : vector<16xi32>
        %add3A_440 = vector.broadcast %mul3A_57 : i32 to vector<16xi32>
        %add3A_441 = arith.addi %add3A_439, %add3A_440 : vector<16xi32>
        %swap3A_442 = arith.constant 16 : index
        %swap3A_443 = tpu.vector_load %arg18[%swap3A_442] {strides = array<i32>} : memref<128xi32, #tpu.memory_space<vmem>>, vector<16xi32>,
        tpu.vector_store %arg18[%swap3A_442], %add3A_441 {strides = array<i32>} : memref<128xi32, #tpu.memory_space<vmem>>, vector<16xi32>,
        %mul3A_444 = arith.constant 10240 : i32
        %mul3A_445 = vector.broadcast %mul3A_444 : i32 to vector<16xi32>
        %mul3A_446 = arith.muli %convert_element_type3A_428, %mul3A_445 : vector<16xi32>
        %add3A_447 = arith.addi %get3A_421, %mul3A_446 : vector<16xi32>
        %swap3A_448 = arith.constant 0 : i32
        %swap3A_449 = arith.index_cast %swap3A_448 : i32 to index
        %swap3A_450 = arith.constant 16 : index
        %swap3A_451 = tpu.vector_load %arg20[%swap3A_449, %swap3A_450] {strides = array<i32>} : memref<1x128xi32, #tpu.memory_space<vmem>>, vector<16xi32>,
        tpu.vector_store %arg20[%swap3A_449, %swap3A_450], %add3A_447 {strides = array<i32>} : memref<1x128xi32, #tpu.memory_space<vmem>>, vector<16xi32>,
        %add3A_452 = arith.constant 32 : i32
        %add3A_453 = arith.addi %mul3A_379, %add3A_452 : i32
        %get3A_454 = arith.index_cast %add3A_453 : i32 to index
        %get3A_455 = tpu.vector_load %arg11[%get3A_454] {strides = array<i32>} : memref<5120xi32, #tpu.memory_space<vmem>>, vector<16xi32>,
        %get3A_456 = arith.index_cast %add3A_453 : i32 to index
        %get3A_457 = tpu.vector_load %arg12[%get3A_456] {strides = array<i32>} : memref<5120xi32, #tpu.memory_space<vmem>>, vector<16xi32>,
        %gather3A_458 = tpu.vector_load_idx %arg9[%get3A_455] : memref<10240xf32, #tpu.memory_space<vmem>>[vector<16xi32>], vector<16xf32>,
        %gather3A_459 = tpu.vector_load_idx %arg10[%get3A_457] : memref<10240xf32, #tpu.memory_space<vmem>>[vector<16xi32>], vector<16xf32>,
        %add3A_460 = arith.addf %gather3A_458, %gather3A_459 : vector<16xf32>
        %lt3A_461 = arith.constant 0.000000e+00 : f32
        %lt3A_462 = vector.broadcast %lt3A_461 : f32 to vector<16xf32>
        %lt3A_463 = arith.cmpf olt, %add3A_460, %lt3A_462 : vector<16xf32>
        %convert_element_type3A_464 = arith.extui %lt3A_463 : vector<16xi1> to vector<16xi32>
        %mul3A_465 = arith.constant 2.000000e-01 : f32
        %mul3A_466 = vector.broadcast %mul3A_465 : f32 to vector<16xf32>
        %mul3A_467 = arith.mulf %mul3A_466, %gather3A_458 : vector<16xf32>
        %select_n3A_468 = arith.select %lt3A_463, %mul3A_467, %gather3A_458 : vector<16xi1>, vector<16xf32>
        %exp3A_469 = math.exp %select_n3A_468 : vector<16xf32>
        %swap3A_470 = arith.constant 32 : index
        %swap3A_471 = tpu.vector_load %arg16[%swap3A_470] {strides = array<i32>} : memref<128xf32, #tpu.memory_space<vmem>>, vector<16xf32>,
        tpu.vector_store %arg16[%swap3A_470], %exp3A_469 {strides = array<i32>} : memref<128xf32, #tpu.memory_space<vmem>>, vector<16xf32>,
        %mul3A_472 = arith.constant 10240 : i32
        %mul3A_473 = vector.broadcast %mul3A_472 : i32 to vector<16xi32>
        %mul3A_474 = arith.muli %convert_element_type3A_464, %mul3A_473 : vector<16xi32>
        %add3A_475 = arith.addi %get3A_455, %mul3A_474 : vector<16xi32>
        %add3A_476 = vector.broadcast %mul3A_57 : i32 to vector<16xi32>
        %add3A_477 = arith.addi %add3A_475, %add3A_476 : vector<16xi32>
        %swap3A_478 = arith.constant 32 : index
        %swap3A_479 = tpu.vector_load %arg18[%swap3A_478] {strides = array<i32>} : memref<128xi32, #tpu.memory_space<vmem>>, vector<16xi32>,
        tpu.vector_store %arg18[%swap3A_478], %add3A_477 {strides = array<i32>} : memref<128xi32, #tpu.memory_space<vmem>>, vector<16xi32>,
        %mul3A_480 = arith.constant 10240 : i32
        %mul3A_481 = vector.broadcast %mul3A_480 : i32 to vector<16xi32>
        %mul3A_482 = arith.muli %convert_element_type3A_464, %mul3A_481 : vector<16xi32>
        %add3A_483 = arith.addi %get3A_457, %mul3A_482 : vector<16xi32>
        %swap3A_484 = arith.constant 0 : i32
        %swap3A_485 = arith.index_cast %swap3A_484 : i32 to index
        %swap3A_486 = arith.constant 32 : index
        %swap3A_487 = tpu.vector_load %arg20[%swap3A_485, %swap3A_486] {strides = array<i32>} : memref<1x128xi32, #tpu.memory_space<vmem>>, vector<16xi32>,
        tpu.vector_store %arg20[%swap3A_485, %swap3A_486], %add3A_483 {strides = array<i32>} : memref<1x128xi32, #tpu.memory_space<vmem>>, vector<16xi32>,
        %add3A_488 = arith.constant 48 : i32
        %add3A_489 = arith.addi %mul3A_379, %add3A_488 : i32
        %get3A_490 = arith.index_cast %add3A_489 : i32 to index
        %get3A_491 = tpu.vector_load %arg11[%get3A_490] {strides = array<i32>} : memref<5120xi32, #tpu.memory_space<vmem>>, vector<16xi32>,
        %get3A_492 = arith.index_cast %add3A_489 : i32 to index
        %get3A_493 = tpu.vector_load %arg12[%get3A_492] {strides = array<i32>} : memref<5120xi32, #tpu.memory_space<vmem>>, vector<16xi32>,
        %gather3A_494 = tpu.vector_load_idx %arg9[%get3A_491] : memref<10240xf32, #tpu.memory_space<vmem>>[vector<16xi32>], vector<16xf32>,
        %gather3A_495 = tpu.vector_load_idx %arg10[%get3A_493] : memref<10240xf32, #tpu.memory_space<vmem>>[vector<16xi32>], vector<16xf32>,
        %add3A_496 = arith.addf %gather3A_494, %gather3A_495 : vector<16xf32>
        %lt3A_497 = arith.constant 0.000000e+00 : f32
        %lt3A_498 = vector.broadcast %lt3A_497 : f32 to vector<16xf32>
        %lt3A_499 = arith.cmpf olt, %add3A_496, %lt3A_498 : vector<16xf32>
        %convert_element_type3A_500 = arith.extui %lt3A_499 : vector<16xi1> to vector<16xi32>
        %mul3A_501 = arith.constant 2.000000e-01 : f32
        %mul3A_502 = vector.broadcast %mul3A_501 : f32 to vector<16xf32>
        %mul3A_503 = arith.mulf %mul3A_502, %gather3A_494 : vector<16xf32>
        %select_n3A_504 = arith.select %lt3A_499, %mul3A_503, %gather3A_494 : vector<16xi1>, vector<16xf32>
        %exp3A_505 = math.exp %select_n3A_504 : vector<16xf32>
        %swap3A_506 = arith.constant 48 : index
        %swap3A_507 = tpu.vector_load %arg16[%swap3A_506] {strides = array<i32>} : memref<128xf32, #tpu.memory_space<vmem>>, vector<16xf32>,
        tpu.vector_store %arg16[%swap3A_506], %exp3A_505 {strides = array<i32>} : memref<128xf32, #tpu.memory_space<vmem>>, vector<16xf32>,
        %mul3A_508 = arith.constant 10240 : i32
        %mul3A_509 = vector.broadcast %mul3A_508 : i32 to vector<16xi32>
        %mul3A_510 = arith.muli %convert_element_type3A_500, %mul3A_509 : vector<16xi32>
        %add3A_511 = arith.addi %get3A_491, %mul3A_510 : vector<16xi32>
        %add3A_512 = vector.broadcast %mul3A_57 : i32 to vector<16xi32>
        %add3A_513 = arith.addi %add3A_511, %add3A_512 : vector<16xi32>
        %swap3A_514 = arith.constant 48 : index
        %swap3A_515 = tpu.vector_load %arg18[%swap3A_514] {strides = array<i32>} : memref<128xi32, #tpu.memory_space<vmem>>, vector<16xi32>,
        tpu.vector_store %arg18[%swap3A_514], %add3A_513 {strides = array<i32>} : memref<128xi32, #tpu.memory_space<vmem>>, vector<16xi32>,
        %mul3A_516 = arith.constant 10240 : i32
        %mul3A_517 = vector.broadcast %mul3A_516 : i32 to vector<16xi32>
        %mul3A_518 = arith.muli %convert_element_type3A_500, %mul3A_517 : vector<16xi32>
        %add3A_519 = arith.addi %get3A_493, %mul3A_518 : vector<16xi32>
        %swap3A_520 = arith.constant 0 : i32
        %swap3A_521 = arith.index_cast %swap3A_520 : i32 to index
        %swap3A_522 = arith.constant 48 : index
        %swap3A_523 = tpu.vector_load %arg20[%swap3A_521, %swap3A_522] {strides = array<i32>} : memref<1x128xi32, #tpu.memory_space<vmem>>, vector<16xi32>,
        tpu.vector_store %arg20[%swap3A_521, %swap3A_522], %add3A_519 {strides = array<i32>} : memref<1x128xi32, #tpu.memory_space<vmem>>, vector<16xi32>,
        %add3A_524 = arith.constant 64 : i32
        %add3A_525 = arith.addi %mul3A_379, %add3A_524 : i32
        %get3A_526 = arith.index_cast %add3A_525 : i32 to index
        %get3A_527 = tpu.vector_load %arg11[%get3A_526] {strides = array<i32>} : memref<5120xi32, #tpu.memory_space<vmem>>, vector<16xi32>,
        %get3A_528 = arith.index_cast %add3A_525 : i32 to index
        %get3A_529 = tpu.vector_load %arg12[%get3A_528] {strides = array<i32>} : memref<5120xi32, #tpu.memory_space<vmem>>, vector<16xi32>,
        %gather3A_530 = tpu.vector_load_idx %arg9[%get3A_527] : memref<10240xf32, #tpu.memory_space<vmem>>[vector<16xi32>], vector<16xf32>,
        %gather3A_531 = tpu.vector_load_idx %arg10[%get3A_529] : memref<10240xf32, #tpu.memory_space<vmem>>[vector<16xi32>], vector<16xf32>,
        %add3A_532 = arith.addf %gather3A_530, %gather3A_531 : vector<16xf32>
        %lt3A_533 = arith.constant 0.000000e+00 : f32
        %lt3A_534 = vector.broadcast %lt3A_533 : f32 to vector<16xf32>
        %lt3A_535 = arith.cmpf olt, %add3A_532, %lt3A_534 : vector<16xf32>
        %convert_element_type3A_536 = arith.extui %lt3A_535 : vector<16xi1> to vector<16xi32>
        %mul3A_537 = arith.constant 2.000000e-01 : f32
        %mul3A_538 = vector.broadcast %mul3A_537 : f32 to vector<16xf32>
        %mul3A_539 = arith.mulf %mul3A_538, %gather3A_530 : vector<16xf32>
        %select_n3A_540 = arith.select %lt3A_535, %mul3A_539, %gather3A_530 : vector<16xi1>, vector<16xf32>
        %exp3A_541 = math.exp %select_n3A_540 : vector<16xf32>
        %swap3A_542 = arith.constant 64 : index
        %swap3A_543 = tpu.vector_load %arg16[%swap3A_542] {strides = array<i32>} : memref<128xf32, #tpu.memory_space<vmem>>, vector<16xf32>,
        tpu.vector_store %arg16[%swap3A_542], %exp3A_541 {strides = array<i32>} : memref<128xf32, #tpu.memory_space<vmem>>, vector<16xf32>,
        %mul3A_544 = arith.constant 10240 : i32
        %mul3A_545 = vector.broadcast %mul3A_544 : i32 to vector<16xi32>
        %mul3A_546 = arith.muli %convert_element_type3A_536, %mul3A_545 : vector<16xi32>
        %add3A_547 = arith.addi %get3A_527, %mul3A_546 : vector<16xi32>
        %add3A_548 = vector.broadcast %mul3A_57 : i32 to vector<16xi32>
        %add3A_549 = arith.addi %add3A_547, %add3A_548 : vector<16xi32>
        %swap3A_550 = arith.constant 64 : index
        %swap3A_551 = tpu.vector_load %arg18[%swap3A_550] {strides = array<i32>} : memref<128xi32, #tpu.memory_space<vmem>>, vector<16xi32>,
        tpu.vector_store %arg18[%swap3A_550], %add3A_549 {strides = array<i32>} : memref<128xi32, #tpu.memory_space<vmem>>, vector<16xi32>,
        %mul3A_552 = arith.constant 10240 : i32
        %mul3A_553 = vector.broadcast %mul3A_552 : i32 to vector<16xi32>
        %mul3A_554 = arith.muli %convert_element_type3A_536, %mul3A_553 : vector<16xi32>
        %add3A_555 = arith.addi %get3A_529, %mul3A_554 : vector<16xi32>
        %swap3A_556 = arith.constant 0 : i32
        %swap3A_557 = arith.index_cast %swap3A_556 : i32 to index
        %swap3A_558 = arith.constant 64 : index
        %swap3A_559 = tpu.vector_load %arg20[%swap3A_557, %swap3A_558] {strides = array<i32>} : memref<1x128xi32, #tpu.memory_space<vmem>>, vector<16xi32>,
        tpu.vector_store %arg20[%swap3A_557, %swap3A_558], %add3A_555 {strides = array<i32>} : memref<1x128xi32, #tpu.memory_space<vmem>>, vector<16xi32>,
        %add3A_560 = arith.constant 80 : i32
        %add3A_561 = arith.addi %mul3A_379, %add3A_560 : i32
        %get3A_562 = arith.index_cast %add3A_561 : i32 to index
        %get3A_563 = tpu.vector_load %arg11[%get3A_562] {strides = array<i32>} : memref<5120xi32, #tpu.memory_space<vmem>>, vector<16xi32>,
        %get3A_564 = arith.index_cast %add3A_561 : i32 to index
        %get3A_565 = tpu.vector_load %arg12[%get3A_564] {strides = array<i32>} : memref<5120xi32, #tpu.memory_space<vmem>>, vector<16xi32>,
        %gather3A_566 = tpu.vector_load_idx %arg9[%get3A_563] : memref<10240xf32, #tpu.memory_space<vmem>>[vector<16xi32>], vector<16xf32>,
        %gather3A_567 = tpu.vector_load_idx %arg10[%get3A_565] : memref<10240xf32, #tpu.memory_space<vmem>>[vector<16xi32>], vector<16xf32>,
        %add3A_568 = arith.addf %gather3A_566, %gather3A_567 : vector<16xf32>
        %lt3A_569 = arith.constant 0.000000e+00 : f32
        %lt3A_570 = vector.broadcast %lt3A_569 : f32 to vector<16xf32>
        %lt3A_571 = arith.cmpf olt, %add3A_568, %lt3A_570 : vector<16xf32>
        %convert_element_type3A_572 = arith.extui %lt3A_571 : vector<16xi1> to vector<16xi32>
        %mul3A_573 = arith.constant 2.000000e-01 : f32
        %mul3A_574 = vector.broadcast %mul3A_573 : f32 to vector<16xf32>
        %mul3A_575 = arith.mulf %mul3A_574, %gather3A_566 : vector<16xf32>
        %select_n3A_576 = arith.select %lt3A_571, %mul3A_575, %gather3A_566 : vector<16xi1>, vector<16xf32>
        %exp3A_577 = math.exp %select_n3A_576 : vector<16xf32>
        %swap3A_578 = arith.constant 80 : index
        %swap3A_579 = tpu.vector_load %arg16[%swap3A_578] {strides = array<i32>} : memref<128xf32, #tpu.memory_space<vmem>>, vector<16xf32>,
        tpu.vector_store %arg16[%swap3A_578], %exp3A_577 {strides = array<i32>} : memref<128xf32, #tpu.memory_space<vmem>>, vector<16xf32>,
        %mul3A_580 = arith.constant 10240 : i32
        %mul3A_581 = vector.broadcast %mul3A_580 : i32 to vector<16xi32>
        %mul3A_582 = arith.muli %convert_element_type3A_572, %mul3A_581 : vector<16xi32>
        %add3A_583 = arith.addi %get3A_563, %mul3A_582 : vector<16xi32>
        %add3A_584 = vector.broadcast %mul3A_57 : i32 to vector<16xi32>
        %add3A_585 = arith.addi %add3A_583, %add3A_584 : vector<16xi32>
        %swap3A_586 = arith.constant 80 : index
        %swap3A_587 = tpu.vector_load %arg18[%swap3A_586] {strides = array<i32>} : memref<128xi32, #tpu.memory_space<vmem>>, vector<16xi32>,
        tpu.vector_store %arg18[%swap3A_586], %add3A_585 {strides = array<i32>} : memref<128xi32, #tpu.memory_space<vmem>>, vector<16xi32>,
        %mul3A_588 = arith.constant 10240 : i32
        %mul3A_589 = vector.broadcast %mul3A_588 : i32 to vector<16xi32>
        %mul3A_590 = arith.muli %convert_element_type3A_572, %mul3A_589 : vector<16xi32>
        %add3A_591 = arith.addi %get3A_565, %mul3A_590 : vector<16xi32>
        %swap3A_592 = arith.constant 0 : i32
        %swap3A_593 = arith.index_cast %swap3A_592 : i32 to index
        %swap3A_594 = arith.constant 80 : index
        %swap3A_595 = tpu.vector_load %arg20[%swap3A_593, %swap3A_594] {strides = array<i32>} : memref<1x128xi32, #tpu.memory_space<vmem>>, vector<16xi32>,
        tpu.vector_store %arg20[%swap3A_593, %swap3A_594], %add3A_591 {strides = array<i32>} : memref<1x128xi32, #tpu.memory_space<vmem>>, vector<16xi32>,
        %add3A_596 = arith.constant 96 : i32
        %add3A_597 = arith.addi %mul3A_379, %add3A_596 : i32
        %get3A_598 = arith.index_cast %add3A_597 : i32 to index
        %get3A_599 = tpu.vector_load %arg11[%get3A_598] {strides = array<i32>} : memref<5120xi32, #tpu.memory_space<vmem>>, vector<16xi32>,
        %get3A_600 = arith.index_cast %add3A_597 : i32 to index
        %get3A_601 = tpu.vector_load %arg12[%get3A_600] {strides = array<i32>} : memref<5120xi32, #tpu.memory_space<vmem>>, vector<16xi32>,
        %gather3A_602 = tpu.vector_load_idx %arg9[%get3A_599] : memref<10240xf32, #tpu.memory_space<vmem>>[vector<16xi32>], vector<16xf32>,
        %gather3A_603 = tpu.vector_load_idx %arg10[%get3A_601] : memref<10240xf32, #tpu.memory_space<vmem>>[vector<16xi32>], vector<16xf32>,
        %add3A_604 = arith.addf %gather3A_602, %gather3A_603 : vector<16xf32>
        %lt3A_605 = arith.constant 0.000000e+00 : f32
        %lt3A_606 = vector.broadcast %lt3A_605 : f32 to vector<16xf32>
        %lt3A_607 = arith.cmpf olt, %add3A_604, %lt3A_606 : vector<16xf32>
        %convert_element_type3A_608 = arith.extui %lt3A_607 : vector<16xi1> to vector<16xi32>
        %mul3A_609 = arith.constant 2.000000e-01 : f32
        %mul3A_610 = vector.broadcast %mul3A_609 : f32 to vector<16xf32>
        %mul3A_611 = arith.mulf %mul3A_610, %gather3A_602 : vector<16xf32>
        %select_n3A_612 = arith.select %lt3A_607, %mul3A_611, %gather3A_602 : vector<16xi1>, vector<16xf32>
        %exp3A_613 = math.exp %select_n3A_612 : vector<16xf32>
        %swap3A_614 = arith.constant 96 : index
        %swap3A_615 = tpu.vector_load %arg16[%swap3A_614] {strides = array<i32>} : memref<128xf32, #tpu.memory_space<vmem>>, vector<16xf32>,
        tpu.vector_store %arg16[%swap3A_614], %exp3A_613 {strides = array<i32>} : memref<128xf32, #tpu.memory_space<vmem>>, vector<16xf32>,
        %mul3A_616 = arith.constant 10240 : i32
        %mul3A_617 = vector.broadcast %mul3A_616 : i32 to vector<16xi32>
        %mul3A_618 = arith.muli %convert_element_type3A_608, %mul3A_617 : vector<16xi32>
        %add3A_619 = arith.addi %get3A_599, %mul3A_618 : vector<16xi32>
        %add3A_620 = vector.broadcast %mul3A_57 : i32 to vector<16xi32>
        %add3A_621 = arith.addi %add3A_619, %add3A_620 : vector<16xi32>
        %swap3A_622 = arith.constant 96 : index
        %swap3A_623 = tpu.vector_load %arg18[%swap3A_622] {strides = array<i32>} : memref<128xi32, #tpu.memory_space<vmem>>, vector<16xi32>,
        tpu.vector_store %arg18[%swap3A_622], %add3A_621 {strides = array<i32>} : memref<128xi32, #tpu.memory_space<vmem>>, vector<16xi32>,
        %mul3A_624 = arith.constant 10240 : i32
        %mul3A_625 = vector.broadcast %mul3A_624 : i32 to vector<16xi32>
        %mul3A_626 = arith.muli %convert_element_type3A_608, %mul3A_625 : vector<16xi32>
        %add3A_627 = arith.addi %get3A_601, %mul3A_626 : vector<16xi32>
        %swap3A_628 = arith.constant 0 : i32
        %swap3A_629 = arith.index_cast %swap3A_628 : i32 to index
        %swap3A_630 = arith.constant 96 : index
        %swap3A_631 = tpu.vector_load %arg20[%swap3A_629, %swap3A_630] {strides = array<i32>} : memref<1x128xi32, #tpu.memory_space<vmem>>, vector<16xi32>,
        tpu.vector_store %arg20[%swap3A_629, %swap3A_630], %add3A_627 {strides = array<i32>} : memref<1x128xi32, #tpu.memory_space<vmem>>, vector<16xi32>,
        %add3A_632 = arith.constant 112 : i32
        %add3A_633 = arith.addi %mul3A_379, %add3A_632 : i32
        %get3A_634 = arith.index_cast %add3A_633 : i32 to index
        %get3A_635 = tpu.vector_load %arg11[%get3A_634] {strides = array<i32>} : memref<5120xi32, #tpu.memory_space<vmem>>, vector<16xi32>,
        %get3A_636 = arith.index_cast %add3A_633 : i32 to index
        %get3A_637 = tpu.vector_load %arg12[%get3A_636] {strides = array<i32>} : memref<5120xi32, #tpu.memory_space<vmem>>, vector<16xi32>,
        %gather3A_638 = tpu.vector_load_idx %arg9[%get3A_635] : memref<10240xf32, #tpu.memory_space<vmem>>[vector<16xi32>], vector<16xf32>,
        %gather3A_639 = tpu.vector_load_idx %arg10[%get3A_637] : memref<10240xf32, #tpu.memory_space<vmem>>[vector<16xi32>], vector<16xf32>,
        %add3A_640 = arith.addf %gather3A_638, %gather3A_639 : vector<16xf32>
        %lt3A_641 = arith.constant 0.000000e+00 : f32
        %lt3A_642 = vector.broadcast %lt3A_641 : f32 to vector<16xf32>
        %lt3A_643 = arith.cmpf olt, %add3A_640, %lt3A_642 : vector<16xf32>
        %convert_element_type3A_644 = arith.extui %lt3A_643 : vector<16xi1> to vector<16xi32>
        %mul3A_645 = arith.constant 2.000000e-01 : f32
        %mul3A_646 = vector.broadcast %mul3A_645 : f32 to vector<16xf32>
        %mul3A_647 = arith.mulf %mul3A_646, %gather3A_638 : vector<16xf32>
        %select_n3A_648 = arith.select %lt3A_643, %mul3A_647, %gather3A_638 : vector<16xi1>, vector<16xf32>
        %exp3A_649 = math.exp %select_n3A_648 : vector<16xf32>
        %swap3A_650 = arith.constant 112 : index
        %swap3A_651 = tpu.vector_load %arg16[%swap3A_650] {strides = array<i32>} : memref<128xf32, #tpu.memory_space<vmem>>, vector<16xf32>,
        tpu.vector_store %arg16[%swap3A_650], %exp3A_649 {strides = array<i32>} : memref<128xf32, #tpu.memory_space<vmem>>, vector<16xf32>,
        %mul3A_652 = arith.constant 10240 : i32
        %mul3A_653 = vector.broadcast %mul3A_652 : i32 to vector<16xi32>
        %mul3A_654 = arith.muli %convert_element_type3A_644, %mul3A_653 : vector<16xi32>
        %add3A_655 = arith.addi %get3A_635, %mul3A_654 : vector<16xi32>
        %add3A_656 = vector.broadcast %mul3A_57 : i32 to vector<16xi32>
        %add3A_657 = arith.addi %add3A_655, %add3A_656 : vector<16xi32>
        %swap3A_658 = arith.constant 112 : index
        %swap3A_659 = tpu.vector_load %arg18[%swap3A_658] {strides = array<i32>} : memref<128xi32, #tpu.memory_space<vmem>>, vector<16xi32>,
        tpu.vector_store %arg18[%swap3A_658], %add3A_657 {strides = array<i32>} : memref<128xi32, #tpu.memory_space<vmem>>, vector<16xi32>,
        %mul3A_660 = arith.constant 10240 : i32
        %mul3A_661 = vector.broadcast %mul3A_660 : i32 to vector<16xi32>
        %mul3A_662 = arith.muli %convert_element_type3A_644, %mul3A_661 : vector<16xi32>
        %add3A_663 = arith.addi %get3A_637, %mul3A_662 : vector<16xi32>
        %swap3A_664 = arith.constant 0 : i32
        %swap3A_665 = arith.index_cast %swap3A_664 : i32 to index
        %swap3A_666 = arith.constant 112 : index
        %swap3A_667 = tpu.vector_load %arg20[%swap3A_665, %swap3A_666] {strides = array<i32>} : memref<1x128xi32, #tpu.memory_space<vmem>>, vector<16xi32>,
        tpu.vector_store %arg20[%swap3A_665, %swap3A_666], %add3A_663 {strides = array<i32>} : memref<1x128xi32, #tpu.memory_space<vmem>>, vector<16xi32>,
        %dma_start3A_668 = arith.constant 0 : i32
        %dma_start3A_669 = arith.constant 0 : i32
        %dma_start3A_670 = tpu.memref_slice %arg4[%dma_start3A_668, %dma_start3A_669] : memref<40960x64xf32, #tpu.memory_space<hbm>> -> memref<40960x64xf32, #tpu.memory_space<hbm>>
        tpu.enqueue_indirect_dma source(%dma_start3A_670 : memref<40960x64xf32, #tpu.memory_space<hbm>>) target(%arg14 : memref<128x64xf32, #tpu.memory_space<vmem>>) offsets(%arg18 : memref<128xi32, #tpu.memory_space<vmem>>) semaphore(%arg24 : memref<!tpu.dma_semaphore, #tpu.memory_space<semaphore_mem>>)
        %dma_wait3A_671 = arith.constant 0 : i32
        %dma_wait3A_672 = arith.constant 0 : i32
        %dma_wait3A_673 = tpu.memref_slice %arg4[%dma_wait3A_671, %dma_wait3A_672] : memref<40960x64xf32, #tpu.memory_space<hbm>> -> memref<40960x64xf32, #tpu.memory_space<hbm>>
        tpu.wait_indirect_dma semaphore(%arg23 : memref<!tpu.dma_semaphore, #tpu.memory_space<semaphore_mem>>) src(%dma_wait3A_673 : memref<40960x64xf32, #tpu.memory_space<hbm>>) dst(%arg13 : memref<128x64xf32, #tpu.memory_space<vmem>>)
        %dma_start3A_674 = arith.constant 0 : i32
        %dma_start3A_675 = arith.constant 0 : i32
        %dma_start3A_676 = tpu.memref_slice %arg19[%dma_start3A_674, %dma_start3A_675] : memref<1x128xi32, #tpu.memory_space<vmem>> -> memref<1x128xi32, #tpu.memory_space<vmem>>
        %dma_start3A_677 = tpu.memref_squeeze %dma_start3A_676 : memref<1x128xi32, #tpu.memory_space<vmem>> -> memref<128xi32, #tpu.memory_space<vmem>>
        %dma_start3A_678 = arith.constant 0 : i32
        %dma_start3A_679 = arith.constant 0 : i32
        %dma_start3A_680 = tpu.memref_slice %arg21[%dma_start3A_678, %dma_start3A_679] : memref<20480x64xf32, #tpu.memory_space<vmem_shared>> -> memref<20480x64xf32, #tpu.memory_space<vmem_shared>>
        tpu.enqueue_indirect_dma source(%arg13 : memref<128x64xf32, #tpu.memory_space<vmem>>) target(%dma_start3A_680 : memref<20480x64xf32, #tpu.memory_space<vmem_shared>>) offsets(%dma_start3A_677 : memref<128xi32, #tpu.memory_space<vmem>>) semaphore(%arg25 : memref<!tpu.dma_semaphore, #tpu.memory_space<semaphore_mem>>) {add = true}
        %dma_start3A_681 = arith.constant 0 : i32
        %dma_start3A_682 = arith.constant 0 : i32
        %dma_start3A_683 = tpu.memref_slice %arg19[%dma_start3A_681, %dma_start3A_682] : memref<1x128xi32, #tpu.memory_space<vmem>> -> memref<1x128xi32, #tpu.memory_space<vmem>>
        %dma_start3A_684 = tpu.memref_squeeze %dma_start3A_683 : memref<1x128xi32, #tpu.memory_space<vmem>> -> memref<128xi32, #tpu.memory_space<vmem>>
        %dma_start3A_685 = arith.constant 0 : i32
        %dma_start3A_686 = tpu.memref_slice %arg22[%dma_start3A_685] : memref<20480xf32, #tpu.memory_space<vmem_shared>> -> memref<20480xf32, #tpu.memory_space<vmem_shared>>
        tpu.enqueue_indirect_dma source(%arg15 : memref<128xf32, #tpu.memory_space<vmem>>) target(%dma_start3A_686 : memref<20480xf32, #tpu.memory_space<vmem_shared>>) offsets(%dma_start3A_684 : memref<128xi32, #tpu.memory_space<vmem>>) semaphore(%arg27 : memref<!tpu.dma_semaphore, #tpu.memory_space<semaphore_mem>>) {add = true}
        %dma_wait3A_687 = arith.constant 0 : i32
        %dma_wait3A_688 = arith.constant 0 : i32
        %dma_wait3A_689 = tpu.memref_slice %arg19[%dma_wait3A_687, %dma_wait3A_688] : memref<1x128xi32, #tpu.memory_space<vmem>> -> memref<1x128xi32, #tpu.memory_space<vmem>>
        %dma_wait3A_690 = tpu.memref_squeeze %dma_wait3A_689 : memref<1x128xi32, #tpu.memory_space<vmem>> -> memref<128xi32, #tpu.memory_space<vmem>>
        %dma_wait3A_691 = arith.constant 0 : i32
        %dma_wait3A_692 = arith.constant 0 : i32
        %dma_wait3A_693 = tpu.memref_slice %arg21[%dma_wait3A_691, %dma_wait3A_692] : memref<20480x64xf32, #tpu.memory_space<vmem_shared>> -> memref<20480x64xf32, #tpu.memory_space<vmem_shared>>
        tpu.wait_indirect_dma semaphore(%arg25 : memref<!tpu.dma_semaphore, #tpu.memory_space<semaphore_mem>>) src(%arg13 : memref<128x64xf32, #tpu.memory_space<vmem>>) dst(%dma_wait3A_693 : memref<20480x64xf32, #tpu.memory_space<vmem_shared>>)
        %dma_wait3A_694 = arith.constant 0 : i32
        %dma_wait3A_695 = arith.constant 0 : i32
        %dma_wait3A_696 = tpu.memref_slice %arg19[%dma_wait3A_694, %dma_wait3A_695] : memref<1x128xi32, #tpu.memory_space<vmem>> -> memref<1x128xi32, #tpu.memory_space<vmem>>
        %dma_wait3A_697 = tpu.memref_squeeze %dma_wait3A_696 : memref<1x128xi32, #tpu.memory_space<vmem>> -> memref<128xi32, #tpu.memory_space<vmem>>
        %dma_wait3A_698 = arith.constant 0 : i32
        %dma_wait3A_699 = tpu.memref_slice %arg22[%dma_wait3A_698] : memref<20480xf32, #tpu.memory_space<vmem_shared>> -> memref<20480xf32, #tpu.memory_space<vmem_shared>>
        tpu.wait_indirect_dma semaphore(%arg27 : memref<!tpu.dma_semaphore, #tpu.memory_space<semaphore_mem>>) src(%arg15 : memref<128xf32, #tpu.memory_space<vmem>>) dst(%dma_wait3A_699 : memref<20480xf32, #tpu.memory_space<vmem_shared>>)
        %add3A_700 = arith.constant 2 : i32
        %add3A_701 = arith.addi %mul3A_372, %add3A_700 : i32
        %lt3A_702 = arith.constant 40 : i32
        %lt3A_703 = arith.cmpi slt, %add3A_701, %lt3A_702 : i32
        %convert_element_type3A_704 = arith.extui %lt3A_703 : i1 to i32
        %cond3A_705 = arith.constant 0 : i32
        %cond3A_706 = arith.cmpi ne, %convert_element_type3A_704, %cond3A_705 : i32
        scf.if %cond3A_706 {
          %add3A_724 = arith.constant 2 : i32
          %add3A_725 = arith.addi %mul3A_372, %add3A_724 : i32
          %mul3A_726 = arith.constant 128 : i32
          %mul3A_727 = arith.muli %add3A_725, %mul3A_726 : i32
          %add3A_728 = arith.constant 0 : i32
          %add3A_729 = arith.addi %mul3A_727, %add3A_728 : i32
          %get3A_730 = arith.index_cast %add3A_729 : i32 to index
          %get3A_731 = tpu.vector_load %arg11[%get3A_730] {strides = array<i32>} : memref<5120xi32, #tpu.memory_space<vmem>>, vector<16xi32>,
          %get3A_732 = arith.index_cast %add3A_729 : i32 to index
          %get3A_733 = tpu.vector_load %arg12[%get3A_732] {strides = array<i32>} : memref<5120xi32, #tpu.memory_space<vmem>>, vector<16xi32>,
          %gather3A_734 = tpu.vector_load_idx %arg9[%get3A_731] : memref<10240xf32, #tpu.memory_space<vmem>>[vector<16xi32>], vector<16xf32>,
          %gather3A_735 = tpu.vector_load_idx %arg10[%get3A_733] : memref<10240xf32, #tpu.memory_space<vmem>>[vector<16xi32>], vector<16xf32>,
          %add3A_736 = arith.addf %gather3A_734, %gather3A_735 : vector<16xf32>
          %lt3A_737 = arith.constant 0.000000e+00 : f32
          %lt3A_738 = vector.broadcast %lt3A_737 : f32 to vector<16xf32>
          %lt3A_739 = arith.cmpf olt, %add3A_736, %lt3A_738 : vector<16xf32>
          %convert_element_type3A_740 = arith.extui %lt3A_739 : vector<16xi1> to vector<16xi32>
          %mul3A_741 = arith.constant 2.000000e-01 : f32
          %mul3A_742 = vector.broadcast %mul3A_741 : f32 to vector<16xf32>
          %mul3A_743 = arith.mulf %mul3A_742, %gather3A_734 : vector<16xf32>
          %select_n3A_744 = arith.select %lt3A_739, %mul3A_743, %gather3A_734 : vector<16xi1>, vector<16xf32>
          %exp3A_745 = math.exp %select_n3A_744 : vector<16xf32>
          %swap3A_746 = arith.constant 0 : index
          %swap3A_747 = tpu.vector_load %arg15[%swap3A_746] {strides = array<i32>} : memref<128xf32, #tpu.memory_space<vmem>>, vector<16xf32>,
          tpu.vector_store %arg15[%swap3A_746], %exp3A_745 {strides = array<i32>} : memref<128xf32, #tpu.memory_space<vmem>>, vector<16xf32>,
          %mul3A_748 = arith.constant 10240 : i32
          %mul3A_749 = vector.broadcast %mul3A_748 : i32 to vector<16xi32>
          %mul3A_750 = arith.muli %convert_element_type3A_740, %mul3A_749 : vector<16xi32>
          %add3A_751 = arith.addi %get3A_731, %mul3A_750 : vector<16xi32>
          %add3A_752 = vector.broadcast %mul3A_57 : i32 to vector<16xi32>
          %add3A_753 = arith.addi %add3A_751, %add3A_752 : vector<16xi32>
          %swap3A_754 = arith.constant 0 : index
          %swap3A_755 = tpu.vector_load %arg17[%swap3A_754] {strides = array<i32>} : memref<128xi32, #tpu.memory_space<vmem>>, vector<16xi32>,
          tpu.vector_store %arg17[%swap3A_754], %add3A_753 {strides = array<i32>} : memref<128xi32, #tpu.memory_space<vmem>>, vector<16xi32>,
          %mul3A_756 = arith.constant 10240 : i32
          %mul3A_757 = vector.broadcast %mul3A_756 : i32 to vector<16xi32>
          %mul3A_758 = arith.muli %convert_element_type3A_740, %mul3A_757 : vector<16xi32>
          %add3A_759 = arith.addi %get3A_733, %mul3A_758 : vector<16xi32>
          %swap3A_760 = arith.constant 0 : i32
          %swap3A_761 = arith.index_cast %swap3A_760 : i32 to index
          %swap3A_762 = arith.constant 0 : index
          %swap3A_763 = tpu.vector_load %arg19[%swap3A_761, %swap3A_762] {strides = array<i32>} : memref<1x128xi32, #tpu.memory_space<vmem>>, vector<16xi32>,
          tpu.vector_store %arg19[%swap3A_761, %swap3A_762], %add3A_759 {strides = array<i32>} : memref<1x128xi32, #tpu.memory_space<vmem>>, vector<16xi32>,
          %add3A_764 = arith.constant 16 : i32
          %add3A_765 = arith.addi %mul3A_727, %add3A_764 : i32
          %get3A_766 = arith.index_cast %add3A_765 : i32 to index
          %get3A_767 = tpu.vector_load %arg11[%get3A_766] {strides = array<i32>} : memref<5120xi32, #tpu.memory_space<vmem>>, vector<16xi32>,
          %get3A_768 = arith.index_cast %add3A_765 : i32 to index
          %get3A_769 = tpu.vector_load %arg12[%get3A_768] {strides = array<i32>} : memref<5120xi32, #tpu.memory_space<vmem>>, vector<16xi32>,
          %gather3A_770 = tpu.vector_load_idx %arg9[%get3A_767] : memref<10240xf32, #tpu.memory_space<vmem>>[vector<16xi32>], vector<16xf32>,
          %gather3A_771 = tpu.vector_load_idx %arg10[%get3A_769] : memref<10240xf32, #tpu.memory_space<vmem>>[vector<16xi32>], vector<16xf32>,
          %add3A_772 = arith.addf %gather3A_770, %gather3A_771 : vector<16xf32>
          %lt3A_773 = arith.constant 0.000000e+00 : f32
          %lt3A_774 = vector.broadcast %lt3A_773 : f32 to vector<16xf32>
          %lt3A_775 = arith.cmpf olt, %add3A_772, %lt3A_774 : vector<16xf32>
          %convert_element_type3A_776 = arith.extui %lt3A_775 : vector<16xi1> to vector<16xi32>
          %mul3A_777 = arith.constant 2.000000e-01 : f32
          %mul3A_778 = vector.broadcast %mul3A_777 : f32 to vector<16xf32>
          %mul3A_779 = arith.mulf %mul3A_778, %gather3A_770 : vector<16xf32>
          %select_n3A_780 = arith.select %lt3A_775, %mul3A_779, %gather3A_770 : vector<16xi1>, vector<16xf32>
          %exp3A_781 = math.exp %select_n3A_780 : vector<16xf32>
          %swap3A_782 = arith.constant 16 : index
          %swap3A_783 = tpu.vector_load %arg15[%swap3A_782] {strides = array<i32>} : memref<128xf32, #tpu.memory_space<vmem>>, vector<16xf32>,
          tpu.vector_store %arg15[%swap3A_782], %exp3A_781 {strides = array<i32>} : memref<128xf32, #tpu.memory_space<vmem>>, vector<16xf32>,
          %mul3A_784 = arith.constant 10240 : i32
          %mul3A_785 = vector.broadcast %mul3A_784 : i32 to vector<16xi32>
          %mul3A_786 = arith.muli %convert_element_type3A_776, %mul3A_785 : vector<16xi32>
          %add3A_787 = arith.addi %get3A_767, %mul3A_786 : vector<16xi32>
          %add3A_788 = vector.broadcast %mul3A_57 : i32 to vector<16xi32>
          %add3A_789 = arith.addi %add3A_787, %add3A_788 : vector<16xi32>
          %swap3A_790 = arith.constant 16 : index
          %swap3A_791 = tpu.vector_load %arg17[%swap3A_790] {strides = array<i32>} : memref<128xi32, #tpu.memory_space<vmem>>, vector<16xi32>,
          tpu.vector_store %arg17[%swap3A_790], %add3A_789 {strides = array<i32>} : memref<128xi32, #tpu.memory_space<vmem>>, vector<16xi32>,
          %mul3A_792 = arith.constant 10240 : i32
          %mul3A_793 = vector.broadcast %mul3A_792 : i32 to vector<16xi32>
          %mul3A_794 = arith.muli %convert_element_type3A_776, %mul3A_793 : vector<16xi32>
          %add3A_795 = arith.addi %get3A_769, %mul3A_794 : vector<16xi32>
          %swap3A_796 = arith.constant 0 : i32
          %swap3A_797 = arith.index_cast %swap3A_796 : i32 to index
          %swap3A_798 = arith.constant 16 : index
          %swap3A_799 = tpu.vector_load %arg19[%swap3A_797, %swap3A_798] {strides = array<i32>} : memref<1x128xi32, #tpu.memory_space<vmem>>, vector<16xi32>,
          tpu.vector_store %arg19[%swap3A_797, %swap3A_798], %add3A_795 {strides = array<i32>} : memref<1x128xi32, #tpu.memory_space<vmem>>, vector<16xi32>,
          %add3A_800 = arith.constant 32 : i32
          %add3A_801 = arith.addi %mul3A_727, %add3A_800 : i32
          %get3A_802 = arith.index_cast %add3A_801 : i32 to index
          %get3A_803 = tpu.vector_load %arg11[%get3A_802] {strides = array<i32>} : memref<5120xi32, #tpu.memory_space<vmem>>, vector<16xi32>,
          %get3A_804 = arith.index_cast %add3A_801 : i32 to index
          %get3A_805 = tpu.vector_load %arg12[%get3A_804] {strides = array<i32>} : memref<5120xi32, #tpu.memory_space<vmem>>, vector<16xi32>,
          %gather3A_806 = tpu.vector_load_idx %arg9[%get3A_803] : memref<10240xf32, #tpu.memory_space<vmem>>[vector<16xi32>], vector<16xf32>,
          %gather3A_807 = tpu.vector_load_idx %arg10[%get3A_805] : memref<10240xf32, #tpu.memory_space<vmem>>[vector<16xi32>], vector<16xf32>,
          %add3A_808 = arith.addf %gather3A_806, %gather3A_807 : vector<16xf32>
          %lt3A_809 = arith.constant 0.000000e+00 : f32
          %lt3A_810 = vector.broadcast %lt3A_809 : f32 to vector<16xf32>
          %lt3A_811 = arith.cmpf olt, %add3A_808, %lt3A_810 : vector<16xf32>
          %convert_element_type3A_812 = arith.extui %lt3A_811 : vector<16xi1> to vector<16xi32>
          %mul3A_813 = arith.constant 2.000000e-01 : f32
          %mul3A_814 = vector.broadcast %mul3A_813 : f32 to vector<16xf32>
          %mul3A_815 = arith.mulf %mul3A_814, %gather3A_806 : vector<16xf32>
          %select_n3A_816 = arith.select %lt3A_811, %mul3A_815, %gather3A_806 : vector<16xi1>, vector<16xf32>
          %exp3A_817 = math.exp %select_n3A_816 : vector<16xf32>
          %swap3A_818 = arith.constant 32 : index
          %swap3A_819 = tpu.vector_load %arg15[%swap3A_818] {strides = array<i32>} : memref<128xf32, #tpu.memory_space<vmem>>, vector<16xf32>,
          tpu.vector_store %arg15[%swap3A_818], %exp3A_817 {strides = array<i32>} : memref<128xf32, #tpu.memory_space<vmem>>, vector<16xf32>,
          %mul3A_820 = arith.constant 10240 : i32
          %mul3A_821 = vector.broadcast %mul3A_820 : i32 to vector<16xi32>
          %mul3A_822 = arith.muli %convert_element_type3A_812, %mul3A_821 : vector<16xi32>
          %add3A_823 = arith.addi %get3A_803, %mul3A_822 : vector<16xi32>
          %add3A_824 = vector.broadcast %mul3A_57 : i32 to vector<16xi32>
          %add3A_825 = arith.addi %add3A_823, %add3A_824 : vector<16xi32>
          %swap3A_826 = arith.constant 32 : index
          %swap3A_827 = tpu.vector_load %arg17[%swap3A_826] {strides = array<i32>} : memref<128xi32, #tpu.memory_space<vmem>>, vector<16xi32>,
          tpu.vector_store %arg17[%swap3A_826], %add3A_825 {strides = array<i32>} : memref<128xi32, #tpu.memory_space<vmem>>, vector<16xi32>,
          %mul3A_828 = arith.constant 10240 : i32
          %mul3A_829 = vector.broadcast %mul3A_828 : i32 to vector<16xi32>
          %mul3A_830 = arith.muli %convert_element_type3A_812, %mul3A_829 : vector<16xi32>
          %add3A_831 = arith.addi %get3A_805, %mul3A_830 : vector<16xi32>
          %swap3A_832 = arith.constant 0 : i32
          %swap3A_833 = arith.index_cast %swap3A_832 : i32 to index
          %swap3A_834 = arith.constant 32 : index
          %swap3A_835 = tpu.vector_load %arg19[%swap3A_833, %swap3A_834] {strides = array<i32>} : memref<1x128xi32, #tpu.memory_space<vmem>>, vector<16xi32>,
          tpu.vector_store %arg19[%swap3A_833, %swap3A_834], %add3A_831 {strides = array<i32>} : memref<1x128xi32, #tpu.memory_space<vmem>>, vector<16xi32>,
          %add3A_836 = arith.constant 48 : i32
          %add3A_837 = arith.addi %mul3A_727, %add3A_836 : i32
          %get3A_838 = arith.index_cast %add3A_837 : i32 to index
          %get3A_839 = tpu.vector_load %arg11[%get3A_838] {strides = array<i32>} : memref<5120xi32, #tpu.memory_space<vmem>>, vector<16xi32>,
          %get3A_840 = arith.index_cast %add3A_837 : i32 to index
          %get3A_841 = tpu.vector_load %arg12[%get3A_840] {strides = array<i32>} : memref<5120xi32, #tpu.memory_space<vmem>>, vector<16xi32>,
          %gather3A_842 = tpu.vector_load_idx %arg9[%get3A_839] : memref<10240xf32, #tpu.memory_space<vmem>>[vector<16xi32>], vector<16xf32>,
          %gather3A_843 = tpu.vector_load_idx %arg10[%get3A_841] : memref<10240xf32, #tpu.memory_space<vmem>>[vector<16xi32>], vector<16xf32>,
          %add3A_844 = arith.addf %gather3A_842, %gather3A_843 : vector<16xf32>
          %lt3A_845 = arith.constant 0.000000e+00 : f32
          %lt3A_846 = vector.broadcast %lt3A_845 : f32 to vector<16xf32>
          %lt3A_847 = arith.cmpf olt, %add3A_844, %lt3A_846 : vector<16xf32>
          %convert_element_type3A_848 = arith.extui %lt3A_847 : vector<16xi1> to vector<16xi32>
          %mul3A_849 = arith.constant 2.000000e-01 : f32
          %mul3A_850 = vector.broadcast %mul3A_849 : f32 to vector<16xf32>
          %mul3A_851 = arith.mulf %mul3A_850, %gather3A_842 : vector<16xf32>
          %select_n3A_852 = arith.select %lt3A_847, %mul3A_851, %gather3A_842 : vector<16xi1>, vector<16xf32>
          %exp3A_853 = math.exp %select_n3A_852 : vector<16xf32>
          %swap3A_854 = arith.constant 48 : index
          %swap3A_855 = tpu.vector_load %arg15[%swap3A_854] {strides = array<i32>} : memref<128xf32, #tpu.memory_space<vmem>>, vector<16xf32>,
          tpu.vector_store %arg15[%swap3A_854], %exp3A_853 {strides = array<i32>} : memref<128xf32, #tpu.memory_space<vmem>>, vector<16xf32>,
          %mul3A_856 = arith.constant 10240 : i32
          %mul3A_857 = vector.broadcast %mul3A_856 : i32 to vector<16xi32>
          %mul3A_858 = arith.muli %convert_element_type3A_848, %mul3A_857 : vector<16xi32>
          %add3A_859 = arith.addi %get3A_839, %mul3A_858 : vector<16xi32>
          %add3A_860 = vector.broadcast %mul3A_57 : i32 to vector<16xi32>
          %add3A_861 = arith.addi %add3A_859, %add3A_860 : vector<16xi32>
          %swap3A_862 = arith.constant 48 : index
          %swap3A_863 = tpu.vector_load %arg17[%swap3A_862] {strides = array<i32>} : memref<128xi32, #tpu.memory_space<vmem>>, vector<16xi32>,
          tpu.vector_store %arg17[%swap3A_862], %add3A_861 {strides = array<i32>} : memref<128xi32, #tpu.memory_space<vmem>>, vector<16xi32>,
          %mul3A_864 = arith.constant 10240 : i32
          %mul3A_865 = vector.broadcast %mul3A_864 : i32 to vector<16xi32>
          %mul3A_866 = arith.muli %convert_element_type3A_848, %mul3A_865 : vector<16xi32>
          %add3A_867 = arith.addi %get3A_841, %mul3A_866 : vector<16xi32>
          %swap3A_868 = arith.constant 0 : i32
          %swap3A_869 = arith.index_cast %swap3A_868 : i32 to index
          %swap3A_870 = arith.constant 48 : index
          %swap3A_871 = tpu.vector_load %arg19[%swap3A_869, %swap3A_870] {strides = array<i32>} : memref<1x128xi32, #tpu.memory_space<vmem>>, vector<16xi32>,
          tpu.vector_store %arg19[%swap3A_869, %swap3A_870], %add3A_867 {strides = array<i32>} : memref<1x128xi32, #tpu.memory_space<vmem>>, vector<16xi32>,
          %add3A_872 = arith.constant 64 : i32
          %add3A_873 = arith.addi %mul3A_727, %add3A_872 : i32
          %get3A_874 = arith.index_cast %add3A_873 : i32 to index
          %get3A_875 = tpu.vector_load %arg11[%get3A_874] {strides = array<i32>} : memref<5120xi32, #tpu.memory_space<vmem>>, vector<16xi32>,
          %get3A_876 = arith.index_cast %add3A_873 : i32 to index
          %get3A_877 = tpu.vector_load %arg12[%get3A_876] {strides = array<i32>} : memref<5120xi32, #tpu.memory_space<vmem>>, vector<16xi32>,
          %gather3A_878 = tpu.vector_load_idx %arg9[%get3A_875] : memref<10240xf32, #tpu.memory_space<vmem>>[vector<16xi32>], vector<16xf32>,
          %gather3A_879 = tpu.vector_load_idx %arg10[%get3A_877] : memref<10240xf32, #tpu.memory_space<vmem>>[vector<16xi32>], vector<16xf32>,
          %add3A_880 = arith.addf %gather3A_878, %gather3A_879 : vector<16xf32>
          %lt3A_881 = arith.constant 0.000000e+00 : f32
          %lt3A_882 = vector.broadcast %lt3A_881 : f32 to vector<16xf32>
          %lt3A_883 = arith.cmpf olt, %add3A_880, %lt3A_882 : vector<16xf32>
          %convert_element_type3A_884 = arith.extui %lt3A_883 : vector<16xi1> to vector<16xi32>
          %mul3A_885 = arith.constant 2.000000e-01 : f32
          %mul3A_886 = vector.broadcast %mul3A_885 : f32 to vector<16xf32>
          %mul3A_887 = arith.mulf %mul3A_886, %gather3A_878 : vector<16xf32>
          %select_n3A_888 = arith.select %lt3A_883, %mul3A_887, %gather3A_878 : vector<16xi1>, vector<16xf32>
          %exp3A_889 = math.exp %select_n3A_888 : vector<16xf32>
          %swap3A_890 = arith.constant 64 : index
          %swap3A_891 = tpu.vector_load %arg15[%swap3A_890] {strides = array<i32>} : memref<128xf32, #tpu.memory_space<vmem>>, vector<16xf32>,
          tpu.vector_store %arg15[%swap3A_890], %exp3A_889 {strides = array<i32>} : memref<128xf32, #tpu.memory_space<vmem>>, vector<16xf32>,
          %mul3A_892 = arith.constant 10240 : i32
          %mul3A_893 = vector.broadcast %mul3A_892 : i32 to vector<16xi32>
          %mul3A_894 = arith.muli %convert_element_type3A_884, %mul3A_893 : vector<16xi32>
          %add3A_895 = arith.addi %get3A_875, %mul3A_894 : vector<16xi32>
          %add3A_896 = vector.broadcast %mul3A_57 : i32 to vector<16xi32>
          %add3A_897 = arith.addi %add3A_895, %add3A_896 : vector<16xi32>
          %swap3A_898 = arith.constant 64 : index
          %swap3A_899 = tpu.vector_load %arg17[%swap3A_898] {strides = array<i32>} : memref<128xi32, #tpu.memory_space<vmem>>, vector<16xi32>,
          tpu.vector_store %arg17[%swap3A_898], %add3A_897 {strides = array<i32>} : memref<128xi32, #tpu.memory_space<vmem>>, vector<16xi32>,
          %mul3A_900 = arith.constant 10240 : i32
          %mul3A_901 = vector.broadcast %mul3A_900 : i32 to vector<16xi32>
          %mul3A_902 = arith.muli %convert_element_type3A_884, %mul3A_901 : vector<16xi32>
          %add3A_903 = arith.addi %get3A_877, %mul3A_902 : vector<16xi32>
          %swap3A_904 = arith.constant 0 : i32
          %swap3A_905 = arith.index_cast %swap3A_904 : i32 to index
          %swap3A_906 = arith.constant 64 : index
          %swap3A_907 = tpu.vector_load %arg19[%swap3A_905, %swap3A_906] {strides = array<i32>} : memref<1x128xi32, #tpu.memory_space<vmem>>, vector<16xi32>,
          tpu.vector_store %arg19[%swap3A_905, %swap3A_906], %add3A_903 {strides = array<i32>} : memref<1x128xi32, #tpu.memory_space<vmem>>, vector<16xi32>,
          %add3A_908 = arith.constant 80 : i32
          %add3A_909 = arith.addi %mul3A_727, %add3A_908 : i32
          %get3A_910 = arith.index_cast %add3A_909 : i32 to index
          %get3A_911 = tpu.vector_load %arg11[%get3A_910] {strides = array<i32>} : memref<5120xi32, #tpu.memory_space<vmem>>, vector<16xi32>,
          %get3A_912 = arith.index_cast %add3A_909 : i32 to index
          %get3A_913 = tpu.vector_load %arg12[%get3A_912] {strides = array<i32>} : memref<5120xi32, #tpu.memory_space<vmem>>, vector<16xi32>,
          %gather3A_914 = tpu.vector_load_idx %arg9[%get3A_911] : memref<10240xf32, #tpu.memory_space<vmem>>[vector<16xi32>], vector<16xf32>,
          %gather3A_915 = tpu.vector_load_idx %arg10[%get3A_913] : memref<10240xf32, #tpu.memory_space<vmem>>[vector<16xi32>], vector<16xf32>,
          %add3A_916 = arith.addf %gather3A_914, %gather3A_915 : vector<16xf32>
          %lt3A_917 = arith.constant 0.000000e+00 : f32
          %lt3A_918 = vector.broadcast %lt3A_917 : f32 to vector<16xf32>
          %lt3A_919 = arith.cmpf olt, %add3A_916, %lt3A_918 : vector<16xf32>
          %convert_element_type3A_920 = arith.extui %lt3A_919 : vector<16xi1> to vector<16xi32>
          %mul3A_921 = arith.constant 2.000000e-01 : f32
          %mul3A_922 = vector.broadcast %mul3A_921 : f32 to vector<16xf32>
          %mul3A_923 = arith.mulf %mul3A_922, %gather3A_914 : vector<16xf32>
          %select_n3A_924 = arith.select %lt3A_919, %mul3A_923, %gather3A_914 : vector<16xi1>, vector<16xf32>
          %exp3A_925 = math.exp %select_n3A_924 : vector<16xf32>
          %swap3A_926 = arith.constant 80 : index
          %swap3A_927 = tpu.vector_load %arg15[%swap3A_926] {strides = array<i32>} : memref<128xf32, #tpu.memory_space<vmem>>, vector<16xf32>,
          tpu.vector_store %arg15[%swap3A_926], %exp3A_925 {strides = array<i32>} : memref<128xf32, #tpu.memory_space<vmem>>, vector<16xf32>,
          %mul3A_928 = arith.constant 10240 : i32
          %mul3A_929 = vector.broadcast %mul3A_928 : i32 to vector<16xi32>
          %mul3A_930 = arith.muli %convert_element_type3A_920, %mul3A_929 : vector<16xi32>
          %add3A_931 = arith.addi %get3A_911, %mul3A_930 : vector<16xi32>
          %add3A_932 = vector.broadcast %mul3A_57 : i32 to vector<16xi32>
          %add3A_933 = arith.addi %add3A_931, %add3A_932 : vector<16xi32>
          %swap3A_934 = arith.constant 80 : index
          %swap3A_935 = tpu.vector_load %arg17[%swap3A_934] {strides = array<i32>} : memref<128xi32, #tpu.memory_space<vmem>>, vector<16xi32>,
          tpu.vector_store %arg17[%swap3A_934], %add3A_933 {strides = array<i32>} : memref<128xi32, #tpu.memory_space<vmem>>, vector<16xi32>,
          %mul3A_936 = arith.constant 10240 : i32
          %mul3A_937 = vector.broadcast %mul3A_936 : i32 to vector<16xi32>
          %mul3A_938 = arith.muli %convert_element_type3A_920, %mul3A_937 : vector<16xi32>
          %add3A_939 = arith.addi %get3A_913, %mul3A_938 : vector<16xi32>
          %swap3A_940 = arith.constant 0 : i32
          %swap3A_941 = arith.index_cast %swap3A_940 : i32 to index
          %swap3A_942 = arith.constant 80 : index
          %swap3A_943 = tpu.vector_load %arg19[%swap3A_941, %swap3A_942] {strides = array<i32>} : memref<1x128xi32, #tpu.memory_space<vmem>>, vector<16xi32>,
          tpu.vector_store %arg19[%swap3A_941, %swap3A_942], %add3A_939 {strides = array<i32>} : memref<1x128xi32, #tpu.memory_space<vmem>>, vector<16xi32>,
          %add3A_944 = arith.constant 96 : i32
          %add3A_945 = arith.addi %mul3A_727, %add3A_944 : i32
          %get3A_946 = arith.index_cast %add3A_945 : i32 to index
          %get3A_947 = tpu.vector_load %arg11[%get3A_946] {strides = array<i32>} : memref<5120xi32, #tpu.memory_space<vmem>>, vector<16xi32>,
          %get3A_948 = arith.index_cast %add3A_945 : i32 to index
          %get3A_949 = tpu.vector_load %arg12[%get3A_948] {strides = array<i32>} : memref<5120xi32, #tpu.memory_space<vmem>>, vector<16xi32>,
          %gather3A_950 = tpu.vector_load_idx %arg9[%get3A_947] : memref<10240xf32, #tpu.memory_space<vmem>>[vector<16xi32>], vector<16xf32>,
          %gather3A_951 = tpu.vector_load_idx %arg10[%get3A_949] : memref<10240xf32, #tpu.memory_space<vmem>>[vector<16xi32>], vector<16xf32>,
          %add3A_952 = arith.addf %gather3A_950, %gather3A_951 : vector<16xf32>
          %lt3A_953 = arith.constant 0.000000e+00 : f32
          %lt3A_954 = vector.broadcast %lt3A_953 : f32 to vector<16xf32>
          %lt3A_955 = arith.cmpf olt, %add3A_952, %lt3A_954 : vector<16xf32>
          %convert_element_type3A_956 = arith.extui %lt3A_955 : vector<16xi1> to vector<16xi32>
          %mul3A_957 = arith.constant 2.000000e-01 : f32
          %mul3A_958 = vector.broadcast %mul3A_957 : f32 to vector<16xf32>
          %mul3A_959 = arith.mulf %mul3A_958, %gather3A_950 : vector<16xf32>
          %select_n3A_960 = arith.select %lt3A_955, %mul3A_959, %gather3A_950 : vector<16xi1>, vector<16xf32>
          %exp3A_961 = math.exp %select_n3A_960 : vector<16xf32>
          %swap3A_962 = arith.constant 96 : index
          %swap3A_963 = tpu.vector_load %arg15[%swap3A_962] {strides = array<i32>} : memref<128xf32, #tpu.memory_space<vmem>>, vector<16xf32>,
          tpu.vector_store %arg15[%swap3A_962], %exp3A_961 {strides = array<i32>} : memref<128xf32, #tpu.memory_space<vmem>>, vector<16xf32>,
          %mul3A_964 = arith.constant 10240 : i32
          %mul3A_965 = vector.broadcast %mul3A_964 : i32 to vector<16xi32>
          %mul3A_966 = arith.muli %convert_element_type3A_956, %mul3A_965 : vector<16xi32>
          %add3A_967 = arith.addi %get3A_947, %mul3A_966 : vector<16xi32>
          %add3A_968 = vector.broadcast %mul3A_57 : i32 to vector<16xi32>
          %add3A_969 = arith.addi %add3A_967, %add3A_968 : vector<16xi32>
          %swap3A_970 = arith.constant 96 : index
          %swap3A_971 = tpu.vector_load %arg17[%swap3A_970] {strides = array<i32>} : memref<128xi32, #tpu.memory_space<vmem>>, vector<16xi32>,
          tpu.vector_store %arg17[%swap3A_970], %add3A_969 {strides = array<i32>} : memref<128xi32, #tpu.memory_space<vmem>>, vector<16xi32>,
          %mul3A_972 = arith.constant 10240 : i32
          %mul3A_973 = vector.broadcast %mul3A_972 : i32 to vector<16xi32>
          %mul3A_974 = arith.muli %convert_element_type3A_956, %mul3A_973 : vector<16xi32>
          %add3A_975 = arith.addi %get3A_949, %mul3A_974 : vector<16xi32>
          %swap3A_976 = arith.constant 0 : i32
          %swap3A_977 = arith.index_cast %swap3A_976 : i32 to index
          %swap3A_978 = arith.constant 96 : index
          %swap3A_979 = tpu.vector_load %arg19[%swap3A_977, %swap3A_978] {strides = array<i32>} : memref<1x128xi32, #tpu.memory_space<vmem>>, vector<16xi32>,
          tpu.vector_store %arg19[%swap3A_977, %swap3A_978], %add3A_975 {strides = array<i32>} : memref<1x128xi32, #tpu.memory_space<vmem>>, vector<16xi32>,
          %add3A_980 = arith.constant 112 : i32
          %add3A_981 = arith.addi %mul3A_727, %add3A_980 : i32
          %get3A_982 = arith.index_cast %add3A_981 : i32 to index
          %get3A_983 = tpu.vector_load %arg11[%get3A_982] {strides = array<i32>} : memref<5120xi32, #tpu.memory_space<vmem>>, vector<16xi32>,
          %get3A_984 = arith.index_cast %add3A_981 : i32 to index
          %get3A_985 = tpu.vector_load %arg12[%get3A_984] {strides = array<i32>} : memref<5120xi32, #tpu.memory_space<vmem>>, vector<16xi32>,
          %gather3A_986 = tpu.vector_load_idx %arg9[%get3A_983] : memref<10240xf32, #tpu.memory_space<vmem>>[vector<16xi32>], vector<16xf32>,
          %gather3A_987 = tpu.vector_load_idx %arg10[%get3A_985] : memref<10240xf32, #tpu.memory_space<vmem>>[vector<16xi32>], vector<16xf32>,
          %add3A_988 = arith.addf %gather3A_986, %gather3A_987 : vector<16xf32>
          %lt3A_989 = arith.constant 0.000000e+00 : f32
          %lt3A_990 = vector.broadcast %lt3A_989 : f32 to vector<16xf32>
          %lt3A_991 = arith.cmpf olt, %add3A_988, %lt3A_990 : vector<16xf32>
          %convert_element_type3A_992 = arith.extui %lt3A_991 : vector<16xi1> to vector<16xi32>
          %mul3A_993 = arith.constant 2.000000e-01 : f32
          %mul3A_994 = vector.broadcast %mul3A_993 : f32 to vector<16xf32>
          %mul3A_995 = arith.mulf %mul3A_994, %gather3A_986 : vector<16xf32>
          %select_n3A_996 = arith.select %lt3A_991, %mul3A_995, %gather3A_986 : vector<16xi1>, vector<16xf32>
          %exp3A_997 = math.exp %select_n3A_996 : vector<16xf32>
          %swap3A_998 = arith.constant 112 : index
          %swap3A_999 = tpu.vector_load %arg15[%swap3A_998] {strides = array<i32>} : memref<128xf32, #tpu.memory_space<vmem>>, vector<16xf32>,
          tpu.vector_store %arg15[%swap3A_998], %exp3A_997 {strides = array<i32>} : memref<128xf32, #tpu.memory_space<vmem>>, vector<16xf32>,
          %mul3A_1000 = arith.constant 10240 : i32
          %mul3A_1001 = vector.broadcast %mul3A_1000 : i32 to vector<16xi32>
          %mul3A_1002 = arith.muli %convert_element_type3A_992, %mul3A_1001 : vector<16xi32>
          %add3A_1003 = arith.addi %get3A_983, %mul3A_1002 : vector<16xi32>
          %add3A_1004 = vector.broadcast %mul3A_57 : i32 to vector<16xi32>
          %add3A_1005 = arith.addi %add3A_1003, %add3A_1004 : vector<16xi32>
          %swap3A_1006 = arith.constant 112 : index
          %swap3A_1007 = tpu.vector_load %arg17[%swap3A_1006] {strides = array<i32>} : memref<128xi32, #tpu.memory_space<vmem>>, vector<16xi32>,
          tpu.vector_store %arg17[%swap3A_1006], %add3A_1005 {strides = array<i32>} : memref<128xi32, #tpu.memory_space<vmem>>, vector<16xi32>,
          %mul3A_1008 = arith.constant 10240 : i32
          %mul3A_1009 = vector.broadcast %mul3A_1008 : i32 to vector<16xi32>
          %mul3A_1010 = arith.muli %convert_element_type3A_992, %mul3A_1009 : vector<16xi32>
          %add3A_1011 = arith.addi %get3A_985, %mul3A_1010 : vector<16xi32>
          %swap3A_1012 = arith.constant 0 : i32
          %swap3A_1013 = arith.index_cast %swap3A_1012 : i32 to index
          %swap3A_1014 = arith.constant 112 : index
          %swap3A_1015 = tpu.vector_load %arg19[%swap3A_1013, %swap3A_1014] {strides = array<i32>} : memref<1x128xi32, #tpu.memory_space<vmem>>, vector<16xi32>,
          tpu.vector_store %arg19[%swap3A_1013, %swap3A_1014], %add3A_1011 {strides = array<i32>} : memref<1x128xi32, #tpu.memory_space<vmem>>, vector<16xi32>,
          %dma_start3A_1016 = arith.constant 0 : i32
          %dma_start3A_1017 = arith.constant 0 : i32
          %dma_start3A_1018 = tpu.memref_slice %arg4[%dma_start3A_1016, %dma_start3A_1017] : memref<40960x64xf32, #tpu.memory_space<hbm>> -> memref<40960x64xf32, #tpu.memory_space<hbm>>
          tpu.enqueue_indirect_dma source(%dma_start3A_1018 : memref<40960x64xf32, #tpu.memory_space<hbm>>) target(%arg13 : memref<128x64xf32, #tpu.memory_space<vmem>>) offsets(%arg17 : memref<128xi32, #tpu.memory_space<vmem>>) semaphore(%arg23 : memref<!tpu.dma_semaphore, #tpu.memory_space<semaphore_mem>>)
        } else {
        }
        %dma_wait3A_707 = arith.constant 0 : i32
        %dma_wait3A_708 = arith.constant 0 : i32
        %dma_wait3A_709 = tpu.memref_slice %arg4[%dma_wait3A_707, %dma_wait3A_708] : memref<40960x64xf32, #tpu.memory_space<hbm>> -> memref<40960x64xf32, #tpu.memory_space<hbm>>
        tpu.wait_indirect_dma semaphore(%arg24 : memref<!tpu.dma_semaphore, #tpu.memory_space<semaphore_mem>>) src(%dma_wait3A_709 : memref<40960x64xf32, #tpu.memory_space<hbm>>) dst(%arg14 : memref<128x64xf32, #tpu.memory_space<vmem>>)
        %dma_start3A_710 = arith.constant 0 : i32
        %dma_start3A_711 = arith.constant 0 : i32
        %dma_start3A_712 = tpu.memref_slice %arg20[%dma_start3A_710, %dma_start3A_711] : memref<1x128xi32, #tpu.memory_space<vmem>> -> memref<1x128xi32, #tpu.memory_space<vmem>>
        %dma_start3A_713 = tpu.memref_squeeze %dma_start3A_712 : memref<1x128xi32, #tpu.memory_space<vmem>> -> memref<128xi32, #tpu.memory_space<vmem>>
        %dma_start3A_714 = arith.constant 0 : i32
        %dma_start3A_715 = arith.constant 0 : i32
        %dma_start3A_716 = tpu.memref_slice %arg21[%dma_start3A_714, %dma_start3A_715] : memref<20480x64xf32, #tpu.memory_space<vmem_shared>> -> memref<20480x64xf32, #tpu.memory_space<vmem_shared>>
        tpu.enqueue_indirect_dma source(%arg14 : memref<128x64xf32, #tpu.memory_space<vmem>>) target(%dma_start3A_716 : memref<20480x64xf32, #tpu.memory_space<vmem_shared>>) offsets(%dma_start3A_713 : memref<128xi32, #tpu.memory_space<vmem>>) semaphore(%arg26 : memref<!tpu.dma_semaphore, #tpu.memory_space<semaphore_mem>>) {add = true}
        %dma_start3A_717 = arith.constant 0 : i32
        %dma_start3A_718 = arith.constant 0 : i32
        %dma_start3A_719 = tpu.memref_slice %arg20[%dma_start3A_717, %dma_start3A_718] : memref<1x128xi32, #tpu.memory_space<vmem>> -> memref<1x128xi32, #tpu.memory_space<vmem>>
        %dma_start3A_720 = tpu.memref_squeeze %dma_start3A_719 : memref<1x128xi32, #tpu.memory_space<vmem>> -> memref<128xi32, #tpu.memory_space<vmem>>
        %dma_start3A_721 = arith.constant 0 : i32
        %dma_start3A_722 = tpu.memref_slice %arg22[%dma_start3A_721] : memref<20480xf32, #tpu.memory_space<vmem_shared>> -> memref<20480xf32, #tpu.memory_space<vmem_shared>>
        tpu.enqueue_indirect_dma source(%arg16 : memref<128xf32, #tpu.memory_space<vmem>>) target(%dma_start3A_722 : memref<20480xf32, #tpu.memory_space<vmem_shared>>) offsets(%dma_start3A_720 : memref<128xi32, #tpu.memory_space<vmem>>) semaphore(%arg28 : memref<!tpu.dma_semaphore, #tpu.memory_space<semaphore_mem>>) {add = true}
        %scan3A_723 = arith.constant 0 : i32
        scf.yield %scan3A_723 : i32
      }
      %scan3A_355 = arith.constant 20 : i32
      %dma_wait3A = arith.constant 0 : i32
      %dma_wait3A_356 = arith.constant 0 : i32
      %dma_wait3A_357 = tpu.memref_slice %arg20[%dma_wait3A, %dma_wait3A_356] : memref<1x128xi32, #tpu.memory_space<vmem>> -> memref<1x128xi32, #tpu.memory_space<vmem>>
      %dma_wait3A_358 = tpu.memref_squeeze %dma_wait3A_357 : memref<1x128xi32, #tpu.memory_space<vmem>> -> memref<128xi32, #tpu.memory_space<vmem>>
      %dma_wait3A_359 = arith.constant 0 : i32
      %dma_wait3A_360 = arith.constant 0 : i32
      %dma_wait3A_361 = tpu.memref_slice %arg21[%dma_wait3A_359, %dma_wait3A_360] : memref<20480x64xf32, #tpu.memory_space<vmem_shared>> -> memref<20480x64xf32, #tpu.memory_space<vmem_shared>>
      tpu.wait_indirect_dma semaphore(%arg26 : memref<!tpu.dma_semaphore, #tpu.memory_space<semaphore_mem>>) src(%arg14 : memref<128x64xf32, #tpu.memory_space<vmem>>) dst(%dma_wait3A_361 : memref<20480x64xf32, #tpu.memory_space<vmem_shared>>)
      %dma_wait3A_362 = arith.constant 0 : i32
      %dma_wait3A_363 = arith.constant 0 : i32
      %dma_wait3A_364 = tpu.memref_slice %arg20[%dma_wait3A_362, %dma_wait3A_363] : memref<1x128xi32, #tpu.memory_space<vmem>> -> memref<1x128xi32, #tpu.memory_space<vmem>>
      %dma_wait3A_365 = tpu.memref_squeeze %dma_wait3A_364 : memref<1x128xi32, #tpu.memory_space<vmem>> -> memref<128xi32, #tpu.memory_space<vmem>>
      %dma_wait3A_366 = arith.constant 0 : i32
      %dma_wait3A_367 = tpu.memref_slice %arg22[%dma_wait3A_366] : memref<20480xf32, #tpu.memory_space<vmem_shared>> -> memref<20480xf32, #tpu.memory_space<vmem_shared>>
      tpu.wait_indirect_dma semaphore(%arg28 : memref<!tpu.dma_semaphore, #tpu.memory_space<semaphore_mem>>) src(%arg16 : memref<128xf32, #tpu.memory_space<vmem>>) dst(%dma_wait3A_367 : memref<20480xf32, #tpu.memory_space<vmem_shared>>)
      %scan3A_368 = arith.constant 0 : i32
      scf.yield %scan3A_368 : i32
    }
    %scan3A_64 = arith.constant 4 : i32
    %barrier3A_65 = arith.constant 0 : index
    tpu.barrier barrier_id(%barrier3A_65)
    %mul3A_66 = arith.constant 1280 : i32
    %mul3A_67 = arith.muli %arg1, %mul3A_66 : i32
    %mul3A_68 = arith.constant 1280 : i32
    %mul3A_69 = arith.muli %arg1, %mul3A_68 : i32
    "tpu.region"() ({
      %run_scoped3A = tpu.sem_alloc : memref<!tpu.dma_semaphore, #tpu.memory_space<semaphore_mem>>
      %dma_start3A = arith.constant 0 : i32
      %dma_start3A_74 = tpu.memref_slice %arg7[%arg0, %mul3A_69, %dma_start3A] : memref<2x20480x64xf32, #tpu.memory_space<hbm>> -> memref<1x1280x64xf32, #tpu.memory_space<hbm>>
      %dma_start3A_75 = tpu.memref_squeeze %dma_start3A_74 : memref<1x1280x64xf32, #tpu.memory_space<hbm>> -> memref<1280x64xf32, #tpu.memory_space<hbm>>
      %dma_start3A_76 = arith.constant 0 : i32
      %dma_start3A_77 = tpu.memref_slice %arg21[%mul3A_67, %dma_start3A_76] : memref<20480x64xf32, #tpu.memory_space<vmem_shared>> -> memref<1280x64xf32, #tpu.memory_space<vmem_shared>>
      tpu.enqueue_dma source(%dma_start3A_77 : memref<1280x64xf32, #tpu.memory_space<vmem_shared>>) target(%dma_start3A_75 : memref<1280x64xf32, #tpu.memory_space<hbm>>) target_semaphore(%run_scoped3A : memref<!tpu.dma_semaphore, #tpu.memory_space<semaphore_mem>>)
      %dma_wait3A = arith.constant 0 : i32
      %dma_wait3A_78 = tpu.memref_slice %arg7[%arg0, %mul3A_69, %dma_wait3A] : memref<2x20480x64xf32, #tpu.memory_space<hbm>> -> memref<1x1280x64xf32, #tpu.memory_space<hbm>>
      %dma_wait3A_79 = tpu.memref_squeeze %dma_wait3A_78 : memref<1x1280x64xf32, #tpu.memory_space<hbm>> -> memref<1280x64xf32, #tpu.memory_space<hbm>>
      %dma_wait3A_80 = arith.constant 0 : i32
      %dma_wait3A_81 = tpu.memref_slice %arg21[%mul3A_67, %dma_wait3A_80] : memref<20480x64xf32, #tpu.memory_space<vmem_shared>> -> memref<1280x64xf32, #tpu.memory_space<vmem_shared>>
      tpu.wait_dma2 semaphore(%run_scoped3A : memref<!tpu.dma_semaphore, #tpu.memory_space<semaphore_mem>>) src(%dma_wait3A_81 : memref<1280x64xf32, #tpu.memory_space<vmem_shared>>) dst(%dma_wait3A_79 : memref<1280x64xf32, #tpu.memory_space<hbm>>)
      tpu.yield
    }) : () -> ()
    %mul3A_70 = arith.constant 1280 : i32
    %mul3A_71 = arith.muli %arg1, %mul3A_70 : i32
    %mul3A_72 = arith.constant 1280 : i32
    %mul3A_73 = arith.muli %arg1, %mul3A_72 : i32
    "tpu.region"() ({
      %run_scoped3A = tpu.sem_alloc : memref<!tpu.dma_semaphore, #tpu.memory_space<semaphore_mem>>
      %dma_start3A = tpu.memref_slice %arg8[%arg0, %mul3A_73] : memref<2x20480xf32, #tpu.memory_space<hbm>> -> memref<1x1280xf32, #tpu.memory_space<hbm>>
      %dma_start3A_74 = tpu.memref_squeeze %dma_start3A : memref<1x1280xf32, #tpu.memory_space<hbm>> -> memref<1280xf32, #tpu.memory_space<hbm>>
      %dma_start3A_75 = tpu.memref_slice %arg22[%mul3A_71] : memref<20480xf32, #tpu.memory_space<vmem_shared>> -> memref<1280xf32, #tpu.memory_space<vmem_shared>>
      tpu.enqueue_dma source(%dma_start3A_75 : memref<1280xf32, #tpu.memory_space<vmem_shared>>) target(%dma_start3A_74 : memref<1280xf32, #tpu.memory_space<hbm>>) target_semaphore(%run_scoped3A : memref<!tpu.dma_semaphore, #tpu.memory_space<semaphore_mem>>)
      %dma_wait3A = tpu.memref_slice %arg8[%arg0, %mul3A_73] : memref<2x20480xf32, #tpu.memory_space<hbm>> -> memref<1x1280xf32, #tpu.memory_space<hbm>>
      %dma_wait3A_76 = tpu.memref_squeeze %dma_wait3A : memref<1x1280xf32, #tpu.memory_space<hbm>> -> memref<1280xf32, #tpu.memory_space<hbm>>
      %dma_wait3A_77 = tpu.memref_slice %arg22[%mul3A_71] : memref<20480xf32, #tpu.memory_space<vmem_shared>> -> memref<1280xf32, #tpu.memory_space<vmem_shared>>
      tpu.wait_dma2 semaphore(%run_scoped3A : memref<!tpu.dma_semaphore, #tpu.memory_space<semaphore_mem>>) src(%dma_wait3A_77 : memref<1280xf32, #tpu.memory_space<vmem_shared>>) dst(%dma_wait3A_76 : memref<1280xf32, #tpu.memory_space<hbm>>)
      tpu.yield
    }) : () -> ()
    return
  }
}

module attributes {stable_mosaic.version = 14 : i64} {
  func.func @_s1_body(%arg0: i32, %arg1: memref<1024x128xf32, #tpu.memory_space<vmem>>, %arg2: memref<128x128xf32, #tpu.memory_space<vmem>>, %arg3: memref<128x128xf32, #tpu.memory_space<vmem>>, %arg4: memref<128x1xf32, #tpu.memory_space<vmem>>, %arg5: memref<128x1xf32, #tpu.memory_space<vmem>>, %arg6: memref<1024x2xf32, #tpu.memory_space<vmem>>, %arg7: memref<1024x128xf32, #tpu.memory_space<vmem>>, %arg8: memref<2x2x1024x64xf32, #tpu.memory_space<vmem>>, %arg9: memref<1024x1xf32, #tpu.memory_space<vmem>>, %arg10: memref<1024x1xf32, #tpu.memory_space<vmem>>, %arg11: memref<1024x1xf32, #tpu.memory_space<vmem>>) attributes {dimension_semantics = [#tpu.dimension_semantics<arbitrary>], iteration_bounds = array<i64: 10>, scalar_prefetch = 0 : i64, scratch_operands = 0 : i64, tpu.core_type = #tpu.core_type<tc>, window_params = [{transform_indices = @transform_0, window_bounds = array<i64: 1024, 128>}, {pipeline_mode = #tpu.pipeline_mode<synchronous>, transform_indices = @transform_1, window_bounds = array<i64: 128, 128>}, {pipeline_mode = #tpu.pipeline_mode<synchronous>, transform_indices = @transform_2, window_bounds = array<i64: 128, 128>}, {pipeline_mode = #tpu.pipeline_mode<synchronous>, transform_indices = @transform_3, window_bounds = array<i64: 128, 1>}, {pipeline_mode = #tpu.pipeline_mode<synchronous>, transform_indices = @transform_4, window_bounds = array<i64: 128, 1>}, {transform_indices = @transform_5, window_bounds = array<i64: 1024, 2>}, {transform_indices = @transform_6, window_bounds = array<i64: 1024, 128>}, {transform_indices = @transform_7, window_bounds = array<i64: 2, 2, 1024, 64>}, {transform_indices = @transform_8, window_bounds = array<i64: 1024, 1>}, {transform_indices = @transform_9, window_bounds = array<i64: 1024, 1>}, {transform_indices = @transform_10, window_bounds = array<i64: 1024, 1>}]} {
    %get3A = arith.constant 0 : index
    %get3A_0 = arith.constant 0 : index
    %get3A_1 = vector.load %arg1[%get3A, %get3A_0] : memref<1024x128xf32, #tpu.memory_space<vmem>>, vector<1024x128xf32>
    %get3A_2 = arith.constant 0 : index
    %get3A_3 = arith.constant 0 : index
    %get3A_4 = vector.load %arg2[%get3A_2, %get3A_3] : memref<128x128xf32, #tpu.memory_space<vmem>>, vector<128x128xf32>
    %dot_general3A = arith.constant dense<0.000000e+00> : vector<1024x128xf32>
    %dot_general3A_5 = tpu.matmul %get3A_1, %get3A_4, %dot_general3A {dimension_numbers = #tpu.dot_dimension_numbers<[1], [0], [0], [1], [0, 0, 1, 1], [], []>, transpose_lhs_hint = false} : vector<1024x128xf32>, vector<128x128xf32>, vector<1024x128xf32> -> vector<1024x128xf32>
    %get3A_6 = arith.constant 0 : index
    %get3A_7 = arith.constant 0 : index
    %get3A_8 = vector.load %arg3[%get3A_6, %get3A_7] : memref<128x128xf32, #tpu.memory_space<vmem>>, vector<128x128xf32>
    %dot_general3A_9 = arith.constant dense<0.000000e+00> : vector<1024x128xf32>
    %dot_general3A_10 = tpu.matmul %get3A_1, %get3A_8, %dot_general3A_9 {dimension_numbers = #tpu.dot_dimension_numbers<[1], [0], [0], [1], [0, 0, 1, 1], [], []>, transpose_lhs_hint = false} : vector<1024x128xf32>, vector<128x128xf32>, vector<1024x128xf32> -> vector<1024x128xf32>
    %get3A_11 = arith.constant 0 : index
    %get3A_12 = arith.constant 0 : index
    %get3A_13 = vector.load %arg6[%get3A_11, %get3A_12] : memref<1024x2xf32, #tpu.memory_space<vmem>>, vector<1024x2xf32>
    %slice3A = vector.extract_strided_slice %get3A_13 {offsets = [0, 0], sizes = [1024, 1], strides = [1, 1]} : vector<1024x2xf32> to vector<1024x1xf32>
    %max3A = arith.constant 1.000000e+00 : f32
    %max3A_14 = vector.broadcast %max3A : f32 to vector<1024x1xf32>
    %max3A_15 = arith.maximumf %slice3A, %max3A_14 : vector<1024x1xf32>
    %slice3A_16 = vector.extract_strided_slice %get3A_13 {offsets = [0, 1], sizes = [1024, 1], strides = [1, 1]} : vector<1024x2xf32> to vector<1024x1xf32>
    %max3A_17 = arith.constant 1.000000e+00 : f32
    %max3A_18 = vector.broadcast %max3A_17 : f32 to vector<1024x1xf32>
    %max3A_19 = arith.maximumf %slice3A_16, %max3A_18 : vector<1024x1xf32>
    %rsqrt3A = math.rsqrt %max3A_15 : vector<1024x1xf32>
    %rsqrt3A_20 = math.rsqrt %max3A_19 : vector<1024x1xf32>
    %get3A_21 = arith.constant 0 : index
    %get3A_22 = arith.constant 0 : index
    %get3A_23 = vector.load %arg4[%get3A_21, %get3A_22] : memref<128x1xf32, #tpu.memory_space<vmem>>, vector<128x1xf32>
    %dot_general3A_24 = arith.constant dense<0.000000e+00> : vector<1024x1xf32>
    %dot_general3A_25 = tpu.matmul %dot_general3A_10, %get3A_23, %dot_general3A_24 {dimension_numbers = #tpu.dot_dimension_numbers<[1], [0], [0], [1], [0, 0, 1, 1], [], []>, transpose_lhs_hint = false} : vector<1024x128xf32>, vector<128x1xf32>, vector<1024x1xf32> -> vector<1024x1xf32>
    %get3A_26 = arith.constant 0 : index
    %get3A_27 = arith.constant 0 : index
    %get3A_28 = vector.load %arg5[%get3A_26, %get3A_27] : memref<128x1xf32, #tpu.memory_space<vmem>>, vector<128x1xf32>
    %dot_general3A_29 = arith.constant dense<0.000000e+00> : vector<1024x1xf32>
    %dot_general3A_30 = tpu.matmul %dot_general3A_10, %get3A_28, %dot_general3A_29 {dimension_numbers = #tpu.dot_dimension_numbers<[1], [0], [0], [1], [0, 0, 1, 1], [], []>, transpose_lhs_hint = false} : vector<1024x128xf32>, vector<128x1xf32>, vector<1024x1xf32> -> vector<1024x1xf32>
    %mul3A = vector.broadcast %rsqrt3A_20 : vector<1024x1xf32> to vector<1024x128xf32>
    %mul3A_31 = arith.mulf %dot_general3A_5, %mul3A : vector<1024x128xf32>
    %swap3A = arith.constant 0 : index
    %swap3A_32 = arith.constant 0 : index
    %swap3A_33 = vector.load %arg7[%swap3A, %swap3A_32] : memref<1024x128xf32, #tpu.memory_space<vmem>>, vector<1024x128xf32>
    tpu.vector_store %arg7[%swap3A, %swap3A_32], %mul3A_31 {strides = array<i32>} : memref<1024x128xf32, #tpu.memory_space<vmem>>, vector<1024x128xf32>,
    %exp3A = math.exp %dot_general3A_25 : vector<1024x1xf32>
    %mul3A_34 = arith.constant 2.000000e-01 : f32
    %mul3A_35 = vector.broadcast %mul3A_34 : f32 to vector<1024x1xf32>
    %mul3A_36 = arith.mulf %mul3A_35, %dot_general3A_25 : vector<1024x1xf32>
    %exp3A_37 = math.exp %mul3A_36 : vector<1024x1xf32>
    %mul3A_38 = vector.broadcast %exp3A : vector<1024x1xf32> to vector<1024x128xf32>
    %mul3A_39 = arith.mulf %dot_general3A_10, %mul3A_38 : vector<1024x128xf32>
    %mul3A_40 = vector.broadcast %exp3A_37 : vector<1024x1xf32> to vector<1024x128xf32>
    %mul3A_41 = arith.mulf %dot_general3A_10, %mul3A_40 : vector<1024x128xf32>
    %slice3A_42 = vector.extract_strided_slice %mul3A_39 {offsets = [0, 0], sizes = [1024, 64], strides = [1, 1]} : vector<1024x128xf32> to vector<1024x64xf32>
    %swap3A_43 = arith.constant 0 : index
    %swap3A_44 = arith.constant 0 : index
    %swap3A_45 = arith.constant 0 : index
    %swap3A_46 = arith.constant 0 : index
    %swap3A_47 = vector.load %arg8[%swap3A_43, %swap3A_44, %swap3A_45, %swap3A_46] : memref<2x2x1024x64xf32, #tpu.memory_space<vmem>>, vector<1x1x1024x64xf32>
    %swap3A_48 = vector.shape_cast %swap3A_47 : vector<1x1x1024x64xf32> to vector<1024x64xf32>
    %swap3A_49 = vector.shape_cast %slice3A_42 : vector<1024x64xf32> to vector<1x1x1024x64xf32>
    tpu.vector_store %arg8[%swap3A_43, %swap3A_44, %swap3A_45, %swap3A_46], %swap3A_49 {strides = array<i32>} : memref<2x2x1024x64xf32, #tpu.memory_space<vmem>>, vector<1x1x1024x64xf32>,
    %slice3A_50 = vector.extract_strided_slice %mul3A_41 {offsets = [0, 0], sizes = [1024, 64], strides = [1, 1]} : vector<1024x128xf32> to vector<1024x64xf32>
    %swap3A_51 = arith.constant 0 : index
    %swap3A_52 = arith.constant 1 : index
    %swap3A_53 = arith.constant 0 : index
    %swap3A_54 = arith.constant 0 : index
    %swap3A_55 = vector.load %arg8[%swap3A_51, %swap3A_52, %swap3A_53, %swap3A_54] : memref<2x2x1024x64xf32, #tpu.memory_space<vmem>>, vector<1x1x1024x64xf32>
    %swap3A_56 = vector.shape_cast %swap3A_55 : vector<1x1x1024x64xf32> to vector<1024x64xf32>
    %swap3A_57 = vector.shape_cast %slice3A_50 : vector<1024x64xf32> to vector<1x1x1024x64xf32>
    tpu.vector_store %arg8[%swap3A_51, %swap3A_52, %swap3A_53, %swap3A_54], %swap3A_57 {strides = array<i32>} : memref<2x2x1024x64xf32, #tpu.memory_space<vmem>>, vector<1x1x1024x64xf32>,
    %slice3A_58 = vector.extract_strided_slice %mul3A_39 {offsets = [0, 64], sizes = [1024, 64], strides = [1, 1]} : vector<1024x128xf32> to vector<1024x64xf32>
    %swap3A_59 = arith.constant 1 : index
    %swap3A_60 = arith.constant 0 : index
    %swap3A_61 = arith.constant 0 : index
    %swap3A_62 = arith.constant 0 : index
    %swap3A_63 = vector.load %arg8[%swap3A_59, %swap3A_60, %swap3A_61, %swap3A_62] : memref<2x2x1024x64xf32, #tpu.memory_space<vmem>>, vector<1x1x1024x64xf32>
    %swap3A_64 = vector.shape_cast %swap3A_63 : vector<1x1x1024x64xf32> to vector<1024x64xf32>
    %swap3A_65 = vector.shape_cast %slice3A_58 : vector<1024x64xf32> to vector<1x1x1024x64xf32>
    tpu.vector_store %arg8[%swap3A_59, %swap3A_60, %swap3A_61, %swap3A_62], %swap3A_65 {strides = array<i32>} : memref<2x2x1024x64xf32, #tpu.memory_space<vmem>>, vector<1x1x1024x64xf32>,
    %slice3A_66 = vector.extract_strided_slice %mul3A_41 {offsets = [0, 64], sizes = [1024, 64], strides = [1, 1]} : vector<1024x128xf32> to vector<1024x64xf32>
    %swap3A_67 = arith.constant 1 : index
    %swap3A_68 = arith.constant 1 : index
    %swap3A_69 = arith.constant 0 : index
    %swap3A_70 = arith.constant 0 : index
    %swap3A_71 = vector.load %arg8[%swap3A_67, %swap3A_68, %swap3A_69, %swap3A_70] : memref<2x2x1024x64xf32, #tpu.memory_space<vmem>>, vector<1x1x1024x64xf32>
    %swap3A_72 = vector.shape_cast %swap3A_71 : vector<1x1x1024x64xf32> to vector<1024x64xf32>
    %swap3A_73 = vector.shape_cast %slice3A_66 : vector<1024x64xf32> to vector<1x1x1024x64xf32>
    tpu.vector_store %arg8[%swap3A_67, %swap3A_68, %swap3A_69, %swap3A_70], %swap3A_73 {strides = array<i32>} : memref<2x2x1024x64xf32, #tpu.memory_space<vmem>>, vector<1x1x1024x64xf32>,
    %swap3A_74 = arith.constant 0 : index
    %swap3A_75 = arith.constant 0 : index
    %swap3A_76 = vector.load %arg9[%swap3A_74, %swap3A_75] : memref<1024x1xf32, #tpu.memory_space<vmem>>, vector<1024x1xf32>
    tpu.vector_store %arg9[%swap3A_74, %swap3A_75], %dot_general3A_25 {strides = array<i32>} : memref<1024x1xf32, #tpu.memory_space<vmem>>, vector<1024x1xf32>,
    %swap3A_77 = arith.constant 0 : index
    %swap3A_78 = arith.constant 0 : index
    %swap3A_79 = vector.load %arg10[%swap3A_77, %swap3A_78] : memref<1024x1xf32, #tpu.memory_space<vmem>>, vector<1024x1xf32>
    tpu.vector_store %arg10[%swap3A_77, %swap3A_78], %dot_general3A_30 {strides = array<i32>} : memref<1024x1xf32, #tpu.memory_space<vmem>>, vector<1024x1xf32>,
    %swap3A_80 = arith.constant 0 : index
    %swap3A_81 = arith.constant 0 : index
    %swap3A_82 = vector.load %arg11[%swap3A_80, %swap3A_81] : memref<1024x1xf32, #tpu.memory_space<vmem>>, vector<1024x1xf32>
    tpu.vector_store %arg11[%swap3A_80, %swap3A_81], %rsqrt3A {strides = array<i32>} : memref<1024x1xf32, #tpu.memory_space<vmem>>, vector<1024x1xf32>,
    return
  }
  func.func @transform_0(%arg0: i32) -> (i32, i32) {
    %c0_i32 = arith.constant 0 : i32
    %c0_i32_0 = arith.constant 0 : i32
    return %arg0, %c0_i32 : i32, i32
  }
  func.func @transform_1(%arg0: i32) -> (i32, i32) {
    %c0_i32 = arith.constant 0 : i32
    %c0_i32_0 = arith.constant 0 : i32
    %c0_i32_1 = arith.constant 0 : i32
    return %c0_i32, %c0_i32_0 : i32, i32
  }
  func.func @transform_2(%arg0: i32) -> (i32, i32) {
    %c0_i32 = arith.constant 0 : i32
    %c0_i32_0 = arith.constant 0 : i32
    %c0_i32_1 = arith.constant 0 : i32
    return %c0_i32, %c0_i32_0 : i32, i32
  }
  func.func @transform_3(%arg0: i32) -> (i32, i32) {
    %c0_i32 = arith.constant 0 : i32
    %c0_i32_0 = arith.constant 0 : i32
    %c0_i32_1 = arith.constant 0 : i32
    return %c0_i32, %c0_i32_0 : i32, i32
  }
  func.func @transform_4(%arg0: i32) -> (i32, i32) {
    %c0_i32 = arith.constant 0 : i32
    %c0_i32_0 = arith.constant 0 : i32
    %c0_i32_1 = arith.constant 0 : i32
    return %c0_i32, %c0_i32_0 : i32, i32
  }
  func.func @transform_5(%arg0: i32) -> (i32, i32) {
    %c0_i32 = arith.constant 0 : i32
    %c0_i32_0 = arith.constant 0 : i32
    return %arg0, %c0_i32 : i32, i32
  }
  func.func @transform_6(%arg0: i32) -> (i32, i32) {
    %c0_i32 = arith.constant 0 : i32
    %c0_i32_0 = arith.constant 0 : i32
    return %arg0, %c0_i32 : i32, i32
  }
  func.func @transform_7(%arg0: i32) -> (i32, i32, i32, i32) {
    %c0_i32 = arith.constant 0 : i32
    %c0_i32_0 = arith.constant 0 : i32
    %c0_i32_1 = arith.constant 0 : i32
    %c0_i32_2 = arith.constant 0 : i32
    return %c0_i32, %c0_i32_0, %arg0, %c0_i32_1 : i32, i32, i32, i32
  }
  func.func @transform_8(%arg0: i32) -> (i32, i32) {
    %c0_i32 = arith.constant 0 : i32
    %c0_i32_0 = arith.constant 0 : i32
    return %arg0, %c0_i32 : i32, i32
  }
  func.func @transform_9(%arg0: i32) -> (i32, i32) {
    %c0_i32 = arith.constant 0 : i32
    %c0_i32_0 = arith.constant 0 : i32
    return %arg0, %c0_i32 : i32, i32
  }
  func.func @transform_10(%arg0: i32) -> (i32, i32) {
    %c0_i32 = arith.constant 0 : i32
    %c0_i32_0 = arith.constant 0 : i32
    return %arg0, %c0_i32 : i32, i32
  }
}

module attributes {stable_mosaic.version = 14 : i64} {
  func.func @_s2a_body(%arg0: i32, %arg1: memref<2x2x1024x64xf32, #tpu.memory_space<vmem>>, %arg2: memref<1024x2xf32, #tpu.memory_space<vmem>>, %arg3: memref<1024x1xf32, #tpu.memory_space<vmem>>, %arg4: memref<1x128xf32, #tpu.memory_space<vmem>>, %arg5: memref<1024x128xf32, #tpu.memory_space<vmem>>) attributes {dimension_semantics = [#tpu.dimension_semantics<arbitrary>], iteration_bounds = array<i64: 10>, scalar_prefetch = 0 : i64, scratch_operands = 0 : i64, tpu.core_type = #tpu.core_type<tc>, window_params = [{transform_indices = @transform_0, window_bounds = array<i64: 2, 2, 1024, 64>}, {transform_indices = @transform_1, window_bounds = array<i64: 1024, 2>}, {transform_indices = @transform_2, window_bounds = array<i64: 1024, 1>}, {pipeline_mode = #tpu.pipeline_mode<synchronous>, transform_indices = @transform_3, window_bounds = array<i64: 1, 128>}, {transform_indices = @transform_4, window_bounds = array<i64: 1024, 128>}]} {
    %get3A = arith.constant 0 : index
    %get3A_0 = arith.constant 0 : index
    %get3A_1 = arith.constant 0 : index
    %get3A_2 = arith.constant 0 : index
    %get3A_3 = vector.load %arg1[%get3A, %get3A_0, %get3A_1, %get3A_2] : memref<2x2x1024x64xf32, #tpu.memory_space<vmem>>, vector<1x1x1024x64xf32>
    %get3A_4 = vector.shape_cast %get3A_3 : vector<1x1x1024x64xf32> to vector<1024x64xf32>
    %get3A_5 = arith.constant 1 : index
    %get3A_6 = arith.constant 0 : index
    %get3A_7 = arith.constant 0 : index
    %get3A_8 = arith.constant 0 : index
    %get3A_9 = vector.load %arg1[%get3A_5, %get3A_6, %get3A_7, %get3A_8] : memref<2x2x1024x64xf32, #tpu.memory_space<vmem>>, vector<1x1x1024x64xf32>
    %get3A_10 = vector.shape_cast %get3A_9 : vector<1x1x1024x64xf32> to vector<1024x64xf32>
    %concatenate3A = tpu.concatenate %get3A_4, %get3A_10 in 1 : vector<1024x64xf32>, vector<1024x64xf32> -> vector<1024x128xf32>
    %get3A_11 = arith.constant 0 : index
    %get3A_12 = arith.constant 1 : index
    %get3A_13 = arith.constant 0 : index
    %get3A_14 = arith.constant 0 : index
    %get3A_15 = vector.load %arg1[%get3A_11, %get3A_12, %get3A_13, %get3A_14] : memref<2x2x1024x64xf32, #tpu.memory_space<vmem>>, vector<1x1x1024x64xf32>
    %get3A_16 = vector.shape_cast %get3A_15 : vector<1x1x1024x64xf32> to vector<1024x64xf32>
    %get3A_17 = arith.constant 1 : index
    %get3A_18 = arith.constant 1 : index
    %get3A_19 = arith.constant 0 : index
    %get3A_20 = arith.constant 0 : index
    %get3A_21 = vector.load %arg1[%get3A_17, %get3A_18, %get3A_19, %get3A_20] : memref<2x2x1024x64xf32, #tpu.memory_space<vmem>>, vector<1x1x1024x64xf32>
    %get3A_22 = vector.shape_cast %get3A_21 : vector<1x1x1024x64xf32> to vector<1024x64xf32>
    %concatenate3A_23 = tpu.concatenate %get3A_16, %get3A_22 in 1 : vector<1024x64xf32>, vector<1024x64xf32> -> vector<1024x128xf32>
    %get3A_24 = arith.constant 0 : index
    %get3A_25 = arith.constant 0 : index
    %get3A_26 = vector.load %arg3[%get3A_24, %get3A_25] : memref<1024x1xf32, #tpu.memory_space<vmem>>, vector<1024x1xf32>
    %exp3A = math.exp %get3A_26 : vector<1024x1xf32>
    %mul3A = arith.constant 2.000000e-01 : f32
    %mul3A_27 = vector.broadcast %mul3A : f32 to vector<1024x1xf32>
    %mul3A_28 = arith.mulf %mul3A_27, %get3A_26 : vector<1024x1xf32>
    %exp3A_29 = math.exp %mul3A_28 : vector<1024x1xf32>
    %get3A_30 = arith.constant 0 : index
    %get3A_31 = arith.constant 0 : index
    %get3A_32 = vector.load %arg2[%get3A_30, %get3A_31] : memref<1024x2xf32, #tpu.memory_space<vmem>>, vector<1024x2xf32>
    %slice3A = vector.extract_strided_slice %get3A_32 {offsets = [0, 0], sizes = [1024, 1], strides = [1, 1]} : vector<1024x2xf32> to vector<1024x1xf32>
    %mul3A_33 = arith.mulf %exp3A, %slice3A : vector<1024x1xf32>
    %slice3A_34 = vector.extract_strided_slice %get3A_32 {offsets = [0, 1], sizes = [1024, 1], strides = [1, 1]} : vector<1024x2xf32> to vector<1024x1xf32>
    %mul3A_35 = arith.mulf %exp3A_29, %slice3A_34 : vector<1024x1xf32>
    %add3A = arith.addf %mul3A_33, %mul3A_35 : vector<1024x1xf32>
    %max3A = arith.constant 9.99999971E-10 : f32
    %max3A_36 = vector.broadcast %max3A : f32 to vector<1024x1xf32>
    %max3A_37 = arith.maximumf %add3A, %max3A_36 : vector<1024x1xf32>
    %mul3A_38 = vector.broadcast %exp3A : vector<1024x1xf32> to vector<1024x128xf32>
    %mul3A_39 = arith.mulf %mul3A_38, %concatenate3A : vector<1024x128xf32>
    %mul3A_40 = vector.broadcast %exp3A_29 : vector<1024x1xf32> to vector<1024x128xf32>
    %mul3A_41 = arith.mulf %mul3A_40, %concatenate3A_23 : vector<1024x128xf32>
    %add3A_42 = arith.addf %mul3A_39, %mul3A_41 : vector<1024x128xf32>
    %div3A = vector.broadcast %max3A_37 : vector<1024x1xf32> to vector<1024x128xf32>
    %div3A_43 = arith.divf %add3A_42, %div3A : vector<1024x128xf32>
    %get3A_44 = arith.constant 0 : index
    %get3A_45 = arith.constant 0 : index
    %get3A_46 = vector.load %arg4[%get3A_44, %get3A_45] : memref<1x128xf32, #tpu.memory_space<vmem>>, vector<1x128xf32>
    %add3A_47 = vector.broadcast %get3A_46 : vector<1x128xf32> to vector<1024x128xf32>
    %add3A_48 = arith.addf %div3A_43, %add3A_47 : vector<1024x128xf32>
    %swap3A = arith.constant 0 : index
    %swap3A_49 = arith.constant 0 : index
    %swap3A_50 = vector.load %arg5[%swap3A, %swap3A_49] : memref<1024x128xf32, #tpu.memory_space<vmem>>, vector<1024x128xf32>
    tpu.vector_store %arg5[%swap3A, %swap3A_49], %add3A_48 {strides = array<i32>} : memref<1024x128xf32, #tpu.memory_space<vmem>>, vector<1024x128xf32>,
    return
  }
  func.func @transform_0(%arg0: i32) -> (i32, i32, i32, i32) {
    %c0_i32 = arith.constant 0 : i32
    %c0_i32_0 = arith.constant 0 : i32
    %c0_i32_1 = arith.constant 0 : i32
    %c0_i32_2 = arith.constant 0 : i32
    return %c0_i32, %c0_i32_0, %arg0, %c0_i32_1 : i32, i32, i32, i32
  }
  func.func @transform_1(%arg0: i32) -> (i32, i32) {
    %c0_i32 = arith.constant 0 : i32
    %c0_i32_0 = arith.constant 0 : i32
    return %arg0, %c0_i32 : i32, i32
  }
  func.func @transform_2(%arg0: i32) -> (i32, i32) {
    %c0_i32 = arith.constant 0 : i32
    %c0_i32_0 = arith.constant 0 : i32
    return %arg0, %c0_i32 : i32, i32
  }
  func.func @transform_3(%arg0: i32) -> (i32, i32) {
    %c0_i32 = arith.constant 0 : i32
    %c0_i32_0 = arith.constant 0 : i32
    %c0_i32_1 = arith.constant 0 : i32
    return %c0_i32, %c0_i32_0 : i32, i32
  }
  func.func @transform_4(%arg0: i32) -> (i32, i32) {
    %c0_i32 = arith.constant 0 : i32
    %c0_i32_0 = arith.constant 0 : i32
    return %arg0, %c0_i32 : i32, i32
  }
}

module attributes {stable_mosaic.version = 14 : i64} {
  func.func @_s2b_body(%arg0: i32, %arg1: memref<2x1024x128xf32, #tpu.memory_space<vmem>>, %arg2: memref<1024x128xf32, #tpu.memory_space<vmem>>, %arg3: memref<1024x1xf32, #tpu.memory_space<vmem>>, %arg4: memref<1x128xf32, #tpu.memory_space<vmem>>, %arg5: memref<256x128xf32, #tpu.memory_space<vmem>>, %arg6: memref<1x128xf32, #tpu.memory_space<vmem>>, %arg7: memref<1024x128xf32, #tpu.memory_space<vmem>>) attributes {dimension_semantics = [#tpu.dimension_semantics<arbitrary>], iteration_bounds = array<i64: 10>, scalar_prefetch = 0 : i64, scratch_operands = 0 : i64, tpu.core_type = #tpu.core_type<tc>, window_params = [{transform_indices = @transform_0, window_bounds = array<i64: 2, 1024, 128>}, {transform_indices = @transform_1, window_bounds = array<i64: 1024, 128>}, {transform_indices = @transform_2, window_bounds = array<i64: 1024, 1>}, {pipeline_mode = #tpu.pipeline_mode<synchronous>, transform_indices = @transform_3, window_bounds = array<i64: 1, 128>}, {pipeline_mode = #tpu.pipeline_mode<synchronous>, transform_indices = @transform_4, window_bounds = array<i64: 256, 128>}, {pipeline_mode = #tpu.pipeline_mode<synchronous>, transform_indices = @transform_5, window_bounds = array<i64: 1, 128>}, {transform_indices = @transform_6, window_bounds = array<i64: 1024, 128>}]} {
    %get3A = arith.constant 0 : index
    %get3A_0 = arith.constant 0 : index
    %get3A_1 = vector.load %arg3[%get3A, %get3A_0] : memref<1024x1xf32, #tpu.memory_space<vmem>>, vector<1024x1xf32>
    %get3A_2 = arith.constant 0 : index
    %get3A_3 = arith.constant 0 : index
    %get3A_4 = arith.constant 0 : index
    %get3A_5 = vector.load %arg1[%get3A_2, %get3A_3, %get3A_4] : memref<2x1024x128xf32, #tpu.memory_space<vmem>>, vector<1x1024x128xf32>
    %get3A_6 = vector.shape_cast %get3A_5 : vector<1x1024x128xf32> to vector<1024x128xf32>
    %get3A_7 = arith.constant 1 : index
    %get3A_8 = arith.constant 0 : index
    %get3A_9 = arith.constant 0 : index
    %get3A_10 = vector.load %arg1[%get3A_7, %get3A_8, %get3A_9] : memref<2x1024x128xf32, #tpu.memory_space<vmem>>, vector<1x1024x128xf32>
    %get3A_11 = vector.shape_cast %get3A_10 : vector<1x1024x128xf32> to vector<1024x128xf32>
    %add3A = arith.addf %get3A_6, %get3A_11 : vector<1024x128xf32>
    %mul3A = vector.broadcast %get3A_1 : vector<1024x1xf32> to vector<1024x128xf32>
    %mul3A_12 = arith.mulf %mul3A, %add3A : vector<1024x128xf32>
    %get3A_13 = arith.constant 0 : index
    %get3A_14 = arith.constant 0 : index
    %get3A_15 = vector.load %arg4[%get3A_13, %get3A_14] : memref<1x128xf32, #tpu.memory_space<vmem>>, vector<1x128xf32>
    %add3A_16 = vector.broadcast %get3A_15 : vector<1x128xf32> to vector<1024x128xf32>
    %add3A_17 = arith.addf %mul3A_12, %add3A_16 : vector<1024x128xf32>
    %get3A_18 = arith.constant 0 : index
    %get3A_19 = arith.constant 0 : index
    %get3A_20 = vector.load %arg2[%get3A_18, %get3A_19] : memref<1024x128xf32, #tpu.memory_space<vmem>>, vector<1024x128xf32>
    %concatenate3A = tpu.concatenate %add3A_17, %get3A_20 in 1 : vector<1024x128xf32>, vector<1024x128xf32> -> vector<1024x256xf32>
    %get3A_21 = arith.constant 0 : index
    %get3A_22 = arith.constant 0 : index
    %get3A_23 = vector.load %arg5[%get3A_21, %get3A_22] : memref<256x128xf32, #tpu.memory_space<vmem>>, vector<256x128xf32>
    %dot_general3A = arith.constant dense<0.000000e+00> : vector<1024x128xf32>
    %dot_general3A_24 = tpu.matmul %concatenate3A, %get3A_23, %dot_general3A {dimension_numbers = #tpu.dot_dimension_numbers<[1], [0], [0], [1], [0, 0, 1, 1], [], []>, transpose_lhs_hint = false} : vector<1024x256xf32>, vector<256x128xf32>, vector<1024x128xf32> -> vector<1024x128xf32>
    %get3A_25 = arith.constant 0 : index
    %get3A_26 = arith.constant 0 : index
    %get3A_27 = vector.load %arg6[%get3A_25, %get3A_26] : memref<1x128xf32, #tpu.memory_space<vmem>>, vector<1x128xf32>
    %add3A_28 = vector.broadcast %get3A_27 : vector<1x128xf32> to vector<1024x128xf32>
    %add3A_29 = arith.addf %dot_general3A_24, %add3A_28 : vector<1024x128xf32>
    %add3A_30 = arith.addf %add3A_29, %add3A_17 : vector<1024x128xf32>
    %add3A_31 = arith.addf %add3A_30, %get3A_20 : vector<1024x128xf32>
    %swap3A = arith.constant 0 : index
    %swap3A_32 = arith.constant 0 : index
    %swap3A_33 = vector.load %arg7[%swap3A, %swap3A_32] : memref<1024x128xf32, #tpu.memory_space<vmem>>, vector<1024x128xf32>
    tpu.vector_store %arg7[%swap3A, %swap3A_32], %add3A_31 {strides = array<i32>} : memref<1024x128xf32, #tpu.memory_space<vmem>>, vector<1024x128xf32>,
    return
  }
  func.func @transform_0(%arg0: i32) -> (i32, i32, i32) {
    %c0_i32 = arith.constant 0 : i32
    %c0_i32_0 = arith.constant 0 : i32
    %c0_i32_1 = arith.constant 0 : i32
    return %c0_i32, %arg0, %c0_i32_0 : i32, i32, i32
  }
  func.func @transform_1(%arg0: i32) -> (i32, i32) {
    %c0_i32 = arith.constant 0 : i32
    %c0_i32_0 = arith.constant 0 : i32
    return %arg0, %c0_i32 : i32, i32
  }
  func.func @transform_2(%arg0: i32) -> (i32, i32) {
    %c0_i32 = arith.constant 0 : i32
    %c0_i32_0 = arith.constant 0 : i32
    return %arg0, %c0_i32 : i32, i32
  }
  func.func @transform_3(%arg0: i32) -> (i32, i32) {
    %c0_i32 = arith.constant 0 : i32
    %c0_i32_0 = arith.constant 0 : i32
    %c0_i32_1 = arith.constant 0 : i32
    return %c0_i32, %c0_i32_0 : i32, i32
  }
  func.func @transform_4(%arg0: i32) -> (i32, i32) {
    %c0_i32 = arith.constant 0 : i32
    %c0_i32_0 = arith.constant 0 : i32
    %c0_i32_1 = arith.constant 0 : i32
    return %c0_i32, %c0_i32_0 : i32, i32
  }
  func.func @transform_5(%arg0: i32) -> (i32, i32) {
    %c0_i32 = arith.constant 0 : i32
    %c0_i32_0 = arith.constant 0 : i32
    %c0_i32_1 = arith.constant 0 : i32
    return %c0_i32, %c0_i32_0 : i32, i32
  }
  func.func @transform_6(%arg0: i32) -> (i32, i32) {
    %c0_i32 = arith.constant 0 : i32
    %c0_i32_0 = arith.constant 0 : i32
    return %arg0, %c0_i32 : i32, i32
  }
}

</mosaic_0001>

<sc_bundles>
// kernel: kernel.11.cloned.1.call-start
scs
__scs_entry_jumppad:
0x0: {  	(pc) =	sbr.rel $0x88, $3  }
0x1: {  	(tag) =	ssettag $0x0;
	lr =	simm.s32 $0x1  }
0x2: {  	[smem:$0x3F97] =	sst lr;
	_ =	strace $0xD0000000  }
0x3: {  	_ = 	snop  }
0x4: {  	_ = 	snop  }
0x5: {  	_ = 	snop  }
0x6: {  	_ = 	snop  }
0x7: {  	_ = 	snop  }
__scs_overlays_trampoline_lowered:
0x8: {  	[smem:$0x3FA6] =	sst s0  }
0x9: {  	[smem:$0x3FA7] =	sst s1  }
0xa: {  	[smem:$0x3FA8] =	sst s2  }
0xb: {  	[smem:$0x3FA9] =	sst s3  }
0xc: {  	[smem:$0x3FAA] =	sst s4  }
0xd: {  	[smem:$0x3FAB] =	sst s5  }
0xe: {  	[smem:$0x3FAC] =	sst s6  }
0xf: {  	[smem:$0x3FAD] =	sst s7  }
0x10: {  	[smem:$0x3FAE] =	sst s8  }
0x11: {  	[smem:$0x3FAF] =	sst s9;
	s0 =	simm.s32 @!p0 $0x0  }
0x12: {  	s1 =	sld [smem:$0x3F95];
	s0 =	simm.s32 @p0 $0x1  }
0x13: {  	[smem:$0x3FB0] =	sst s0;
	s0 =	simm.s32 @!p1 $0x0  }
0x14: {  	s2 =	sld [smem:$0x3F94];
	s0 =	simm.s32 @p1 $0x1  }
0x15: {  	[smem:$0x3FB1] =	sst s0;
	s0 =	simm.s32 @!p2 $0x0  }
0x16: {  	s3 =	sld [smem:$0x3FDB];
	s0 =	simm.s32 @p2 $0x1  }
0x17: {  	s4 =	simm.s32 $0x1BF5;
	[smem:$0x3FB3] =	sst s0  }
0x18: {  	s0 =	sld [smem:$0x3F96];
	_ =	swait.ge [sflag:s4], $0x0  }
0x19: {  	s7 =	sld [smem:$0x3F97]  }
0x1a: {  	s8 =	sadd.s32 $0xFFFFE003, lr  }
0x1b: {  	s9 =	sadd.s32 $0xFFFFFEF7, lr;
	s5 =	simm.s32 $0xFFFFFFFF;
	p2 =	slt.u32 s8, $0xFFFFF086  }
0x1c: {  	p1 =	slt.u32 s9, $0xF7A;
	s5 =	simm.s32 @!p2 $0x0  }
0x1d: {  	s5 =	simm.s32 @p1 $0x1;
	p0 =	seq.s32 s7, s2  }
0x1e: {  	s7 =	smul.u32 @!p0 $0xF7A, s2;
	p2 =	seq.s32 @!p0 s5, $0x0  }
0x1f: {  	s9 =	smul.u32 $0xF7A, s1;
	s8 =	simm.s32 @!p0 $0x1BF5;
	p2 =	por !p2, p0  }
0x20: {  	[sflag:s8] =	ssyncset.s32 @!p0 $0xFFFFF086;
	s6 =	sadd.s32 @!p0 s3, s7;
	s7 =	simm.s32 @!p0 $0x108  }
0x21: {  	s3 =	sadd.s32 s3, s9;
	s6 =	sadd.s32 @!p0 $0x88, s6;
	s7 =	simm.s32 @p2 $0x1082  }
0x22: {  	[simem:s7], [sflag:s8] =	dma.local @!p0 [hbm:s6], $0xF7A  }
0x23: {  	s9 =	sor.u32 $0xD0000000, s2;
	s6 =	simm.s32 $0x108;
	_ =	swait.ge @!p0 [sflag:s8], $0x0  }
0x24: {  	s3 =	sadd.s32 $0x88, s3;
	s6 =	simm.s32 @!p1 $0x1082;
	[sflag:s4] =	ssyncset.s32 $0xFFFFF086  }
0x25: {  	[simem:s6], [sflag:s4] =	dma.local [hbm:s3], $0xF7A  }
0x26: {  	[smem:$0x3F97] =	sst s1;
	(tag) =	ssettag s2;
	_ =	strace s9  }
0x27: {  	s1 =	sld [smem:$0x3FA7]  }
0x28: {  	s2 =	sld [smem:$0x3FA8]  }
0x29: {  	s4 =	sld [smem:$0x3FAA]  }
0x2a: {  	p0 =	seq.s32 s5, $0x0;
	s5 =	sld [smem:$0x3FAB]  }
0x2b: {  	s6 =	sld [smem:$0x3FAC]  }
0x2c: {  	s7 =	sld [smem:$0x3FAD]  }
0x2d: {  	s3 =	simm.s32 $0x108;
	s8 =	sld [smem:$0x3FAE]  }
0x2e: {  	s3 =	simm.s32 @!p0 $0x1082;
	s9 =	sld [smem:$0x3FAF]  }
0x2f: {  	lr =	sadd.s32 s0, s3;
	s0 =	sld [smem:$0x3FA6]  }
0x30: {  	s3 =	sld [smem:$0x3FA9]  }
0x31: {  	[smem:$0x3FB2] =	sst s10  }
0x32: {  	s10 =	sld [smem:$0x3FB0];
	_ =	sdelay $0x3  }
0x33: {  	p0 =	seq.s32 s10, $0x1;
	s10 =	sld [smem:$0x3FB2];
	_ =	sdelay $0x3  }
0x34: {  	[smem:$0x3FB2] =	sst s10  }
0x35: {  	s10 =	sld [smem:$0x3FB1];
	_ =	sdelay $0x3  }
0x36: {  	p1 =	seq.s32 s10, $0x1;
	s10 =	sld [smem:$0x3FB2];
	_ =	sdelay $0x3  }
0x37: {  	[smem:$0x3FB2] =	sst s10  }
0x38: {  	s10 =	sld [smem:$0x3FB3]  }
0x39: {  	_ = 	snop;
	(pc) =	sbr.ind lr, $3  }
0x3a: {  	_ = 	snop  }
0x3b: {  	_ = 	snop  }
0x3c: {  	p2 =	seq.s32 s10, $0x1;
	s10 =	sld [smem:$0x3FB2]  }
0x3d: {  	_ =	shalt  }
0x3e: {  	_ =	shalt  }
0x3f: {  	_ =	shalt  }
0x40: {  	_ =	shalt  }
0x41: {  	_ =	shalt  }
0x42: {  	_ =	shalt  }
0x43: {  	_ =	shalt  }
0x44: {  	_ =	shalt  }
0x45: {  	_ =	shalt  }
0x46: {  	_ =	shalt  }
0x47: {  	_ =	shalt  }
0x48: {  	_ =	shalt  }
0x49: {  	_ =	shalt  }
0x4a: {  	_ =	shalt  }
0x4b: {  	_ =	shalt  }
0x4c: {  	_ =	shalt  }
0x4d: {  	_ =	shalt  }
0x4e: {  	_ =	shalt  }
0x4f: {  	_ =	shalt  }
0x50: {  	_ =	shalt  }
0x51: {  	_ =	shalt  }
0x52: {  	_ =	shalt  }
0x53: {  	_ =	shalt  }
0x54: {  	_ =	shalt  }
0x55: {  	_ =	shalt  }
0x56: {  	_ =	shalt  }
0x57: {  	_ =	shalt  }
0x58: {  	_ =	shalt  }
0x59: {  	_ =	shalt  }
0x5a: {  	_ =	shalt  }
0x5b: {  	_ =	shalt  }
0x5c: {  	_ =	shalt  }
0x5d: {  	_ =	shalt  }
0x5e: {  	_ =	shalt  }
0x5f: {  	_ =	shalt  }
0x60: {  	_ =	shalt  }
0x61: {  	_ =	shalt  }
0x62: {  	_ =	shalt  }
0x63: {  	_ =	shalt  }
0x64: {  	_ =	shalt  }
0x65: {  	_ =	shalt  }
0x66: {  	_ =	shalt  }
0x67: {  	_ =	shalt  }
0x68: {  	_ =	shalt  }
0x69: {  	_ =	shalt  }
0x6a: {  	_ =	shalt  }
0x6b: {  	_ =	shalt  }
0x6c: {  	_ =	shalt  }
0x6d: {  	_ =	shalt  }
0x6e: {  	_ =	shalt  }
0x6f: {  	_ =	shalt  }
0x70: {  	_ =	shalt  }
0x71: {  	_ =	shalt  }
0x72: {  	_ =	shalt  }
0x73: {  	_ =	shalt  }
0x74: {  	_ =	shalt  }
0x75: {  	_ =	shalt  }
0x76: {  	_ =	shalt  }
0x77: {  	_ =	shalt  }
0x78: {  	_ =	shalt  }
0x79: {  	_ =	shalt  }
0x7a: {  	_ =	shalt  }
0x7b: {  	_ =	shalt  }
0x7c: {  	_ =	shalt  }
0x7d: {  	_ =	shalt  }
0x7e: {  	_ =	shalt  }
0x7f: {  	_ =	shalt  }
0x80: {  	_ =	shalt  }
0x81: {  	_ =	shalt  }
0x82: {  	_ =	shalt  }
0x83: {  	_ =	shalt  }
0x84: {  	_ =	shalt  }
0x85: {  	_ =	shalt  }
0x86: {  	_ =	shalt  }
0x87: {  	_ =	shalt  }
.Lfunc_end0:
.L_simem_size_0:
called_computation.1_lowered:
.L_overlay_start_0:
0x88: {  	s2 =	sld [smem:$0x3FD9]  }
0x89: {  	s3 =	sld [smem:$0x3FFE];
	_ =	sdelay $0x1  }
0x8a: {  	s1 =	srdreg.scid  }
0x8b: {  	s0 =	sand.u32 $0x1, s1  }
0x8c: {  	s17 =	sshll.u32 s0, $0xA;
	s2 =	sadd.s32 s3, s2  }
0x8d: {  	s2 =	sadd.s32 s2, s17  }
0x8e: {  	[smem:$0x3FBE] =	sst s2  }
0x8f: {  	_ = 	snop  }
0x90: {  	s2 =	sld [smem:$0x3FD0];
	(tm) =	ssettm $0x1  }
0x91: {  	s18 =	sld [smem:$0x3FFB];
	_ =	sdelay $0x3  }
0x92: {  	_ =	strace s18  }
0x93: {  	s3 =	sld [smem:$0x3FFC];
	_ =	sdelay $0x3  }
0x94: {  	_ =	strace s3  }
0x95: {  	s3 =	sld [smem:$0x3FFD];
	_ =	sdelay $0x3  }
0x96: {  	_ =	strace s3  }
0x97: {  	_ =	strace $0x8FFFFFFF  }
0x98: {  	s19 =	sld [smem:$0x3FDB];
	_ =	sdelay $0x1  }
0x99: {  	s4 =	simm.s32 $_scs_section_size  }
0x9a: {  	s5 =	simm.s32 $_size__tile_overlayer_lowered;
	s6 =	simm.s32 $_tile_overlayer_lowered  }
0x9b: {  	s22 =	simm.s32 $0x1BFF;
	s21 =	sshll.u32 s6, $0x1;
	s3 =	sadd.s32 s4, s19  }
0x9c: {  	s7 =	simm.s32 $0x0;
	s20 =	sshll.u32 s5, $0x1;
	s5 =	sadd.s32 s21, s3  }
0x9d: {  	[timem:s7], [sflag:s22] =	dma.local [hbm:s5], s20  }
0x9e: {  	_ =	swait.ge [sflag:s22], s20  }
0x9f: {  	s4 =	ssub.s32 $0x0, s20;
	[sflag:s22] =	ssyncset.done $0x0  }
0xa0: {  	[sflag:s22] =	ssyncadd.s32 s4;
	_ =	sdelay $0x1  }
0xa1: {  	s23 =	simm.s32 $0x1B8B  }
0xa2: {  	_ =	swait.ge [sflag:s23], $0x1  }
0xa3: {  	[sflag:s23] =	ssyncset.done $0x0  }
0xa4: {  	s25 =	simm.s32 $0x1B8E;
	s24 =	sld [smem:$0x3FFE];
	[sflag:s23] =	ssyncadd.s32 $0xFFFFFFFF  }
0xa5: {  	s26 =	simm.s32 $execute0_lowered;
	[smem:$0x3FD2] =	sst s25  }
0xa6: {  	s5 =	sshll.u32 s26, $0x1;
	_ =	strace $0x80000049;
	[dreg:$0x1] =	wrdreg $0xFFFFFFFF  }
0xa7: {  	s28 =	simm.s32 $_size_execute0_lowered;
	s3 =	sadd.s32 s3, s5;
	[dreg:$0x0] =	wrdreg $0x0  }
0xa8: {  	s5 =	sshll.u32 s28, $0x1;
	[dreg:$0x2] =	wrdreg s3  }
0xa9: {  	[dreg:$0x3] =	wrdreg s5  }
0xaa: {  	[dreg:$0x4] =	wrdreg $0xC0  }
0xab: {  	_ =	task [dreg:s7], $0x5FFFF  }
0xac: {  	[dreg:$0x1] =	wrdreg $0xFFFFFFFF  }
0xad: {  	[dreg:$0x0] =	wrdreg $0x60  }
0xae: {  	[dreg:$0x2] =	wrdreg s24  }
0xaf: {  	[dreg:$0x3] =	wrdreg s2  }
0xb0: {  	[dreg:$0x4] =	wrdreg $0x1FB000  }
0xb1: {  	[dreg:$0x5] =	wrdreg $0xBB000  }
0xb2: {  	[dreg:$0x6] =	wrdreg $0x9  }
0xb3: {  	_ =	task.clear_ibuf [dreg:s7], $0x7FFFF;
	_ =	strace $0x90000049  }
0xb4: {  	s29 =	simm.s32 $0x9;
	_ =	strace $0x8000004B  }
0xb5: {  	_ =	swait.ge [sflag:s29], $0x1  }
0xb6: {  	[sflag:s29] =	ssyncadd.s32 $0xFFFFFFFF  }
0xb7: {  	_ =	strace $0x9000004B  }
0xb8: {  	_ =	sfence  }
0xb9: {  	s30 =	sld [smem:$0x0];
	_ =	sdelay $0x2  }
0xba: {  	s31 =	sshll.u32 s1, $0xD;
	s1 =	sshrl.u32 s1, $0x2  }
0xbb: {  	s3 =	sand.u32 $0x4000, s31;
	s1 =	sadd.s32 s1, s30  }
0xbc: {  	s0 =	sor.u32 s3, s0;
	s1 =	sshll.u32 s1, $0x11  }
0xbd: {  	s0 =	sor.u32 s1, s0  }
0xbe: {  	s0 =	sadd.s32 $0x8F2B, s0  }
0xbf: {  	[sflag:s0] =	ssyncadd.remote.s32 $0x1  }
0xc0: {  	_ =	sfence.sel $0xFFFF  }
0xc1: {  	[dreg:$0x0] =	wrdreg $0xFFFFFFFF;
	(pc) =	sbr.abs _section_cstart, $3  }
0xc2: {  	[dreg:$0x1] =	wrdreg $0xFFFFFFFF  }
0xc3: {  	_ =	task.clear_ibuf [dreg:s7], $0x2FFFF;
	_ =	strace $0x9FFFFFFF  }
0xc4: {  	(tm) =	ssettm $0x7FFFFFFF  }
0xc5: {  	_ =	shalt  }
tec
execute0_lowered:
.L_overlay_start_1:
0x0: {  	(tag) =	ssettag $0x1  }
0x1: {  	s0 =	rddreg [dreg:$0x0]  }
0x2: {  	s1 =	rddreg [dreg:$0x1]  }
0x3: {  	s3 =	rddreg [dreg:$0x2]  }
0x4: {  	s4 =	rddreg [dreg:$0x3]  }
0x5: {  	s2 =	srdreg.scid;
	s15 =	stileid.u32;
	s5 =	simm.s32 $0x0  }
0x6: {  	s28 =	simm.s32 $0x2800;
	s29 =	simm.s32 $0x5000;
	s30 =	simm.s32 $0x6400  }
0x7: {  	s31 =	simm.s32 $0x80;
	s2 =	sand.u32 $0x1, s2;
	s8 =	smul.u32 $0x14000, s15  }
0x8: {  	[smem:$0x7FF] =	sst s5;
	s6 =	sadd.s32 $0x1200, s0;
	s11 =	smul.u32 $0x500, s15  }
0x9: {  	s7 =	sadd.s32 $0xFC600, s0;
	s10 =	sadd.s32 $0x33800, s0;
	s13 =	smul.u32 $0x50000, s15  }
0xa: {  	s25 =	sadd.s32 $0x33200, s0;
	s9 =	smul.u32 $0x140000, s2;
	_ =	strace $0x8000004A  }
0xb: {  	s12 =	smul.u32 $0x5000, s2;
	[dreg:$0x5] =	wrdreg s10;
	s2 =	ssub.s32 $0x2, s2  }
0xc: {  	[dreg:$0x6] =	wrdreg s25;
	s14 =	sshrl.u32 s2, $0x1;
	s13 =	sshrl.u32 s13, $0x2  }
0xd: {  	s23 =	sadd.s32 s11, s3;
	s24 =	sadd.s32 s8, s4;
	s9 =	sadd.s32 s8, s9  }
0xe: {  	s26 =	sadd.s32 s11, s12;
	s13 =	sadd.s32 s13, s4;
	[dreg:$0x7] =	wrdreg s23  }
0xf: {  	s2 =	ssub.s32 s2, s14;
	[dreg:$0x8] =	wrdreg s24;
	s14 =	sadd.s32 $0x2000, s13  }
0x10: {  	s8 =	simm.s32 $0x9800;
	s16 =	sadd.s32 $0x6000, s13;
	[dreg:$0x9] =	wrdreg s14  }
0x11: {  	v0 =	vmov s12;
	s12 =	simm.s32 $0x0;
	s17 =	sadd.s32 $0x8000, s13;
	[dreg:$0xb] =	wrdreg s16  }
0x12: {  	s9 =	sshrl.u32 s9, $0x3;
	s18 =	sadd.s32 $0xA000, s13;
	[dreg:$0xc] =	wrdreg s17  }
0x13: {  	s10 =	sshrl.u32 s26, $0x3;
	s19 =	sadd.s32 $0xC000, s13;
	[dreg:$0xd] =	wrdreg s18  }
0x14: {  	s20 =	sadd.s32 $0xE000, s13;
	s21 =	sadd.s32 $0x10000, s13;
	[dreg:$0xe] =	wrdreg s19  }
0x15: {  	s22 =	sadd.s32 $0x12000, s13;
	s26 =	smax.u32 s2, $0x1;
	[dreg:$0xf] =	wrdreg s20  }
0x16: {  	s2 =	simm.s32 $0xB980;
	s9 =	sadd.s32 s9, s0;
	[dreg:$0x10] =	wrdreg s21  }
0x17: {  	s0 =	sadd.s32 s10, s0;
	s10 =	smul.u32 $0x5000, s15;
	[dreg:$0x11] =	wrdreg s22  }
0x18: {  	s15 =	sadd.s32 $0x4000, s13;
	[dreg:$0x14] =	wrdreg s26;
	s26 =	simm.s32 $0x7800  }
0x19: {  	s13 =	simm.s32 $0xBA00;
	s14 =	simm.s32 $0xB800;
	s16 =	simm.s32 $0x5  }
.Ltmp0:
0x1a: {  	s17 =	simm.s32 $0x2;
	s18 =	simm.s32 $0xBA80;
	(pc) =	sbr.rel .LBB2_1-.Ltmp0, $4  }
0x1b: {  	s19 =	simm.s32 $0xB880;
	s20 =	simm.s32 $0x4;
	s21 =	simm.s32 $0x6  }
0x1c: {  	[dreg:$0xa] =	wrdreg s15;
	s25 =	sadd.s32 $0x33E00, s9;
	s0 =	sadd.s32 $0x83E00, s0  }
0x1d: {  	s9 =	simm.s32 $0x1;
	s15 =	simm.s32 $0x3;
	[dreg:$0x12] =	wrdreg s25  }
0x1e: {  	v1 =	vimm.f32 $0.0e+00;
	v2 =	vimm.s32 $0x0;
	[dreg:$0x13] =	wrdreg s0;
	s25 =	simm.s32 $0x7;
	s0 =	simm.s32 $0xB900  }
.LBB2_11:
0x1f: {  	s11 =	stileid.u32;
	[bflag:$0x0] =	sbarrier.arrive $0xFFFF  }
0x20: {  	s11 =	sshll.u32 s11, $0x6;
	s24 =	rddreg [dreg:$0x8]  }
0x21: {  	s23 =	rddreg [dreg:$0x12];
	s11 =	sor.u32 $0x1C07, s11;
	s12 =	sshrl.u32 s24, $0x3  }
0x22: {  	[hbm:s23], [sflag:s11] =	dma.local [spmem:s12], $0x2800  }
0x23: {  	_ =	swait.ge [sflag:s25], $0x2800  }
0x24: {  	[sflag:s25] =	ssyncset.done $0x0;
	s23 =	rddreg [dreg:$0x7]  }
0x25: {  	s22 =	rddreg [dreg:$0x13];
	[sflag:s25] =	ssyncadd.s32 $0xFFFFD800;
	s12 =	sshrl.u32 s23, $0x3  }
0x26: {  	[hbm:s22], [sflag:s11] =	dma.local [spmem:s12], $0xA0  }
0x27: {  	_ =	swait.ge [sflag:s25], $0xA0  }
0x28: {  	s11 =	rddreg [dreg:$0x15]  }
0x29: {  	s22 =	rddreg [dreg:$0x14];
	s12 =	sadd.s32 $0x1, s11  }
0x2a: {  	p0 =	sne.s32 s12, s22  }
.Ltmp1:
0x2b: {  	_ = 	snop;
	(pc) =	sbr.rel @!p0 .LBB2_12-.Ltmp1, $3  }
0x2c: {  	_ =	sdelay $0x1  }
0x2d: {  	[sflag:s25] =	ssyncset.done $0x0  }
0x2e: {  	[sflag:s25] =	ssyncadd.s32 $0xFFFFFF60  }
.LBB2_1:
0x2f: {  	[dreg:$0x15] =	wrdreg s12;
	s11 =	simm.s32 $0x40;
	s12 =	simm.s32 $0x0  }
.LBB2_2:
0x30: {  	p0 =	sne.s32 s11, $0x13C0;
	[tilespmem:s12+$0x0] =	vst v1;
	s12 =	smov.u32 s11;
	s11 =	sadd.s32 $0x40, s11  }
.Ltmp2:
0x31: {  	(pc) =	sbr.rel @p0 .LBB2_2-.Ltmp2, $2  }
0x32: {  	_ =	sdelay $0x2  }
0x33: {  	s12 =	sshra.s32 s12, $0x2  }
0x34: {  	[tilespmem:s12+$0x0] =	vst v1;
	s11 =	simm.s32 $0x0  }
0x35: {  	[spmem:s23] =	stream.linear.scatter [tilespmem:s11], [sflag:$0x7], $0x500, $0x38;
	v63 =	vld [tilespmem:$0x0]  }
0x36: {  	_ =	swait.ge [sflag:s25], $0x500  }
0x37: {  	[sflag:s25] =	ssyncset.done $0x0  }
0x38: {  	s12 =	simm.s32 $0x100;
	s11 =	simm.s32 $0x0;
	[sflag:s25] =	ssyncadd.s32 $0xFFFFFB00  }
.LBB2_4:
0x39: {  	p0 =	sne.s32 s12, $0x7F00;
	[tilespmem:s11+$0x7830] =	vst v1;
	s23 =	smov.u32 s12;
	s12 =	sadd.s32 $0x100, s12  }
.Ltmp3:
0x3a: {  	[tilespmem:s11+$0x7820] =	vst v1;
	(pc) =	sbr.rel @p0 .LBB2_4-.Ltmp3, $3  }
0x3b: {  	[tilespmem:s11+$0x7800] =	vst v1  }
0x3c: {  	[tilespmem:s11+$0x7810] =	vst v1;
	_ =	sdelay $0x1  }
0x3d: {  	s11 =	sshra.s32 s23, $0x2  }
0x3e: {  	[tilespmem:s11+$0x7830] =	vst v1  }
0x3f: {  	[tilespmem:s11+$0x7820] =	vst v1  }
0x40: {  	[tilespmem:s11+$0x7800] =	vst v1  }
0x41: {  	[tilespmem:s11+$0x7810] =	vst v1  }
0x42: {  	[spmem:s24] =	stream.linear.scatter [tilespmem:s26], [sflag:$0x7], $0x2000, $0x38;
	v63 =	vld [tilespmem:$0x0]  }
0x43: {  	_ =	swait.ge [sflag:s25], $0x2000  }
0x44: {  	[sflag:s25] =	ssyncset.done $0x0  }
0x45: {  	s12 =	rddreg [dreg:$0x9];
	[sflag:s25] =	ssyncadd.s32 $0xFFFFE000  }
0x46: {  	[spmem:s12] =	stream.linear.scatter [tilespmem:s26], [sflag:$0x7], $0x2000, $0x38;
	v63 =	vld [tilespmem:$0x0]  }
0x47: {  	_ =	swait.ge [sflag:s25], $0x2000  }
0x48: {  	[sflag:s25] =	ssyncset.done $0x0  }
0x49: {  	s22 =	rddreg [dreg:$0xa];
	[sflag:s25] =	ssyncadd.s32 $0xFFFFE000  }
0x4a: {  	[spmem:s22] =	stream.linear.scatter [tilespmem:s26], [sflag:$0x7], $0x2000, $0x38;
	v63 =	vld [tilespmem:$0x0]  }
0x4b: {  	_ =	swait.ge [sflag:s25], $0x2000  }
0x4c: {  	[sflag:s25] =	ssyncset.done $0x0  }
0x4d: {  	s23 =	rddreg [dreg:$0xb];
	[sflag:s25] =	ssyncadd.s32 $0xFFFFE000  }
0x4e: {  	[spmem:s23] =	stream.linear.scatter [tilespmem:s26], [sflag:$0x7], $0x2000, $0x38;
	v63 =	vld [tilespmem:$0x0]  }
0x4f: {  	_ =	swait.ge [sflag:s25], $0x2000  }
0x50: {  	[sflag:s25] =	ssyncset.done $0x0  }
0x51: {  	s24 =	rddreg [dreg:$0xc];
	[sflag:s25] =	ssyncadd.s32 $0xFFFFE000  }
0x52: {  	[spmem:s24] =	stream.linear.scatter [tilespmem:s26], [sflag:$0x7], $0x2000, $0x38;
	v63 =	vld [tilespmem:$0x0]  }
0x53: {  	_ =	swait.ge [sflag:s25], $0x2000  }
0x54: {  	[sflag:s25] =	ssyncset.done $0x0  }
0x55: {  	s12 =	rddreg [dreg:$0xd];
	[sflag:s25] =	ssyncadd.s32 $0xFFFFE000  }
0x56: {  	[spmem:s12] =	stream.linear.scatter [tilespmem:s26], [sflag:$0x7], $0x2000, $0x38;
	v63 =	vld [tilespmem:$0x0]  }
0x57: {  	_ =	swait.ge [sflag:s25], $0x2000  }
0x58: {  	[sflag:s25] =	ssyncset.done $0x0  }
0x59: {  	s22 =	rddreg [dreg:$0xe];
	[sflag:s25] =	ssyncadd.s32 $0xFFFFE000  }
0x5a: {  	[spmem:s22] =	stream.linear.scatter [tilespmem:s26], [sflag:$0x7], $0x2000, $0x38;
	v63 =	vld [tilespmem:$0x0]  }
0x5b: {  	_ =	swait.ge [sflag:s25], $0x2000  }
0x5c: {  	[sflag:s25] =	ssyncset.done $0x0  }
0x5d: {  	s23 =	rddreg [dreg:$0xf];
	[sflag:s25] =	ssyncadd.s32 $0xFFFFE000  }
0x5e: {  	[spmem:s23] =	stream.linear.scatter [tilespmem:s26], [sflag:$0x7], $0x2000, $0x38;
	v63 =	vld [tilespmem:$0x0]  }
0x5f: {  	_ =	swait.ge [sflag:s25], $0x2000  }
0x60: {  	[sflag:s25] =	ssyncset.done $0x0  }
0x61: {  	s24 =	rddreg [dreg:$0x10];
	[sflag:s25] =	ssyncadd.s32 $0xFFFFE000  }
0x62: {  	[spmem:s24] =	stream.linear.scatter [tilespmem:s26], [sflag:$0x7], $0x2000, $0x38;
	v63 =	vld [tilespmem:$0x0]  }
0x63: {  	_ =	swait.ge [sflag:s25], $0x2000  }
0x64: {  	[sflag:s25] =	ssyncset.done $0x0  }
0x65: {  	s12 =	rddreg [dreg:$0x11];
	[sflag:s25] =	ssyncadd.s32 $0xFFFFE000  }
0x66: {  	[spmem:s12] =	stream.linear.scatter [tilespmem:s26], [sflag:$0x7], $0x2000, $0x38;
	v63 =	vld [tilespmem:$0x0]  }
0x67: {  	_ =	swait.ge [sflag:s25], $0x2000  }
0x68: {  	[sflag:s25] =	ssyncset.done $0x0  }
0x69: {  	s23 =	simm.s32 $0x0;
	s22 =	rddreg [dreg:$0x5];
	[sflag:s25] =	ssyncadd.s32 $0xFFFFE000  }
0x6a: {  	[tilespmem:s23], [sflag:$0x7] =	stream.linear.gather [hbm4b:s22+s23], $0x2800, $0x38;
	v63 =	vld [tilespmem:$0x0]  }
0x6b: {  	_ =	swait.ge [sflag:s25], $0x2800  }
0x6c: {  	[sflag:s25] =	ssyncset.done $0x0  }
0x6d: {  	s24 =	rddreg [dreg:$0x6];
	[sflag:s25] =	ssyncadd.s32 $0xFFFFD800  }
0x6e: {  	[tilespmem:s28], [sflag:$0x7] =	stream.linear.gather [hbm4b:s24+s23], $0x2800, $0x38;
	v63 =	vld [tilespmem:$0x0]  }
.Ltmp4:
0x6f: {  	_ =	swait.ge [sflag:s25], $0x2800;
	(pc) =	sbr.rel .LBB2_6-.Ltmp4, $4  }
0x70: {  	[sflag:s25] =	ssyncset.done $0x0  }
0x71: {  	[sflag:s25] =	ssyncadd.s32 $0xFFFFD800  }
0x72: {  	[bflag:$0x0] =	sbarrier.arrive $0xFFFF  }
0x73: {  	s24 =	simm.s32 $0x0  }
.LBB2_10:
0x74: {  	s24 =	sadd.s32 $0x1, s24  }
0x75: {  	_ =	swait.ge [sflag:s20], $0x2000;
	p0 =	sne.s32 s24, $0x4  }
.Ltmp5:
0x76: {  	[sflag:s20] =	ssyncset.done $0x0;
	(pc) =	sbr.rel @!p0 .LBB2_11-.Ltmp5, $4  }
0x77: {  	[sflag:s20] =	ssyncadd.s32 $0xFFFFE000  }
0x78: {  	_ =	swait.ge [sflag:s21], $0x80  }
0x79: {  	[sflag:s21] =	ssyncset.done $0x0  }
0x7a: {  	[sflag:s21] =	ssyncadd.s32 $0xFFFFFF80  }
.LBB2_6:
0x7b: {  	s11 =	smul.u32 $0x1400, s24;
	_ =	sdelay $0x1  }
0x7c: {  	s11 =	sadd.s32 s10, s11  }
0x7d: {  	s11 =	sshrl.u32 s11, $0x3  }
0x7e: {  	s12 =	sadd.s32 s6, s11  }
0x7f: {  	[tilespmem:s29], [sflag:$0x7] =	stream.linear.gather [hbm4b:s12+s23], $0x1400, $0x38;
	v63 =	vld [tilespmem:$0x0]  }
0x80: {  	_ =	swait.ge [sflag:s25], $0x1400  }
0x81: {  	[sflag:s25] =	ssyncset.done $0x0  }
0x82: {  	s11 =	sadd.s32 s1, s11;
	[sflag:s25] =	ssyncadd.s32 $0xFFFFEC00  }
0x83: {  	[tilespmem:s30], [sflag:$0x7] =	stream.linear.gather [hbm4b:s11+s23], $0x1400, $0x38;
	v63 =	vld [tilespmem:$0x0]  }
0x84: {  	_ =	swait.ge [sflag:s25], $0x1400  }
0x85: {  	[sflag:s25] =	ssyncset.done $0x0  }
0x86: {  	[sflag:s25] =	ssyncadd.s32 $0xFFFFEC00  }
0x87: {  	v3 =	vld [tilespmem:$0x5000]  }
0x88: {  	v4 =	vld [tilespmem:$0x6400];
	_ =	sdelay $0x6  }
0x89: {  	v5 =	vld.idx.msk [tilespmem:v3+s23+$0x0], $0xffff  }
0x8a: {  	v6 =	vld.idx.msk [tilespmem:v4+s28+$0x0], $0xffff;
	_ =	sdelay $0x4  }
0x8b: {  	v6 =	vadd.f32 v6, v5  }
0x8c: {  	v7 =	vmul.f32 $2.000000030e-01, v5  }
0x8d: {  	vm0 =	vlt.f32 v6, $0.0e+00  }
0x8e: {  	v5 =	vsel vm0, v7, v5  }
0x8f: {  	v5 =	vmul.f32 $1.442695020e+00, v5;
	_ =	sdelay $0x1  }
0x90: {  	(erf) = vpow2.f32 v5;
	_ =	sdelay $0x2  }
0x91: {  	v22 =	vld [tilespmem:$0x5010]  }
0x92: {  	v23 =	vld [tilespmem:$0x6410];
	_ =	sdelay $0x1  }
0x93: {  	v3 =	vadd.s32 v0, v3;
	v8 =	vsel vm0, $0x2800, v2  }
0x94: {  	v3 =	vadd.s32 v8, v3  }
0x95: {  	[tilespmem:$0xB900] =	vst v3;
	v3 =	vadd.s32 v4, v8  }
0x96: {  	[tilespmem:$0xBA00] =	vst v3;
	v24 =	vpop (erf)  }
0x97: {  	[tilespmem:$0xB800] =	vst v24  }
0x98: {  	v3 =	vld.idx.msk [tilespmem:v22+s23+$0x0], $0xffff  }
0x99: {  	v25 =	vld.idx.msk [tilespmem:v23+s28+$0x0], $0xffff;
	_ =	sdelay $0x4  }
0x9a: {  	v4 =	vadd.f32 v25, v3  }
0x9b: {  	v26 =	vmul.f32 $2.000000030e-01, v3  }
0x9c: {  	vm9 =	vlt.f32 v4, $0.0e+00  }
0x9d: {  	v3 =	vsel vm9, v26, v3  }
0x9e: {  	v3 =	vmul.f32 $1.442695020e+00, v3;
	_ =	sdelay $0x1  }
0x9f: {  	(erf) = vpow2.f32 v3;
	_ =	sdelay $0x2  }
0xa0: {  	v3 =	vld [tilespmem:$0x5020]  }
0xa1: {  	v27 =	vld [tilespmem:$0x6420];
	_ =	sdelay $0x1  }
0xa2: {  	v5 =	vadd.s32 v0, v22;
	v29 =	vsel vm9, $0x2800, v2  }
0xa3: {  	v5 =	vadd.s32 v29, v5  }
0xa4: {  	v30 =	vadd.s32 v23, v29;
	[tilespmem:$0xB910] =	vst v5  }
0xa5: {  	[tilespmem:$0xBA10] =	vst v30;
	v28 =	vpop (erf)  }
0xa6: {  	[tilespmem:$0xB810] =	vst v28  }
0xa7: {  	v5 =	vld.idx.msk [tilespmem:v3+s23+$0x0], $0xffff  }
0xa8: {  	v31 =	vld.idx.msk [tilespmem:v27+s28+$0x0], $0xffff;
	_ =	sdelay $0x4  }
0xa9: {  	v6 =	vadd.f32 v31, v5  }
0xaa: {  	v32 =	vmul.f32 $2.000000030e-01, v5  }
0xab: {  	vm10 =	vlt.f32 v6, $0.0e+00  }
0xac: {  	v5 =	vsel vm10, v32, v5  }
0xad: {  	v5 =	vmul.f32 $1.442695020e+00, v5;
	_ =	sdelay $0x1  }
0xae: {  	(erf) = vpow2.f32 v5;
	_ =	sdelay $0x2  }
0xaf: {  	v33 =	vld [tilespmem:$0x5030]  }
0xb0: {  	v34 =	vld [tilespmem:$0x6430];
	_ =	sdelay $0x1  }
0xb1: {  	v3 =	vadd.s32 v0, v3;
	v36 =	vsel vm10, $0x2800, v2  }
0xb2: {  	v3 =	vadd.s32 v36, v3  }
0xb3: {  	[tilespmem:$0xB920] =	vst v3;
	v3 =	vadd.s32 v27, v36  }
0xb4: {  	[tilespmem:$0xBA20] =	vst v3;
	v35 =	vpop (erf)  }
0xb5: {  	[tilespmem:$0xB820] =	vst v35  }
0xb6: {  	v3 =	vld.idx.msk [tilespmem:v33+s23+$0x0], $0xffff  }
0xb7: {  	v37 =	vld.idx.msk [tilespmem:v34+s28+$0x0], $0xffff;
	_ =	sdelay $0x4  }
0xb8: {  	v4 =	vadd.f32 v37, v3  }
0xb9: {  	v38 =	vmul.f32 $2.000000030e-01, v3  }
0xba: {  	vm11 =	vlt.f32 v4, $0.0e+00  }
0xbb: {  	v3 =	vsel vm11, v38, v3  }
0xbc: {  	v3 =	vmul.f32 $1.442695020e+00, v3;
	_ =	sdelay $0x1  }
0xbd: {  	(erf) = vpow2.f32 v3;
	_ =	sdelay $0x2  }
0xbe: {  	v3 =	vld [tilespmem:$0x5040]  }
0xbf: {  	v39 =	vld [tilespmem:$0x6440];
	_ =	sdelay $0x1  }
0xc0: {  	v5 =	vadd.s32 v0, v33;
	v41 =	vsel vm11, $0x2800, v2  }
0xc1: {  	v5 =	vadd.s32 v41, v5  }
0xc2: {  	v42 =	vadd.s32 v34, v41;
	[tilespmem:$0xB930] =	vst v5  }
0xc3: {  	[tilespmem:$0xBA30] =	vst v42;
	v40 =	vpop (erf)  }
0xc4: {  	[tilespmem:$0xB830] =	vst v40  }
0xc5: {  	v5 =	vld.idx.msk [tilespmem:v3+s23+$0x0], $0xffff  }
0xc6: {  	v43 =	vld.idx.msk [tilespmem:v39+s28+$0x0], $0xffff;
	_ =	sdelay $0x4  }
0xc7: {  	v6 =	vadd.f32 v43, v5  }
0xc8: {  	v44 =	vmul.f32 $2.000000030e-01, v5  }
0xc9: {  	vm12 =	vlt.f32 v6, $0.0e+00  }
0xca: {  	v5 =	vsel vm12, v44, v5  }
0xcb: {  	v5 =	vmul.f32 $1.442695020e+00, v5;
	_ =	sdelay $0x1  }
0xcc: {  	(erf) = vpow2.f32 v5;
	_ =	sdelay $0x2  }
0xcd: {  	v45 =	vld [tilespmem:$0x5050]  }
0xce: {  	v46 =	vld [tilespmem:$0x6450];
	_ =	sdelay $0x1  }
0xcf: {  	v3 =	vadd.s32 v0, v3;
	v48 =	vsel vm12, $0x2800, v2  }
0xd0: {  	v3 =	vadd.s32 v48, v3  }
0xd1: {  	[tilespmem:$0xB940] =	vst v3;
	v3 =	vadd.s32 v39, v48  }
0xd2: {  	[tilespmem:$0xBA40] =	vst v3;
	v47 =	vpop (erf)  }
0xd3: {  	[tilespmem:$0xB840] =	vst v47  }
0xd4: {  	v3 =	vld.idx.msk [tilespmem:v45+s23+$0x0], $0xffff  }
0xd5: {  	v49 =	vld.idx.msk [tilespmem:v46+s28+$0x0], $0xffff;
	_ =	sdelay $0x4  }
0xd6: {  	v4 =	vadd.f32 v49, v3  }
0xd7: {  	v50 =	vmul.f32 $2.000000030e-01, v3  }
0xd8: {  	vm13 =	vlt.f32 v4, $0.0e+00  }
0xd9: {  	v3 =	vsel vm13, v50, v3  }
0xda: {  	v3 =	vmul.f32 $1.442695020e+00, v3;
	_ =	sdelay $0x1  }
0xdb: {  	(erf) = vpow2.f32 v3;
	_ =	sdelay $0x2  }
0xdc: {  	v3 =	vld [tilespmem:$0x5060]  }
0xdd: {  	v51 =	vld [tilespmem:$0x6460];
	_ =	sdelay $0x1  }
0xde: {  	v5 =	vadd.s32 v0, v45;
	v53 =	vsel vm13, $0x2800, v2  }
0xdf: {  	v5 =	vadd.s32 v53, v5  }
0xe0: {  	v54 =	vadd.s32 v46, v53;
	[tilespmem:$0xB950] =	vst v5  }
0xe1: {  	[tilespmem:$0xBA50] =	vst v54;
	v52 =	vpop (erf)  }
0xe2: {  	[tilespmem:$0xB850] =	vst v52  }
0xe3: {  	v5 =	vld.idx.msk [tilespmem:v3+s23+$0x0], $0xffff  }
0xe4: {  	v55 =	vld.idx.msk [tilespmem:v51+s28+$0x0], $0xffff;
	_ =	sdelay $0x4  }
0xe5: {  	v6 =	vadd.f32 v55, v5  }
0xe6: {  	v56 =	vmul.f32 $2.000000030e-01, v5  }
0xe7: {  	vm14 =	vlt.f32 v6, $0.0e+00  }
0xe8: {  	v5 =	vsel vm14, v56, v5  }
0xe9: {  	v5 =	vmul.f32 $1.442695020e+00, v5;
	_ =	sdelay $0x1  }
0xea: {  	(erf) = vpow2.f32 v5;
	_ =	sdelay $0x2  }
0xeb: {  	v57 =	vld [tilespmem:$0x5070]  }
0xec: {  	v58 =	vld [tilespmem:$0x6470];
	_ =	sdelay $0x1  }
0xed: {  	v3 =	vadd.s32 v0, v3;
	v60 =	vsel vm14, $0x2800, v2  }
0xee: {  	v3 =	vadd.s32 v60, v3  }
0xef: {  	[tilespmem:$0xB960] =	vst v3;
	v3 =	vadd.s32 v51, v60  }
0xf0: {  	[tilespmem:$0xBA60] =	vst v3;
	v59 =	vpop (erf)  }
0xf1: {  	[tilespmem:$0xB860] =	vst v59  }
0xf2: {  	v3 =	vld.idx.msk [tilespmem:v57+s23+$0x0], $0xffff  }
0xf3: {  	v61 =	vld.idx.msk [tilespmem:v58+s28+$0x0], $0xffff;
	_ =	sdelay $0x4  }
0xf4: {  	v4 =	vadd.f32 v61, v3  }
0xf5: {  	v62 =	vmul.f32 $2.000000030e-01, v3  }
0xf6: {  	vm15 =	vlt.f32 v4, $0.0e+00  }
0xf7: {  	v3 =	vsel vm15, v62, v3  }
0xf8: {  	v3 =	vmul.f32 $1.442695020e+00, v3;
	_ =	sdelay $0x1  }
0xf9: {  	(erf) = vpow2.f32 v3;
	_ =	sdelay $0x8  }
.Ltmp6:
0xfa: {  	v5 =	vadd.s32 v0, v57;
	v4 =	vsel vm15, $0x2800, v2;
	v3 =	vpop (erf);
	(pc) =	sbr.rel .LBB2_7-.Ltmp6, $4  }
0xfb: {  	[tilespmem:$0xB870] =	vst v3;
	v3 =	vadd.s32 v4, v5  }
0xfc: {  	[tilespmem:$0xB970] =	vst v3;
	v3 =	vadd.s32 v58, v4  }
0xfd: {  	s11 =	simm.s32 $0x0;
	[tilespmem:$0xBA70] =	vst v3  }
0xfe: {  	[tilespmem:s26], [sflag:$0x1] =	stream.indirect.gather [hbm4b:s7+s31], $0x40, s0, s31, $0xb8;
	v63 =	vld [tilespmem:$0x0]  }
.LBB2_9:
0xff: {  	s11 =	sadd.s32 $0x400, s11  }
0x100: {  	_ =	swait.ge [sflag:s17], $0x2000;
	p0 =	sne.s32 s11, $0x5000  }
.Ltmp7:
0x101: {  	[sflag:s17] =	ssyncset.done $0x0;
	(pc) =	sbr.rel @!p0 .LBB2_10-.Ltmp7, $4  }
0x102: {  	[sflag:s17] =	ssyncadd.s32 $0xFFFFE000  }
0x103: {  	[spmem:s4] =	stream.indirect.scatter.add.f32 [tilespmem:s8], [sflag:$0x4], $0x40, s18, s31, $0xb8;
	v63 =	vld [tilespmem:$0x0]  }
0x104: {  	_ = 	snop  }
0x105: {  	[spmem:s3] =	stream.indirect.scatter.add.f32 [tilespmem:s19], [sflag:$0x6], $0x1, s18, s31, $0xb8;
	v63 =	vld [tilespmem:$0x0]  }
.LBB2_7:
0x106: {  	p0 =	seq.s32 s11, $0x0  }
0x107: {  	s12 =	simm.s32 @!p0 $0x4  }
0x108: {  	_ =	swait.ge @!p0 [sflag:s12], $0x2000  }
0x109: {  	[sflag:s12] =	ssyncset.done @!p0 $0x0  }
0x10a: {  	[sflag:s12] =	ssyncadd.s32 @!p0 $0xFFFFE000;
	s12 =	simm.s32 @!p0 $0x6  }
0x10b: {  	_ =	swait.ge @!p0 [sflag:s12], $0x80  }
0x10c: {  	[sflag:s12] =	ssyncset.done @!p0 $0x0  }
0x10d: {  	[sflag:s12] =	ssyncadd.s32 @!p0 $0xFFFFFF80;
	s12 =	sshra.s32 s11, $0x2  }
0x10e: {  	v3 =	vld [tilespmem:s12+$0x5080]  }
0x10f: {  	v4 =	vld [tilespmem:s12+$0x6480];
	_ =	sdelay $0x6  }
0x110: {  	v5 =	vld.idx.msk [tilespmem:v3+s5+$0x0], $0xffff  }
0x111: {  	v6 =	vld.idx.msk [tilespmem:v4+s28+$0x0], $0xffff;
	_ =	sdelay $0x4  }
0x112: {  	v6 =	vadd.f32 v6, v5  }
0x113: {  	v7 =	vmul.f32 $2.000000030e-01, v5  }
0x114: {  	vm0 =	vlt.f32 v6, $0.0e+00  }
0x115: {  	v5 =	vsel vm0, v7, v5  }
0x116: {  	v5 =	vmul.f32 $1.442695020e+00, v5;
	_ =	sdelay $0x1  }
0x117: {  	(erf) = vpow2.f32 v5;
	_ =	sdelay $0x5  }
0x118: {  	v3 =	vadd.s32 v0, v3;
	v6 =	vsel vm0, $0x2800, v2  }
0x119: {  	v3 =	vadd.s32 v6, v3  }
0x11a: {  	[tilespmem:$0xB980] =	vst v3;
	v3 =	vadd.s32 v4, v6  }
0x11b: {  	[tilespmem:$0xBA80] =	vst v3;
	v5 =	vpop (erf)  }
0x11c: {  	[tilespmem:$0xB880] =	vst v5  }
0x11d: {  	v3 =	vld [tilespmem:s12+$0x5090]  }
0x11e: {  	v42 =	vld [tilespmem:s12+$0x6490];
	_ =	sdelay $0x6  }
0x11f: {  	v5 =	vld.idx.msk [tilespmem:v3+s5+$0x0], $0xffff  }
0x120: {  	v43 =	vld.idx.msk [tilespmem:v42+s28+$0x0], $0xffff;
	_ =	sdelay $0x4  }
0x121: {  	v6 =	vadd.f32 v43, v5  }
0x122: {  	v44 =	vmul.f32 $2.000000030e-01, v5  }
0x123: {  	vm9 =	vlt.f32 v6, $0.0e+00  }
0x124: {  	v5 =	vsel vm9, v44, v5  }
0x125: {  	v5 =	vmul.f32 $1.442695020e+00, v5;
	_ =	sdelay $0x1  }
0x126: {  	(erf) = vpow2.f32 v5;
	_ =	sdelay $0x5  }
0x127: {  	v3 =	vadd.s32 v0, v3;
	v6 =	vsel vm9, $0x2800, v2  }
0x128: {  	v3 =	vadd.s32 v6, v3  }
0x129: {  	[tilespmem:$0xB990] =	vst v3;
	v3 =	vadd.s32 v42, v6  }
0x12a: {  	[tilespmem:$0xBA90] =	vst v3;
	v5 =	vpop (erf)  }
0x12b: {  	[tilespmem:$0xB890] =	vst v5  }
0x12c: {  	v3 =	vld [tilespmem:s12+$0x50A0]  }
0x12d: {  	v45 =	vld [tilespmem:s12+$0x64A0];
	_ =	sdelay $0x6  }
0x12e: {  	v5 =	vld.idx.msk [tilespmem:v3+s5+$0x0], $0xffff  }
0x12f: {  	v46 =	vld.idx.msk [tilespmem:v45+s28+$0x0], $0xffff;
	_ =	sdelay $0x4  }
0x130: {  	v6 =	vadd.f32 v46, v5  }
0x131: {  	v47 =	vmul.f32 $2.000000030e-01, v5  }
0x132: {  	vm10 =	vlt.f32 v6, $0.0e+00  }
0x133: {  	v5 =	vsel vm10, v47, v5  }
0x134: {  	v5 =	vmul.f32 $1.442695020e+00, v5;
	_ =	sdelay $0x1  }
0x135: {  	(erf) = vpow2.f32 v5;
	_ =	sdelay $0x5  }
0x136: {  	v3 =	vadd.s32 v0, v3;
	v6 =	vsel vm10, $0x2800, v2  }
0x137: {  	v3 =	vadd.s32 v6, v3  }
0x138: {  	[tilespmem:$0xB9A0] =	vst v3;
	v3 =	vadd.s32 v45, v6  }
0x139: {  	[tilespmem:$0xBAA0] =	vst v3;
	v5 =	vpop (erf)  }
0x13a: {  	[tilespmem:$0xB8A0] =	vst v5  }
0x13b: {  	v3 =	vld [tilespmem:s12+$0x50B0]  }
0x13c: {  	v48 =	vld [tilespmem:s12+$0x64B0];
	_ =	sdelay $0x6  }
0x13d: {  	v5 =	vld.idx.msk [tilespmem:v3+s5+$0x0], $0xffff  }
0x13e: {  	v49 =	vld.idx.msk [tilespmem:v48+s28+$0x0], $0xffff;
	_ =	sdelay $0x4  }
0x13f: {  	v6 =	vadd.f32 v49, v5  }
0x140: {  	v50 =	vmul.f32 $2.000000030e-01, v5  }
0x141: {  	vm11 =	vlt.f32 v6, $0.0e+00  }
0x142: {  	v5 =	vsel vm11, v50, v5  }
0x143: {  	v5 =	vmul.f32 $1.442695020e+00, v5;
	_ =	sdelay $0x1  }
0x144: {  	(erf) = vpow2.f32 v5;
	_ =	sdelay $0x5  }
0x145: {  	v3 =	vadd.s32 v0, v3;
	v6 =	vsel vm11, $0x2800, v2  }
0x146: {  	v3 =	vadd.s32 v6, v3  }
0x147: {  	[tilespmem:$0xB9B0] =	vst v3;
	v3 =	vadd.s32 v48, v6  }
0x148: {  	[tilespmem:$0xBAB0] =	vst v3;
	v5 =	vpop (erf)  }
0x149: {  	[tilespmem:$0xB8B0] =	vst v5  }
0x14a: {  	v3 =	vld [tilespmem:s12+$0x50C0]  }
0x14b: {  	v51 =	vld [tilespmem:s12+$0x64C0];
	_ =	sdelay $0x6  }
0x14c: {  	v5 =	vld.idx.msk [tilespmem:v3+s5+$0x0], $0xffff  }
0x14d: {  	v52 =	vld.idx.msk [tilespmem:v51+s28+$0x0], $0xffff;
	_ =	sdelay $0x4  }
0x14e: {  	v6 =	vadd.f32 v52, v5  }
0x14f: {  	v53 =	vmul.f32 $2.000000030e-01, v5  }
0x150: {  	vm12 =	vlt.f32 v6, $0.0e+00  }
0x151: {  	v5 =	vsel vm12, v53, v5  }
0x152: {  	v5 =	vmul.f32 $1.442695020e+00, v5;
	_ =	sdelay $0x1  }
0x153: {  	(erf) = vpow2.f32 v5;
	_ =	sdelay $0x5  }
0x154: {  	v3 =	vadd.s32 v0, v3;
	v6 =	vsel vm12, $0x2800, v2  }
0x155: {  	v3 =	vadd.s32 v6, v3  }
0x156: {  	[tilespmem:$0xB9C0] =	vst v3;
	v3 =	vadd.s32 v51, v6  }
0x157: {  	[tilespmem:$0xBAC0] =	vst v3;
	v5 =	vpop (erf)  }
0x158: {  	[tilespmem:$0xB8C0] =	vst v5  }
0x159: {  	v3 =	vld [tilespmem:s12+$0x50D0]  }
0x15a: {  	v54 =	vld [tilespmem:s12+$0x64D0];
	_ =	sdelay $0x6  }
0x15b: {  	v5 =	vld.idx.msk [tilespmem:v3+s5+$0x0], $0xffff  }
0x15c: {  	v55 =	vld.idx.msk [tilespmem:v54+s28+$0x0], $0xffff;
	_ =	sdelay $0x4  }
0x15d: {  	v6 =	vadd.f32 v55, v5  }
0x15e: {  	v56 =	vmul.f32 $2.000000030e-01, v5  }
0x15f: {  	vm13 =	vlt.f32 v6, $0.0e+00  }
0x160: {  	v5 =	vsel vm13, v56, v5  }
0x161: {  	v5 =	vmul.f32 $1.442695020e+00, v5;
	_ =	sdelay $0x1  }
0x162: {  	(erf) = vpow2.f32 v5;
	_ =	sdelay $0x5  }
0x163: {  	v3 =	vadd.s32 v0, v3;
	v6 =	vsel vm13, $0x2800, v2  }
0x164: {  	v3 =	vadd.s32 v6, v3  }
0x165: {  	[tilespmem:$0xB9D0] =	vst v3;
	v3 =	vadd.s32 v54, v6  }
0x166: {  	[tilespmem:$0xBAD0] =	vst v3;
	v5 =	vpop (erf)  }
0x167: {  	[tilespmem:$0xB8D0] =	vst v5  }
0x168: {  	v3 =	vld [tilespmem:s12+$0x50E0]  }
0x169: {  	v57 =	vld [tilespmem:s12+$0x64E0];
	_ =	sdelay $0x6  }
0x16a: {  	v5 =	vld.idx.msk [tilespmem:v3+s5+$0x0], $0xffff  }
0x16b: {  	v58 =	vld.idx.msk [tilespmem:v57+s28+$0x0], $0xffff;
	_ =	sdelay $0x4  }
0x16c: {  	v6 =	vadd.f32 v58, v5  }
0x16d: {  	v59 =	vmul.f32 $2.000000030e-01, v5  }
0x16e: {  	vm14 =	vlt.f32 v6, $0.0e+00  }
0x16f: {  	v5 =	vsel vm14, v59, v5  }
0x170: {  	v5 =	vmul.f32 $1.442695020e+00, v5;
	_ =	sdelay $0x1  }
0x171: {  	(erf) = vpow2.f32 v5;
	_ =	sdelay $0x5  }
0x172: {  	v3 =	vadd.s32 v0, v3;
	v6 =	vsel vm14, $0x2800, v2  }
0x173: {  	v3 =	vadd.s32 v6, v3  }
0x174: {  	[tilespmem:$0xB9E0] =	vst v3;
	v3 =	vadd.s32 v57, v6  }
0x175: {  	[tilespmem:$0xBAE0] =	vst v3;
	v5 =	vpop (erf)  }
0x176: {  	[tilespmem:$0xB8E0] =	vst v5  }
0x177: {  	v3 =	vld [tilespmem:s12+$0x50F0]  }
0x178: {  	v60 =	vld [tilespmem:s12+$0x64F0];
	_ =	sdelay $0x6  }
0x179: {  	v5 =	vld.idx.msk [tilespmem:v3+s5+$0x0], $0xffff  }
0x17a: {  	v61 =	vld.idx.msk [tilespmem:v60+s28+$0x0], $0xffff;
	_ =	sdelay $0x4  }
0x17b: {  	v6 =	vadd.f32 v61, v5  }
0x17c: {  	v62 =	vmul.f32 $2.000000030e-01, v5  }
0x17d: {  	vm15 =	vlt.f32 v6, $0.0e+00  }
0x17e: {  	v5 =	vsel vm15, v62, v5  }
0x17f: {  	v5 =	vmul.f32 $1.442695020e+00, v5;
	_ =	sdelay $0x1  }
0x180: {  	(erf) = vpow2.f32 v5;
	_ =	sdelay $0x5  }
0x181: {  	v3 =	vadd.s32 v0, v3;
	v6 =	vsel vm15, $0x2800, v2  }
0x182: {  	v3 =	vadd.s32 v6, v3  }
0x183: {  	[tilespmem:$0xB9F0] =	vst v3;
	v3 =	vadd.s32 v60, v6  }
0x184: {  	[tilespmem:$0xBAF0] =	vst v3;
	v5 =	vpop (erf)  }
0x185: {  	[tilespmem:$0xB8F0] =	vst v5  }
0x186: {  	[tilespmem:s8], [sflag:$0x2] =	stream.indirect.gather [hbm4b:s7+s31], $0x40, s2, s31, $0xb8;
	v63 =	vld [tilespmem:$0x0]  }
0x187: {  	_ =	swait.ge [sflag:s9], $0x2000  }
0x188: {  	[sflag:s9] =	ssyncset.done $0x0  }
0x189: {  	[sflag:s9] =	ssyncadd.s32 $0xFFFFE000  }
0x18a: {  	[spmem:s4] =	stream.indirect.scatter.add.f32 [tilespmem:s26], [sflag:$0x3], $0x40, s13, s31, $0xb8;
	v63 =	vld [tilespmem:$0x0]  }
0x18b: {  	_ = 	snop  }
0x18c: {  	[spmem:s3] =	stream.indirect.scatter.add.f32 [tilespmem:s14], [sflag:$0x5], $0x1, s13, s31, $0xb8;
	v63 =	vld [tilespmem:$0x0]  }
0x18d: {  	p0 =	seq.s32 s11, $0x4C00;
	_ =	swait.ge [sflag:s15], $0x2000  }
.Ltmp8:
0x18e: {  	[sflag:s15] =	ssyncset.done $0x0;
	(pc) =	sbr.rel @p0 .LBB2_9-.Ltmp8, $4  }
0x18f: {  	[sflag:s15] =	ssyncadd.s32 $0xFFFFE000  }
0x190: {  	_ =	swait.ge [sflag:s16], $0x80  }
0x191: {  	[sflag:s16] =	ssyncset.done $0x0  }
0x192: {  	[sflag:s16] =	ssyncadd.s32 $0xFFFFFF80  }
0x193: {  	v3 =	vld [tilespmem:s12+$0x5100]  }
0x194: {  	v4 =	vld [tilespmem:s12+$0x6500];
	_ =	sdelay $0x6  }
0x195: {  	v5 =	vld.idx.msk [tilespmem:v3+s5+$0x0], $0xffff  }
0x196: {  	v6 =	vld.idx.msk [tilespmem:v4+s28+$0x0], $0xffff;
	_ =	sdelay $0x4  }
0x197: {  	v6 =	vadd.f32 v6, v5  }
0x198: {  	v7 =	vmul.f32 $2.000000030e-01, v5  }
0x199: {  	vm0 =	vlt.f32 v6, $0.0e+00  }
0x19a: {  	v5 =	vsel vm0, v7, v5  }
0x19b: {  	v5 =	vmul.f32 $1.442695020e+00, v5;
	_ =	sdelay $0x1  }
0x19c: {  	(erf) = vpow2.f32 v5;
	_ =	sdelay $0x5  }
0x19d: {  	v3 =	vadd.s32 v0, v3;
	v6 =	vsel vm0, $0x2800, v2  }
0x19e: {  	v3 =	vadd.s32 v6, v3  }
0x19f: {  	[tilespmem:$0xB900] =	vst v3;
	v3 =	vadd.s32 v4, v6  }
0x1a0: {  	[tilespmem:$0xBA00] =	vst v3;
	v5 =	vpop (erf)  }
0x1a1: {  	[tilespmem:$0xB800] =	vst v5  }
0x1a2: {  	v3 =	vld [tilespmem:s12+$0x5110]  }
0x1a3: {  	v42 =	vld [tilespmem:s12+$0x6510];
	_ =	sdelay $0x6  }
0x1a4: {  	v5 =	vld.idx.msk [tilespmem:v3+s5+$0x0], $0xffff  }
0x1a5: {  	v43 =	vld.idx.msk [tilespmem:v42+s28+$0x0], $0xffff;
	_ =	sdelay $0x4  }
0x1a6: {  	v6 =	vadd.f32 v43, v5  }
0x1a7: {  	v44 =	vmul.f32 $2.000000030e-01, v5  }
0x1a8: {  	vm9 =	vlt.f32 v6, $0.0e+00  }
0x1a9: {  	v5 =	vsel vm9, v44, v5  }
0x1aa: {  	v5 =	vmul.f32 $1.442695020e+00, v5;
	_ =	sdelay $0x1  }
0x1ab: {  	(erf) = vpow2.f32 v5;
	_ =	sdelay $0x5  }
0x1ac: {  	v3 =	vadd.s32 v0, v3;
	v6 =	vsel vm9, $0x2800, v2  }
0x1ad: {  	v3 =	vadd.s32 v6, v3  }
0x1ae: {  	[tilespmem:$0xB910] =	vst v3;
	v3 =	vadd.s32 v42, v6  }
0x1af: {  	[tilespmem:$0xBA10] =	vst v3;
	v5 =	vpop (erf)  }
0x1b0: {  	[tilespmem:$0xB810] =	vst v5  }
0x1b1: {  	v3 =	vld [tilespmem:s12+$0x5120]  }
0x1b2: {  	v45 =	vld [tilespmem:s12+$0x6520];
	_ =	sdelay $0x6  }
0x1b3: {  	v5 =	vld.idx.msk [tilespmem:v3+s5+$0x0], $0xffff  }
0x1b4: {  	v46 =	vld.idx.msk [tilespmem:v45+s28+$0x0], $0xffff;
	_ =	sdelay $0x4  }
0x1b5: {  	v6 =	vadd.f32 v46, v5  }
0x1b6: {  	v47 =	vmul.f32 $2.000000030e-01, v5  }
0x1b7: {  	vm10 =	vlt.f32 v6, $0.0e+00  }
0x1b8: {  	v5 =	vsel vm10, v47, v5  }
0x1b9: {  	v5 =	vmul.f32 $1.442695020e+00, v5;
	_ =	sdelay $0x1  }
0x1ba: {  	(erf) = vpow2.f32 v5;
	_ =	sdelay $0x5  }
0x1bb: {  	v3 =	vadd.s32 v0, v3;
	v6 =	vsel vm10, $0x2800, v2  }
0x1bc: {  	v3 =	vadd.s32 v6, v3  }
0x1bd: {  	[tilespmem:$0xB920] =	vst v3;
	v3 =	vadd.s32 v45, v6  }
0x1be: {  	[tilespmem:$0xBA20] =	vst v3;
	v5 =	vpop (erf)  }
0x1bf: {  	[tilespmem:$0xB820] =	vst v5  }
0x1c0: {  	v3 =	vld [tilespmem:s12+$0x5130]  }
0x1c1: {  	v48 =	vld [tilespmem:s12+$0x6530];
	_ =	sdelay $0x6  }
0x1c2: {  	v5 =	vld.idx.msk [tilespmem:v3+s5+$0x0], $0xffff  }
0x1c3: {  	v49 =	vld.idx.msk [tilespmem:v48+s28+$0x0], $0xffff;
	_ =	sdelay $0x4  }
0x1c4: {  	v6 =	vadd.f32 v49, v5  }
0x1c5: {  	v50 =	vmul.f32 $2.000000030e-01, v5  }
0x1c6: {  	vm11 =	vlt.f32 v6, $0.0e+00  }
0x1c7: {  	v5 =	vsel vm11, v50, v5  }
0x1c8: {  	v5 =	vmul.f32 $1.442695020e+00, v5;
	_ =	sdelay $0x1  }
0x1c9: {  	(erf) = vpow2.f32 v5;
	_ =	sdelay $0x5  }
0x1ca: {  	v3 =	vadd.s32 v0, v3;
	v6 =	vsel vm11, $0x2800, v2  }
0x1cb: {  	v3 =	vadd.s32 v6, v3  }
0x1cc: {  	[tilespmem:$0xB930] =	vst v3;
	v3 =	vadd.s32 v48, v6  }
0x1cd: {  	[tilespmem:$0xBA30] =	vst v3;
	v5 =	vpop (erf)  }
0x1ce: {  	[tilespmem:$0xB830] =	vst v5  }
0x1cf: {  	v3 =	vld [tilespmem:s12+$0x5140]  }
0x1d0: {  	v51 =	vld [tilespmem:s12+$0x6540];
	_ =	sdelay $0x6  }
0x1d1: {  	v5 =	vld.idx.msk [tilespmem:v3+s5+$0x0], $0xffff  }
0x1d2: {  	v52 =	vld.idx.msk [tilespmem:v51+s28+$0x0], $0xffff;
	_ =	sdelay $0x4  }
0x1d3: {  	v6 =	vadd.f32 v52, v5  }
0x1d4: {  	v53 =	vmul.f32 $2.000000030e-01, v5  }
0x1d5: {  	vm12 =	vlt.f32 v6, $0.0e+00  }
0x1d6: {  	v5 =	vsel vm12, v53, v5  }
0x1d7: {  	v5 =	vmul.f32 $1.442695020e+00, v5;
	_ =	sdelay $0x1  }
0x1d8: {  	(erf) = vpow2.f32 v5;
	_ =	sdelay $0x5  }
0x1d9: {  	v3 =	vadd.s32 v0, v3;
	v6 =	vsel vm12, $0x2800, v2  }
0x1da: {  	v3 =	vadd.s32 v6, v3  }
0x1db: {  	[tilespmem:$0xB940] =	vst v3;
	v3 =	vadd.s32 v51, v6  }
0x1dc: {  	[tilespmem:$0xBA40] =	vst v3;
	v5 =	vpop (erf)  }
0x1dd: {  	[tilespmem:$0xB840] =	vst v5  }
0x1de: {  	v3 =	vld [tilespmem:s12+$0x5150]  }
0x1df: {  	v54 =	vld [tilespmem:s12+$0x6550];
	_ =	sdelay $0x6  }
0x1e0: {  	v5 =	vld.idx.msk [tilespmem:v3+s5+$0x0], $0xffff  }
0x1e1: {  	v55 =	vld.idx.msk [tilespmem:v54+s28+$0x0], $0xffff;
	_ =	sdelay $0x4  }
0x1e2: {  	v6 =	vadd.f32 v55, v5  }
0x1e3: {  	v56 =	vmul.f32 $2.000000030e-01, v5  }
0x1e4: {  	vm13 =	vlt.f32 v6, $0.0e+00  }
0x1e5: {  	v5 =	vsel vm13, v56, v5  }
0x1e6: {  	v5 =	vmul.f32 $1.442695020e+00, v5;
	_ =	sdelay $0x1  }
0x1e7: {  	(erf) = vpow2.f32 v5;
	_ =	sdelay $0x5  }
0x1e8: {  	v3 =	vadd.s32 v0, v3;
	v6 =	vsel vm13, $0x2800, v2  }
0x1e9: {  	v3 =	vadd.s32 v6, v3  }
0x1ea: {  	[tilespmem:$0xB950] =	vst v3;
	v3 =	vadd.s32 v54, v6  }
0x1eb: {  	[tilespmem:$0xBA50] =	vst v3;
	v5 =	vpop (erf)  }
0x1ec: {  	[tilespmem:$0xB850] =	vst v5  }
0x1ed: {  	v3 =	vld [tilespmem:s12+$0x5160]  }
0x1ee: {  	v57 =	vld [tilespmem:s12+$0x6560];
	_ =	sdelay $0x6  }
0x1ef: {  	v5 =	vld.idx.msk [tilespmem:v3+s5+$0x0], $0xffff  }
0x1f0: {  	v58 =	vld.idx.msk [tilespmem:v57+s28+$0x0], $0xffff;
	_ =	sdelay $0x4  }
0x1f1: {  	v6 =	vadd.f32 v58, v5  }
0x1f2: {  	v59 =	vmul.f32 $2.000000030e-01, v5  }
0x1f3: {  	vm14 =	vlt.f32 v6, $0.0e+00  }
0x1f4: {  	v5 =	vsel vm14, v59, v5  }
0x1f5: {  	v5 =	vmul.f32 $1.442695020e+00, v5;
	_ =	sdelay $0x1  }
0x1f6: {  	(erf) = vpow2.f32 v5;
	_ =	sdelay $0x5  }
0x1f7: {  	v3 =	vadd.s32 v0, v3;
	v6 =	vsel vm14, $0x2800, v2  }
0x1f8: {  	v3 =	vadd.s32 v6, v3  }
0x1f9: {  	[tilespmem:$0xB960] =	vst v3;
	v3 =	vadd.s32 v57, v6  }
0x1fa: {  	[tilespmem:$0xBA60] =	vst v3;
	v5 =	vpop (erf)  }
0x1fb: {  	[tilespmem:$0xB860] =	vst v5  }
0x1fc: {  	v3 =	vld [tilespmem:s12+$0x5170]  }
0x1fd: {  	v60 =	vld [tilespmem:s12+$0x6570];
	_ =	sdelay $0x6  }
0x1fe: {  	v5 =	vld.idx.msk [tilespmem:v3+s5+$0x0], $0xffff  }
0x1ff: {  	v61 =	vld.idx.msk [tilespmem:v60+s28+$0x0], $0xffff;
	_ =	sdelay $0x4  }
0x200: {  	v6 =	vadd.f32 v61, v5  }
0x201: {  	v62 =	vmul.f32 $2.000000030e-01, v5  }
0x202: {  	vm15 =	vlt.f32 v6, $0.0e+00  }
0x203: {  	v5 =	vsel vm15, v62, v5  }
0x204: {  	v5 =	vmul.f32 $1.442695020e+00, v5;
	_ =	sdelay $0x1  }
0x205: {  	(erf) = vpow2.f32 v5;
	_ =	sdelay $0x5  }
0x206: {  	v3 =	vadd.s32 v0, v3;
	v6 =	vsel vm15, $0x2800, v2  }
.Ltmp9:
0x207: {  	v3 =	vadd.s32 v6, v3;
	(pc) =	sbr.rel .LBB2_9-.Ltmp9, $4  }
0x208: {  	[tilespmem:$0xB970] =	vst v3;
	v3 =	vadd.s32 v60, v6  }
0x209: {  	[tilespmem:$0xBA70] =	vst v3;
	v5 =	vpop (erf)  }
0x20a: {  	[tilespmem:$0xB870] =	vst v5  }
0x20b: {  	[tilespmem:s26], [sflag:$0x1] =	stream.indirect.gather [hbm4b:s7+s31], $0x40, s0, s31, $0xb8;
	v63 =	vld [tilespmem:$0x0]  }
.LBB2_12:
0x20c: {  	_ =	sfence.sel $0x180000  }
0x20d: {  	[bflag:$0x0] =	sbarrier.arrive $0xFFFF  }
0x20e: {  	_ =	strace $0x9000004A  }
0x20f: {  	s0 =	stileid.u32;
	[bflag:$0x2] =	sbarrier.arrive $0xFFFF  }
0x210: {  	p0 =	sne.s32 s0, $0x0;
	s0 =	rddreg [dreg:$0x4]  }
0x211: {  	s0 =	sadd.s32 @!p0 $0x100000, s0  }
0x212: {  	[sflag:s0] =	ssyncadd.tile.s32 @!p0 $0x1;
	_ =	shalt  }
.Lfunc_end2:
_tile_overlayer_lowered:
.L_overlay_start_2:
0x213: {  	(tag) =	ssettag $0x2  }
0x214: {  	s0 =	rddreg [dreg:$0x0];
	s2 =	stileid.u32  }
0x215: {  	s1 =	rddreg [dreg:$0x1];
	p0 =	sne.s32 s2, $0x0  }
0x216: {  	s3 =	rddreg [dreg:$0x2];
	[bflag:$0x3] =	sbarrier.arrive $0xFFFF;
	s2 =	simm.s32 @!p0 $0x1C07  }
0x217: {  	[timem:s3], [sflag:s2] =	dma.local @!p0 [hbm:s0], s1  }
0x218: {  	s0 =	simm.s32 @!p0 $0x7  }
0x219: {  	_ =	swait.ge @!p0 [sflag:s0], s1  }
0x21a: {  	s1 =	ssub.s32 @!p0 $0x0, s1;
	[sflag:s0] =	ssyncset.done @!p0 $0x0  }
0x21b: {  	[sflag:s0] =	ssyncadd.s32 @!p0 s1  }
0x21c: {  	[bflag:$0x3] =	sbarrier.arrive $0xFFFF  }
0x21d: {  	_ =	shalt  }

// kernel: kernel.14.cloned.1.call-start
scs
__scs_entry_jumppad:
0x0: {  	(pc) =	sbr.rel $0x88, $3  }
0x1: {  	(tag) =	ssettag $0x0;
	lr =	simm.s32 $0x1  }
0x2: {  	[smem:$0x3F97] =	sst lr;
	_ =	strace $0xD0000000  }
0x3: {  	_ = 	snop  }
0x4: {  	_ = 	snop  }
0x5: {  	_ = 	snop  }
0x6: {  	_ = 	snop  }
0x7: {  	_ = 	snop  }
__scs_overlays_trampoline_lowered:
0x8: {  	[smem:$0x3FA6] =	sst s0  }
0x9: {  	[smem:$0x3FA7] =	sst s1  }
0xa: {  	[smem:$0x3FA8] =	sst s2  }
0xb: {  	[smem:$0x3FA9] =	sst s3  }
0xc: {  	[smem:$0x3FAA] =	sst s4  }
0xd: {  	[smem:$0x3FAB] =	sst s5  }
0xe: {  	[smem:$0x3FAC] =	sst s6  }
0xf: {  	[smem:$0x3FAD] =	sst s7  }
0x10: {  	[smem:$0x3FAE] =	sst s8  }
0x11: {  	[smem:$0x3FAF] =	sst s9;
	s0 =	simm.s32 @!p0 $0x0  }
0x12: {  	s1 =	sld [smem:$0x3F95];
	s0 =	simm.s32 @p0 $0x1  }
0x13: {  	[smem:$0x3FB0] =	sst s0;
	s0 =	simm.s32 @!p1 $0x0  }
0x14: {  	s2 =	sld [smem:$0x3F94];
	s0 =	simm.s32 @p1 $0x1  }
0x15: {  	[smem:$0x3FB1] =	sst s0;
	s0 =	simm.s32 @!p2 $0x0  }
0x16: {  	s3 =	sld [smem:$0x3FDB];
	s0 =	simm.s32 @p2 $0x1  }
0x17: {  	s4 =	simm.s32 $0x1BF5;
	[smem:$0x3FB3] =	sst s0  }
0x18: {  	s0 =	sld [smem:$0x3F96];
	_ =	swait.ge [sflag:s4], $0x0  }
0x19: {  	s7 =	sld [smem:$0x3F97]  }
0x1a: {  	s8 =	sadd.s32 $0xFFFFE003, lr  }
0x1b: {  	s9 =	sadd.s32 $0xFFFFFEF7, lr;
	s5 =	simm.s32 $0xFFFFFFFF;
	p2 =	slt.u32 s8, $0xFFFFF086  }
0x1c: {  	p1 =	slt.u32 s9, $0xF7A;
	s5 =	simm.s32 @!p2 $0x0  }
0x1d: {  	s5 =	simm.s32 @p1 $0x1;
	p0 =	seq.s32 s7, s2  }
0x1e: {  	s7 =	smul.u32 @!p0 $0xF7A, s2;
	p2 =	seq.s32 @!p0 s5, $0x0  }
0x1f: {  	s9 =	smul.u32 $0xF7A, s1;
	s8 =	simm.s32 @!p0 $0x1BF5;
	p2 =	por !p2, p0  }
0x20: {  	[sflag:s8] =	ssyncset.s32 @!p0 $0xFFFFF086;
	s6 =	sadd.s32 @!p0 s3, s7;
	s7 =	simm.s32 @!p0 $0x108  }
0x21: {  	s3 =	sadd.s32 s3, s9;
	s6 =	sadd.s32 @!p0 $0x88, s6;
	s7 =	simm.s32 @p2 $0x1082  }
0x22: {  	[simem:s7], [sflag:s8] =	dma.local @!p0 [hbm:s6], $0xF7A  }
0x23: {  	s9 =	sor.u32 $0xD0000000, s2;
	s6 =	simm.s32 $0x108;
	_ =	swait.ge @!p0 [sflag:s8], $0x0  }
0x24: {  	s3 =	sadd.s32 $0x88, s3;
	s6 =	simm.s32 @!p1 $0x1082;
	[sflag:s4] =	ssyncset.s32 $0xFFFFF086  }
0x25: {  	[simem:s6], [sflag:s4] =	dma.local [hbm:s3], $0xF7A  }
0x26: {  	[smem:$0x3F97] =	sst s1;
	(tag) =	ssettag s2;
	_ =	strace s9  }
0x27: {  	s1 =	sld [smem:$0x3FA7]  }
0x28: {  	s2 =	sld [smem:$0x3FA8]  }
0x29: {  	s4 =	sld [smem:$0x3FAA]  }
0x2a: {  	p0 =	seq.s32 s5, $0x0;
	s5 =	sld [smem:$0x3FAB]  }
0x2b: {  	s6 =	sld [smem:$0x3FAC]  }
0x2c: {  	s7 =	sld [smem:$0x3FAD]  }
0x2d: {  	s3 =	simm.s32 $0x108;
	s8 =	sld [smem:$0x3FAE]  }
0x2e: {  	s3 =	simm.s32 @!p0 $0x1082;
	s9 =	sld [smem:$0x3FAF]  }
0x2f: {  	lr =	sadd.s32 s0, s3;
	s0 =	sld [smem:$0x3FA6]  }
0x30: {  	s3 =	sld [smem:$0x3FA9]  }
0x31: {  	[smem:$0x3FB2] =	sst s10  }
0x32: {  	s10 =	sld [smem:$0x3FB0];
	_ =	sdelay $0x3  }
0x33: {  	p0 =	seq.s32 s10, $0x1;
	s10 =	sld [smem:$0x3FB2];
	_ =	sdelay $0x3  }
0x34: {  	[smem:$0x3FB2] =	sst s10  }
0x35: {  	s10 =	sld [smem:$0x3FB1];
	_ =	sdelay $0x3  }
0x36: {  	p1 =	seq.s32 s10, $0x1;
	s10 =	sld [smem:$0x3FB2];
	_ =	sdelay $0x3  }
0x37: {  	[smem:$0x3FB2] =	sst s10  }
0x38: {  	s10 =	sld [smem:$0x3FB3]  }
0x39: {  	_ = 	snop;
	(pc) =	sbr.ind lr, $3  }
0x3a: {  	_ = 	snop  }
0x3b: {  	_ = 	snop  }
0x3c: {  	p2 =	seq.s32 s10, $0x1;
	s10 =	sld [smem:$0x3FB2]  }
0x3d: {  	_ =	shalt  }
0x3e: {  	_ =	shalt  }
0x3f: {  	_ =	shalt  }
0x40: {  	_ =	shalt  }
0x41: {  	_ =	shalt  }
0x42: {  	_ =	shalt  }
0x43: {  	_ =	shalt  }
0x44: {  	_ =	shalt  }
0x45: {  	_ =	shalt  }
0x46: {  	_ =	shalt  }
0x47: {  	_ =	shalt  }
0x48: {  	_ =	shalt  }
0x49: {  	_ =	shalt  }
0x4a: {  	_ =	shalt  }
0x4b: {  	_ =	shalt  }
0x4c: {  	_ =	shalt  }
0x4d: {  	_ =	shalt  }
0x4e: {  	_ =	shalt  }
0x4f: {  	_ =	shalt  }
0x50: {  	_ =	shalt  }
0x51: {  	_ =	shalt  }
0x52: {  	_ =	shalt  }
0x53: {  	_ =	shalt  }
0x54: {  	_ =	shalt  }
0x55: {  	_ =	shalt  }
0x56: {  	_ =	shalt  }
0x57: {  	_ =	shalt  }
0x58: {  	_ =	shalt  }
0x59: {  	_ =	shalt  }
0x5a: {  	_ =	shalt  }
0x5b: {  	_ =	shalt  }
0x5c: {  	_ =	shalt  }
0x5d: {  	_ =	shalt  }
0x5e: {  	_ =	shalt  }
0x5f: {  	_ =	shalt  }
0x60: {  	_ =	shalt  }
0x61: {  	_ =	shalt  }
0x62: {  	_ =	shalt  }
0x63: {  	_ =	shalt  }
0x64: {  	_ =	shalt  }
0x65: {  	_ =	shalt  }
0x66: {  	_ =	shalt  }
0x67: {  	_ =	shalt  }
0x68: {  	_ =	shalt  }
0x69: {  	_ =	shalt  }
0x6a: {  	_ =	shalt  }
0x6b: {  	_ =	shalt  }
0x6c: {  	_ =	shalt  }
0x6d: {  	_ =	shalt  }
0x6e: {  	_ =	shalt  }
0x6f: {  	_ =	shalt  }
0x70: {  	_ =	shalt  }
0x71: {  	_ =	shalt  }
0x72: {  	_ =	shalt  }
0x73: {  	_ =	shalt  }
0x74: {  	_ =	shalt  }
0x75: {  	_ =	shalt  }
0x76: {  	_ =	shalt  }
0x77: {  	_ =	shalt  }
0x78: {  	_ =	shalt  }
0x79: {  	_ =	shalt  }
0x7a: {  	_ =	shalt  }
0x7b: {  	_ =	shalt  }
0x7c: {  	_ =	shalt  }
0x7d: {  	_ =	shalt  }
0x7e: {  	_ =	shalt  }
0x7f: {  	_ =	shalt  }
0x80: {  	_ =	shalt  }
0x81: {  	_ =	shalt  }
0x82: {  	_ =	shalt  }
0x83: {  	_ =	shalt  }
0x84: {  	_ =	shalt  }
0x85: {  	_ =	shalt  }
0x86: {  	_ =	shalt  }
0x87: {  	_ =	shalt  }
.Lfunc_end0:
.L_simem_size_0:
called_computation.2_lowered:
.L_overlay_start_0:
0x88: {  	s2 =	sld [smem:$0x3FD9]  }
0x89: {  	s3 =	sld [smem:$0x3FFE];
	_ =	sdelay $0x1  }
0x8a: {  	s1 =	srdreg.scid  }
0x8b: {  	s0 =	sand.u32 $0x1, s1  }
0x8c: {  	s17 =	sshll.u32 s0, $0xA;
	s2 =	sadd.s32 s3, s2  }
0x8d: {  	s2 =	sadd.s32 s2, s17  }
0x8e: {  	[smem:$0x3FBE] =	sst s2  }
0x8f: {  	_ = 	snop  }
0x90: {  	s18 =	sld [smem:$0x3FD0];
	(tm) =	ssettm $0x1  }
0x91: {  	s19 =	sld [smem:$0x3FFB];
	_ =	sdelay $0x3  }
0x92: {  	_ =	strace s19  }
0x93: {  	s2 =	sld [smem:$0x3FFC];
	_ =	sdelay $0x3  }
0x94: {  	_ =	strace s2  }
0x95: {  	s2 =	sld [smem:$0x3FFD];
	_ =	sdelay $0x3  }
0x96: {  	_ =	strace s2  }
0x97: {  	_ =	strace $0x8FFFFFFF  }
0x98: {  	s20 =	sld [smem:$0x3FDB];
	_ =	sdelay $0x1  }
0x99: {  	s4 =	simm.s32 $_scs_section_size  }
0x9a: {  	s5 =	simm.s32 $_size__tile_overlayer_lowered;
	s6 =	simm.s32 $_tile_overlayer_lowered  }
0x9b: {  	s7 =	simm.s32 $0x1BFF;
	s21 =	sshll.u32 s6, $0x1;
	s4 =	sadd.s32 s4, s20  }
0x9c: {  	s22 =	simm.s32 $0x0;
	s5 =	sshll.u32 s5, $0x1;
	s6 =	sadd.s32 s21, s4  }
0x9d: {  	[timem:s22], [sflag:s7] =	dma.local [hbm:s6], s5  }
0x9e: {  	_ =	swait.ge [sflag:s7], s5  }
0x9f: {  	s5 =	ssub.s32 $0x0, s5;
	[sflag:s7] =	ssyncset.done $0x0  }
0xa0: {  	[sflag:s7] =	ssyncadd.s32 s5;
	_ =	sdelay $0x1  }
0xa1: {  	s23 =	simm.s32 $0x1B8B  }
0xa2: {  	_ =	swait.ge [sflag:s23], $0x1  }
0xa3: {  	[sflag:s23] =	ssyncset.done $0x0  }
0xa4: {  	[sflag:s23] =	ssyncadd.s32 $0xFFFFFFFF  }
0xa5: {  	s5 =	sld [smem:$0x0]  }
0xa6: {  	s6 =	sand.u32 $0xFFFFFFFE, s1  }
0xa7: {  	p0 =	sne.s32 s1, s6  }
0xa8: {  	s6 =	sshll.u32 @p0 s6, $0xE  }
0xa9: {  	s6 =	sadd.s32 @p0 $0x11B8D, s6;
	s7 =	sshll.u32 @p0 s5, $0x11  }
0xaa: {  	s6 =	sor.u32 @p0 s7, s6  }
0xab: {  	[sflag:s6] =	ssyncadd.remote.s32 @p0 $0x1;
	_ =	sdelay $0x1  }
0xac: {  	s6 =	simm.s32 @p0 $0x1B8D  }
0xad: {  	_ =	swait.eq @p0 [sflag:s6], $0x1  }
0xae: {  	[sflag:s6] =	ssyncadd.s32 @p0 $0xFFFFFFFF  }
0xaf: {  	s7 =	sshll.u32 @!p0 s1, $0xE  }
0xb0: {  	s7 =	sor.u32 @!p0 $0x4000, s7;
	s6 =	simm.s32 @!p0 $0x1B8D  }
0xb1: {  	s5 =	sshll.u32 @!p0 s5, $0x11;
	s7 =	sadd.s32 @!p0 $0x11B8D, s7;
	_ =	swait.eq @!p0 [sflag:s6], $0x1  }
0xb2: {  	s5 =	sor.u32 @!p0 s5, s7;
	[sflag:s6] =	ssyncadd.s32 @!p0 $0xFFFFFFFF  }
0xb3: {  	s25 =	simm.s32 $0x1B8E;
	s24 =	sld [smem:$0x3FFE];
	[sflag:s5] =	ssyncadd.remote.s32 @!p0 $0x1  }
0xb4: {  	s26 =	simm.s32 $execute0_lowered;
	[smem:$0x3FD2] =	sst s25  }
0xb5: {  	s6 =	sshll.u32 s26, $0x1;
	_ =	strace $0x8000004C;
	[dreg:$0x1] =	wrdreg $0xFFFFFFFF  }
0xb6: {  	s28 =	simm.s32 $_size_execute0_lowered;
	s4 =	sadd.s32 s4, s6;
	[dreg:$0x0] =	wrdreg $0x0  }
0xb7: {  	s6 =	sshll.u32 s28, $0x1;
	[dreg:$0x2] =	wrdreg s4  }
0xb8: {  	[dreg:$0x3] =	wrdreg s6  }
0xb9: {  	[dreg:$0x4] =	wrdreg $0xC0  }
0xba: {  	_ =	task [dreg:s22], $0x5FFFF  }
0xbb: {  	[dreg:$0x1] =	wrdreg $0xFFFFFFFF  }
0xbc: {  	[dreg:$0x0] =	wrdreg $0x60  }
0xbd: {  	[dreg:$0x2] =	wrdreg s24  }
0xbe: {  	[dreg:$0x3] =	wrdreg s18  }
0xbf: {  	[dreg:$0x4] =	wrdreg $0xAA000  }
0xc0: {  	[dreg:$0x5] =	wrdreg $0xA  }
0xc1: {  	_ =	task.clear_ibuf [dreg:s22], $0x6FFFF;
	_ =	strace $0x9000004C  }
0xc2: {  	s29 =	simm.s32 $0xA;
	_ =	strace $0x8000004E  }
0xc3: {  	_ =	swait.ge [sflag:s29], $0x1  }
0xc4: {  	[sflag:s29] =	ssyncadd.s32 $0xFFFFFFFF  }
0xc5: {  	_ =	strace $0x9000004E  }
0xc6: {  	_ =	sfence  }
0xc7: {  	s30 =	sld [smem:$0x0];
	_ =	sdelay $0x2  }
0xc8: {  	s31 =	sshll.u32 s1, $0xD;
	s1 =	sshrl.u32 s1, $0x2  }
0xc9: {  	s4 =	sand.u32 $0x4000, s31;
	s1 =	sadd.s32 s1, s30  }
0xca: {  	s0 =	sor.u32 s4, s0;
	s1 =	sshll.u32 s1, $0x11  }
0xcb: {  	s0 =	sor.u32 s1, s0  }
0xcc: {  	s0 =	sadd.s32 $0x8F2B, s0  }
0xcd: {  	[sflag:s0] =	ssyncadd.remote.s32 $0x1  }
0xce: {  	_ =	sfence.sel $0xFFFF  }
0xcf: {  	[dreg:$0x0] =	wrdreg $0xFFFFFFFF;
	(pc) =	sbr.abs _section_cstart, $3  }
0xd0: {  	[dreg:$0x1] =	wrdreg $0xFFFFFFFF  }
0xd1: {  	_ =	task.clear_ibuf [dreg:s22], $0x2FFFF;
	_ =	strace $0x9FFFFFFF  }
0xd2: {  	(tm) =	ssettm $0x7FFFFFFF  }
0xd3: {  	_ =	shalt  }
tec
execute0_lowered:
.L_overlay_start_1:
0x0: {  	(tag) =	ssettag $0x1  }
0x1: {  	s0 =	rddreg [dreg:$0x0]  }
0x2: {  	s2 =	rddreg [dreg:$0x1];
	s1 =	srdreg.scid  }
0x3: {  	s11 =	stileid.u32;
	s3 =	rddreg [dreg:$0x2]  }
0x4: {  	s4 =	simm.s32 $0x0;
	s15 =	simm.s32 $0x2800;
	s16 =	simm.s32 $0x5  }
0x5: {  	s17 =	simm.s32 $0x1400;
	s18 =	simm.s32 $0x80;
	s19 =	simm.s32 $0xA800  }
0x6: {  	s20 =	simm.s32 $0xA880;
	s21 =	simm.s32 $0x6800;
	s22 =	simm.s32 $0x1  }
0x7: {  	s23 =	simm.s32 $0xA900;
	s24 =	simm.s32 $0x3;
	s25 =	simm.s32 $0x2  }
0x8: {  	s26 =	simm.s32 $0xA980;
	s28 =	simm.s32 $0x4;
	s8 =	smul.u32 $0x14000, s11  }
0x9: {  	s29 =	simm.s32 $0x0;
	s1 =	sand.u32 $0x1, s1;
	s9 =	smul.u32 $0x50000, s11  }
0xa: {  	[smem:$0x7FF] =	sst s4;
	s11 =	sshll.u32 s11, $0x1;
	s5 =	smul.u32 $0x140000, s1  }
0xb: {  	_ =	strace $0x8000004D;
	s30 =	ssub.s32 $0x2, s1;
	s1 =	sor.u32 s1, s11  }
0xc: {  	s10 =	sshrl.u32 s30, $0x1;
	s9 =	sshrl.u32 s9, $0x2;
	s6 =	sadd.s32 s8, s5  }
0xd: {  	s5 =	sadd.s32 $0x1200, s0;
	s14 =	ssub.s32 s30, s10;
	s12 =	sadd.s32 s9, s3  }
0xe: {  	s8 =	sadd.s32 s8, s3;
	s7 =	sshrl.u32 s6, $0x3;
	s6 =	sadd.s32 $0xB200, s0  }
0xf: {  	s31 =	sadd.s32 $0x4000, s12;
	s10 =	sadd.s32 $0x8000, s12;
	s11 =	sadd.s32 $0xC000, s12  }
0x10: {  	s12 =	sadd.s32 $0x10000, s12;
	s14 =	smax.u32 s14, $0x1;
	s0 =	sadd.s32 s7, s0  }
0x11: {  	v0 =	vimm.f32 $0.0e+00;
	s7 =	smul.u32 $0x2800, s1;
	[dreg:$0x4] =	wrdreg s31;
	s13 =	sadd.s32 $0x85200, s0  }
.LBB2_1:
0x12: {  	s0 =	simm.s32 $0x0;
	s1 =	simm.s32 $0x200  }
.LBB2_2:
0x13: {  	p0 =	sne.s32 s1, $0xFE00;
	[tilespmem:s0+$0x2870] =	vst v0  }
0x14: {  	[tilespmem:s0+$0x2800] =	vst v0  }
0x15: {  	[tilespmem:s0+$0x2810] =	vst v0  }
.Ltmp0:
0x16: {  	[tilespmem:s0+$0x2820] =	vst v0;
	(pc) =	sbr.rel @p0 .LBB2_2-.Ltmp0, $4  }
0x17: {  	[tilespmem:s0+$0x2830] =	vst v0  }
0x18: {  	[tilespmem:s0+$0x2840] =	vst v0  }
0x19: {  	[tilespmem:s0+$0x2850] =	vst v0  }
0x1a: {  	[tilespmem:s0+$0x2860] =	vst v0;
	s0 =	sshra.s32 s1, $0x2;
	s1 =	sadd.s32 $0x200, s1  }
0x1b: {  	[tilespmem:s0+$0x2870] =	vst v0  }
0x1c: {  	[tilespmem:s0+$0x2800] =	vst v0  }
0x1d: {  	[tilespmem:s0+$0x2810] =	vst v0  }
0x1e: {  	[tilespmem:s0+$0x2820] =	vst v0  }
0x1f: {  	[tilespmem:s0+$0x2830] =	vst v0  }
0x20: {  	[tilespmem:s0+$0x2840] =	vst v0  }
0x21: {  	[tilespmem:s0+$0x2850] =	vst v0  }
0x22: {  	[tilespmem:s0+$0x2860] =	vst v0  }
0x23: {  	[spmem:s8] =	stream.linear.scatter [tilespmem:s15], [sflag:$0x5], $0x4000, $0x38;
	[tilespmem:$0x1EA00] =	vst v63  }
0x24: {  	_ =	swait.ge [sflag:s16], $0x4000  }
0x25: {  	[sflag:s16] =	ssyncset.done $0x0  }
0x26: {  	s31 =	rddreg [dreg:$0x4];
	[sflag:s16] =	ssyncadd.s32 $0xFFFFC000  }
0x27: {  	[spmem:s31] =	stream.linear.scatter [tilespmem:s15], [sflag:$0x5], $0x4000, $0x38;
	[tilespmem:$0x1EA00] =	vst v63  }
0x28: {  	_ =	swait.ge [sflag:s16], $0x4000  }
0x29: {  	[sflag:s16] =	ssyncset.done $0x0  }
0x2a: {  	[sflag:s16] =	ssyncadd.s32 $0xFFFFC000  }
0x2b: {  	[spmem:s10] =	stream.linear.scatter [tilespmem:s15], [sflag:$0x5], $0x4000, $0x38;
	[tilespmem:$0x1EA00] =	vst v63  }
0x2c: {  	_ =	swait.ge [sflag:s16], $0x4000  }
0x2d: {  	[sflag:s16] =	ssyncset.done $0x0  }
0x2e: {  	[sflag:s16] =	ssyncadd.s32 $0xFFFFC000  }
0x2f: {  	[spmem:s11] =	stream.linear.scatter [tilespmem:s15], [sflag:$0x5], $0x4000, $0x38;
	[tilespmem:$0x1EA00] =	vst v63  }
0x30: {  	_ =	swait.ge [sflag:s16], $0x4000  }
0x31: {  	[sflag:s16] =	ssyncset.done $0x0  }
0x32: {  	[sflag:s16] =	ssyncadd.s32 $0xFFFFC000  }
0x33: {  	[spmem:s12] =	stream.linear.scatter [tilespmem:s15], [sflag:$0x5], $0x4000, $0x38;
	[tilespmem:$0x1EA00] =	vst v63  }
0x34: {  	_ =	swait.ge [sflag:s16], $0x4000  }
0x35: {  	[sflag:s16] =	ssyncset.done $0x0  }
0x36: {  	[sflag:s16] =	ssyncadd.s32 $0xFFFFC000  }
0x37: {  	p1 =	por $0x1, $0x1;
	s0 =	simm.s32 $0x0;
	[bflag:$0x0] =	sbarrier.arrive $0xFFFF  }
.LBB2_4:
0x38: {  	s0 =	sadd.s32 s7, s0  }
0x39: {  	s0 =	sshrl.u32 s0, $0x3  }
0x3a: {  	s1 =	sadd.s32 s5, s0  }
0x3b: {  	[tilespmem:s29], [sflag:$0x5] =	stream.linear.gather [hbm4b:s1+s29], $0x1400, $0x38;
	[tilespmem:$0x1EA00] =	vst v63  }
0x3c: {  	_ =	swait.ge [sflag:s16], $0x1400  }
0x3d: {  	[sflag:s16] =	ssyncset.done $0x0  }
0x3e: {  	s0 =	sadd.s32 s2, s0;
	[sflag:s16] =	ssyncadd.s32 $0xFFFFEC00  }
0x3f: {  	[tilespmem:s17], [sflag:$0x5] =	stream.linear.gather [hbm4b:s0+s29], $0x1400, $0x38;
	[tilespmem:$0x1EA00] =	vst v63  }
0x40: {  	_ =	swait.ge [sflag:s16], $0x1400  }
0x41: {  	[sflag:s16] =	ssyncset.done $0x0  }
0x42: {  	[sflag:s16] =	ssyncadd.s32 $0xFFFFEC00  }
0x43: {  	v1 =	vld [tilespmem:$0x0]  }
0x44: {  	v2 =	vld [tilespmem:$0x1400]  }
0x45: {  	v3 =	vld [tilespmem:$0x10]  }
0x46: {  	v4 =	vld [tilespmem:$0x1410]  }
0x47: {  	v5 =	vld [tilespmem:$0x20]  }
0x48: {  	[tilespmem:$0xA800] =	vst v1;
	v1 =	vld [tilespmem:$0x1420]  }
0x49: {  	v60 =	vld [tilespmem:$0x40];
	[tilespmem:$0xA900] =	vst v2  }
0x4a: {  	v61 =	vld [tilespmem:$0x1440];
	[tilespmem:$0xA810] =	vst v3  }
0x4b: {  	v2 =	vld [tilespmem:$0x30];
	[tilespmem:$0xA910] =	vst v4  }
0x4c: {  	v3 =	vld [tilespmem:$0x1430];
	[tilespmem:$0xA820] =	vst v5  }
0x4d: {  	[tilespmem:$0xA920] =	vst v1;
	v1 =	vld [tilespmem:$0x50]  }
0x4e: {  	v62 =	vld [tilespmem:$0x1460];
	[tilespmem:$0xA840] =	vst v60  }
0x4f: {  	v63 =	vld [tilespmem:$0x70];
	[tilespmem:$0xA940] =	vst v61  }
0x50: {  	[tilespmem:$0xA830] =	vst v2;
	v2 =	vld [tilespmem:$0x1450]  }
0x51: {  	[tilespmem:$0xA930] =	vst v3;
	v3 =	vld [tilespmem:$0x60]  }
0x52: {  	[tilespmem:$0xA850] =	vst v1;
	v1 =	vld [tilespmem:$0x1470]  }
0x53: {  	[tilespmem:$0xA960] =	vst v62  }
0x54: {  	[tilespmem:$0xA870] =	vst v63  }
0x55: {  	[tilespmem:$0xA950] =	vst v2  }
0x56: {  	p0 =	por $0x1, $0x1;
	[tilespmem:$0xA860] =	vst v3  }
0x57: {  	s0 =	simm.s32 @!p0 $0x4;
	[tilespmem:$0xA970] =	vst v1  }
0x58: {  	[tilespmem:s15], [sflag:$0x1] =	stream.indirect.gather [hbm4b:s6+s18], $0x80, s19, s18, $0xb8;
	[tilespmem:$0x1EA00] =	vst v63  }
0x59: {  	_ =	swait.ge @!p0 [sflag:s0], $0x4000  }
0x5a: {  	[sflag:s0] =	ssyncset.done @!p0 $0x0  }
0x5b: {  	s9 =	simm.s32 $0x0;
	[sflag:s0] =	ssyncadd.s32 @!p0 $0xFFFFC000  }
0x5c: {  	v1 =	vld [tilespmem:s9+$0x80];
	_ =	sdelay $0x4  }
0x5d: {  	[tilespmem:$0xA880] =	vst v1  }
0x5e: {  	v1 =	vld [tilespmem:s9+$0x1480];
	_ =	sdelay $0x4  }
0x5f: {  	[tilespmem:$0xA980] =	vst v1  }
0x60: {  	v1 =	vld [tilespmem:s9+$0x90];
	_ =	sdelay $0x4  }
0x61: {  	[tilespmem:$0xA890] =	vst v1  }
0x62: {  	v1 =	vld [tilespmem:s9+$0x1490];
	_ =	sdelay $0x4  }
0x63: {  	[tilespmem:$0xA990] =	vst v1  }
0x64: {  	v1 =	vld [tilespmem:s9+$0xA0];
	_ =	sdelay $0x4  }
0x65: {  	[tilespmem:$0xA8A0] =	vst v1  }
0x66: {  	v1 =	vld [tilespmem:s9+$0x14A0];
	_ =	sdelay $0x4  }
0x67: {  	[tilespmem:$0xA9A0] =	vst v1  }
0x68: {  	v1 =	vld [tilespmem:s9+$0xB0];
	_ =	sdelay $0x4  }
0x69: {  	[tilespmem:$0xA8B0] =	vst v1  }
0x6a: {  	v1 =	vld [tilespmem:s9+$0x14B0];
	_ =	sdelay $0x4  }
0x6b: {  	[tilespmem:$0xA9B0] =	vst v1  }
0x6c: {  	v1 =	vld [tilespmem:s9+$0xC0];
	_ =	sdelay $0x4  }
0x6d: {  	[tilespmem:$0xA8C0] =	vst v1  }
0x6e: {  	v1 =	vld [tilespmem:s9+$0x14C0];
	_ =	sdelay $0x4  }
0x6f: {  	[tilespmem:$0xA9C0] =	vst v1  }
0x70: {  	v1 =	vld [tilespmem:s9+$0xD0];
	_ =	sdelay $0x4  }
0x71: {  	[tilespmem:$0xA8D0] =	vst v1  }
0x72: {  	v1 =	vld [tilespmem:s9+$0x14D0];
	_ =	sdelay $0x4  }
0x73: {  	[tilespmem:$0xA9D0] =	vst v1  }
0x74: {  	v1 =	vld [tilespmem:s9+$0xE0];
	_ =	sdelay $0x4  }
0x75: {  	[tilespmem:$0xA8E0] =	vst v1  }
0x76: {  	v1 =	vld [tilespmem:s9+$0x14E0];
	_ =	sdelay $0x4  }
0x77: {  	[tilespmem:$0xA9E0] =	vst v1  }
0x78: {  	v1 =	vld [tilespmem:s9+$0xF0];
	_ =	sdelay $0x4  }
0x79: {  	[tilespmem:$0xA8F0] =	vst v1  }
0x7a: {  	v1 =	vld [tilespmem:s9+$0x14F0];
	_ =	sdelay $0x4  }
0x7b: {  	[tilespmem:$0xA9F0] =	vst v1  }
0x7c: {  	[tilespmem:s21], [sflag:$0x2] =	stream.indirect.gather [hbm4b:s6+s18], $0x80, s20, s18, $0xb8;
	[tilespmem:$0x1EA00] =	vst v63  }
0x7d: {  	_ =	swait.ge [sflag:s22], $0x4000  }
0x7e: {  	[sflag:s22] =	ssyncset.done $0x0  }
0x7f: {  	[sflag:s22] =	ssyncadd.s32 $0xFFFFC000  }
0x80: {  	[spmem:s3] =	stream.indirect.scatter.add.f32 [tilespmem:s15], [sflag:$0x3], $0x80, s23, s18, $0xb8;
	[tilespmem:$0x1EA00] =	vst v63  }
0x81: {  	_ =	swait.ge [sflag:s24], $0x4000  }
0x82: {  	p0 =	por $0x0, $0x0;
	[sflag:s24] =	ssyncset.done $0x0  }
0x83: {  	s0 =	simm.s32 @!p0 $0x0;
	[sflag:s24] =	ssyncadd.s32 $0xFFFFC000  }
0x84: {  	v1 =	vld @!p0 [tilespmem:s0+$0x100];
	_ =	sdelay $0x4  }
0x85: {  	[tilespmem:$0xA800] =	vst @!p0 v1  }
0x86: {  	v1 =	vld @!p0 [tilespmem:s0+$0x1500];
	_ =	sdelay $0x4  }
0x87: {  	[tilespmem:$0xA900] =	vst @!p0 v1  }
0x88: {  	v1 =	vld @!p0 [tilespmem:s0+$0x110];
	_ =	sdelay $0x4  }
0x89: {  	[tilespmem:$0xA810] =	vst @!p0 v1  }
0x8a: {  	v1 =	vld @!p0 [tilespmem:s0+$0x1510];
	_ =	sdelay $0x4  }
0x8b: {  	[tilespmem:$0xA910] =	vst @!p0 v1  }
0x8c: {  	v1 =	vld @!p0 [tilespmem:s0+$0x120];
	_ =	sdelay $0x4  }
0x8d: {  	[tilespmem:$0xA820] =	vst @!p0 v1  }
0x8e: {  	v1 =	vld @!p0 [tilespmem:s0+$0x1520];
	_ =	sdelay $0x4  }
0x8f: {  	[tilespmem:$0xA920] =	vst @!p0 v1  }
0x90: {  	v1 =	vld @!p0 [tilespmem:s0+$0x130];
	_ =	sdelay $0x4  }
0x91: {  	[tilespmem:$0xA830] =	vst @!p0 v1  }
0x92: {  	v1 =	vld @!p0 [tilespmem:s0+$0x1530];
	_ =	sdelay $0x4  }
0x93: {  	[tilespmem:$0xA930] =	vst @!p0 v1  }
0x94: {  	v1 =	vld @!p0 [tilespmem:s0+$0x140];
	_ =	sdelay $0x4  }
0x95: {  	[tilespmem:$0xA840] =	vst @!p0 v1  }
0x96: {  	v1 =	vld @!p0 [tilespmem:s0+$0x1540];
	_ =	sdelay $0x4  }
0x97: {  	[tilespmem:$0xA940] =	vst @!p0 v1  }
0x98: {  	v1 =	vld @!p0 [tilespmem:s0+$0x150];
	_ =	sdelay $0x4  }
0x99: {  	[tilespmem:$0xA850] =	vst @!p0 v1  }
0x9a: {  	v1 =	vld @!p0 [tilespmem:s0+$0x1550];
	_ =	sdelay $0x4  }
0x9b: {  	[tilespmem:$0xA950] =	vst @!p0 v1  }
0x9c: {  	v1 =	vld @!p0 [tilespmem:s0+$0x160];
	_ =	sdelay $0x4  }
0x9d: {  	[tilespmem:$0xA860] =	vst @!p0 v1  }
0x9e: {  	v1 =	vld @!p0 [tilespmem:s0+$0x1560];
	_ =	sdelay $0x4  }
0x9f: {  	[tilespmem:$0xA960] =	vst @!p0 v1  }
0xa0: {  	v1 =	vld @!p0 [tilespmem:s0+$0x170];
	_ =	sdelay $0x4  }
0xa1: {  	[tilespmem:$0xA870] =	vst @!p0 v1  }
0xa2: {  	v1 =	vld @!p0 [tilespmem:s0+$0x1570];
	_ =	sdelay $0x4  }
0xa3: {  	s1 =	simm.s32 @!p0 $0xA800;
	s30 =	simm.s32 @!p0 $0x2800;
	s0 =	simm.s32 @!p0 $0x80;
	[tilespmem:$0xA970] =	vst @!p0 v1  }
0xa4: {  	[tilespmem:s30], [sflag:$0x1] =	stream.indirect.gather @!p0 [hbm4b:s6+s0], $0x80, s1, s0, $0xb8;
	[tilespmem:$0x1EA00] =	vst v63  }
0xa5: {  	s31 =	simm.s32 $0x800;
	p2 =	por $0x0, $0x0;
	_ =	swait.ge [sflag:s25], $0x4000  }
0xa6: {  	s30 =	simm.s32 $0x400;
	p0 =	por p1, p1;
	[sflag:s25] =	ssyncset.done $0x0  }
.LBB2_5:
0xa7: {  	s0 =	simm.s32 @!p2 $0x4  }
0xa8: {  	[sflag:s25] =	ssyncadd.s32 $0xFFFFC000;
	s1 =	smov.u32 s31;
	s31 =	sadd.s32 $0x400, s31  }
0xa9: {  	[spmem:s3] =	stream.indirect.scatter.add.f32 [tilespmem:s21], [sflag:$0x4], $0x80, s26, s18, $0xb8;
	[tilespmem:$0x1EA00] =	vst v63  }
0xaa: {  	p1 =	sne.s32 s31, $0x5000;
	_ =	swait.ge @!p2 [sflag:s0], $0x4000  }
0xab: {  	[sflag:s0] =	ssyncset.done @!p2 $0x0  }
0xac: {  	[sflag:s0] =	ssyncadd.s32 @!p2 $0xFFFFC000;
	s0 =	sshra.s32 s30, $0x2  }
0xad: {  	v1 =	vld [tilespmem:s0+$0x80];
	_ =	sdelay $0x4  }
0xae: {  	[tilespmem:$0xA880] =	vst v1  }
0xaf: {  	v1 =	vld [tilespmem:s0+$0x1480];
	_ =	sdelay $0x4  }
0xb0: {  	[tilespmem:$0xA980] =	vst v1  }
0xb1: {  	v1 =	vld [tilespmem:s0+$0x90];
	_ =	sdelay $0x4  }
0xb2: {  	[tilespmem:$0xA890] =	vst v1  }
0xb3: {  	v1 =	vld [tilespmem:s0+$0x1490];
	_ =	sdelay $0x4  }
0xb4: {  	[tilespmem:$0xA990] =	vst v1  }
0xb5: {  	v1 =	vld [tilespmem:s0+$0xA0];
	_ =	sdelay $0x4  }
0xb6: {  	[tilespmem:$0xA8A0] =	vst v1  }
0xb7: {  	v1 =	vld [tilespmem:s0+$0x14A0];
	_ =	sdelay $0x4  }
0xb8: {  	[tilespmem:$0xA9A0] =	vst v1  }
0xb9: {  	v1 =	vld [tilespmem:s0+$0xB0];
	_ =	sdelay $0x4  }
0xba: {  	[tilespmem:$0xA8B0] =	vst v1  }
0xbb: {  	v1 =	vld [tilespmem:s0+$0x14B0];
	_ =	sdelay $0x4  }
0xbc: {  	[tilespmem:$0xA9B0] =	vst v1  }
0xbd: {  	v1 =	vld [tilespmem:s0+$0xC0];
	_ =	sdelay $0x4  }
0xbe: {  	[tilespmem:$0xA8C0] =	vst v1  }
0xbf: {  	v1 =	vld [tilespmem:s0+$0x14C0];
	_ =	sdelay $0x4  }
0xc0: {  	[tilespmem:$0xA9C0] =	vst v1  }
0xc1: {  	v1 =	vld [tilespmem:s0+$0xD0];
	_ =	sdelay $0x4  }
0xc2: {  	[tilespmem:$0xA8D0] =	vst v1  }
0xc3: {  	v1 =	vld [tilespmem:s0+$0x14D0];
	_ =	sdelay $0x4  }
0xc4: {  	[tilespmem:$0xA9D0] =	vst v1  }
0xc5: {  	v1 =	vld [tilespmem:s0+$0xE0];
	_ =	sdelay $0x4  }
0xc6: {  	[tilespmem:$0xA8E0] =	vst v1  }
0xc7: {  	v1 =	vld [tilespmem:s0+$0x14E0];
	_ =	sdelay $0x4  }
0xc8: {  	[tilespmem:$0xA9E0] =	vst v1  }
0xc9: {  	v1 =	vld [tilespmem:s0+$0xF0];
	_ =	sdelay $0x4  }
0xca: {  	[tilespmem:$0xA8F0] =	vst v1  }
0xcb: {  	v1 =	vld [tilespmem:s0+$0x14F0];
	_ =	sdelay $0x4  }
0xcc: {  	[tilespmem:$0xA9F0] =	vst v1  }
0xcd: {  	[tilespmem:s21], [sflag:$0x2] =	stream.indirect.gather [hbm4b:s6+s18], $0x80, s20, s18, $0xb8;
	[tilespmem:$0x1EA00] =	vst v63  }
0xce: {  	_ =	swait.ge [sflag:s22], $0x4000  }
0xcf: {  	[sflag:s22] =	ssyncset.done $0x0  }
0xd0: {  	[sflag:s22] =	ssyncadd.s32 $0xFFFFC000  }
0xd1: {  	[spmem:s3] =	stream.indirect.scatter.add.f32 [tilespmem:s15], [sflag:$0x3], $0x80, s23, s18, $0xb8;
	[tilespmem:$0x1EA00] =	vst v63  }
0xd2: {  	_ =	swait.ge [sflag:s24], $0x4000  }
0xd3: {  	p2 =	seq.s32 s30, $0x4C00;
	[sflag:s24] =	ssyncset.done $0x0  }
0xd4: {  	s0 =	sshra.s32 @!p2 s30, $0x2;
	s30 =	smov.u32 s1;
	[sflag:s24] =	ssyncadd.s32 $0xFFFFC000  }
0xd5: {  	v1 =	vld @!p2 [tilespmem:s0+$0x100];
	_ =	sdelay $0x4  }
0xd6: {  	[tilespmem:$0xA800] =	vst @!p2 v1  }
0xd7: {  	v1 =	vld @!p2 [tilespmem:s0+$0x1500];
	_ =	sdelay $0x4  }
0xd8: {  	[tilespmem:$0xA900] =	vst @!p2 v1  }
0xd9: {  	v1 =	vld @!p2 [tilespmem:s0+$0x110];
	_ =	sdelay $0x4  }
0xda: {  	[tilespmem:$0xA810] =	vst @!p2 v1  }
0xdb: {  	v1 =	vld @!p2 [tilespmem:s0+$0x1510];
	_ =	sdelay $0x4  }
0xdc: {  	[tilespmem:$0xA910] =	vst @!p2 v1  }
0xdd: {  	v1 =	vld @!p2 [tilespmem:s0+$0x120];
	_ =	sdelay $0x4  }
0xde: {  	[tilespmem:$0xA820] =	vst @!p2 v1  }
0xdf: {  	v1 =	vld @!p2 [tilespmem:s0+$0x1520];
	_ =	sdelay $0x4  }
0xe0: {  	[tilespmem:$0xA920] =	vst @!p2 v1  }
0xe1: {  	v1 =	vld @!p2 [tilespmem:s0+$0x130];
	_ =	sdelay $0x4  }
0xe2: {  	[tilespmem:$0xA830] =	vst @!p2 v1  }
0xe3: {  	v1 =	vld @!p2 [tilespmem:s0+$0x1530];
	_ =	sdelay $0x4  }
0xe4: {  	[tilespmem:$0xA930] =	vst @!p2 v1  }
0xe5: {  	v1 =	vld @!p2 [tilespmem:s0+$0x140];
	_ =	sdelay $0x4  }
0xe6: {  	[tilespmem:$0xA840] =	vst @!p2 v1  }
0xe7: {  	v1 =	vld @!p2 [tilespmem:s0+$0x1540];
	_ =	sdelay $0x4  }
0xe8: {  	[tilespmem:$0xA940] =	vst @!p2 v1  }
0xe9: {  	v1 =	vld @!p2 [tilespmem:s0+$0x150];
	_ =	sdelay $0x4  }
0xea: {  	[tilespmem:$0xA850] =	vst @!p2 v1  }
0xeb: {  	v1 =	vld @!p2 [tilespmem:s0+$0x1550];
	_ =	sdelay $0x4  }
0xec: {  	[tilespmem:$0xA950] =	vst @!p2 v1  }
0xed: {  	v1 =	vld @!p2 [tilespmem:s0+$0x160];
	_ =	sdelay $0x4  }
0xee: {  	[tilespmem:$0xA860] =	vst @!p2 v1  }
0xef: {  	v1 =	vld @!p2 [tilespmem:s0+$0x1560];
	_ =	sdelay $0x4  }
0xf0: {  	[tilespmem:$0xA960] =	vst @!p2 v1  }
0xf1: {  	v1 =	vld @!p2 [tilespmem:s0+$0x170];
	_ =	sdelay $0x4  }
0xf2: {  	[tilespmem:$0xA870] =	vst @!p2 v1  }
0xf3: {  	v1 =	vld @!p2 [tilespmem:s0+$0x1570];
	_ =	sdelay $0x3  }
.Ltmp1:
0xf4: {  	(pc) =	sbr.rel @p1 .LBB2_5-.Ltmp1, $4  }
0xf5: {  	s9 =	simm.s32 @!p2 $0x2800;
	s1 =	simm.s32 @!p2 $0xA800;
	s0 =	simm.s32 @!p2 $0x80;
	[tilespmem:$0xA970] =	vst @!p2 v1  }
0xf6: {  	[tilespmem:s9], [sflag:$0x1] =	stream.indirect.gather @!p2 [hbm4b:s6+s0], $0x80, s1, s0, $0xb8;
	[tilespmem:$0x1EA00] =	vst v63  }
0xf7: {  	_ =	swait.ge [sflag:s25], $0x4000  }
0xf8: {  	p2 =	seq.s32 s30, $0x0;
	[sflag:s25] =	ssyncset.done $0x0  }
0xf9: {  	s0 =	simm.s32 @!p2 $0x4;
	[sflag:s25] =	ssyncadd.s32 $0xFFFFC000  }
0xfa: {  	[spmem:s3] =	stream.indirect.scatter.add.f32 [tilespmem:s21], [sflag:$0x4], $0x80, s26, s18, $0xb8;
	[tilespmem:$0x1EA00] =	vst v63  }
0xfb: {  	_ =	swait.ge @!p2 [sflag:s0], $0x4000  }
0xfc: {  	[sflag:s0] =	ssyncset.done @!p2 $0x0  }
0xfd: {  	s31 =	sshra.s32 s30, $0x2;
	[sflag:s0] =	ssyncadd.s32 @!p2 $0xFFFFC000  }
0xfe: {  	v1 =	vld [tilespmem:s31+$0x80];
	_ =	sdelay $0x4  }
0xff: {  	[tilespmem:$0xA880] =	vst v1  }
0x100: {  	v1 =	vld [tilespmem:s31+$0x1480];
	_ =	sdelay $0x4  }
0x101: {  	[tilespmem:$0xA980] =	vst v1  }
0x102: {  	v1 =	vld [tilespmem:s31+$0x90];
	_ =	sdelay $0x4  }
0x103: {  	[tilespmem:$0xA890] =	vst v1  }
0x104: {  	v1 =	vld [tilespmem:s31+$0x1490];
	_ =	sdelay $0x4  }
0x105: {  	[tilespmem:$0xA990] =	vst v1  }
0x106: {  	v1 =	vld [tilespmem:s31+$0xA0];
	_ =	sdelay $0x4  }
0x107: {  	[tilespmem:$0xA8A0] =	vst v1  }
0x108: {  	v1 =	vld [tilespmem:s31+$0x14A0];
	_ =	sdelay $0x4  }
0x109: {  	[tilespmem:$0xA9A0] =	vst v1  }
0x10a: {  	v1 =	vld [tilespmem:s31+$0xB0];
	_ =	sdelay $0x4  }
0x10b: {  	[tilespmem:$0xA8B0] =	vst v1  }
0x10c: {  	v1 =	vld [tilespmem:s31+$0x14B0];
	_ =	sdelay $0x4  }
0x10d: {  	[tilespmem:$0xA9B0] =	vst v1  }
0x10e: {  	v1 =	vld [tilespmem:s31+$0xC0];
	_ =	sdelay $0x4  }
0x10f: {  	[tilespmem:$0xA8C0] =	vst v1  }
0x110: {  	v1 =	vld [tilespmem:s31+$0x14C0];
	_ =	sdelay $0x4  }
0x111: {  	[tilespmem:$0xA9C0] =	vst v1  }
0x112: {  	v1 =	vld [tilespmem:s31+$0xD0];
	_ =	sdelay $0x4  }
0x113: {  	[tilespmem:$0xA8D0] =	vst v1  }
0x114: {  	v1 =	vld [tilespmem:s31+$0x14D0];
	_ =	sdelay $0x4  }
0x115: {  	[tilespmem:$0xA9D0] =	vst v1  }
0x116: {  	v1 =	vld [tilespmem:s31+$0xE0];
	_ =	sdelay $0x4  }
0x117: {  	[tilespmem:$0xA8E0] =	vst v1  }
0x118: {  	v1 =	vld [tilespmem:s31+$0x14E0];
	_ =	sdelay $0x4  }
0x119: {  	[tilespmem:$0xA9E0] =	vst v1  }
0x11a: {  	v1 =	vld [tilespmem:s31+$0xF0];
	_ =	sdelay $0x4  }
0x11b: {  	[tilespmem:$0xA8F0] =	vst v1  }
0x11c: {  	v1 =	vld [tilespmem:s31+$0x14F0];
	_ =	sdelay $0x4  }
0x11d: {  	[tilespmem:$0xA9F0] =	vst v1  }
0x11e: {  	[tilespmem:s21], [sflag:$0x2] =	stream.indirect.gather [hbm4b:s6+s18], $0x80, s20, s18, $0xb8;
	[tilespmem:$0x1EA00] =	vst v63  }
0x11f: {  	_ =	swait.ge [sflag:s22], $0x4000  }
0x120: {  	[sflag:s22] =	ssyncset.done $0x0  }
0x121: {  	[sflag:s22] =	ssyncadd.s32 $0xFFFFC000  }
0x122: {  	[spmem:s3] =	stream.indirect.scatter.add.f32 [tilespmem:s15], [sflag:$0x3], $0x80, s23, s18, $0xb8;
	[tilespmem:$0x1EA00] =	vst v63  }
0x123: {  	_ =	swait.ge [sflag:s24], $0x4000  }
0x124: {  	p1 =	seq.s32 s30, $0x4C00;
	[sflag:s24] =	ssyncset.done $0x0  }
0x125: {  	s0 =	sshra.s32 @!p1 s30, $0x2;
	[sflag:s24] =	ssyncadd.s32 $0xFFFFC000  }
0x126: {  	v1 =	vld @!p1 [tilespmem:s0+$0x100];
	_ =	sdelay $0x4  }
0x127: {  	[tilespmem:$0xA800] =	vst @!p1 v1  }
0x128: {  	v1 =	vld @!p1 [tilespmem:s0+$0x1500];
	_ =	sdelay $0x4  }
0x129: {  	[tilespmem:$0xA900] =	vst @!p1 v1  }
0x12a: {  	v1 =	vld @!p1 [tilespmem:s0+$0x110];
	_ =	sdelay $0x4  }
0x12b: {  	[tilespmem:$0xA810] =	vst @!p1 v1  }
0x12c: {  	v1 =	vld @!p1 [tilespmem:s0+$0x1510];
	_ =	sdelay $0x4  }
0x12d: {  	[tilespmem:$0xA910] =	vst @!p1 v1  }
0x12e: {  	v1 =	vld @!p1 [tilespmem:s0+$0x120];
	_ =	sdelay $0x4  }
0x12f: {  	[tilespmem:$0xA820] =	vst @!p1 v1  }
0x130: {  	v1 =	vld @!p1 [tilespmem:s0+$0x1520];
	_ =	sdelay $0x4  }
0x131: {  	[tilespmem:$0xA920] =	vst @!p1 v1  }
0x132: {  	v1 =	vld @!p1 [tilespmem:s0+$0x130];
	_ =	sdelay $0x4  }
0x133: {  	[tilespmem:$0xA830] =	vst @!p1 v1  }
0x134: {  	v1 =	vld @!p1 [tilespmem:s0+$0x1530];
	_ =	sdelay $0x4  }
0x135: {  	[tilespmem:$0xA930] =	vst @!p1 v1  }
0x136: {  	v1 =	vld @!p1 [tilespmem:s0+$0x140];
	_ =	sdelay $0x4  }
0x137: {  	[tilespmem:$0xA840] =	vst @!p1 v1  }
0x138: {  	v1 =	vld @!p1 [tilespmem:s0+$0x1540];
	_ =	sdelay $0x4  }
0x139: {  	[tilespmem:$0xA940] =	vst @!p1 v1  }
0x13a: {  	v1 =	vld @!p1 [tilespmem:s0+$0x150];
	_ =	sdelay $0x4  }
0x13b: {  	[tilespmem:$0xA850] =	vst @!p1 v1  }
0x13c: {  	v1 =	vld @!p1 [tilespmem:s0+$0x1550];
	_ =	sdelay $0x4  }
0x13d: {  	[tilespmem:$0xA950] =	vst @!p1 v1  }
0x13e: {  	v1 =	vld @!p1 [tilespmem:s0+$0x160];
	_ =	sdelay $0x4  }
0x13f: {  	[tilespmem:$0xA860] =	vst @!p1 v1  }
0x140: {  	v1 =	vld @!p1 [tilespmem:s0+$0x1560];
	_ =	sdelay $0x4  }
0x141: {  	[tilespmem:$0xA960] =	vst @!p1 v1  }
0x142: {  	v1 =	vld @!p1 [tilespmem:s0+$0x170];
	_ =	sdelay $0x4  }
0x143: {  	[tilespmem:$0xA870] =	vst @!p1 v1  }
0x144: {  	v1 =	vld @!p1 [tilespmem:s0+$0x1570];
	_ =	sdelay $0x4  }
0x145: {  	s1 =	simm.s32 @!p1 $0xA800;
	s9 =	simm.s32 @!p1 $0x2800;
	s0 =	simm.s32 @!p1 $0x80;
	[tilespmem:$0xA970] =	vst @!p1 v1  }
0x146: {  	[tilespmem:s9], [sflag:$0x1] =	stream.indirect.gather @!p1 [hbm4b:s6+s0], $0x80, s1, s0, $0xb8;
	[tilespmem:$0x1EA00] =	vst v63  }
0x147: {  	_ =	swait.ge [sflag:s25], $0x4000  }
0x148: {  	[sflag:s25] =	ssyncset.done $0x0  }
.Ltmp2:
0x149: {  	[sflag:s25] =	ssyncadd.s32 $0xFFFFC000;
	(pc) =	sbr.rel @p0 .LBB2_4-.Ltmp2, $4  }
0x14a: {  	[spmem:s3] =	stream.indirect.scatter.add.f32 [tilespmem:s21], [sflag:$0x4], $0x80, s26, s18, $0xb8;
	[tilespmem:$0x1EA00] =	vst v63  }
0x14b: {  	_ =	swait.ge [sflag:s28], $0x4000  }
0x14c: {  	[sflag:s28] =	ssyncset.done $0x0  }
0x14d: {  	s0 =	simm.s32 $0x1400;
	p1 =	por $0x0, $0x0;
	[sflag:s28] =	ssyncadd.s32 $0xFFFFC000  }
0x14e: {  	s0 =	stileid.u32;
	s4 =	sadd.s32 $0x1, s4  }
0x14f: {  	[bflag:$0x0] =	sbarrier.arrive $0xFFFF;
	s0 =	sshll.u32 s0, $0x6;
	p0 =	sne.s32 s4, s14  }
.Ltmp3:
0x150: {  	s1 =	sshrl.u32 s8, $0x3;
	s0 =	sor.u32 $0x1C05, s0;
	(pc) =	sbr.rel @p0 .LBB2_1-.Ltmp3, $4  }
0x151: {  	[hbm:s13], [sflag:s0] =	dma.local [spmem:s1], $0x2800  }
0x152: {  	_ =	swait.ge [sflag:s16], $0x2800  }
0x153: {  	[sflag:s16] =	ssyncset.done $0x0  }
0x154: {  	[sflag:s16] =	ssyncadd.s32 $0xFFFFD800  }
0x155: {  	_ =	sfence.sel $0x180000  }
0x156: {  	[bflag:$0x0] =	sbarrier.arrive $0xFFFF  }
0x157: {  	_ =	strace $0x9000004D  }
0x158: {  	s0 =	stileid.u32;
	[bflag:$0x2] =	sbarrier.arrive $0xFFFF  }
0x159: {  	p0 =	sne.s32 s0, $0x0;
	s0 =	rddreg [dreg:$0x3]  }
0x15a: {  	s0 =	sadd.s32 @!p0 $0x100000, s0  }
0x15b: {  	[sflag:s0] =	ssyncadd.tile.s32 @!p0 $0x1;
	_ =	shalt  }
.Lfunc_end2:
_tile_overlayer_lowered:
.L_overlay_start_2:
0x15c: {  	(tag) =	ssettag $0x2  }
0x15d: {  	s0 =	rddreg [dreg:$0x0];
	s2 =	stileid.u32  }
0x15e: {  	s1 =	rddreg [dreg:$0x1];
	p0 =	sne.s32 s2, $0x0  }
0x15f: {  	s3 =	rddreg [dreg:$0x2];
	[bflag:$0x3] =	sbarrier.arrive $0xFFFF;
	s2 =	simm.s32 @!p0 $0x1C05  }
0x160: {  	[timem:s3], [sflag:s2] =	dma.local @!p0 [hbm:s0], s1  }
0x161: {  	s0 =	simm.s32 @!p0 $0x5  }
0x162: {  	_ =	swait.ge @!p0 [sflag:s0], s1  }
0x163: {  	s1 =	ssub.s32 @!p0 $0x0, s1;
	[sflag:s0] =	ssyncset.done @!p0 $0x0  }
0x164: {  	[sflag:s0] =	ssyncadd.s32 @!p0 s1  }
0x165: {  	[bflag:$0x3] =	sbarrier.arrive $0xFFFF  }
0x166: {  	_ =	shalt  }

// kernel: kernel.8.cloned.1.call-start
scs
__scs_entry_jumppad:
0x0: {  	(pc) =	sbr.rel $0x88, $3  }
0x1: {  	(tag) =	ssettag $0x0;
	lr =	simm.s32 $0x1  }
0x2: {  	[smem:$0x3F97] =	sst lr;
	_ =	strace $0xD0000000  }
0x3: {  	_ = 	snop  }
0x4: {  	_ = 	snop  }
0x5: {  	_ = 	snop  }
0x6: {  	_ = 	snop  }
0x7: {  	_ = 	snop  }
__scs_overlays_trampoline_lowered:
0x8: {  	[smem:$0x3FA6] =	sst s0  }
0x9: {  	[smem:$0x3FA7] =	sst s1  }
0xa: {  	[smem:$0x3FA8] =	sst s2  }
0xb: {  	[smem:$0x3FA9] =	sst s3  }
0xc: {  	[smem:$0x3FAA] =	sst s4  }
0xd: {  	[smem:$0x3FAB] =	sst s5  }
0xe: {  	[smem:$0x3FAC] =	sst s6  }
0xf: {  	[smem:$0x3FAD] =	sst s7  }
0x10: {  	[smem:$0x3FAE] =	sst s8  }
0x11: {  	[smem:$0x3FAF] =	sst s9;
	s0 =	simm.s32 @!p0 $0x0  }
0x12: {  	s1 =	sld [smem:$0x3F95];
	s0 =	simm.s32 @p0 $0x1  }
0x13: {  	[smem:$0x3FB0] =	sst s0;
	s0 =	simm.s32 @!p1 $0x0  }
0x14: {  	s2 =	sld [smem:$0x3F94];
	s0 =	simm.s32 @p1 $0x1  }
0x15: {  	[smem:$0x3FB1] =	sst s0;
	s0 =	simm.s32 @!p2 $0x0  }
0x16: {  	s3 =	sld [smem:$0x3FDB];
	s0 =	simm.s32 @p2 $0x1  }
0x17: {  	s4 =	simm.s32 $0x1BF5;
	[smem:$0x3FB3] =	sst s0  }
0x18: {  	s0 =	sld [smem:$0x3F96];
	_ =	swait.ge [sflag:s4], $0x0  }
0x19: {  	s7 =	sld [smem:$0x3F97]  }
0x1a: {  	s8 =	sadd.s32 $0xFFFFE003, lr  }
0x1b: {  	s9 =	sadd.s32 $0xFFFFFEF7, lr;
	s5 =	simm.s32 $0xFFFFFFFF;
	p2 =	slt.u32 s8, $0xFFFFF086  }
0x1c: {  	p1 =	slt.u32 s9, $0xF7A;
	s5 =	simm.s32 @!p2 $0x0  }
0x1d: {  	s5 =	simm.s32 @p1 $0x1;
	p0 =	seq.s32 s7, s2  }
0x1e: {  	s7 =	smul.u32 @!p0 $0xF7A, s2;
	p2 =	seq.s32 @!p0 s5, $0x0  }
0x1f: {  	s9 =	smul.u32 $0xF7A, s1;
	s8 =	simm.s32 @!p0 $0x1BF5;
	p2 =	por !p2, p0  }
0x20: {  	[sflag:s8] =	ssyncset.s32 @!p0 $0xFFFFF086;
	s6 =	sadd.s32 @!p0 s3, s7;
	s7 =	simm.s32 @!p0 $0x108  }
0x21: {  	s3 =	sadd.s32 s3, s9;
	s6 =	sadd.s32 @!p0 $0x88, s6;
	s7 =	simm.s32 @p2 $0x1082  }
0x22: {  	[simem:s7], [sflag:s8] =	dma.local @!p0 [hbm:s6], $0xF7A  }
0x23: {  	s9 =	sor.u32 $0xD0000000, s2;
	s6 =	simm.s32 $0x108;
	_ =	swait.ge @!p0 [sflag:s8], $0x0  }
0x24: {  	s3 =	sadd.s32 $0x88, s3;
	s6 =	simm.s32 @!p1 $0x1082;
	[sflag:s4] =	ssyncset.s32 $0xFFFFF086  }
0x25: {  	[simem:s6], [sflag:s4] =	dma.local [hbm:s3], $0xF7A  }
0x26: {  	[smem:$0x3F97] =	sst s1;
	(tag) =	ssettag s2;
	_ =	strace s9  }
0x27: {  	s1 =	sld [smem:$0x3FA7]  }
0x28: {  	s2 =	sld [smem:$0x3FA8]  }
0x29: {  	s4 =	sld [smem:$0x3FAA]  }
0x2a: {  	p0 =	seq.s32 s5, $0x0;
	s5 =	sld [smem:$0x3FAB]  }
0x2b: {  	s6 =	sld [smem:$0x3FAC]  }
0x2c: {  	s7 =	sld [smem:$0x3FAD]  }
0x2d: {  	s3 =	simm.s32 $0x108;
	s8 =	sld [smem:$0x3FAE]  }
0x2e: {  	s3 =	simm.s32 @!p0 $0x1082;
	s9 =	sld [smem:$0x3FAF]  }
0x2f: {  	lr =	sadd.s32 s0, s3;
	s0 =	sld [smem:$0x3FA6]  }
0x30: {  	s3 =	sld [smem:$0x3FA9]  }
0x31: {  	[smem:$0x3FB2] =	sst s10  }
0x32: {  	s10 =	sld [smem:$0x3FB0];
	_ =	sdelay $0x3  }
0x33: {  	p0 =	seq.s32 s10, $0x1;
	s10 =	sld [smem:$0x3FB2];
	_ =	sdelay $0x3  }
0x34: {  	[smem:$0x3FB2] =	sst s10  }
0x35: {  	s10 =	sld [smem:$0x3FB1];
	_ =	sdelay $0x3  }
0x36: {  	p1 =	seq.s32 s10, $0x1;
	s10 =	sld [smem:$0x3FB2];
	_ =	sdelay $0x3  }
0x37: {  	[smem:$0x3FB2] =	sst s10  }
0x38: {  	s10 =	sld [smem:$0x3FB3]  }
0x39: {  	_ = 	snop;
	(pc) =	sbr.ind lr, $3  }
0x3a: {  	_ = 	snop  }
0x3b: {  	_ = 	snop  }
0x3c: {  	p2 =	seq.s32 s10, $0x1;
	s10 =	sld [smem:$0x3FB2]  }
0x3d: {  	_ =	shalt  }
0x3e: {  	_ =	shalt  }
0x3f: {  	_ =	shalt  }
0x40: {  	_ =	shalt  }
0x41: {  	_ =	shalt  }
0x42: {  	_ =	shalt  }
0x43: {  	_ =	shalt  }
0x44: {  	_ =	shalt  }
0x45: {  	_ =	shalt  }
0x46: {  	_ =	shalt  }
0x47: {  	_ =	shalt  }
0x48: {  	_ =	shalt  }
0x49: {  	_ =	shalt  }
0x4a: {  	_ =	shalt  }
0x4b: {  	_ =	shalt  }
0x4c: {  	_ =	shalt  }
0x4d: {  	_ =	shalt  }
0x4e: {  	_ =	shalt  }
0x4f: {  	_ =	shalt  }
0x50: {  	_ =	shalt  }
0x51: {  	_ =	shalt  }
0x52: {  	_ =	shalt  }
0x53: {  	_ =	shalt  }
0x54: {  	_ =	shalt  }
0x55: {  	_ =	shalt  }
0x56: {  	_ =	shalt  }
0x57: {  	_ =	shalt  }
0x58: {  	_ =	shalt  }
0x59: {  	_ =	shalt  }
0x5a: {  	_ =	shalt  }
0x5b: {  	_ =	shalt  }
0x5c: {  	_ =	shalt  }
0x5d: {  	_ =	shalt  }
0x5e: {  	_ =	shalt  }
0x5f: {  	_ =	shalt  }
0x60: {  	_ =	shalt  }
0x61: {  	_ =	shalt  }
0x62: {  	_ =	shalt  }
0x63: {  	_ =	shalt  }
0x64: {  	_ =	shalt  }
0x65: {  	_ =	shalt  }
0x66: {  	_ =	shalt  }
0x67: {  	_ =	shalt  }
0x68: {  	_ =	shalt  }
0x69: {  	_ =	shalt  }
0x6a: {  	_ =	shalt  }
0x6b: {  	_ =	shalt  }
0x6c: {  	_ =	shalt  }
0x6d: {  	_ =	shalt  }
0x6e: {  	_ =	shalt  }
0x6f: {  	_ =	shalt  }
0x70: {  	_ =	shalt  }
0x71: {  	_ =	shalt  }
0x72: {  	_ =	shalt  }
0x73: {  	_ =	shalt  }
0x74: {  	_ =	shalt  }
0x75: {  	_ =	shalt  }
0x76: {  	_ =	shalt  }
0x77: {  	_ =	shalt  }
0x78: {  	_ =	shalt  }
0x79: {  	_ =	shalt  }
0x7a: {  	_ =	shalt  }
0x7b: {  	_ =	shalt  }
0x7c: {  	_ =	shalt  }
0x7d: {  	_ =	shalt  }
0x7e: {  	_ =	shalt  }
0x7f: {  	_ =	shalt  }
0x80: {  	_ =	shalt  }
0x81: {  	_ =	shalt  }
0x82: {  	_ =	shalt  }
0x83: {  	_ =	shalt  }
0x84: {  	_ =	shalt  }
0x85: {  	_ =	shalt  }
0x86: {  	_ =	shalt  }
0x87: {  	_ =	shalt  }
.Lfunc_end0:
.L_simem_size_0:
called_computation_lowered:
.L_overlay_start_0:
0x88: {  	s2 =	sld [smem:$0x3FD9]  }
0x89: {  	s3 =	sld [smem:$0x3FFE];
	_ =	sdelay $0x1  }
0x8a: {  	s1 =	srdreg.scid  }
0x8b: {  	s0 =	sand.u32 $0x1, s1  }
0x8c: {  	s17 =	sshll.u32 s0, $0xA;
	s2 =	sadd.s32 s3, s2  }
0x8d: {  	s2 =	sadd.s32 s2, s17  }
0x8e: {  	[smem:$0x3FBE] =	sst s2  }
0x8f: {  	_ = 	snop  }
0x90: {  	s2 =	sld [smem:$0x3FD0];
	(tm) =	ssettm $0x1  }
0x91: {  	s18 =	sld [smem:$0x3FFB];
	_ =	sdelay $0x3  }
0x92: {  	_ =	strace s18  }
0x93: {  	s3 =	sld [smem:$0x3FFC];
	_ =	sdelay $0x3  }
0x94: {  	_ =	strace s3  }
0x95: {  	s3 =	sld [smem:$0x3FFD];
	_ =	sdelay $0x3  }
0x96: {  	_ =	strace s3  }
0x97: {  	_ =	strace $0x8FFFFFFF  }
0x98: {  	s19 =	sld [smem:$0x3FDB];
	_ =	sdelay $0x1  }
0x99: {  	s4 =	simm.s32 $_scs_section_size  }
0x9a: {  	s5 =	simm.s32 $_size__tile_overlayer_lowered;
	s6 =	simm.s32 $_tile_overlayer_lowered  }
0x9b: {  	s22 =	simm.s32 $0x1BFF;
	s21 =	sshll.u32 s6, $0x1;
	s3 =	sadd.s32 s4, s19  }
0x9c: {  	s7 =	simm.s32 $0x0;
	s20 =	sshll.u32 s5, $0x1;
	s5 =	sadd.s32 s21, s3  }
0x9d: {  	[timem:s7], [sflag:s22] =	dma.local [hbm:s5], s20  }
0x9e: {  	_ =	swait.ge [sflag:s22], s20  }
0x9f: {  	s4 =	ssub.s32 $0x0, s20;
	[sflag:s22] =	ssyncset.done $0x0  }
0xa0: {  	[sflag:s22] =	ssyncadd.s32 s4;
	_ =	sdelay $0x1  }
0xa1: {  	s23 =	simm.s32 $0x1B8B  }
0xa2: {  	_ =	swait.ge [sflag:s23], $0x1  }
0xa3: {  	[sflag:s23] =	ssyncset.done $0x0  }
0xa4: {  	s25 =	simm.s32 $0x1B8E;
	s24 =	sld [smem:$0x3FFE];
	[sflag:s23] =	ssyncadd.s32 $0xFFFFFFFF  }
0xa5: {  	s26 =	simm.s32 $execute0_lowered;
	[smem:$0x3FD2] =	sst s25  }
0xa6: {  	s5 =	sshll.u32 s26, $0x1;
	_ =	strace $0x80000046;
	[dreg:$0x1] =	wrdreg $0xFFFFFFFF  }
0xa7: {  	s28 =	simm.s32 $_size_execute0_lowered;
	s3 =	sadd.s32 s3, s5;
	[dreg:$0x0] =	wrdreg $0x0  }
0xa8: {  	s5 =	sshll.u32 s28, $0x1;
	[dreg:$0x2] =	wrdreg s3  }
0xa9: {  	[dreg:$0x3] =	wrdreg s5  }
0xaa: {  	[dreg:$0x4] =	wrdreg $0xC0  }
0xab: {  	_ =	task [dreg:s7], $0x5FFFF  }
0xac: {  	[dreg:$0x1] =	wrdreg $0xFFFFFFFF  }
0xad: {  	[dreg:$0x0] =	wrdreg $0x60  }
0xae: {  	[dreg:$0x2] =	wrdreg s24  }
0xaf: {  	[dreg:$0x3] =	wrdreg s2  }
0xb0: {  	[dreg:$0x4] =	wrdreg $0xF0000  }
0xb1: {  	[dreg:$0x5] =	wrdreg $0x9  }
0xb2: {  	_ =	task.clear_ibuf [dreg:s7], $0x6FFFF;
	_ =	strace $0x90000046  }
0xb3: {  	s29 =	simm.s32 $0x9;
	_ =	strace $0x80000048  }
0xb4: {  	_ =	swait.ge [sflag:s29], $0x1  }
0xb5: {  	[sflag:s29] =	ssyncadd.s32 $0xFFFFFFFF  }
0xb6: {  	_ =	strace $0x90000048  }
0xb7: {  	_ =	sfence  }
0xb8: {  	s30 =	sld [smem:$0x0];
	_ =	sdelay $0x2  }
0xb9: {  	s31 =	sshll.u32 s1, $0xD;
	s1 =	sshrl.u32 s1, $0x2  }
0xba: {  	s3 =	sand.u32 $0x4000, s31;
	s1 =	sadd.s32 s1, s30  }
0xbb: {  	s0 =	sor.u32 s3, s0;
	s1 =	sshll.u32 s1, $0x11  }
0xbc: {  	s0 =	sor.u32 s1, s0  }
0xbd: {  	s0 =	sadd.s32 $0x8F2B, s0  }
0xbe: {  	[sflag:s0] =	ssyncadd.remote.s32 $0x1  }
0xbf: {  	_ =	sfence.sel $0xFFFF  }
0xc0: {  	[dreg:$0x0] =	wrdreg $0xFFFFFFFF;
	(pc) =	sbr.abs _section_cstart, $3  }
0xc1: {  	[dreg:$0x1] =	wrdreg $0xFFFFFFFF  }
0xc2: {  	_ =	task.clear_ibuf [dreg:s7], $0x2FFFF;
	_ =	strace $0x9FFFFFFF  }
0xc3: {  	(tm) =	ssettm $0x7FFFFFFF  }
tec
execute0_lowered:
.L_overlay_start_1:
0x0: {  	(tag) =	ssettag $0x1  }
0x1: {  	s3 =	rddreg [dreg:$0x0]  }
0x2: {  	s5 =	rddreg [dreg:$0x1]  }
0x3: {  	s7 =	rddreg [dreg:$0x2]  }
0x4: {  	s0 =	rddreg [dreg:$0x3];
	s2 =	srdreg.scid  }
0x5: {  	s1 =	stileid.u32;
	s13 =	simm.s32 $0x5000;
	s14 =	simm.s32 $0x500  }
0x6: {  	s15 =	simm.s32 $0xA000;
	s16 =	simm.s32 $0x0;
	s8 =	smul.u32 $0x500, s1  }
0x7: {  	s4 =	sand.u32 $0x1, s2;
	s6 =	sshll.u32 s1, $0x1;
	s10 =	smul.u32 $0x14000, s1  }
0x8: {  	s2 =	simm.s32 $0x0;
	s6 =	sor.u32 s4, s6;
	s9 =	smul.u32 $0x5000, s4  }
0x9: {  	[smem:$0x7FF] =	sst s2;
	s4 =	ssub.s32 $0x2, s4;
	s6 =	smul.u32 $0x500, s6  }
0xa: {  	_ =	strace $0x80000047;
	s31 =	sshrl.u32 s4, $0x1;
	s10 =	sshrl.u32 s10, $0x2  }
0xb: {  	s9 =	sadd.s32 s8, s9;
	s12 =	ssub.s32 s4, s31;
	s4 =	sadd.s32 s10, s7  }
0xc: {  	s7 =	sadd.s32 s8, s7;
	s10 =	simm.s32 $0x1;
	s11 =	sadd.s32 s6, s3  }
0xd: {  	s9 =	sshrl.u32 s9, $0x3;
	s5 =	sadd.s32 s5, s6;
	s6 =	sadd.s32 $0x2800, s4  }
0xe: {  	s9 =	sadd.s32 s9, s3;
	s3 =	sadd.s32 $0x1200, s11;
	s11 =	simm.s32 $0x2800  }
0xf: {  	v0 =	vimm.f32 $0.0e+00;
	v1 =	vimm.f32 $1.000000000e+00;
	s8 =	sadd.s32 $0xB200, s9;
	s9 =	smax.u32 s12, $0x1;
	s12 =	simm.s32 $0x7800  }
.LBB2_1:
0x10: {  	[tilespmem:s2], [sflag:$0x1] =	stream.linear.gather [hbm4b:s3+s2], $0x2800, $0x38;
	[tilespmem:$0x14000] =	vst v63  }
0x11: {  	_ =	swait.ge [sflag:s10], $0x2800  }
0x12: {  	[sflag:s10] =	ssyncset.done $0x0  }
0x13: {  	[sflag:s10] =	ssyncadd.s32 $0xFFFFD800  }
0x14: {  	[tilespmem:s11], [sflag:$0x1] =	stream.linear.gather [hbm4b:s5+s2], $0x2800, $0x38;
	[tilespmem:$0x14000] =	vst v63  }
0x15: {  	_ =	swait.ge [sflag:s10], $0x2800  }
0x16: {  	[sflag:s10] =	ssyncset.done $0x0  }
0x17: {  	s17 =	simm.s32 $0x0;
	[sflag:s10] =	ssyncadd.s32 $0xFFFFD800  }
.LBB2_2:
0x18: {  	p0 =	sne.s32 s17, $0x9FC0  }
.Ltmp0:
0x19: {  	_ = 	snop;
	(pc) =	sbr.rel @p0 .LBB2_2-.Ltmp0, $4  }
0x1a: {  	_ = 	snop  }
0x1b: {  	s18 =	sshra.s32 s17, $0x2  }
0x1c: {  	[tilespmem:s18+$0x5000] =	vst v0  }
0x1d: {  	s17 =	sadd.s32 $0x40, s17;
	[tilespmem:s18+$0x7800] =	vst v0  }
0x1e: {  	s18 =	simm.s32 $0x0  }
0x1f: {  	s17 =	simm.s32 $0x40;
	v2 =	vld [tilespmem:s18+$0x0]  }
.LBB2_4:
0x20: {  	p0 =	sne.s32 s17, $0x9FC0;
	v3 =	vld [tilespmem:s18+$0x2800];
	_ =	sdelay $0x4  }
.Ltmp1:
0x21: {  	(pc) =	sbr.rel @p0 .LBB2_4-.Ltmp1, $4  }
0x22: {  	_ = 	snop  }
0x23: {  	[tilespmem:v2+s12+$0x0] =	vst.idx.add.f32.msk $0xffff, v1  }
0x24: {  	s18 =	sshra.s32 s17, $0x2;
	[tilespmem:v3+s13+$0x0] =	vst.idx.add.f32.msk $0xffff, v1  }
0x25: {  	s17 =	sadd.s32 $0x40, s17;
	v2 =	vld [tilespmem:s18+$0x0]  }
0x26: {  	_ = 	snop  }
0x27: {  	v3 =	vld [tilespmem:s18+$0x2800];
	_ =	sdelay $0x6  }
0x28: {  	[tilespmem:v2+s12+$0x0] =	vst.idx.add.f32.msk $0xffff, v1  }
0x29: {  	[tilespmem:v3+s13+$0x0] =	vst.idx.add.f32.msk $0xffff, v1  }
0x2a: {  	[spmem:s4] =	stream.linear.scatter [tilespmem:s13], [sflag:$0x1], $0x2800, $0x38;
	[tilespmem:$0x14000] =	vst v63  }
0x2b: {  	_ =	swait.ge [sflag:s10], $0x2800  }
0x2c: {  	[sflag:s10] =	ssyncset.done $0x0  }
0x2d: {  	[sflag:s10] =	ssyncadd.s32 $0xFFFFD800  }
0x2e: {  	[spmem:s6] =	stream.linear.scatter [tilespmem:s12], [sflag:$0x1], $0x2800, $0x38;
	[tilespmem:$0x14000] =	vst v63  }
0x2f: {  	_ =	swait.ge [sflag:s10], $0x2800  }
0x30: {  	[sflag:s10] =	ssyncset.done $0x0  }
0x31: {  	[sflag:s10] =	ssyncadd.s32 $0xFFFFD800  }
0x32: {  	[bflag:$0x0] =	sbarrier.arrive $0xFFFF  }
0x33: {  	[tilespmem:s15], [sflag:$0x1] =	stream.strided.gather [spmem:s7], $0x5000, s13, s14, $0x38;
	[tilespmem:$0x14000] =	vst v63  }
0x34: {  	_ =	swait.ge [sflag:s10], $0x5000  }
0x35: {  	[sflag:s10] =	ssyncset.done $0x0  }
0x36: {  	s17 =	simm.s32 $0x0;
	[sflag:s10] =	ssyncadd.s32 $0xFFFFB000  }
0x37: {  	s18 =	simm.s32 $0x40;
	v2 =	vld [tilespmem:s17+$0xA500]  }
.LBB2_6:
0x38: {  	p0 =	sne.s32 s18, $0x13C0;
	v3 =	vld [tilespmem:s17+$0xA000];
	_ =	sdelay $0x1  }
0x39: {  	v4 =	vld [tilespmem:s17+$0xAA00];
	_ =	sdelay $0x1  }
0x3a: {  	v5 =	vld [tilespmem:s17+$0xAF00]  }
0x3b: {  	v2 =	vadd.f32 v2, v3  }
0x3c: {  	v3 =	vld [tilespmem:s17+$0xB400]  }
0x3d: {  	v2 =	vadd.f32 v4, v2  }
0x3e: {  	v4 =	vld [tilespmem:s17+$0xB900]  }
0x3f: {  	v2 =	vadd.f32 v5, v2  }
0x40: {  	v5 =	vld [tilespmem:s17+$0xBE00]  }
0x41: {  	v2 =	vadd.f32 v3, v2  }
0x42: {  	v3 =	vld [tilespmem:s17+$0xC300]  }
0x43: {  	v2 =	vadd.f32 v4, v2  }
0x44: {  	v4 =	vld [tilespmem:s17+$0xC800]  }
0x45: {  	v2 =	vadd.f32 v5, v2  }
0x46: {  	v5 =	vld [tilespmem:s17+$0xCD00]  }
0x47: {  	v2 =	vadd.f32 v3, v2  }
0x48: {  	v3 =	vld [tilespmem:s17+$0xD200]  }
0x49: {  	v2 =	vadd.f32 v4, v2  }
0x4a: {  	v4 =	vld [tilespmem:s17+$0xD700]  }
0x4b: {  	v2 =	vadd.f32 v5, v2  }
0x4c: {  	v5 =	vld [tilespmem:s17+$0xDC00]  }
0x4d: {  	v2 =	vadd.f32 v3, v2  }
0x4e: {  	v3 =	vld [tilespmem:s17+$0xE100]  }
0x4f: {  	v2 =	vadd.f32 v4, v2  }
0x50: {  	v4 =	vld [tilespmem:s17+$0xE600]  }
0x51: {  	v2 =	vadd.f32 v5, v2  }
0x52: {  	v5 =	vld [tilespmem:s17+$0xEB00]  }
0x53: {  	v2 =	vadd.f32 v3, v2;
	_ =	sdelay $0x1  }
.Ltmp2:
0x54: {  	v2 =	vadd.f32 v4, v2;
	(pc) =	sbr.rel @p0 .LBB2_6-.Ltmp2, $4  }
0x55: {  	_ = 	snop  }
0x56: {  	v3 =	vadd.f32 v5, v2  }
0x57: {  	s19 =	sshra.s32 s18, $0x2  }
0x58: {  	s18 =	sadd.s32 $0x40, s18;
	v2 =	vld [tilespmem:s19+$0xA500];
	[tilespmem:s17+$0xA000] =	vst v3;
	s17 =	smov.u32 s19  }
0x59: {  	v3 =	vld [tilespmem:s17+$0xA000];
	_ =	sdelay $0x1  }
0x5a: {  	v4 =	vld [tilespmem:s17+$0xAA00];
	_ =	sdelay $0x1  }
0x5b: {  	v5 =	vld [tilespmem:s17+$0xAF00]  }
0x5c: {  	v2 =	vadd.f32 v2, v3  }
0x5d: {  	v3 =	vld [tilespmem:s17+$0xB400]  }
0x5e: {  	v2 =	vadd.f32 v4, v2  }
0x5f: {  	v56 =	vld [tilespmem:s17+$0xB900]  }
0x60: {  	v2 =	vadd.f32 v5, v2  }
0x61: {  	v57 =	vld [tilespmem:s17+$0xBE00]  }
0x62: {  	v2 =	vadd.f32 v3, v2  }
0x63: {  	v3 =	vld [tilespmem:s17+$0xC300]  }
0x64: {  	v2 =	vadd.f32 v56, v2  }
0x65: {  	v58 =	vld [tilespmem:s17+$0xC800]  }
0x66: {  	v2 =	vadd.f32 v57, v2  }
0x67: {  	v59 =	vld [tilespmem:s17+$0xCD00]  }
0x68: {  	v2 =	vadd.f32 v3, v2  }
0x69: {  	v3 =	vld [tilespmem:s17+$0xD200]  }
0x6a: {  	v2 =	vadd.f32 v58, v2  }
0x6b: {  	v60 =	vld [tilespmem:s17+$0xD700]  }
0x6c: {  	v2 =	vadd.f32 v59, v2  }
0x6d: {  	v61 =	vld [tilespmem:s17+$0xDC00]  }
0x6e: {  	v2 =	vadd.f32 v3, v2  }
0x6f: {  	v3 =	vld [tilespmem:s17+$0xE100]  }
0x70: {  	v2 =	vadd.f32 v60, v2  }
0x71: {  	v62 =	vld [tilespmem:s17+$0xE600]  }
0x72: {  	v2 =	vadd.f32 v61, v2  }
0x73: {  	v63 =	vld [tilespmem:s17+$0xEB00]  }
0x74: {  	v2 =	vadd.f32 v3, v2;
	_ =	sdelay $0x1  }
0x75: {  	v2 =	vadd.f32 v62, v2;
	_ =	sdelay $0x1  }
0x76: {  	s16 =	sadd.s32 $0x1, s16;
	v2 =	vadd.f32 v63, v2  }
0x77: {  	p0 =	sne.s32 s16, s9  }
.Ltmp3:
0x78: {  	[tilespmem:s17+$0xA000] =	vst v2;
	(pc) =	sbr.rel @p0 .LBB2_1-.Ltmp3, $4  }
0x79: {  	[hbm4b:s8+s2] =	stream.linear.scatter [tilespmem:s15], [sflag:$0x1], $0x500, $0x38;
	[tilespmem:$0x14000] =	vst v63  }
0x7a: {  	_ =	swait.ge [sflag:s10], $0x500  }
0x7b: {  	[sflag:s10] =	ssyncset.done $0x0  }
0x7c: {  	[sflag:s10] =	ssyncadd.s32 $0xFFFFFB00  }
0x7d: {  	_ =	sfence.sel $0x180000  }
0x7e: {  	[bflag:$0x0] =	sbarrier.arrive $0xFFFF  }
0x7f: {  	p0 =	sne.s32 s1, $0x0;
	_ =	strace $0x90000047  }
0x80: {  	s0 =	sadd.s32 @!p0 $0x100000, s0;
	[bflag:$0x2] =	sbarrier.arrive $0xFFFF  }
0x81: {  	[sflag:s0] =	ssyncadd.tile.s32 @!p0 $0x1;
	_ =	shalt  }
.Lfunc_end2:
_tile_overlayer_lowered:
.L_overlay_start_2:
0x82: {  	(tag) =	ssettag $0x2  }
0x83: {  	s0 =	rddreg [dreg:$0x0];
	s2 =	stileid.u32  }
0x84: {  	s1 =	rddreg [dreg:$0x1];
	p0 =	sne.s32 s2, $0x0  }
0x85: {  	s3 =	rddreg [dreg:$0x2];
	[bflag:$0x3] =	sbarrier.arrive $0xFFFF;
	s2 =	simm.s32 @!p0 $0x1C01  }
0x86: {  	[timem:s3], [sflag:s2] =	dma.local @!p0 [hbm:s0], s1  }
0x87: {  	s0 =	simm.s32 @!p0 $0x1  }
0x88: {  	_ =	swait.ge @!p0 [sflag:s0], s1  }
0x89: {  	s1 =	ssub.s32 @!p0 $0x0, s1;
	[sflag:s0] =	ssyncset.done @!p0 $0x0  }
0x8a: {  	[sflag:s0] =	ssyncadd.s32 @!p0 s1  }
0x8b: {  	[bflag:$0x3] =	sbarrier.arrive $0xFFFF  }
0x8c: {  	_ =	shalt  }

</sc_bundles>
